<compile_context>
chip_gen: v7x
topology: tpu7x:2x2x1
jax: 0.10.2.dev20260603
libtpu: 0.0.44.dev20260713+nightly
codegen_flags: <defaults>
</compile_context>

<pallas_src>
import functools

import jax
import jax.numpy as jnp
from jax import lax
from jax.experimental import pallas as pl
from jax.experimental.pallas import tpu as pltpu
from jax.experimental.pallas import tpu_sc as plsc

V = 100000
D = 128
H = 256
NP = 1000
NPP = 1024
B = 4096
GROUP = 200
HALF = GROUP // 2
NSLOT = 3
RUNROLL = 8


def _make_pool_kernel():
    info = plsc.get_sparse_core_info()
    nc, ns = info.num_cores, info.num_subcores
    nw = nc * ns
    assert B % nw == 0
    bpw = B // nw

    mesh = plsc.VectorSubcoreMesh(core_axis_name="c", subcore_axis_name="s")

    @functools.partial(
        pl.kernel,
        mesh=mesh,
        out_type=jax.ShapeDtypeStruct((B, D), jnp.float32),
        scratch_types=[
            pltpu.VMEM((bpw, 2, HALF), jnp.int32),
            pltpu.VMEM((NSLOT, GROUP, D), jnp.float32),
            pltpu.VMEM((bpw, D), jnp.float32),
            pltpu.SemaphoreType.DMA,
            pltpu.SemaphoreType.DMA,
            pltpu.SemaphoreType.DMA,
        ],
    )
    def pool(idx_hbm, table_hbm, out_hbm, idx_v, rows_v, out_v, *sems):
        wid = lax.axis_index("s") * nc + lax.axis_index("c")
        base = wid * bpw

        pltpu.sync_copy(idx_hbm.at[pl.ds(base, bpw)], idx_v)

        def fire(row, slot):
            pltpu.async_copy(table_hbm.at[idx_v.at[row, 0]],
                             rows_v.at[slot, pl.ds(0, HALF)], sems[slot])
            pltpu.async_copy(table_hbm.at[idx_v.at[row, 1]],
                             rows_v.at[slot, pl.ds(HALF, HALF)], sems[slot])

        def drain(row, slot):
            pltpu.make_async_copy(table_hbm.at[idx_v.at[row, 0]],
                                  rows_v.at[slot, pl.ds(0, HALF)],
                                  sems[slot]).wait()
            pltpu.make_async_copy(table_hbm.at[idx_v.at[row, 1]],
                                  rows_v.at[slot, pl.ds(HALF, HALF)],
                                  sems[slot]).wait()

        for s in range(NSLOT):
            fire(s, s)

        def body(i, _):
            row = i * NSLOT
            for slot in range(NSLOT):
                drain(row + slot, slot)

                def rbody(r8, accs):
                    r = r8 * RUNROLL
                    new = list(accs)
                    for dr in range(RUNROLL):
                        for k in range(8):
                            new[k] = new[k] + rows_v[slot, r + dr,
                                                     pl.ds(k * 16, 16)]
                    return tuple(new)

                accs = lax.fori_loop(
                    0, GROUP // RUNROLL, rbody,
                    tuple(jnp.zeros((16,), jnp.float32) for _ in range(8)),
                    unroll=1)
                for k in range(8):
                    out_v[row + slot, pl.ds(k * 16, 16)] = accs[k]

                @pl.when(row + slot + NSLOT < bpw)
                def _():
                    fire(row + slot + NSLOT, slot)
            return 0

        nfull = bpw // NSLOT
        lax.fori_loop(0, nfull, body, 0)
        for t in range(nfull * NSLOT, bpw):
            slot = t % NSLOT
            drain(t, slot)

            def rtail(r8, accs):
                r = r8 * RUNROLL
                new = list(accs)
                for dr in range(RUNROLL):
                    for k in range(8):
                        new[k] = new[k] + rows_v[slot, r + dr,
                                                 pl.ds(k * 16, 16)]
                return tuple(new)

            accs = lax.fori_loop(
                0, GROUP // RUNROLL, rtail,
                tuple(jnp.zeros((16,), jnp.float32) for _ in range(8)),
                unroll=1)
            for k in range(8):
                out_v[t, pl.ds(k * 16, 16)] = accs[k]

        pltpu.sync_copy(out_v, out_hbm.at[pl.ds(base, bpw)])

    return pool


def _mlp_body(s_ref, w1_ref, b1_ref, w2_ref, b2_ref, out_ref):
    s = s_ref[...]
    h = jax.nn.sigmoid(
        jnp.dot(s, w1_ref[...], preferred_element_type=jnp.float32)
        + b1_ref[...])
    logits = (jnp.dot(h, w2_ref[...], preferred_element_type=jnp.float32)
              + b2_ref[...])
    m = jnp.max(logits, axis=-1, keepdims=True)
    lse = jnp.log(jnp.sum(jnp.exp(logits - m), axis=-1, keepdims=True)) + m
    out_ref[...] = logits - lse


def _mlp(pooled, w1, b1, w2, b2):
    bm = 2048
    grid = (B // bm,)
    return pl.pallas_call(
        _mlp_body,
        grid=grid,
        in_specs=[
            pl.BlockSpec((bm, D), lambda i: (i, 0)),
            pl.BlockSpec((D, H), lambda i: (0, 0)),
            pl.BlockSpec((1, H), lambda i: (0, 0)),
            pl.BlockSpec((H, NPP), lambda i: (0, 0)),
            pl.BlockSpec((1, NPP), lambda i: (0, 0)),
        ],
        out_specs=pl.BlockSpec((bm, NPP), lambda i: (i, 0)),
        out_shape=jax.ShapeDtypeStruct((B, NPP), jnp.float32),
    )(pooled, w1, b1, w2, b2)


def kernel(x, table, W1, b1, W2, b2):
    idx = x.reshape(B, 2, HALF)
    pooled = _make_pool_kernel()(idx, table)
    w2p = jnp.pad(W2, ((0, 0), (0, NPP - NP)))
    b2p = jnp.pad(b2, (0, NPP - NP), constant_values=-1e30)
    out = _mlp(pooled, W1, b1.reshape(1, H), w2p, b2p.reshape(1, NPP))
    return out[:, :NP]

# --- scband reference (transcript-rebuilt; emitter-appended) ---
"""Pipeline reference for scband-net-18408229830703 (READ-ONLY COPY).

The authoritative reference and input builder live on the scoring server;
editing this copy changes nothing except your own understanding.
"""

import jax, jax.numpy as jnp
import numpy as np

VOCAB = 100000
EMB_DIM = 128
HIDDEN = 256
N_PRED = 1000
BATCH = 4096
CHAR_LEN = 10
UTTER_LEN = 20


def setup_inputs(seed: int = 0) -> dict:
    key = jax.random.key(seed)
    k1, k2, k3, k4, k5 = jax.random.split(key, 5)
    table = jax.random.normal(k1, (VOCAB, EMB_DIM), dtype=jnp.float32) * 0.02
    x = jax.random.randint(k2, (BATCH, CHAR_LEN, UTTER_LEN), 0, VOCAB, dtype=jnp.int32)
    W1 = jax.random.normal(k3, (EMB_DIM, HIDDEN), dtype=jnp.float32) * (1.0 / np.sqrt(EMB_DIM))
    b1 = jnp.zeros((HIDDEN,), dtype=jnp.float32)
    W2 = jax.random.normal(k4, (HIDDEN, N_PRED), dtype=jnp.float32) * (1.0 / np.sqrt(HIDDEN))
    b2 = jnp.zeros((N_PRED,), dtype=jnp.float32)
    return {"x": x, "table": table, "W1": W1, "b1": b1, "W2": W2, "b2": b2}


def reference(x, table, W1, b1, W2, b2):
    # embedding lookup (frozen table) -> [B, char_len, utter_len, emb_dim]
    e = jnp.take(table, x, axis=0)
    e = e.reshape(-1, CHAR_LEN, UTTER_LEN, EMB_DIM)
    # sum over char and utterance dims -> [B, emb_dim]
    s = jnp.sum(e, axis=(1, 2))
    # fc1 + sigmoid
    h = jax.nn.sigmoid(s @ W1 + b1)
    # fc + log_softmax
    logits = h @ W2 + b2
    out = jax.nn.log_softmax(logits, axis=1)
    return out

if __name__ == "__main__":
    import jax
    _d = setup_inputs()
    print(jax.jit(kernel)(*tuple(_d.values())))

</pallas_src>

<mosaic_0001>
#map = affine_map<(d0, d1) -> (0, 0, 0)>
#map1 = affine_map<(d0, d1) -> (0, 0)>
module attributes {stable_mosaic.version = 14 : i64} {
  func.func @pool(%arg0: i32, %arg1: i32, %arg2: memref<4096x2x100xi32, #tpu.memory_space<hbm>>, %arg3: memref<100000x128xf32, #tpu.memory_space<hbm>>, %arg4: memref<4096x128xf32, #tpu.memory_space<hbm>>, %arg5: memref<128x2x100xi32, #tpu.memory_space<vmem>>, %arg6: memref<3x200x128xf32, #tpu.memory_space<vmem>>, %arg7: memref<128x128xf32, #tpu.memory_space<vmem>>, %arg8: memref<!tpu.dma_semaphore, #tpu.memory_space<semaphore_mem>>, %arg9: memref<!tpu.dma_semaphore, #tpu.memory_space<semaphore_mem>>, %arg10: memref<!tpu.dma_semaphore, #tpu.memory_space<semaphore_mem>>) attributes {dimension_semantics = [#tpu.dimension_semantics<core_parallel>, #tpu.dimension_semantics<subcore_parallel>], iteration_bounds = array<i64: 2, 16>, scalar_prefetch = 0 : i64, scratch_operands = 6 : i64, tpu.core_type = #tpu.core_type<sc_vector_subcore>, window_params = [{transform_indices = #map}, {transform_indices = #map1}, {transform_indices = #map1}]} {
    %mul3A = arith.constant 2 : i32
    %mul3A_0 = arith.muli %arg1, %mul3A : i32
    %add3A = arith.addi %mul3A_0, %arg0 : i32
    %mul3A_1 = arith.constant 128 : i32
    %mul3A_2 = arith.muli %add3A, %mul3A_1 : i32
    "tpu.region"() ({
      %run_scoped3A = tpu.sem_alloc : memref<!tpu.dma_semaphore, #tpu.memory_space<semaphore_mem>>
      %dma_start3A_275 = arith.constant 0 : i32
      %dma_start3A_276 = arith.constant 0 : i32
      %dma_start3A_277 = tpu.memref_slice %arg2[%mul3A_2, %dma_start3A_275, %dma_start3A_276] : memref<4096x2x100xi32, #tpu.memory_space<hbm>> -> memref<128x2x100xi32, #tpu.memory_space<hbm>>
      %dma_start3A_278 = arith.constant 0 : i32
      %dma_start3A_279 = arith.constant 0 : i32
      %dma_start3A_280 = tpu.memref_slice %arg2[%mul3A_2, %dma_start3A_278, %dma_start3A_279] : memref<4096x2x100xi32, #tpu.memory_space<hbm>> -> memref<128x2x100xi32, #tpu.memory_space<hbm>>
      tpu.enqueue_dma source(%dma_start3A_280 : memref<128x2x100xi32, #tpu.memory_space<hbm>>) target(%arg5 : memref<128x2x100xi32, #tpu.memory_space<vmem>>) target_semaphore(%run_scoped3A : memref<!tpu.dma_semaphore, #tpu.memory_space<semaphore_mem>>)
      %dma_wait3A_281 = arith.constant 0 : i32
      %dma_wait3A_282 = arith.constant 0 : i32
      %dma_wait3A_283 = tpu.memref_slice %arg2[%mul3A_2, %dma_wait3A_281, %dma_wait3A_282] : memref<4096x2x100xi32, #tpu.memory_space<hbm>> -> memref<128x2x100xi32, #tpu.memory_space<hbm>>
      %dma_wait3A_284 = arith.constant 0 : i32
      %dma_wait3A_285 = arith.constant 0 : i32
      %dma_wait3A_286 = tpu.memref_slice %arg2[%mul3A_2, %dma_wait3A_284, %dma_wait3A_285] : memref<4096x2x100xi32, #tpu.memory_space<hbm>> -> memref<128x2x100xi32, #tpu.memory_space<hbm>>
      tpu.wait_dma2 semaphore(%run_scoped3A : memref<!tpu.dma_semaphore, #tpu.memory_space<semaphore_mem>>) src(%dma_wait3A_286 : memref<128x2x100xi32, #tpu.memory_space<hbm>>) dst(%arg5 : memref<128x2x100xi32, #tpu.memory_space<vmem>>)
      tpu.yield
    }) : () -> ()
    %dma_start3A = arith.constant 0 : i32
    %dma_start3A_3 = arith.constant 0 : i32
    %dma_start3A_4 = arith.constant 0 : i32
    %dma_start3A_5 = arith.constant 0 : i32
    %dma_start3A_6 = arith.constant 0 : i32
    %dma_start3A_7 = tpu.memref_slice %arg6[%dma_start3A_4, %dma_start3A_5, %dma_start3A_6] : memref<3x200x128xf32, #tpu.memory_space<vmem>> -> memref<1x100x128xf32, #tpu.memory_space<vmem>>
    %dma_start3A_8 = tpu.memref_squeeze %dma_start3A_7 : memref<1x100x128xf32, #tpu.memory_space<vmem>> -> memref<100x128xf32, #tpu.memory_space<vmem>>
    %dma_start3A_9 = arith.constant 0 : i32
    %dma_start3A_10 = tpu.memref_slice %arg5[%dma_start3A, %dma_start3A_3, %dma_start3A_9] : memref<128x2x100xi32, #tpu.memory_space<vmem>> -> memref<1x1x100xi32, #tpu.memory_space<vmem>>
    %dma_start3A_11 = tpu.memref_squeeze %dma_start3A_10 : memref<1x1x100xi32, #tpu.memory_space<vmem>> -> memref<100xi32, #tpu.memory_space<vmem>>
    %dma_start3A_12 = arith.constant 0 : i32
    %dma_start3A_13 = arith.constant 0 : i32
    %dma_start3A_14 = tpu.memref_slice %arg3[%dma_start3A_12, %dma_start3A_13] : memref<100000x128xf32, #tpu.memory_space<hbm>> -> memref<100000x128xf32, #tpu.memory_space<hbm>>
    tpu.enqueue_indirect_dma source(%dma_start3A_14 : memref<100000x128xf32, #tpu.memory_space<hbm>>) target(%dma_start3A_8 : memref<100x128xf32, #tpu.memory_space<vmem>>) offsets(%dma_start3A_11 : memref<100xi32, #tpu.memory_space<vmem>>) semaphore(%arg8 : memref<!tpu.dma_semaphore, #tpu.memory_space<semaphore_mem>>)
    %dma_start3A_15 = arith.constant 0 : i32
    %dma_start3A_16 = arith.constant 1 : i32
    %dma_start3A_17 = arith.constant 0 : i32
    %dma_start3A_18 = arith.constant 100 : i32
    %dma_start3A_19 = arith.constant 0 : i32
    %dma_start3A_20 = tpu.memref_slice %arg6[%dma_start3A_17, %dma_start3A_18, %dma_start3A_19] : memref<3x200x128xf32, #tpu.memory_space<vmem>> -> memref<1x100x128xf32, #tpu.memory_space<vmem>>
    %dma_start3A_21 = tpu.memref_squeeze %dma_start3A_20 : memref<1x100x128xf32, #tpu.memory_space<vmem>> -> memref<100x128xf32, #tpu.memory_space<vmem>>
    %dma_start3A_22 = arith.constant 0 : i32
    %dma_start3A_23 = tpu.memref_slice %arg5[%dma_start3A_15, %dma_start3A_16, %dma_start3A_22] : memref<128x2x100xi32, #tpu.memory_space<vmem>> -> memref<1x1x100xi32, #tpu.memory_space<vmem>>
    %dma_start3A_24 = tpu.memref_squeeze %dma_start3A_23 : memref<1x1x100xi32, #tpu.memory_space<vmem>> -> memref<100xi32, #tpu.memory_space<vmem>>
    %dma_start3A_25 = arith.constant 0 : i32
    %dma_start3A_26 = arith.constant 0 : i32
    %dma_start3A_27 = tpu.memref_slice %arg3[%dma_start3A_25, %dma_start3A_26] : memref<100000x128xf32, #tpu.memory_space<hbm>> -> memref<100000x128xf32, #tpu.memory_space<hbm>>
    tpu.enqueue_indirect_dma source(%dma_start3A_27 : memref<100000x128xf32, #tpu.memory_space<hbm>>) target(%dma_start3A_21 : memref<100x128xf32, #tpu.memory_space<vmem>>) offsets(%dma_start3A_24 : memref<100xi32, #tpu.memory_space<vmem>>) semaphore(%arg8 : memref<!tpu.dma_semaphore, #tpu.memory_space<semaphore_mem>>)
    %dma_start3A_28 = arith.constant 1 : i32
    %dma_start3A_29 = arith.constant 0 : i32
    %dma_start3A_30 = arith.constant 1 : i32
    %dma_start3A_31 = arith.constant 0 : i32
    %dma_start3A_32 = arith.constant 0 : i32
    %dma_start3A_33 = tpu.memref_slice %arg6[%dma_start3A_30, %dma_start3A_31, %dma_start3A_32] : memref<3x200x128xf32, #tpu.memory_space<vmem>> -> memref<1x100x128xf32, #tpu.memory_space<vmem>>
    %dma_start3A_34 = tpu.memref_squeeze %dma_start3A_33 : memref<1x100x128xf32, #tpu.memory_space<vmem>> -> memref<100x128xf32, #tpu.memory_space<vmem>>
    %dma_start3A_35 = arith.constant 0 : i32
    %dma_start3A_36 = tpu.memref_slice %arg5[%dma_start3A_28, %dma_start3A_29, %dma_start3A_35] : memref<128x2x100xi32, #tpu.memory_space<vmem>> -> memref<1x1x100xi32, #tpu.memory_space<vmem>>
    %dma_start3A_37 = tpu.memref_squeeze %dma_start3A_36 : memref<1x1x100xi32, #tpu.memory_space<vmem>> -> memref<100xi32, #tpu.memory_space<vmem>>
    %dma_start3A_38 = arith.constant 0 : i32
    %dma_start3A_39 = arith.constant 0 : i32
    %dma_start3A_40 = tpu.memref_slice %arg3[%dma_start3A_38, %dma_start3A_39] : memref<100000x128xf32, #tpu.memory_space<hbm>> -> memref<100000x128xf32, #tpu.memory_space<hbm>>
    tpu.enqueue_indirect_dma source(%dma_start3A_40 : memref<100000x128xf32, #tpu.memory_space<hbm>>) target(%dma_start3A_34 : memref<100x128xf32, #tpu.memory_space<vmem>>) offsets(%dma_start3A_37 : memref<100xi32, #tpu.memory_space<vmem>>) semaphore(%arg9 : memref<!tpu.dma_semaphore, #tpu.memory_space<semaphore_mem>>)
    %dma_start3A_41 = arith.constant 1 : i32
    %dma_start3A_42 = arith.constant 1 : i32
    %dma_start3A_43 = arith.constant 1 : i32
    %dma_start3A_44 = arith.constant 100 : i32
    %dma_start3A_45 = arith.constant 0 : i32
    %dma_start3A_46 = tpu.memref_slice %arg6[%dma_start3A_43, %dma_start3A_44, %dma_start3A_45] : memref<3x200x128xf32, #tpu.memory_space<vmem>> -> memref<1x100x128xf32, #tpu.memory_space<vmem>>
    %dma_start3A_47 = tpu.memref_squeeze %dma_start3A_46 : memref<1x100x128xf32, #tpu.memory_space<vmem>> -> memref<100x128xf32, #tpu.memory_space<vmem>>
    %dma_start3A_48 = arith.constant 0 : i32
    %dma_start3A_49 = tpu.memref_slice %arg5[%dma_start3A_41, %dma_start3A_42, %dma_start3A_48] : memref<128x2x100xi32, #tpu.memory_space<vmem>> -> memref<1x1x100xi32, #tpu.memory_space<vmem>>
    %dma_start3A_50 = tpu.memref_squeeze %dma_start3A_49 : memref<1x1x100xi32, #tpu.memory_space<vmem>> -> memref<100xi32, #tpu.memory_space<vmem>>
    %dma_start3A_51 = arith.constant 0 : i32
    %dma_start3A_52 = arith.constant 0 : i32
    %dma_start3A_53 = tpu.memref_slice %arg3[%dma_start3A_51, %dma_start3A_52] : memref<100000x128xf32, #tpu.memory_space<hbm>> -> memref<100000x128xf32, #tpu.memory_space<hbm>>
    tpu.enqueue_indirect_dma source(%dma_start3A_53 : memref<100000x128xf32, #tpu.memory_space<hbm>>) target(%dma_start3A_47 : memref<100x128xf32, #tpu.memory_space<vmem>>) offsets(%dma_start3A_50 : memref<100xi32, #tpu.memory_space<vmem>>) semaphore(%arg9 : memref<!tpu.dma_semaphore, #tpu.memory_space<semaphore_mem>>)
    %dma_start3A_54 = arith.constant 2 : i32
    %dma_start3A_55 = arith.constant 0 : i32
    %dma_start3A_56 = arith.constant 2 : i32
    %dma_start3A_57 = arith.constant 0 : i32
    %dma_start3A_58 = arith.constant 0 : i32
    %dma_start3A_59 = tpu.memref_slice %arg6[%dma_start3A_56, %dma_start3A_57, %dma_start3A_58] : memref<3x200x128xf32, #tpu.memory_space<vmem>> -> memref<1x100x128xf32, #tpu.memory_space<vmem>>
    %dma_start3A_60 = tpu.memref_squeeze %dma_start3A_59 : memref<1x100x128xf32, #tpu.memory_space<vmem>> -> memref<100x128xf32, #tpu.memory_space<vmem>>
    %dma_start3A_61 = arith.constant 0 : i32
    %dma_start3A_62 = tpu.memref_slice %arg5[%dma_start3A_54, %dma_start3A_55, %dma_start3A_61] : memref<128x2x100xi32, #tpu.memory_space<vmem>> -> memref<1x1x100xi32, #tpu.memory_space<vmem>>
    %dma_start3A_63 = tpu.memref_squeeze %dma_start3A_62 : memref<1x1x100xi32, #tpu.memory_space<vmem>> -> memref<100xi32, #tpu.memory_space<vmem>>
    %dma_start3A_64 = arith.constant 0 : i32
    %dma_start3A_65 = arith.constant 0 : i32
    %dma_start3A_66 = tpu.memref_slice %arg3[%dma_start3A_64, %dma_start3A_65] : memref<100000x128xf32, #tpu.memory_space<hbm>> -> memref<100000x128xf32, #tpu.memory_space<hbm>>
    tpu.enqueue_indirect_dma source(%dma_start3A_66 : memref<100000x128xf32, #tpu.memory_space<hbm>>) target(%dma_start3A_60 : memref<100x128xf32, #tpu.memory_space<vmem>>) offsets(%dma_start3A_63 : memref<100xi32, #tpu.memory_space<vmem>>) semaphore(%arg10 : memref<!tpu.dma_semaphore, #tpu.memory_space<semaphore_mem>>)
    %dma_start3A_67 = arith.constant 2 : i32
    %dma_start3A_68 = arith.constant 1 : i32
    %dma_start3A_69 = arith.constant 2 : i32
    %dma_start3A_70 = arith.constant 100 : i32
    %dma_start3A_71 = arith.constant 0 : i32
    %dma_start3A_72 = tpu.memref_slice %arg6[%dma_start3A_69, %dma_start3A_70, %dma_start3A_71] : memref<3x200x128xf32, #tpu.memory_space<vmem>> -> memref<1x100x128xf32, #tpu.memory_space<vmem>>
    %dma_start3A_73 = tpu.memref_squeeze %dma_start3A_72 : memref<1x100x128xf32, #tpu.memory_space<vmem>> -> memref<100x128xf32, #tpu.memory_space<vmem>>
    %dma_start3A_74 = arith.constant 0 : i32
    %dma_start3A_75 = tpu.memref_slice %arg5[%dma_start3A_67, %dma_start3A_68, %dma_start3A_74] : memref<128x2x100xi32, #tpu.memory_space<vmem>> -> memref<1x1x100xi32, #tpu.memory_space<vmem>>
    %dma_start3A_76 = tpu.memref_squeeze %dma_start3A_75 : memref<1x1x100xi32, #tpu.memory_space<vmem>> -> memref<100xi32, #tpu.memory_space<vmem>>
    %dma_start3A_77 = arith.constant 0 : i32
    %dma_start3A_78 = arith.constant 0 : i32
    %dma_start3A_79 = tpu.memref_slice %arg3[%dma_start3A_77, %dma_start3A_78] : memref<100000x128xf32, #tpu.memory_space<hbm>> -> memref<100000x128xf32, #tpu.memory_space<hbm>>
    tpu.enqueue_indirect_dma source(%dma_start3A_79 : memref<100000x128xf32, #tpu.memory_space<hbm>>) target(%dma_start3A_73 : memref<100x128xf32, #tpu.memory_space<vmem>>) offsets(%dma_start3A_76 : memref<100xi32, #tpu.memory_space<vmem>>) semaphore(%arg10 : memref<!tpu.dma_semaphore, #tpu.memory_space<semaphore_mem>>)
    %scan3A = arith.constant 0 : i32
    %scan3A_80 = arith.constant 0 : i32
    %scan3A_81 = arith.constant 42 : i32
    %scan3A_82 = arith.addi %scan3A_80, %scan3A_81 : i32
    %scan3A_83 = arith.constant 1 : i32
    %scan3A_84 = scf.for %scan3A_275 = %scan3A_80 to %scan3A_82 step %scan3A_83 iter_args(%scan3A_276 = %scan3A) -> (i32)  : i32 {
      %mul3A_277 = arith.constant 3 : i32
      %mul3A_278 = arith.muli %scan3A_275, %mul3A_277 : i32
      %add3A_279 = arith.constant 0 : i32
      %add3A_280 = arith.addi %mul3A_278, %add3A_279 : i32
      %dma_wait3A_281 = arith.constant 0 : i32
      %dma_wait3A_282 = arith.constant 0 : i32
      %dma_wait3A_283 = arith.constant 0 : i32
      %dma_wait3A_284 = arith.constant 0 : i32
      %dma_wait3A_285 = tpu.memref_slice %arg6[%dma_wait3A_282, %dma_wait3A_283, %dma_wait3A_284] : memref<3x200x128xf32, #tpu.memory_space<vmem>> -> memref<1x100x128xf32, #tpu.memory_space<vmem>>
      %dma_wait3A_286 = tpu.memref_squeeze %dma_wait3A_285 : memref<1x100x128xf32, #tpu.memory_space<vmem>> -> memref<100x128xf32, #tpu.memory_space<vmem>>
      %dma_wait3A_287 = arith.constant 0 : i32
      %dma_wait3A_288 = tpu.memref_slice %arg5[%add3A_280, %dma_wait3A_281, %dma_wait3A_287] : memref<128x2x100xi32, #tpu.memory_space<vmem>> -> memref<1x1x100xi32, #tpu.memory_space<vmem>>
      %dma_wait3A_289 = tpu.memref_squeeze %dma_wait3A_288 : memref<1x1x100xi32, #tpu.memory_space<vmem>> -> memref<100xi32, #tpu.memory_space<vmem>>
      %dma_wait3A_290 = arith.constant 0 : i32
      %dma_wait3A_291 = arith.constant 0 : i32
      %dma_wait3A_292 = tpu.memref_slice %arg3[%dma_wait3A_290, %dma_wait3A_291] : memref<100000x128xf32, #tpu.memory_space<hbm>> -> memref<100000x128xf32, #tpu.memory_space<hbm>>
      tpu.wait_indirect_dma semaphore(%arg8 : memref<!tpu.dma_semaphore, #tpu.memory_space<semaphore_mem>>) src(%dma_wait3A_292 : memref<100000x128xf32, #tpu.memory_space<hbm>>) dst(%dma_wait3A_286 : memref<100x128xf32, #tpu.memory_space<vmem>>)
      %dma_wait3A_293 = arith.constant 1 : i32
      %dma_wait3A_294 = arith.constant 0 : i32
      %dma_wait3A_295 = arith.constant 100 : i32
      %dma_wait3A_296 = arith.constant 0 : i32
      %dma_wait3A_297 = tpu.memref_slice %arg6[%dma_wait3A_294, %dma_wait3A_295, %dma_wait3A_296] : memref<3x200x128xf32, #tpu.memory_space<vmem>> -> memref<1x100x128xf32, #tpu.memory_space<vmem>>
      %dma_wait3A_298 = tpu.memref_squeeze %dma_wait3A_297 : memref<1x100x128xf32, #tpu.memory_space<vmem>> -> memref<100x128xf32, #tpu.memory_space<vmem>>
      %dma_wait3A_299 = arith.constant 0 : i32
      %dma_wait3A_300 = tpu.memref_slice %arg5[%add3A_280, %dma_wait3A_293, %dma_wait3A_299] : memref<128x2x100xi32, #tpu.memory_space<vmem>> -> memref<1x1x100xi32, #tpu.memory_space<vmem>>
      %dma_wait3A_301 = tpu.memref_squeeze %dma_wait3A_300 : memref<1x1x100xi32, #tpu.memory_space<vmem>> -> memref<100xi32, #tpu.memory_space<vmem>>
      %dma_wait3A_302 = arith.constant 0 : i32
      %dma_wait3A_303 = arith.constant 0 : i32
      %dma_wait3A_304 = tpu.memref_slice %arg3[%dma_wait3A_302, %dma_wait3A_303] : memref<100000x128xf32, #tpu.memory_space<hbm>> -> memref<100000x128xf32, #tpu.memory_space<hbm>>
      tpu.wait_indirect_dma semaphore(%arg8 : memref<!tpu.dma_semaphore, #tpu.memory_space<semaphore_mem>>) src(%dma_wait3A_304 : memref<100000x128xf32, #tpu.memory_space<hbm>>) dst(%dma_wait3A_298 : memref<100x128xf32, #tpu.memory_space<vmem>>)
      %broadcast_in_dim3A_305 = arith.constant 0.000000e+00 : f32
      %broadcast_in_dim3A_306 = vector.broadcast %broadcast_in_dim3A_305 : f32 to vector<16xf32>
      %broadcast_in_dim3A_307 = arith.constant 0.000000e+00 : f32
      %broadcast_in_dim3A_308 = vector.broadcast %broadcast_in_dim3A_307 : f32 to vector<16xf32>
      %broadcast_in_dim3A_309 = arith.constant 0.000000e+00 : f32
      %broadcast_in_dim3A_310 = vector.broadcast %broadcast_in_dim3A_309 : f32 to vector<16xf32>
      %broadcast_in_dim3A_311 = arith.constant 0.000000e+00 : f32
      %broadcast_in_dim3A_312 = vector.broadcast %broadcast_in_dim3A_311 : f32 to vector<16xf32>
      %broadcast_in_dim3A_313 = arith.constant 0.000000e+00 : f32
      %broadcast_in_dim3A_314 = vector.broadcast %broadcast_in_dim3A_313 : f32 to vector<16xf32>
      %broadcast_in_dim3A_315 = arith.constant 0.000000e+00 : f32
      %broadcast_in_dim3A_316 = vector.broadcast %broadcast_in_dim3A_315 : f32 to vector<16xf32>
      %broadcast_in_dim3A_317 = arith.constant 0.000000e+00 : f32
      %broadcast_in_dim3A_318 = vector.broadcast %broadcast_in_dim3A_317 : f32 to vector<16xf32>
      %broadcast_in_dim3A_319 = arith.constant 0.000000e+00 : f32
      %broadcast_in_dim3A_320 = vector.broadcast %broadcast_in_dim3A_319 : f32 to vector<16xf32>
      %scan3A_321 = arith.constant 0 : i32
      %scan3A_322 = arith.constant 25 : i32
      %scan3A_323 = arith.addi %scan3A_321, %scan3A_322 : i32
      %scan3A_324 = arith.constant 1 : i32
      %scan3A_325:8 = scf.for %scan3A_616 = %scan3A_321 to %scan3A_323 step %scan3A_324 iter_args(%scan3A_617 = %broadcast_in_dim3A_306, %scan3A_618 = %broadcast_in_dim3A_308, %scan3A_619 = %broadcast_in_dim3A_310, %scan3A_620 = %broadcast_in_dim3A_312, %scan3A_621 = %broadcast_in_dim3A_314, %scan3A_622 = %broadcast_in_dim3A_316, %scan3A_623 = %broadcast_in_dim3A_318, %scan3A_624 = %broadcast_in_dim3A_320) -> (vector<16xf32>, vector<16xf32>, vector<16xf32>, vector<16xf32>, vector<16xf32>, vector<16xf32>, vector<16xf32>, vector<16xf32>)  : i32 {
        %mul3A_625 = arith.constant 8 : i32
        %mul3A_626 = arith.muli %scan3A_616, %mul3A_625 : i32
        %add3A_627 = arith.constant 0 : i32
        %add3A_628 = arith.addi %mul3A_626, %add3A_627 : i32
        %get3A = arith.constant 0 : i32
        %get3A_629 = arith.index_cast %get3A : i32 to index
        %get3A_630 = arith.index_cast %add3A_628 : i32 to index
        %get3A_631 = arith.constant 0 : index
        %get3A_632 = tpu.vector_load %arg6[%get3A_629, %get3A_630, %get3A_631] {strides = array<i32>} : memref<3x200x128xf32, #tpu.memory_space<vmem>>, vector<1x1x16xf32>,
        %get3A_633 = vector.shape_cast %get3A_632 : vector<1x1x16xf32> to vector<16xf32>
        %add3A_634 = arith.addf %scan3A_617, %get3A_633 : vector<16xf32>
        %add3A_635 = arith.constant 0 : i32
        %add3A_636 = arith.addi %mul3A_626, %add3A_635 : i32
        %get3A_637 = arith.constant 0 : i32
        %get3A_638 = arith.index_cast %get3A_637 : i32 to index
        %get3A_639 = arith.index_cast %add3A_636 : i32 to index
        %get3A_640 = arith.constant 16 : index
        %get3A_641 = tpu.vector_load %arg6[%get3A_638, %get3A_639, %get3A_640] {strides = array<i32>} : memref<3x200x128xf32, #tpu.memory_space<vmem>>, vector<1x1x16xf32>,
        %get3A_642 = vector.shape_cast %get3A_641 : vector<1x1x16xf32> to vector<16xf32>
        %add3A_643 = arith.addf %scan3A_618, %get3A_642 : vector<16xf32>
        %add3A_644 = arith.constant 0 : i32
        %add3A_645 = arith.addi %mul3A_626, %add3A_644 : i32
        %get3A_646 = arith.constant 0 : i32
        %get3A_647 = arith.index_cast %get3A_646 : i32 to index
        %get3A_648 = arith.index_cast %add3A_645 : i32 to index
        %get3A_649 = arith.constant 32 : index
        %get3A_650 = tpu.vector_load %arg6[%get3A_647, %get3A_648, %get3A_649] {strides = array<i32>} : memref<3x200x128xf32, #tpu.memory_space<vmem>>, vector<1x1x16xf32>,
        %get3A_651 = vector.shape_cast %get3A_650 : vector<1x1x16xf32> to vector<16xf32>
        %add3A_652 = arith.addf %scan3A_619, %get3A_651 : vector<16xf32>
        %add3A_653 = arith.constant 0 : i32
        %add3A_654 = arith.addi %mul3A_626, %add3A_653 : i32
        %get3A_655 = arith.constant 0 : i32
        %get3A_656 = arith.index_cast %get3A_655 : i32 to index
        %get3A_657 = arith.index_cast %add3A_654 : i32 to index
        %get3A_658 = arith.constant 48 : index
        %get3A_659 = tpu.vector_load %arg6[%get3A_656, %get3A_657, %get3A_658] {strides = array<i32>} : memref<3x200x128xf32, #tpu.memory_space<vmem>>, vector<1x1x16xf32>,
        %get3A_660 = vector.shape_cast %get3A_659 : vector<1x1x16xf32> to vector<16xf32>
        %add3A_661 = arith.addf %scan3A_620, %get3A_660 : vector<16xf32>
        %add3A_662 = arith.constant 0 : i32
        %add3A_663 = arith.addi %mul3A_626, %add3A_662 : i32
        %get3A_664 = arith.constant 0 : i32
        %get3A_665 = arith.index_cast %get3A_664 : i32 to index
        %get3A_666 = arith.index_cast %add3A_663 : i32 to index
        %get3A_667 = arith.constant 64 : index
        %get3A_668 = tpu.vector_load %arg6[%get3A_665, %get3A_666, %get3A_667] {strides = array<i32>} : memref<3x200x128xf32, #tpu.memory_space<vmem>>, vector<1x1x16xf32>,
        %get3A_669 = vector.shape_cast %get3A_668 : vector<1x1x16xf32> to vector<16xf32>
        %add3A_670 = arith.addf %scan3A_621, %get3A_669 : vector<16xf32>
        %add3A_671 = arith.constant 0 : i32
        %add3A_672 = arith.addi %mul3A_626, %add3A_671 : i32
        %get3A_673 = arith.constant 0 : i32
        %get3A_674 = arith.index_cast %get3A_673 : i32 to index
        %get3A_675 = arith.index_cast %add3A_672 : i32 to index
        %get3A_676 = arith.constant 80 : index
        %get3A_677 = tpu.vector_load %arg6[%get3A_674, %get3A_675, %get3A_676] {strides = array<i32>} : memref<3x200x128xf32, #tpu.memory_space<vmem>>, vector<1x1x16xf32>,
        %get3A_678 = vector.shape_cast %get3A_677 : vector<1x1x16xf32> to vector<16xf32>
        %add3A_679 = arith.addf %scan3A_622, %get3A_678 : vector<16xf32>
        %add3A_680 = arith.constant 0 : i32
        %add3A_681 = arith.addi %mul3A_626, %add3A_680 : i32
        %get3A_682 = arith.constant 0 : i32
        %get3A_683 = arith.index_cast %get3A_682 : i32 to index
        %get3A_684 = arith.index_cast %add3A_681 : i32 to index
        %get3A_685 = arith.constant 96 : index
        %get3A_686 = tpu.vector_load %arg6[%get3A_683, %get3A_684, %get3A_685] {strides = array<i32>} : memref<3x200x128xf32, #tpu.memory_space<vmem>>, vector<1x1x16xf32>,
        %get3A_687 = vector.shape_cast %get3A_686 : vector<1x1x16xf32> to vector<16xf32>
        %add3A_688 = arith.addf %scan3A_623, %get3A_687 : vector<16xf32>
        %add3A_689 = arith.constant 0 : i32
        %add3A_690 = arith.addi %mul3A_626, %add3A_689 : i32
        %get3A_691 = arith.constant 0 : i32
        %get3A_692 = arith.index_cast %get3A_691 : i32 to index
        %get3A_693 = arith.index_cast %add3A_690 : i32 to index
        %get3A_694 = arith.constant 112 : index
        %get3A_695 = tpu.vector_load %arg6[%get3A_692, %get3A_693, %get3A_694] {strides = array<i32>} : memref<3x200x128xf32, #tpu.memory_space<vmem>>, vector<1x1x16xf32>,
        %get3A_696 = vector.shape_cast %get3A_695 : vector<1x1x16xf32> to vector<16xf32>
        %add3A_697 = arith.addf %scan3A_624, %get3A_696 : vector<16xf32>
        %add3A_698 = arith.constant 1 : i32
        %add3A_699 = arith.addi %mul3A_626, %add3A_698 : i32
        %get3A_700 = arith.constant 0 : i32
        %get3A_701 = arith.index_cast %get3A_700 : i32 to index
        %get3A_702 = arith.index_cast %add3A_699 : i32 to index
        %get3A_703 = arith.constant 0 : index
        %get3A_704 = tpu.vector_load %arg6[%get3A_701, %get3A_702, %get3A_703] {strides = array<i32>} : memref<3x200x128xf32, #tpu.memory_space<vmem>>, vector<1x1x16xf32>,
        %get3A_705 = vector.shape_cast %get3A_704 : vector<1x1x16xf32> to vector<16xf32>
        %add3A_706 = arith.addf %add3A_634, %get3A_705 : vector<16xf32>
        %add3A_707 = arith.constant 1 : i32
        %add3A_708 = arith.addi %mul3A_626, %add3A_707 : i32
        %get3A_709 = arith.constant 0 : i32
        %get3A_710 = arith.index_cast %get3A_709 : i32 to index
        %get3A_711 = arith.index_cast %add3A_708 : i32 to index
        %get3A_712 = arith.constant 16 : index
        %get3A_713 = tpu.vector_load %arg6[%get3A_710, %get3A_711, %get3A_712] {strides = array<i32>} : memref<3x200x128xf32, #tpu.memory_space<vmem>>, vector<1x1x16xf32>,
        %get3A_714 = vector.shape_cast %get3A_713 : vector<1x1x16xf32> to vector<16xf32>
        %add3A_715 = arith.addf %add3A_643, %get3A_714 : vector<16xf32>
        %add3A_716 = arith.constant 1 : i32
        %add3A_717 = arith.addi %mul3A_626, %add3A_716 : i32
        %get3A_718 = arith.constant 0 : i32
        %get3A_719 = arith.index_cast %get3A_718 : i32 to index
        %get3A_720 = arith.index_cast %add3A_717 : i32 to index
        %get3A_721 = arith.constant 32 : index
        %get3A_722 = tpu.vector_load %arg6[%get3A_719, %get3A_720, %get3A_721] {strides = array<i32>} : memref<3x200x128xf32, #tpu.memory_space<vmem>>, vector<1x1x16xf32>,
        %get3A_723 = vector.shape_cast %get3A_722 : vector<1x1x16xf32> to vector<16xf32>
        %add3A_724 = arith.addf %add3A_652, %get3A_723 : vector<16xf32>
        %add3A_725 = arith.constant 1 : i32
        %add3A_726 = arith.addi %mul3A_626, %add3A_725 : i32
        %get3A_727 = arith.constant 0 : i32
        %get3A_728 = arith.index_cast %get3A_727 : i32 to index
        %get3A_729 = arith.index_cast %add3A_726 : i32 to index
        %get3A_730 = arith.constant 48 : index
        %get3A_731 = tpu.vector_load %arg6[%get3A_728, %get3A_729, %get3A_730] {strides = array<i32>} : memref<3x200x128xf32, #tpu.memory_space<vmem>>, vector<1x1x16xf32>,
        %get3A_732 = vector.shape_cast %get3A_731 : vector<1x1x16xf32> to vector<16xf32>
        %add3A_733 = arith.addf %add3A_661, %get3A_732 : vector<16xf32>
        %add3A_734 = arith.constant 1 : i32
        %add3A_735 = arith.addi %mul3A_626, %add3A_734 : i32
        %get3A_736 = arith.constant 0 : i32
        %get3A_737 = arith.index_cast %get3A_736 : i32 to index
        %get3A_738 = arith.index_cast %add3A_735 : i32 to index
        %get3A_739 = arith.constant 64 : index
        %get3A_740 = tpu.vector_load %arg6[%get3A_737, %get3A_738, %get3A_739] {strides = array<i32>} : memref<3x200x128xf32, #tpu.memory_space<vmem>>, vector<1x1x16xf32>,
        %get3A_741 = vector.shape_cast %get3A_740 : vector<1x1x16xf32> to vector<16xf32>
        %add3A_742 = arith.addf %add3A_670, %get3A_741 : vector<16xf32>
        %add3A_743 = arith.constant 1 : i32
        %add3A_744 = arith.addi %mul3A_626, %add3A_743 : i32
        %get3A_745 = arith.constant 0 : i32
        %get3A_746 = arith.index_cast %get3A_745 : i32 to index
        %get3A_747 = arith.index_cast %add3A_744 : i32 to index
        %get3A_748 = arith.constant 80 : index
        %get3A_749 = tpu.vector_load %arg6[%get3A_746, %get3A_747, %get3A_748] {strides = array<i32>} : memref<3x200x128xf32, #tpu.memory_space<vmem>>, vector<1x1x16xf32>,
        %get3A_750 = vector.shape_cast %get3A_749 : vector<1x1x16xf32> to vector<16xf32>
        %add3A_751 = arith.addf %add3A_679, %get3A_750 : vector<16xf32>
        %add3A_752 = arith.constant 1 : i32
        %add3A_753 = arith.addi %mul3A_626, %add3A_752 : i32
        %get3A_754 = arith.constant 0 : i32
        %get3A_755 = arith.index_cast %get3A_754 : i32 to index
        %get3A_756 = arith.index_cast %add3A_753 : i32 to index
        %get3A_757 = arith.constant 96 : index
        %get3A_758 = tpu.vector_load %arg6[%get3A_755, %get3A_756, %get3A_757] {strides = array<i32>} : memref<3x200x128xf32, #tpu.memory_space<vmem>>, vector<1x1x16xf32>,
        %get3A_759 = vector.shape_cast %get3A_758 : vector<1x1x16xf32> to vector<16xf32>
        %add3A_760 = arith.addf %add3A_688, %get3A_759 : vector<16xf32>
        %add3A_761 = arith.constant 1 : i32
        %add3A_762 = arith.addi %mul3A_626, %add3A_761 : i32
        %get3A_763 = arith.constant 0 : i32
        %get3A_764 = arith.index_cast %get3A_763 : i32 to index
        %get3A_765 = arith.index_cast %add3A_762 : i32 to index
        %get3A_766 = arith.constant 112 : index
        %get3A_767 = tpu.vector_load %arg6[%get3A_764, %get3A_765, %get3A_766] {strides = array<i32>} : memref<3x200x128xf32, #tpu.memory_space<vmem>>, vector<1x1x16xf32>,
        %get3A_768 = vector.shape_cast %get3A_767 : vector<1x1x16xf32> to vector<16xf32>
        %add3A_769 = arith.addf %add3A_697, %get3A_768 : vector<16xf32>
        %add3A_770 = arith.constant 2 : i32
        %add3A_771 = arith.addi %mul3A_626, %add3A_770 : i32
        %get3A_772 = arith.constant 0 : i32
        %get3A_773 = arith.index_cast %get3A_772 : i32 to index
        %get3A_774 = arith.index_cast %add3A_771 : i32 to index
        %get3A_775 = arith.constant 0 : index
        %get3A_776 = tpu.vector_load %arg6[%get3A_773, %get3A_774, %get3A_775] {strides = array<i32>} : memref<3x200x128xf32, #tpu.memory_space<vmem>>, vector<1x1x16xf32>,
        %get3A_777 = vector.shape_cast %get3A_776 : vector<1x1x16xf32> to vector<16xf32>
        %add3A_778 = arith.addf %add3A_706, %get3A_777 : vector<16xf32>
        %add3A_779 = arith.constant 2 : i32
        %add3A_780 = arith.addi %mul3A_626, %add3A_779 : i32
        %get3A_781 = arith.constant 0 : i32
        %get3A_782 = arith.index_cast %get3A_781 : i32 to index
        %get3A_783 = arith.index_cast %add3A_780 : i32 to index
        %get3A_784 = arith.constant 16 : index
        %get3A_785 = tpu.vector_load %arg6[%get3A_782, %get3A_783, %get3A_784] {strides = array<i32>} : memref<3x200x128xf32, #tpu.memory_space<vmem>>, vector<1x1x16xf32>,
        %get3A_786 = vector.shape_cast %get3A_785 : vector<1x1x16xf32> to vector<16xf32>
        %add3A_787 = arith.addf %add3A_715, %get3A_786 : vector<16xf32>
        %add3A_788 = arith.constant 2 : i32
        %add3A_789 = arith.addi %mul3A_626, %add3A_788 : i32
        %get3A_790 = arith.constant 0 : i32
        %get3A_791 = arith.index_cast %get3A_790 : i32 to index
        %get3A_792 = arith.index_cast %add3A_789 : i32 to index
        %get3A_793 = arith.constant 32 : index
        %get3A_794 = tpu.vector_load %arg6[%get3A_791, %get3A_792, %get3A_793] {strides = array<i32>} : memref<3x200x128xf32, #tpu.memory_space<vmem>>, vector<1x1x16xf32>,
        %get3A_795 = vector.shape_cast %get3A_794 : vector<1x1x16xf32> to vector<16xf32>
        %add3A_796 = arith.addf %add3A_724, %get3A_795 : vector<16xf32>
        %add3A_797 = arith.constant 2 : i32
        %add3A_798 = arith.addi %mul3A_626, %add3A_797 : i32
        %get3A_799 = arith.constant 0 : i32
        %get3A_800 = arith.index_cast %get3A_799 : i32 to index
        %get3A_801 = arith.index_cast %add3A_798 : i32 to index
        %get3A_802 = arith.constant 48 : index
        %get3A_803 = tpu.vector_load %arg6[%get3A_800, %get3A_801, %get3A_802] {strides = array<i32>} : memref<3x200x128xf32, #tpu.memory_space<vmem>>, vector<1x1x16xf32>,
        %get3A_804 = vector.shape_cast %get3A_803 : vector<1x1x16xf32> to vector<16xf32>
        %add3A_805 = arith.addf %add3A_733, %get3A_804 : vector<16xf32>
        %add3A_806 = arith.constant 2 : i32
        %add3A_807 = arith.addi %mul3A_626, %add3A_806 : i32
        %get3A_808 = arith.constant 0 : i32
        %get3A_809 = arith.index_cast %get3A_808 : i32 to index
        %get3A_810 = arith.index_cast %add3A_807 : i32 to index
        %get3A_811 = arith.constant 64 : index
        %get3A_812 = tpu.vector_load %arg6[%get3A_809, %get3A_810, %get3A_811] {strides = array<i32>} : memref<3x200x128xf32, #tpu.memory_space<vmem>>, vector<1x1x16xf32>,
        %get3A_813 = vector.shape_cast %get3A_812 : vector<1x1x16xf32> to vector<16xf32>
        %add3A_814 = arith.addf %add3A_742, %get3A_813 : vector<16xf32>
        %add3A_815 = arith.constant 2 : i32
        %add3A_816 = arith.addi %mul3A_626, %add3A_815 : i32
        %get3A_817 = arith.constant 0 : i32
        %get3A_818 = arith.index_cast %get3A_817 : i32 to index
        %get3A_819 = arith.index_cast %add3A_816 : i32 to index
        %get3A_820 = arith.constant 80 : index
        %get3A_821 = tpu.vector_load %arg6[%get3A_818, %get3A_819, %get3A_820] {strides = array<i32>} : memref<3x200x128xf32, #tpu.memory_space<vmem>>, vector<1x1x16xf32>,
        %get3A_822 = vector.shape_cast %get3A_821 : vector<1x1x16xf32> to vector<16xf32>
        %add3A_823 = arith.addf %add3A_751, %get3A_822 : vector<16xf32>
        %add3A_824 = arith.constant 2 : i32
        %add3A_825 = arith.addi %mul3A_626, %add3A_824 : i32
        %get3A_826 = arith.constant 0 : i32
        %get3A_827 = arith.index_cast %get3A_826 : i32 to index
        %get3A_828 = arith.index_cast %add3A_825 : i32 to index
        %get3A_829 = arith.constant 96 : index
        %get3A_830 = tpu.vector_load %arg6[%get3A_827, %get3A_828, %get3A_829] {strides = array<i32>} : memref<3x200x128xf32, #tpu.memory_space<vmem>>, vector<1x1x16xf32>,
        %get3A_831 = vector.shape_cast %get3A_830 : vector<1x1x16xf32> to vector<16xf32>
        %add3A_832 = arith.addf %add3A_760, %get3A_831 : vector<16xf32>
        %add3A_833 = arith.constant 2 : i32
        %add3A_834 = arith.addi %mul3A_626, %add3A_833 : i32
        %get3A_835 = arith.constant 0 : i32
        %get3A_836 = arith.index_cast %get3A_835 : i32 to index
        %get3A_837 = arith.index_cast %add3A_834 : i32 to index
        %get3A_838 = arith.constant 112 : index
        %get3A_839 = tpu.vector_load %arg6[%get3A_836, %get3A_837, %get3A_838] {strides = array<i32>} : memref<3x200x128xf32, #tpu.memory_space<vmem>>, vector<1x1x16xf32>,
        %get3A_840 = vector.shape_cast %get3A_839 : vector<1x1x16xf32> to vector<16xf32>
        %add3A_841 = arith.addf %add3A_769, %get3A_840 : vector<16xf32>
        %add3A_842 = arith.constant 3 : i32
        %add3A_843 = arith.addi %mul3A_626, %add3A_842 : i32
        %get3A_844 = arith.constant 0 : i32
        %get3A_845 = arith.index_cast %get3A_844 : i32 to index
        %get3A_846 = arith.index_cast %add3A_843 : i32 to index
        %get3A_847 = arith.constant 0 : index
        %get3A_848 = tpu.vector_load %arg6[%get3A_845, %get3A_846, %get3A_847] {strides = array<i32>} : memref<3x200x128xf32, #tpu.memory_space<vmem>>, vector<1x1x16xf32>,
        %get3A_849 = vector.shape_cast %get3A_848 : vector<1x1x16xf32> to vector<16xf32>
        %add3A_850 = arith.addf %add3A_778, %get3A_849 : vector<16xf32>
        %add3A_851 = arith.constant 3 : i32
        %add3A_852 = arith.addi %mul3A_626, %add3A_851 : i32
        %get3A_853 = arith.constant 0 : i32
        %get3A_854 = arith.index_cast %get3A_853 : i32 to index
        %get3A_855 = arith.index_cast %add3A_852 : i32 to index
        %get3A_856 = arith.constant 16 : index
        %get3A_857 = tpu.vector_load %arg6[%get3A_854, %get3A_855, %get3A_856] {strides = array<i32>} : memref<3x200x128xf32, #tpu.memory_space<vmem>>, vector<1x1x16xf32>,
        %get3A_858 = vector.shape_cast %get3A_857 : vector<1x1x16xf32> to vector<16xf32>
        %add3A_859 = arith.addf %add3A_787, %get3A_858 : vector<16xf32>
        %add3A_860 = arith.constant 3 : i32
        %add3A_861 = arith.addi %mul3A_626, %add3A_860 : i32
        %get3A_862 = arith.constant 0 : i32
        %get3A_863 = arith.index_cast %get3A_862 : i32 to index
        %get3A_864 = arith.index_cast %add3A_861 : i32 to index
        %get3A_865 = arith.constant 32 : index
        %get3A_866 = tpu.vector_load %arg6[%get3A_863, %get3A_864, %get3A_865] {strides = array<i32>} : memref<3x200x128xf32, #tpu.memory_space<vmem>>, vector<1x1x16xf32>,
        %get3A_867 = vector.shape_cast %get3A_866 : vector<1x1x16xf32> to vector<16xf32>
        %add3A_868 = arith.addf %add3A_796, %get3A_867 : vector<16xf32>
        %add3A_869 = arith.constant 3 : i32
        %add3A_870 = arith.addi %mul3A_626, %add3A_869 : i32
        %get3A_871 = arith.constant 0 : i32
        %get3A_872 = arith.index_cast %get3A_871 : i32 to index
        %get3A_873 = arith.index_cast %add3A_870 : i32 to index
        %get3A_874 = arith.constant 48 : index
        %get3A_875 = tpu.vector_load %arg6[%get3A_872, %get3A_873, %get3A_874] {strides = array<i32>} : memref<3x200x128xf32, #tpu.memory_space<vmem>>, vector<1x1x16xf32>,
        %get3A_876 = vector.shape_cast %get3A_875 : vector<1x1x16xf32> to vector<16xf32>
        %add3A_877 = arith.addf %add3A_805, %get3A_876 : vector<16xf32>
        %add3A_878 = arith.constant 3 : i32
        %add3A_879 = arith.addi %mul3A_626, %add3A_878 : i32
        %get3A_880 = arith.constant 0 : i32
        %get3A_881 = arith.index_cast %get3A_880 : i32 to index
        %get3A_882 = arith.index_cast %add3A_879 : i32 to index
        %get3A_883 = arith.constant 64 : index
        %get3A_884 = tpu.vector_load %arg6[%get3A_881, %get3A_882, %get3A_883] {strides = array<i32>} : memref<3x200x128xf32, #tpu.memory_space<vmem>>, vector<1x1x16xf32>,
        %get3A_885 = vector.shape_cast %get3A_884 : vector<1x1x16xf32> to vector<16xf32>
        %add3A_886 = arith.addf %add3A_814, %get3A_885 : vector<16xf32>
        %add3A_887 = arith.constant 3 : i32
        %add3A_888 = arith.addi %mul3A_626, %add3A_887 : i32
        %get3A_889 = arith.constant 0 : i32
        %get3A_890 = arith.index_cast %get3A_889 : i32 to index
        %get3A_891 = arith.index_cast %add3A_888 : i32 to index
        %get3A_892 = arith.constant 80 : index
        %get3A_893 = tpu.vector_load %arg6[%get3A_890, %get3A_891, %get3A_892] {strides = array<i32>} : memref<3x200x128xf32, #tpu.memory_space<vmem>>, vector<1x1x16xf32>,
        %get3A_894 = vector.shape_cast %get3A_893 : vector<1x1x16xf32> to vector<16xf32>
        %add3A_895 = arith.addf %add3A_823, %get3A_894 : vector<16xf32>
        %add3A_896 = arith.constant 3 : i32
        %add3A_897 = arith.addi %mul3A_626, %add3A_896 : i32
        %get3A_898 = arith.constant 0 : i32
        %get3A_899 = arith.index_cast %get3A_898 : i32 to index
        %get3A_900 = arith.index_cast %add3A_897 : i32 to index
        %get3A_901 = arith.constant 96 : index
        %get3A_902 = tpu.vector_load %arg6[%get3A_899, %get3A_900, %get3A_901] {strides = array<i32>} : memref<3x200x128xf32, #tpu.memory_space<vmem>>, vector<1x1x16xf32>,
        %get3A_903 = vector.shape_cast %get3A_902 : vector<1x1x16xf32> to vector<16xf32>
        %add3A_904 = arith.addf %add3A_832, %get3A_903 : vector<16xf32>
        %add3A_905 = arith.constant 3 : i32
        %add3A_906 = arith.addi %mul3A_626, %add3A_905 : i32
        %get3A_907 = arith.constant 0 : i32
        %get3A_908 = arith.index_cast %get3A_907 : i32 to index
        %get3A_909 = arith.index_cast %add3A_906 : i32 to index
        %get3A_910 = arith.constant 112 : index
        %get3A_911 = tpu.vector_load %arg6[%get3A_908, %get3A_909, %get3A_910] {strides = array<i32>} : memref<3x200x128xf32, #tpu.memory_space<vmem>>, vector<1x1x16xf32>,
        %get3A_912 = vector.shape_cast %get3A_911 : vector<1x1x16xf32> to vector<16xf32>
        %add3A_913 = arith.addf %add3A_841, %get3A_912 : vector<16xf32>
        %add3A_914 = arith.constant 4 : i32
        %add3A_915 = arith.addi %mul3A_626, %add3A_914 : i32
        %get3A_916 = arith.constant 0 : i32
        %get3A_917 = arith.index_cast %get3A_916 : i32 to index
        %get3A_918 = arith.index_cast %add3A_915 : i32 to index
        %get3A_919 = arith.constant 0 : index
        %get3A_920 = tpu.vector_load %arg6[%get3A_917, %get3A_918, %get3A_919] {strides = array<i32>} : memref<3x200x128xf32, #tpu.memory_space<vmem>>, vector<1x1x16xf32>,
        %get3A_921 = vector.shape_cast %get3A_920 : vector<1x1x16xf32> to vector<16xf32>
        %add3A_922 = arith.addf %add3A_850, %get3A_921 : vector<16xf32>
        %add3A_923 = arith.constant 4 : i32
        %add3A_924 = arith.addi %mul3A_626, %add3A_923 : i32
        %get3A_925 = arith.constant 0 : i32
        %get3A_926 = arith.index_cast %get3A_925 : i32 to index
        %get3A_927 = arith.index_cast %add3A_924 : i32 to index
        %get3A_928 = arith.constant 16 : index
        %get3A_929 = tpu.vector_load %arg6[%get3A_926, %get3A_927, %get3A_928] {strides = array<i32>} : memref<3x200x128xf32, #tpu.memory_space<vmem>>, vector<1x1x16xf32>,
        %get3A_930 = vector.shape_cast %get3A_929 : vector<1x1x16xf32> to vector<16xf32>
        %add3A_931 = arith.addf %add3A_859, %get3A_930 : vector<16xf32>
        %add3A_932 = arith.constant 4 : i32
        %add3A_933 = arith.addi %mul3A_626, %add3A_932 : i32
        %get3A_934 = arith.constant 0 : i32
        %get3A_935 = arith.index_cast %get3A_934 : i32 to index
        %get3A_936 = arith.index_cast %add3A_933 : i32 to index
        %get3A_937 = arith.constant 32 : index
        %get3A_938 = tpu.vector_load %arg6[%get3A_935, %get3A_936, %get3A_937] {strides = array<i32>} : memref<3x200x128xf32, #tpu.memory_space<vmem>>, vector<1x1x16xf32>,
        %get3A_939 = vector.shape_cast %get3A_938 : vector<1x1x16xf32> to vector<16xf32>
        %add3A_940 = arith.addf %add3A_868, %get3A_939 : vector<16xf32>
        %add3A_941 = arith.constant 4 : i32
        %add3A_942 = arith.addi %mul3A_626, %add3A_941 : i32
        %get3A_943 = arith.constant 0 : i32
        %get3A_944 = arith.index_cast %get3A_943 : i32 to index
        %get3A_945 = arith.index_cast %add3A_942 : i32 to index
        %get3A_946 = arith.constant 48 : index
        %get3A_947 = tpu.vector_load %arg6[%get3A_944, %get3A_945, %get3A_946] {strides = array<i32>} : memref<3x200x128xf32, #tpu.memory_space<vmem>>, vector<1x1x16xf32>,
        %get3A_948 = vector.shape_cast %get3A_947 : vector<1x1x16xf32> to vector<16xf32>
        %add3A_949 = arith.addf %add3A_877, %get3A_948 : vector<16xf32>
        %add3A_950 = arith.constant 4 : i32
        %add3A_951 = arith.addi %mul3A_626, %add3A_950 : i32
        %get3A_952 = arith.constant 0 : i32
        %get3A_953 = arith.index_cast %get3A_952 : i32 to index
        %get3A_954 = arith.index_cast %add3A_951 : i32 to index
        %get3A_955 = arith.constant 64 : index
        %get3A_956 = tpu.vector_load %arg6[%get3A_953, %get3A_954, %get3A_955] {strides = array<i32>} : memref<3x200x128xf32, #tpu.memory_space<vmem>>, vector<1x1x16xf32>,
        %get3A_957 = vector.shape_cast %get3A_956 : vector<1x1x16xf32> to vector<16xf32>
        %add3A_958 = arith.addf %add3A_886, %get3A_957 : vector<16xf32>
        %add3A_959 = arith.constant 4 : i32
        %add3A_960 = arith.addi %mul3A_626, %add3A_959 : i32
        %get3A_961 = arith.constant 0 : i32
        %get3A_962 = arith.index_cast %get3A_961 : i32 to index
        %get3A_963 = arith.index_cast %add3A_960 : i32 to index
        %get3A_964 = arith.constant 80 : index
        %get3A_965 = tpu.vector_load %arg6[%get3A_962, %get3A_963, %get3A_964] {strides = array<i32>} : memref<3x200x128xf32, #tpu.memory_space<vmem>>, vector<1x1x16xf32>,
        %get3A_966 = vector.shape_cast %get3A_965 : vector<1x1x16xf32> to vector<16xf32>
        %add3A_967 = arith.addf %add3A_895, %get3A_966 : vector<16xf32>
        %add3A_968 = arith.constant 4 : i32
        %add3A_969 = arith.addi %mul3A_626, %add3A_968 : i32
        %get3A_970 = arith.constant 0 : i32
        %get3A_971 = arith.index_cast %get3A_970 : i32 to index
        %get3A_972 = arith.index_cast %add3A_969 : i32 to index
        %get3A_973 = arith.constant 96 : index
        %get3A_974 = tpu.vector_load %arg6[%get3A_971, %get3A_972, %get3A_973] {strides = array<i32>} : memref<3x200x128xf32, #tpu.memory_space<vmem>>, vector<1x1x16xf32>,
        %get3A_975 = vector.shape_cast %get3A_974 : vector<1x1x16xf32> to vector<16xf32>
        %add3A_976 = arith.addf %add3A_904, %get3A_975 : vector<16xf32>
        %add3A_977 = arith.constant 4 : i32
        %add3A_978 = arith.addi %mul3A_626, %add3A_977 : i32
        %get3A_979 = arith.constant 0 : i32
        %get3A_980 = arith.index_cast %get3A_979 : i32 to index
        %get3A_981 = arith.index_cast %add3A_978 : i32 to index
        %get3A_982 = arith.constant 112 : index
        %get3A_983 = tpu.vector_load %arg6[%get3A_980, %get3A_981, %get3A_982] {strides = array<i32>} : memref<3x200x128xf32, #tpu.memory_space<vmem>>, vector<1x1x16xf32>,
        %get3A_984 = vector.shape_cast %get3A_983 : vector<1x1x16xf32> to vector<16xf32>
        %add3A_985 = arith.addf %add3A_913, %get3A_984 : vector<16xf32>
        %add3A_986 = arith.constant 5 : i32
        %add3A_987 = arith.addi %mul3A_626, %add3A_986 : i32
        %get3A_988 = arith.constant 0 : i32
        %get3A_989 = arith.index_cast %get3A_988 : i32 to index
        %get3A_990 = arith.index_cast %add3A_987 : i32 to index
        %get3A_991 = arith.constant 0 : index
        %get3A_992 = tpu.vector_load %arg6[%get3A_989, %get3A_990, %get3A_991] {strides = array<i32>} : memref<3x200x128xf32, #tpu.memory_space<vmem>>, vector<1x1x16xf32>,
        %get3A_993 = vector.shape_cast %get3A_992 : vector<1x1x16xf32> to vector<16xf32>
        %add3A_994 = arith.addf %add3A_922, %get3A_993 : vector<16xf32>
        %add3A_995 = arith.constant 5 : i32
        %add3A_996 = arith.addi %mul3A_626, %add3A_995 : i32
        %get3A_997 = arith.constant 0 : i32
        %get3A_998 = arith.index_cast %get3A_997 : i32 to index
        %get3A_999 = arith.index_cast %add3A_996 : i32 to index
        %get3A_1000 = arith.constant 16 : index
        %get3A_1001 = tpu.vector_load %arg6[%get3A_998, %get3A_999, %get3A_1000] {strides = array<i32>} : memref<3x200x128xf32, #tpu.memory_space<vmem>>, vector<1x1x16xf32>,
        %get3A_1002 = vector.shape_cast %get3A_1001 : vector<1x1x16xf32> to vector<16xf32>
        %add3A_1003 = arith.addf %add3A_931, %get3A_1002 : vector<16xf32>
        %add3A_1004 = arith.constant 5 : i32
        %add3A_1005 = arith.addi %mul3A_626, %add3A_1004 : i32
        %get3A_1006 = arith.constant 0 : i32
        %get3A_1007 = arith.index_cast %get3A_1006 : i32 to index
        %get3A_1008 = arith.index_cast %add3A_1005 : i32 to index
        %get3A_1009 = arith.constant 32 : index
        %get3A_1010 = tpu.vector_load %arg6[%get3A_1007, %get3A_1008, %get3A_1009] {strides = array<i32>} : memref<3x200x128xf32, #tpu.memory_space<vmem>>, vector<1x1x16xf32>,
        %get3A_1011 = vector.shape_cast %get3A_1010 : vector<1x1x16xf32> to vector<16xf32>
        %add3A_1012 = arith.addf %add3A_940, %get3A_1011 : vector<16xf32>
        %add3A_1013 = arith.constant 5 : i32
        %add3A_1014 = arith.addi %mul3A_626, %add3A_1013 : i32
        %get3A_1015 = arith.constant 0 : i32
        %get3A_1016 = arith.index_cast %get3A_1015 : i32 to index
        %get3A_1017 = arith.index_cast %add3A_1014 : i32 to index
        %get3A_1018 = arith.constant 48 : index
        %get3A_1019 = tpu.vector_load %arg6[%get3A_1016, %get3A_1017, %get3A_1018] {strides = array<i32>} : memref<3x200x128xf32, #tpu.memory_space<vmem>>, vector<1x1x16xf32>,
        %get3A_1020 = vector.shape_cast %get3A_1019 : vector<1x1x16xf32> to vector<16xf32>
        %add3A_1021 = arith.addf %add3A_949, %get3A_1020 : vector<16xf32>
        %add3A_1022 = arith.constant 5 : i32
        %add3A_1023 = arith.addi %mul3A_626, %add3A_1022 : i32
        %get3A_1024 = arith.constant 0 : i32
        %get3A_1025 = arith.index_cast %get3A_1024 : i32 to index
        %get3A_1026 = arith.index_cast %add3A_1023 : i32 to index
        %get3A_1027 = arith.constant 64 : index
        %get3A_1028 = tpu.vector_load %arg6[%get3A_1025, %get3A_1026, %get3A_1027] {strides = array<i32>} : memref<3x200x128xf32, #tpu.memory_space<vmem>>, vector<1x1x16xf32>,
        %get3A_1029 = vector.shape_cast %get3A_1028 : vector<1x1x16xf32> to vector<16xf32>
        %add3A_1030 = arith.addf %add3A_958, %get3A_1029 : vector<16xf32>
        %add3A_1031 = arith.constant 5 : i32
        %add3A_1032 = arith.addi %mul3A_626, %add3A_1031 : i32
        %get3A_1033 = arith.constant 0 : i32
        %get3A_1034 = arith.index_cast %get3A_1033 : i32 to index
        %get3A_1035 = arith.index_cast %add3A_1032 : i32 to index
        %get3A_1036 = arith.constant 80 : index
        %get3A_1037 = tpu.vector_load %arg6[%get3A_1034, %get3A_1035, %get3A_1036] {strides = array<i32>} : memref<3x200x128xf32, #tpu.memory_space<vmem>>, vector<1x1x16xf32>,
        %get3A_1038 = vector.shape_cast %get3A_1037 : vector<1x1x16xf32> to vector<16xf32>
        %add3A_1039 = arith.addf %add3A_967, %get3A_1038 : vector<16xf32>
        %add3A_1040 = arith.constant 5 : i32
        %add3A_1041 = arith.addi %mul3A_626, %add3A_1040 : i32
        %get3A_1042 = arith.constant 0 : i32
        %get3A_1043 = arith.index_cast %get3A_1042 : i32 to index
        %get3A_1044 = arith.index_cast %add3A_1041 : i32 to index
        %get3A_1045 = arith.constant 96 : index
        %get3A_1046 = tpu.vector_load %arg6[%get3A_1043, %get3A_1044, %get3A_1045] {strides = array<i32>} : memref<3x200x128xf32, #tpu.memory_space<vmem>>, vector<1x1x16xf32>,
        %get3A_1047 = vector.shape_cast %get3A_1046 : vector<1x1x16xf32> to vector<16xf32>
        %add3A_1048 = arith.addf %add3A_976, %get3A_1047 : vector<16xf32>
        %add3A_1049 = arith.constant 5 : i32
        %add3A_1050 = arith.addi %mul3A_626, %add3A_1049 : i32
        %get3A_1051 = arith.constant 0 : i32
        %get3A_1052 = arith.index_cast %get3A_1051 : i32 to index
        %get3A_1053 = arith.index_cast %add3A_1050 : i32 to index
        %get3A_1054 = arith.constant 112 : index
        %get3A_1055 = tpu.vector_load %arg6[%get3A_1052, %get3A_1053, %get3A_1054] {strides = array<i32>} : memref<3x200x128xf32, #tpu.memory_space<vmem>>, vector<1x1x16xf32>,
        %get3A_1056 = vector.shape_cast %get3A_1055 : vector<1x1x16xf32> to vector<16xf32>
        %add3A_1057 = arith.addf %add3A_985, %get3A_1056 : vector<16xf32>
        %add3A_1058 = arith.constant 6 : i32
        %add3A_1059 = arith.addi %mul3A_626, %add3A_1058 : i32
        %get3A_1060 = arith.constant 0 : i32
        %get3A_1061 = arith.index_cast %get3A_1060 : i32 to index
        %get3A_1062 = arith.index_cast %add3A_1059 : i32 to index
        %get3A_1063 = arith.constant 0 : index
        %get3A_1064 = tpu.vector_load %arg6[%get3A_1061, %get3A_1062, %get3A_1063] {strides = array<i32>} : memref<3x200x128xf32, #tpu.memory_space<vmem>>, vector<1x1x16xf32>,
        %get3A_1065 = vector.shape_cast %get3A_1064 : vector<1x1x16xf32> to vector<16xf32>
        %add3A_1066 = arith.addf %add3A_994, %get3A_1065 : vector<16xf32>
        %add3A_1067 = arith.constant 6 : i32
        %add3A_1068 = arith.addi %mul3A_626, %add3A_1067 : i32
        %get3A_1069 = arith.constant 0 : i32
        %get3A_1070 = arith.index_cast %get3A_1069 : i32 to index
        %get3A_1071 = arith.index_cast %add3A_1068 : i32 to index
        %get3A_1072 = arith.constant 16 : index
        %get3A_1073 = tpu.vector_load %arg6[%get3A_1070, %get3A_1071, %get3A_1072] {strides = array<i32>} : memref<3x200x128xf32, #tpu.memory_space<vmem>>, vector<1x1x16xf32>,
        %get3A_1074 = vector.shape_cast %get3A_1073 : vector<1x1x16xf32> to vector<16xf32>
        %add3A_1075 = arith.addf %add3A_1003, %get3A_1074 : vector<16xf32>
        %add3A_1076 = arith.constant 6 : i32
        %add3A_1077 = arith.addi %mul3A_626, %add3A_1076 : i32
        %get3A_1078 = arith.constant 0 : i32
        %get3A_1079 = arith.index_cast %get3A_1078 : i32 to index
        %get3A_1080 = arith.index_cast %add3A_1077 : i32 to index
        %get3A_1081 = arith.constant 32 : index
        %get3A_1082 = tpu.vector_load %arg6[%get3A_1079, %get3A_1080, %get3A_1081] {strides = array<i32>} : memref<3x200x128xf32, #tpu.memory_space<vmem>>, vector<1x1x16xf32>,
        %get3A_1083 = vector.shape_cast %get3A_1082 : vector<1x1x16xf32> to vector<16xf32>
        %add3A_1084 = arith.addf %add3A_1012, %get3A_1083 : vector<16xf32>
        %add3A_1085 = arith.constant 6 : i32
        %add3A_1086 = arith.addi %mul3A_626, %add3A_1085 : i32
        %get3A_1087 = arith.constant 0 : i32
        %get3A_1088 = arith.index_cast %get3A_1087 : i32 to index
        %get3A_1089 = arith.index_cast %add3A_1086 : i32 to index
        %get3A_1090 = arith.constant 48 : index
        %get3A_1091 = tpu.vector_load %arg6[%get3A_1088, %get3A_1089, %get3A_1090] {strides = array<i32>} : memref<3x200x128xf32, #tpu.memory_space<vmem>>, vector<1x1x16xf32>,
        %get3A_1092 = vector.shape_cast %get3A_1091 : vector<1x1x16xf32> to vector<16xf32>
        %add3A_1093 = arith.addf %add3A_1021, %get3A_1092 : vector<16xf32>
        %add3A_1094 = arith.constant 6 : i32
        %add3A_1095 = arith.addi %mul3A_626, %add3A_1094 : i32
        %get3A_1096 = arith.constant 0 : i32
        %get3A_1097 = arith.index_cast %get3A_1096 : i32 to index
        %get3A_1098 = arith.index_cast %add3A_1095 : i32 to index
        %get3A_1099 = arith.constant 64 : index
        %get3A_1100 = tpu.vector_load %arg6[%get3A_1097, %get3A_1098, %get3A_1099] {strides = array<i32>} : memref<3x200x128xf32, #tpu.memory_space<vmem>>, vector<1x1x16xf32>,
        %get3A_1101 = vector.shape_cast %get3A_1100 : vector<1x1x16xf32> to vector<16xf32>
        %add3A_1102 = arith.addf %add3A_1030, %get3A_1101 : vector<16xf32>
        %add3A_1103 = arith.constant 6 : i32
        %add3A_1104 = arith.addi %mul3A_626, %add3A_1103 : i32
        %get3A_1105 = arith.constant 0 : i32
        %get3A_1106 = arith.index_cast %get3A_1105 : i32 to index
        %get3A_1107 = arith.index_cast %add3A_1104 : i32 to index
        %get3A_1108 = arith.constant 80 : index
        %get3A_1109 = tpu.vector_load %arg6[%get3A_1106, %get3A_1107, %get3A_1108] {strides = array<i32>} : memref<3x200x128xf32, #tpu.memory_space<vmem>>, vector<1x1x16xf32>,
        %get3A_1110 = vector.shape_cast %get3A_1109 : vector<1x1x16xf32> to vector<16xf32>
        %add3A_1111 = arith.addf %add3A_1039, %get3A_1110 : vector<16xf32>
        %add3A_1112 = arith.constant 6 : i32
        %add3A_1113 = arith.addi %mul3A_626, %add3A_1112 : i32
        %get3A_1114 = arith.constant 0 : i32
        %get3A_1115 = arith.index_cast %get3A_1114 : i32 to index
        %get3A_1116 = arith.index_cast %add3A_1113 : i32 to index
        %get3A_1117 = arith.constant 96 : index
        %get3A_1118 = tpu.vector_load %arg6[%get3A_1115, %get3A_1116, %get3A_1117] {strides = array<i32>} : memref<3x200x128xf32, #tpu.memory_space<vmem>>, vector<1x1x16xf32>,
        %get3A_1119 = vector.shape_cast %get3A_1118 : vector<1x1x16xf32> to vector<16xf32>
        %add3A_1120 = arith.addf %add3A_1048, %get3A_1119 : vector<16xf32>
        %add3A_1121 = arith.constant 6 : i32
        %add3A_1122 = arith.addi %mul3A_626, %add3A_1121 : i32
        %get3A_1123 = arith.constant 0 : i32
        %get3A_1124 = arith.index_cast %get3A_1123 : i32 to index
        %get3A_1125 = arith.index_cast %add3A_1122 : i32 to index
        %get3A_1126 = arith.constant 112 : index
        %get3A_1127 = tpu.vector_load %arg6[%get3A_1124, %get3A_1125, %get3A_1126] {strides = array<i32>} : memref<3x200x128xf32, #tpu.memory_space<vmem>>, vector<1x1x16xf32>,
        %get3A_1128 = vector.shape_cast %get3A_1127 : vector<1x1x16xf32> to vector<16xf32>
        %add3A_1129 = arith.addf %add3A_1057, %get3A_1128 : vector<16xf32>
        %add3A_1130 = arith.constant 7 : i32
        %add3A_1131 = arith.addi %mul3A_626, %add3A_1130 : i32
        %get3A_1132 = arith.constant 0 : i32
        %get3A_1133 = arith.index_cast %get3A_1132 : i32 to index
        %get3A_1134 = arith.index_cast %add3A_1131 : i32 to index
        %get3A_1135 = arith.constant 0 : index
        %get3A_1136 = tpu.vector_load %arg6[%get3A_1133, %get3A_1134, %get3A_1135] {strides = array<i32>} : memref<3x200x128xf32, #tpu.memory_space<vmem>>, vector<1x1x16xf32>,
        %get3A_1137 = vector.shape_cast %get3A_1136 : vector<1x1x16xf32> to vector<16xf32>
        %add3A_1138 = arith.addf %add3A_1066, %get3A_1137 : vector<16xf32>
        %add3A_1139 = arith.constant 7 : i32
        %add3A_1140 = arith.addi %mul3A_626, %add3A_1139 : i32
        %get3A_1141 = arith.constant 0 : i32
        %get3A_1142 = arith.index_cast %get3A_1141 : i32 to index
        %get3A_1143 = arith.index_cast %add3A_1140 : i32 to index
        %get3A_1144 = arith.constant 16 : index
        %get3A_1145 = tpu.vector_load %arg6[%get3A_1142, %get3A_1143, %get3A_1144] {strides = array<i32>} : memref<3x200x128xf32, #tpu.memory_space<vmem>>, vector<1x1x16xf32>,
        %get3A_1146 = vector.shape_cast %get3A_1145 : vector<1x1x16xf32> to vector<16xf32>
        %add3A_1147 = arith.addf %add3A_1075, %get3A_1146 : vector<16xf32>
        %add3A_1148 = arith.constant 7 : i32
        %add3A_1149 = arith.addi %mul3A_626, %add3A_1148 : i32
        %get3A_1150 = arith.constant 0 : i32
        %get3A_1151 = arith.index_cast %get3A_1150 : i32 to index
        %get3A_1152 = arith.index_cast %add3A_1149 : i32 to index
        %get3A_1153 = arith.constant 32 : index
        %get3A_1154 = tpu.vector_load %arg6[%get3A_1151, %get3A_1152, %get3A_1153] {strides = array<i32>} : memref<3x200x128xf32, #tpu.memory_space<vmem>>, vector<1x1x16xf32>,
        %get3A_1155 = vector.shape_cast %get3A_1154 : vector<1x1x16xf32> to vector<16xf32>
        %add3A_1156 = arith.addf %add3A_1084, %get3A_1155 : vector<16xf32>
        %add3A_1157 = arith.constant 7 : i32
        %add3A_1158 = arith.addi %mul3A_626, %add3A_1157 : i32
        %get3A_1159 = arith.constant 0 : i32
        %get3A_1160 = arith.index_cast %get3A_1159 : i32 to index
        %get3A_1161 = arith.index_cast %add3A_1158 : i32 to index
        %get3A_1162 = arith.constant 48 : index
        %get3A_1163 = tpu.vector_load %arg6[%get3A_1160, %get3A_1161, %get3A_1162] {strides = array<i32>} : memref<3x200x128xf32, #tpu.memory_space<vmem>>, vector<1x1x16xf32>,
        %get3A_1164 = vector.shape_cast %get3A_1163 : vector<1x1x16xf32> to vector<16xf32>
        %add3A_1165 = arith.addf %add3A_1093, %get3A_1164 : vector<16xf32>
        %add3A_1166 = arith.constant 7 : i32
        %add3A_1167 = arith.addi %mul3A_626, %add3A_1166 : i32
        %get3A_1168 = arith.constant 0 : i32
        %get3A_1169 = arith.index_cast %get3A_1168 : i32 to index
        %get3A_1170 = arith.index_cast %add3A_1167 : i32 to index
        %get3A_1171 = arith.constant 64 : index
        %get3A_1172 = tpu.vector_load %arg6[%get3A_1169, %get3A_1170, %get3A_1171] {strides = array<i32>} : memref<3x200x128xf32, #tpu.memory_space<vmem>>, vector<1x1x16xf32>,
        %get3A_1173 = vector.shape_cast %get3A_1172 : vector<1x1x16xf32> to vector<16xf32>
        %add3A_1174 = arith.addf %add3A_1102, %get3A_1173 : vector<16xf32>
        %add3A_1175 = arith.constant 7 : i32
        %add3A_1176 = arith.addi %mul3A_626, %add3A_1175 : i32
        %get3A_1177 = arith.constant 0 : i32
        %get3A_1178 = arith.index_cast %get3A_1177 : i32 to index
        %get3A_1179 = arith.index_cast %add3A_1176 : i32 to index
        %get3A_1180 = arith.constant 80 : index
        %get3A_1181 = tpu.vector_load %arg6[%get3A_1178, %get3A_1179, %get3A_1180] {strides = array<i32>} : memref<3x200x128xf32, #tpu.memory_space<vmem>>, vector<1x1x16xf32>,
        %get3A_1182 = vector.shape_cast %get3A_1181 : vector<1x1x16xf32> to vector<16xf32>
        %add3A_1183 = arith.addf %add3A_1111, %get3A_1182 : vector<16xf32>
        %add3A_1184 = arith.constant 7 : i32
        %add3A_1185 = arith.addi %mul3A_626, %add3A_1184 : i32
        %get3A_1186 = arith.constant 0 : i32
        %get3A_1187 = arith.index_cast %get3A_1186 : i32 to index
        %get3A_1188 = arith.index_cast %add3A_1185 : i32 to index
        %get3A_1189 = arith.constant 96 : index
        %get3A_1190 = tpu.vector_load %arg6[%get3A_1187, %get3A_1188, %get3A_1189] {strides = array<i32>} : memref<3x200x128xf32, #tpu.memory_space<vmem>>, vector<1x1x16xf32>,
        %get3A_1191 = vector.shape_cast %get3A_1190 : vector<1x1x16xf32> to vector<16xf32>
        %add3A_1192 = arith.addf %add3A_1120, %get3A_1191 : vector<16xf32>
        %add3A_1193 = arith.constant 7 : i32
        %add3A_1194 = arith.addi %mul3A_626, %add3A_1193 : i32
        %get3A_1195 = arith.constant 0 : i32
        %get3A_1196 = arith.index_cast %get3A_1195 : i32 to index
        %get3A_1197 = arith.index_cast %add3A_1194 : i32 to index
        %get3A_1198 = arith.constant 112 : index
        %get3A_1199 = tpu.vector_load %arg6[%get3A_1196, %get3A_1197, %get3A_1198] {strides = array<i32>} : memref<3x200x128xf32, #tpu.memory_space<vmem>>, vector<1x1x16xf32>,
        %get3A_1200 = vector.shape_cast %get3A_1199 : vector<1x1x16xf32> to vector<16xf32>
        %add3A_1201 = arith.addf %add3A_1129, %get3A_1200 : vector<16xf32>
        scf.yield %add3A_1138, %add3A_1147, %add3A_1156, %add3A_1165, %add3A_1174, %add3A_1183, %add3A_1192, %add3A_1201 : vector<16xf32>, vector<16xf32>, vector<16xf32>, vector<16xf32>, vector<16xf32>, vector<16xf32>, vector<16xf32>, vector<16xf32>
      }
      %scan3A_326 = arith.constant 25 : i32
      %add3A_327 = arith.constant 0 : i32
      %add3A_328 = arith.addi %mul3A_278, %add3A_327 : i32
      %swap3A_329 = arith.index_cast %add3A_328 : i32 to index
      %swap3A_330 = arith.constant 0 : index
      %swap3A_331 = tpu.vector_load %arg7[%swap3A_329, %swap3A_330] {strides = array<i32>} : memref<128x128xf32, #tpu.memory_space<vmem>>, vector<1x16xf32>,
      %swap3A_332 = vector.shape_cast %swap3A_331 : vector<1x16xf32> to vector<16xf32>
      %swap3A_333 = vector.shape_cast %scan3A_325#0 : vector<16xf32> to vector<1x16xf32>
      tpu.vector_store %arg7[%swap3A_329, %swap3A_330], %swap3A_333 {strides = array<i32>} : memref<128x128xf32, #tpu.memory_space<vmem>>, vector<1x16xf32>,
      %add3A_334 = arith.constant 0 : i32
      %add3A_335 = arith.addi %mul3A_278, %add3A_334 : i32
      %swap3A_336 = arith.index_cast %add3A_335 : i32 to index
      %swap3A_337 = arith.constant 16 : index
      %swap3A_338 = tpu.vector_load %arg7[%swap3A_336, %swap3A_337] {strides = array<i32>} : memref<128x128xf32, #tpu.memory_space<vmem>>, vector<1x16xf32>,
      %swap3A_339 = vector.shape_cast %swap3A_338 : vector<1x16xf32> to vector<16xf32>
      %swap3A_340 = vector.shape_cast %scan3A_325#1 : vector<16xf32> to vector<1x16xf32>
      tpu.vector_store %arg7[%swap3A_336, %swap3A_337], %swap3A_340 {strides = array<i32>} : memref<128x128xf32, #tpu.memory_space<vmem>>, vector<1x16xf32>,
      %add3A_341 = arith.constant 0 : i32
      %add3A_342 = arith.addi %mul3A_278, %add3A_341 : i32
      %swap3A_343 = arith.index_cast %add3A_342 : i32 to index
      %swap3A_344 = arith.constant 32 : index
      %swap3A_345 = tpu.vector_load %arg7[%swap3A_343, %swap3A_344] {strides = array<i32>} : memref<128x128xf32, #tpu.memory_space<vmem>>, vector<1x16xf32>,
      %swap3A_346 = vector.shape_cast %swap3A_345 : vector<1x16xf32> to vector<16xf32>
      %swap3A_347 = vector.shape_cast %scan3A_325#2 : vector<16xf32> to vector<1x16xf32>
      tpu.vector_store %arg7[%swap3A_343, %swap3A_344], %swap3A_347 {strides = array<i32>} : memref<128x128xf32, #tpu.memory_space<vmem>>, vector<1x16xf32>,
      %add3A_348 = arith.constant 0 : i32
      %add3A_349 = arith.addi %mul3A_278, %add3A_348 : i32
      %swap3A_350 = arith.index_cast %add3A_349 : i32 to index
      %swap3A_351 = arith.constant 48 : index
      %swap3A_352 = tpu.vector_load %arg7[%swap3A_350, %swap3A_351] {strides = array<i32>} : memref<128x128xf32, #tpu.memory_space<vmem>>, vector<1x16xf32>,
      %swap3A_353 = vector.shape_cast %swap3A_352 : vector<1x16xf32> to vector<16xf32>
      %swap3A_354 = vector.shape_cast %scan3A_325#3 : vector<16xf32> to vector<1x16xf32>
      tpu.vector_store %arg7[%swap3A_350, %swap3A_351], %swap3A_354 {strides = array<i32>} : memref<128x128xf32, #tpu.memory_space<vmem>>, vector<1x16xf32>,
      %add3A_355 = arith.constant 0 : i32
      %add3A_356 = arith.addi %mul3A_278, %add3A_355 : i32
      %swap3A_357 = arith.index_cast %add3A_356 : i32 to index
      %swap3A_358 = arith.constant 64 : index
      %swap3A_359 = tpu.vector_load %arg7[%swap3A_357, %swap3A_358] {strides = array<i32>} : memref<128x128xf32, #tpu.memory_space<vmem>>, vector<1x16xf32>,
      %swap3A_360 = vector.shape_cast %swap3A_359 : vector<1x16xf32> to vector<16xf32>
      %swap3A_361 = vector.shape_cast %scan3A_325#4 : vector<16xf32> to vector<1x16xf32>
      tpu.vector_store %arg7[%swap3A_357, %swap3A_358], %swap3A_361 {strides = array<i32>} : memref<128x128xf32, #tpu.memory_space<vmem>>, vector<1x16xf32>,
      %add3A_362 = arith.constant 0 : i32
      %add3A_363 = arith.addi %mul3A_278, %add3A_362 : i32
      %swap3A_364 = arith.index_cast %add3A_363 : i32 to index
      %swap3A_365 = arith.constant 80 : index
      %swap3A_366 = tpu.vector_load %arg7[%swap3A_364, %swap3A_365] {strides = array<i32>} : memref<128x128xf32, #tpu.memory_space<vmem>>, vector<1x16xf32>,
      %swap3A_367 = vector.shape_cast %swap3A_366 : vector<1x16xf32> to vector<16xf32>
      %swap3A_368 = vector.shape_cast %scan3A_325#5 : vector<16xf32> to vector<1x16xf32>
      tpu.vector_store %arg7[%swap3A_364, %swap3A_365], %swap3A_368 {strides = array<i32>} : memref<128x128xf32, #tpu.memory_space<vmem>>, vector<1x16xf32>,
      %add3A_369 = arith.constant 0 : i32
      %add3A_370 = arith.addi %mul3A_278, %add3A_369 : i32
      %swap3A_371 = arith.index_cast %add3A_370 : i32 to index
      %swap3A_372 = arith.constant 96 : index
      %swap3A_373 = tpu.vector_load %arg7[%swap3A_371, %swap3A_372] {strides = array<i32>} : memref<128x128xf32, #tpu.memory_space<vmem>>, vector<1x16xf32>,
      %swap3A_374 = vector.shape_cast %swap3A_373 : vector<1x16xf32> to vector<16xf32>
      %swap3A_375 = vector.shape_cast %scan3A_325#6 : vector<16xf32> to vector<1x16xf32>
      tpu.vector_store %arg7[%swap3A_371, %swap3A_372], %swap3A_375 {strides = array<i32>} : memref<128x128xf32, #tpu.memory_space<vmem>>, vector<1x16xf32>,
      %add3A_376 = arith.constant 0 : i32
      %add3A_377 = arith.addi %mul3A_278, %add3A_376 : i32
      %swap3A_378 = arith.index_cast %add3A_377 : i32 to index
      %swap3A_379 = arith.constant 112 : index
      %swap3A_380 = tpu.vector_load %arg7[%swap3A_378, %swap3A_379] {strides = array<i32>} : memref<128x128xf32, #tpu.memory_space<vmem>>, vector<1x16xf32>,
      %swap3A_381 = vector.shape_cast %swap3A_380 : vector<1x16xf32> to vector<16xf32>
      %swap3A_382 = vector.shape_cast %scan3A_325#7 : vector<16xf32> to vector<1x16xf32>
      tpu.vector_store %arg7[%swap3A_378, %swap3A_379], %swap3A_382 {strides = array<i32>} : memref<128x128xf32, #tpu.memory_space<vmem>>, vector<1x16xf32>,
      %add3A_383 = arith.constant 0 : i32
      %add3A_384 = arith.addi %mul3A_278, %add3A_383 : i32
      %add3A_385 = arith.constant 3 : i32
      %add3A_386 = arith.addi %add3A_384, %add3A_385 : i32
      %lt3A = arith.constant 128 : i32
      %lt3A_387 = arith.cmpi slt, %add3A_386, %lt3A : i32
      %convert_element_type3A = arith.extui %lt3A_387 : i1 to i32
      %cond3A = arith.constant 0 : i32
      %cond3A_388 = arith.cmpi ne, %convert_element_type3A, %cond3A : i32
      scf.if %cond3A_388 {
        %add3A_616 = arith.constant 0 : i32
        %add3A_617 = arith.addi %mul3A_278, %add3A_616 : i32
        %add3A_618 = arith.constant 3 : i32
        %add3A_619 = arith.addi %add3A_617, %add3A_618 : i32
        %dma_start3A_620 = arith.constant 0 : i32
        %dma_start3A_621 = arith.constant 0 : i32
        %dma_start3A_622 = arith.constant 0 : i32
        %dma_start3A_623 = arith.constant 0 : i32
        %dma_start3A_624 = tpu.memref_slice %arg6[%dma_start3A_621, %dma_start3A_622, %dma_start3A_623] : memref<3x200x128xf32, #tpu.memory_space<vmem>> -> memref<1x100x128xf32, #tpu.memory_space<vmem>>
        %dma_start3A_625 = tpu.memref_squeeze %dma_start3A_624 : memref<1x100x128xf32, #tpu.memory_space<vmem>> -> memref<100x128xf32, #tpu.memory_space<vmem>>
        %dma_start3A_626 = arith.constant 0 : i32
        %dma_start3A_627 = tpu.memref_slice %arg5[%add3A_619, %dma_start3A_620, %dma_start3A_626] : memref<128x2x100xi32, #tpu.memory_space<vmem>> -> memref<1x1x100xi32, #tpu.memory_space<vmem>>
        %dma_start3A_628 = tpu.memref_squeeze %dma_start3A_627 : memref<1x1x100xi32, #tpu.memory_space<vmem>> -> memref<100xi32, #tpu.memory_space<vmem>>
        %dma_start3A_629 = arith.constant 0 : i32
        %dma_start3A_630 = arith.constant 0 : i32
        %dma_start3A_631 = tpu.memref_slice %arg3[%dma_start3A_629, %dma_start3A_630] : memref<100000x128xf32, #tpu.memory_space<hbm>> -> memref<100000x128xf32, #tpu.memory_space<hbm>>
        tpu.enqueue_indirect_dma source(%dma_start3A_631 : memref<100000x128xf32, #tpu.memory_space<hbm>>) target(%dma_start3A_625 : memref<100x128xf32, #tpu.memory_space<vmem>>) offsets(%dma_start3A_628 : memref<100xi32, #tpu.memory_space<vmem>>) semaphore(%arg8 : memref<!tpu.dma_semaphore, #tpu.memory_space<semaphore_mem>>)
        %dma_start3A_632 = arith.constant 1 : i32
        %dma_start3A_633 = arith.constant 0 : i32
        %dma_start3A_634 = arith.constant 100 : i32
        %dma_start3A_635 = arith.constant 0 : i32
        %dma_start3A_636 = tpu.memref_slice %arg6[%dma_start3A_633, %dma_start3A_634, %dma_start3A_635] : memref<3x200x128xf32, #tpu.memory_space<vmem>> -> memref<1x100x128xf32, #tpu.memory_space<vmem>>
        %dma_start3A_637 = tpu.memref_squeeze %dma_start3A_636 : memref<1x100x128xf32, #tpu.memory_space<vmem>> -> memref<100x128xf32, #tpu.memory_space<vmem>>
        %dma_start3A_638 = arith.constant 0 : i32
        %dma_start3A_639 = tpu.memref_slice %arg5[%add3A_619, %dma_start3A_632, %dma_start3A_638] : memref<128x2x100xi32, #tpu.memory_space<vmem>> -> memref<1x1x100xi32, #tpu.memory_space<vmem>>
        %dma_start3A_640 = tpu.memref_squeeze %dma_start3A_639 : memref<1x1x100xi32, #tpu.memory_space<vmem>> -> memref<100xi32, #tpu.memory_space<vmem>>
        %dma_start3A_641 = arith.constant 0 : i32
        %dma_start3A_642 = arith.constant 0 : i32
        %dma_start3A_643 = tpu.memref_slice %arg3[%dma_start3A_641, %dma_start3A_642] : memref<100000x128xf32, #tpu.memory_space<hbm>> -> memref<100000x128xf32, #tpu.memory_space<hbm>>
        tpu.enqueue_indirect_dma source(%dma_start3A_643 : memref<100000x128xf32, #tpu.memory_space<hbm>>) target(%dma_start3A_637 : memref<100x128xf32, #tpu.memory_space<vmem>>) offsets(%dma_start3A_640 : memref<100xi32, #tpu.memory_space<vmem>>) semaphore(%arg8 : memref<!tpu.dma_semaphore, #tpu.memory_space<semaphore_mem>>)
      } else {
      }
      %add3A_389 = arith.constant 1 : i32
      %add3A_390 = arith.addi %mul3A_278, %add3A_389 : i32
      %dma_wait3A_391 = arith.constant 0 : i32
      %dma_wait3A_392 = arith.constant 1 : i32
      %dma_wait3A_393 = arith.constant 0 : i32
      %dma_wait3A_394 = arith.constant 0 : i32
      %dma_wait3A_395 = tpu.memref_slice %arg6[%dma_wait3A_392, %dma_wait3A_393, %dma_wait3A_394] : memref<3x200x128xf32, #tpu.memory_space<vmem>> -> memref<1x100x128xf32, #tpu.memory_space<vmem>>
      %dma_wait3A_396 = tpu.memref_squeeze %dma_wait3A_395 : memref<1x100x128xf32, #tpu.memory_space<vmem>> -> memref<100x128xf32, #tpu.memory_space<vmem>>
      %dma_wait3A_397 = arith.constant 0 : i32
      %dma_wait3A_398 = tpu.memref_slice %arg5[%add3A_390, %dma_wait3A_391, %dma_wait3A_397] : memref<128x2x100xi32, #tpu.memory_space<vmem>> -> memref<1x1x100xi32, #tpu.memory_space<vmem>>
      %dma_wait3A_399 = tpu.memref_squeeze %dma_wait3A_398 : memref<1x1x100xi32, #tpu.memory_space<vmem>> -> memref<100xi32, #tpu.memory_space<vmem>>
      %dma_wait3A_400 = arith.constant 0 : i32
      %dma_wait3A_401 = arith.constant 0 : i32
      %dma_wait3A_402 = tpu.memref_slice %arg3[%dma_wait3A_400, %dma_wait3A_401] : memref<100000x128xf32, #tpu.memory_space<hbm>> -> memref<100000x128xf32, #tpu.memory_space<hbm>>
      tpu.wait_indirect_dma semaphore(%arg9 : memref<!tpu.dma_semaphore, #tpu.memory_space<semaphore_mem>>) src(%dma_wait3A_402 : memref<100000x128xf32, #tpu.memory_space<hbm>>) dst(%dma_wait3A_396 : memref<100x128xf32, #tpu.memory_space<vmem>>)
      %dma_wait3A_403 = arith.constant 1 : i32
      %dma_wait3A_404 = arith.constant 1 : i32
      %dma_wait3A_405 = arith.constant 100 : i32
      %dma_wait3A_406 = arith.constant 0 : i32
      %dma_wait3A_407 = tpu.memref_slice %arg6[%dma_wait3A_404, %dma_wait3A_405, %dma_wait3A_406] : memref<3x200x128xf32, #tpu.memory_space<vmem>> -> memref<1x100x128xf32, #tpu.memory_space<vmem>>
      %dma_wait3A_408 = tpu.memref_squeeze %dma_wait3A_407 : memref<1x100x128xf32, #tpu.memory_space<vmem>> -> memref<100x128xf32, #tpu.memory_space<vmem>>
      %dma_wait3A_409 = arith.constant 0 : i32
      %dma_wait3A_410 = tpu.memref_slice %arg5[%add3A_390, %dma_wait3A_403, %dma_wait3A_409] : memref<128x2x100xi32, #tpu.memory_space<vmem>> -> memref<1x1x100xi32, #tpu.memory_space<vmem>>
      %dma_wait3A_411 = tpu.memref_squeeze %dma_wait3A_410 : memref<1x1x100xi32, #tpu.memory_space<vmem>> -> memref<100xi32, #tpu.memory_space<vmem>>
      %dma_wait3A_412 = arith.constant 0 : i32
      %dma_wait3A_413 = arith.constant 0 : i32
      %dma_wait3A_414 = tpu.memref_slice %arg3[%dma_wait3A_412, %dma_wait3A_413] : memref<100000x128xf32, #tpu.memory_space<hbm>> -> memref<100000x128xf32, #tpu.memory_space<hbm>>
      tpu.wait_indirect_dma semaphore(%arg9 : memref<!tpu.dma_semaphore, #tpu.memory_space<semaphore_mem>>) src(%dma_wait3A_414 : memref<100000x128xf32, #tpu.memory_space<hbm>>) dst(%dma_wait3A_408 : memref<100x128xf32, #tpu.memory_space<vmem>>)
      %broadcast_in_dim3A_415 = arith.constant 0.000000e+00 : f32
      %broadcast_in_dim3A_416 = vector.broadcast %broadcast_in_dim3A_415 : f32 to vector<16xf32>
      %broadcast_in_dim3A_417 = arith.constant 0.000000e+00 : f32
      %broadcast_in_dim3A_418 = vector.broadcast %broadcast_in_dim3A_417 : f32 to vector<16xf32>
      %broadcast_in_dim3A_419 = arith.constant 0.000000e+00 : f32
      %broadcast_in_dim3A_420 = vector.broadcast %broadcast_in_dim3A_419 : f32 to vector<16xf32>
      %broadcast_in_dim3A_421 = arith.constant 0.000000e+00 : f32
      %broadcast_in_dim3A_422 = vector.broadcast %broadcast_in_dim3A_421 : f32 to vector<16xf32>
      %broadcast_in_dim3A_423 = arith.constant 0.000000e+00 : f32
      %broadcast_in_dim3A_424 = vector.broadcast %broadcast_in_dim3A_423 : f32 to vector<16xf32>
      %broadcast_in_dim3A_425 = arith.constant 0.000000e+00 : f32
      %broadcast_in_dim3A_426 = vector.broadcast %broadcast_in_dim3A_425 : f32 to vector<16xf32>
      %broadcast_in_dim3A_427 = arith.constant 0.000000e+00 : f32
      %broadcast_in_dim3A_428 = vector.broadcast %broadcast_in_dim3A_427 : f32 to vector<16xf32>
      %broadcast_in_dim3A_429 = arith.constant 0.000000e+00 : f32
      %broadcast_in_dim3A_430 = vector.broadcast %broadcast_in_dim3A_429 : f32 to vector<16xf32>
      %scan3A_431 = arith.constant 0 : i32
      %scan3A_432 = arith.constant 25 : i32
      %scan3A_433 = arith.addi %scan3A_431, %scan3A_432 : i32
      %scan3A_434 = arith.constant 1 : i32
      %scan3A_435:8 = scf.for %scan3A_616 = %scan3A_431 to %scan3A_433 step %scan3A_434 iter_args(%scan3A_617 = %broadcast_in_dim3A_416, %scan3A_618 = %broadcast_in_dim3A_418, %scan3A_619 = %broadcast_in_dim3A_420, %scan3A_620 = %broadcast_in_dim3A_422, %scan3A_621 = %broadcast_in_dim3A_424, %scan3A_622 = %broadcast_in_dim3A_426, %scan3A_623 = %broadcast_in_dim3A_428, %scan3A_624 = %broadcast_in_dim3A_430) -> (vector<16xf32>, vector<16xf32>, vector<16xf32>, vector<16xf32>, vector<16xf32>, vector<16xf32>, vector<16xf32>, vector<16xf32>)  : i32 {
        %mul3A_625 = arith.constant 8 : i32
        %mul3A_626 = arith.muli %scan3A_616, %mul3A_625 : i32
        %add3A_627 = arith.constant 0 : i32
        %add3A_628 = arith.addi %mul3A_626, %add3A_627 : i32
        %get3A = arith.constant 1 : i32
        %get3A_629 = arith.index_cast %get3A : i32 to index
        %get3A_630 = arith.index_cast %add3A_628 : i32 to index
        %get3A_631 = arith.constant 0 : index
        %get3A_632 = tpu.vector_load %arg6[%get3A_629, %get3A_630, %get3A_631] {strides = array<i32>} : memref<3x200x128xf32, #tpu.memory_space<vmem>>, vector<1x1x16xf32>,
        %get3A_633 = vector.shape_cast %get3A_632 : vector<1x1x16xf32> to vector<16xf32>
        %add3A_634 = arith.addf %scan3A_617, %get3A_633 : vector<16xf32>
        %add3A_635 = arith.constant 0 : i32
        %add3A_636 = arith.addi %mul3A_626, %add3A_635 : i32
        %get3A_637 = arith.constant 1 : i32
        %get3A_638 = arith.index_cast %get3A_637 : i32 to index
        %get3A_639 = arith.index_cast %add3A_636 : i32 to index
        %get3A_640 = arith.constant 16 : index
        %get3A_641 = tpu.vector_load %arg6[%get3A_638, %get3A_639, %get3A_640] {strides = array<i32>} : memref<3x200x128xf32, #tpu.memory_space<vmem>>, vector<1x1x16xf32>,
        %get3A_642 = vector.shape_cast %get3A_641 : vector<1x1x16xf32> to vector<16xf32>
        %add3A_643 = arith.addf %scan3A_618, %get3A_642 : vector<16xf32>
        %add3A_644 = arith.constant 0 : i32
        %add3A_645 = arith.addi %mul3A_626, %add3A_644 : i32
        %get3A_646 = arith.constant 1 : i32
        %get3A_647 = arith.index_cast %get3A_646 : i32 to index
        %get3A_648 = arith.index_cast %add3A_645 : i32 to index
        %get3A_649 = arith.constant 32 : index
        %get3A_650 = tpu.vector_load %arg6[%get3A_647, %get3A_648, %get3A_649] {strides = array<i32>} : memref<3x200x128xf32, #tpu.memory_space<vmem>>, vector<1x1x16xf32>,
        %get3A_651 = vector.shape_cast %get3A_650 : vector<1x1x16xf32> to vector<16xf32>
        %add3A_652 = arith.addf %scan3A_619, %get3A_651 : vector<16xf32>
        %add3A_653 = arith.constant 0 : i32
        %add3A_654 = arith.addi %mul3A_626, %add3A_653 : i32
        %get3A_655 = arith.constant 1 : i32
        %get3A_656 = arith.index_cast %get3A_655 : i32 to index
        %get3A_657 = arith.index_cast %add3A_654 : i32 to index
        %get3A_658 = arith.constant 48 : index
        %get3A_659 = tpu.vector_load %arg6[%get3A_656, %get3A_657, %get3A_658] {strides = array<i32>} : memref<3x200x128xf32, #tpu.memory_space<vmem>>, vector<1x1x16xf32>,
        %get3A_660 = vector.shape_cast %get3A_659 : vector<1x1x16xf32> to vector<16xf32>
        %add3A_661 = arith.addf %scan3A_620, %get3A_660 : vector<16xf32>
        %add3A_662 = arith.constant 0 : i32
        %add3A_663 = arith.addi %mul3A_626, %add3A_662 : i32
        %get3A_664 = arith.constant 1 : i32
        %get3A_665 = arith.index_cast %get3A_664 : i32 to index
        %get3A_666 = arith.index_cast %add3A_663 : i32 to index
        %get3A_667 = arith.constant 64 : index
        %get3A_668 = tpu.vector_load %arg6[%get3A_665, %get3A_666, %get3A_667] {strides = array<i32>} : memref<3x200x128xf32, #tpu.memory_space<vmem>>, vector<1x1x16xf32>,
        %get3A_669 = vector.shape_cast %get3A_668 : vector<1x1x16xf32> to vector<16xf32>
        %add3A_670 = arith.addf %scan3A_621, %get3A_669 : vector<16xf32>
        %add3A_671 = arith.constant 0 : i32
        %add3A_672 = arith.addi %mul3A_626, %add3A_671 : i32
        %get3A_673 = arith.constant 1 : i32
        %get3A_674 = arith.index_cast %get3A_673 : i32 to index
        %get3A_675 = arith.index_cast %add3A_672 : i32 to index
        %get3A_676 = arith.constant 80 : index
        %get3A_677 = tpu.vector_load %arg6[%get3A_674, %get3A_675, %get3A_676] {strides = array<i32>} : memref<3x200x128xf32, #tpu.memory_space<vmem>>, vector<1x1x16xf32>,
        %get3A_678 = vector.shape_cast %get3A_677 : vector<1x1x16xf32> to vector<16xf32>
        %add3A_679 = arith.addf %scan3A_622, %get3A_678 : vector<16xf32>
        %add3A_680 = arith.constant 0 : i32
        %add3A_681 = arith.addi %mul3A_626, %add3A_680 : i32
        %get3A_682 = arith.constant 1 : i32
        %get3A_683 = arith.index_cast %get3A_682 : i32 to index
        %get3A_684 = arith.index_cast %add3A_681 : i32 to index
        %get3A_685 = arith.constant 96 : index
        %get3A_686 = tpu.vector_load %arg6[%get3A_683, %get3A_684, %get3A_685] {strides = array<i32>} : memref<3x200x128xf32, #tpu.memory_space<vmem>>, vector<1x1x16xf32>,
        %get3A_687 = vector.shape_cast %get3A_686 : vector<1x1x16xf32> to vector<16xf32>
        %add3A_688 = arith.addf %scan3A_623, %get3A_687 : vector<16xf32>
        %add3A_689 = arith.constant 0 : i32
        %add3A_690 = arith.addi %mul3A_626, %add3A_689 : i32
        %get3A_691 = arith.constant 1 : i32
        %get3A_692 = arith.index_cast %get3A_691 : i32 to index
        %get3A_693 = arith.index_cast %add3A_690 : i32 to index
        %get3A_694 = arith.constant 112 : index
        %get3A_695 = tpu.vector_load %arg6[%get3A_692, %get3A_693, %get3A_694] {strides = array<i32>} : memref<3x200x128xf32, #tpu.memory_space<vmem>>, vector<1x1x16xf32>,
        %get3A_696 = vector.shape_cast %get3A_695 : vector<1x1x16xf32> to vector<16xf32>
        %add3A_697 = arith.addf %scan3A_624, %get3A_696 : vector<16xf32>
        %add3A_698 = arith.constant 1 : i32
        %add3A_699 = arith.addi %mul3A_626, %add3A_698 : i32
        %get3A_700 = arith.constant 1 : i32
        %get3A_701 = arith.index_cast %get3A_700 : i32 to index
        %get3A_702 = arith.index_cast %add3A_699 : i32 to index
        %get3A_703 = arith.constant 0 : index
        %get3A_704 = tpu.vector_load %arg6[%get3A_701, %get3A_702, %get3A_703] {strides = array<i32>} : memref<3x200x128xf32, #tpu.memory_space<vmem>>, vector<1x1x16xf32>,
        %get3A_705 = vector.shape_cast %get3A_704 : vector<1x1x16xf32> to vector<16xf32>
        %add3A_706 = arith.addf %add3A_634, %get3A_705 : vector<16xf32>
        %add3A_707 = arith.constant 1 : i32
        %add3A_708 = arith.addi %mul3A_626, %add3A_707 : i32
        %get3A_709 = arith.constant 1 : i32
        %get3A_710 = arith.index_cast %get3A_709 : i32 to index
        %get3A_711 = arith.index_cast %add3A_708 : i32 to index
        %get3A_712 = arith.constant 16 : index
        %get3A_713 = tpu.vector_load %arg6[%get3A_710, %get3A_711, %get3A_712] {strides = array<i32>} : memref<3x200x128xf32, #tpu.memory_space<vmem>>, vector<1x1x16xf32>,
        %get3A_714 = vector.shape_cast %get3A_713 : vector<1x1x16xf32> to vector<16xf32>
        %add3A_715 = arith.addf %add3A_643, %get3A_714 : vector<16xf32>
        %add3A_716 = arith.constant 1 : i32
        %add3A_717 = arith.addi %mul3A_626, %add3A_716 : i32
        %get3A_718 = arith.constant 1 : i32
        %get3A_719 = arith.index_cast %get3A_718 : i32 to index
        %get3A_720 = arith.index_cast %add3A_717 : i32 to index
        %get3A_721 = arith.constant 32 : index
        %get3A_722 = tpu.vector_load %arg6[%get3A_719, %get3A_720, %get3A_721] {strides = array<i32>} : memref<3x200x128xf32, #tpu.memory_space<vmem>>, vector<1x1x16xf32>,
        %get3A_723 = vector.shape_cast %get3A_722 : vector<1x1x16xf32> to vector<16xf32>
        %add3A_724 = arith.addf %add3A_652, %get3A_723 : vector<16xf32>
        %add3A_725 = arith.constant 1 : i32
        %add3A_726 = arith.addi %mul3A_626, %add3A_725 : i32
        %get3A_727 = arith.constant 1 : i32
        %get3A_728 = arith.index_cast %get3A_727 : i32 to index
        %get3A_729 = arith.index_cast %add3A_726 : i32 to index
        %get3A_730 = arith.constant 48 : index
        %get3A_731 = tpu.vector_load %arg6[%get3A_728, %get3A_729, %get3A_730] {strides = array<i32>} : memref<3x200x128xf32, #tpu.memory_space<vmem>>, vector<1x1x16xf32>,
        %get3A_732 = vector.shape_cast %get3A_731 : vector<1x1x16xf32> to vector<16xf32>
        %add3A_733 = arith.addf %add3A_661, %get3A_732 : vector<16xf32>
        %add3A_734 = arith.constant 1 : i32
        %add3A_735 = arith.addi %mul3A_626, %add3A_734 : i32
        %get3A_736 = arith.constant 1 : i32
        %get3A_737 = arith.index_cast %get3A_736 : i32 to index
        %get3A_738 = arith.index_cast %add3A_735 : i32 to index
        %get3A_739 = arith.constant 64 : index
        %get3A_740 = tpu.vector_load %arg6[%get3A_737, %get3A_738, %get3A_739] {strides = array<i32>} : memref<3x200x128xf32, #tpu.memory_space<vmem>>, vector<1x1x16xf32>,
        %get3A_741 = vector.shape_cast %get3A_740 : vector<1x1x16xf32> to vector<16xf32>
        %add3A_742 = arith.addf %add3A_670, %get3A_741 : vector<16xf32>
        %add3A_743 = arith.constant 1 : i32
        %add3A_744 = arith.addi %mul3A_626, %add3A_743 : i32
        %get3A_745 = arith.constant 1 : i32
        %get3A_746 = arith.index_cast %get3A_745 : i32 to index
        %get3A_747 = arith.index_cast %add3A_744 : i32 to index
        %get3A_748 = arith.constant 80 : index
        %get3A_749 = tpu.vector_load %arg6[%get3A_746, %get3A_747, %get3A_748] {strides = array<i32>} : memref<3x200x128xf32, #tpu.memory_space<vmem>>, vector<1x1x16xf32>,
        %get3A_750 = vector.shape_cast %get3A_749 : vector<1x1x16xf32> to vector<16xf32>
        %add3A_751 = arith.addf %add3A_679, %get3A_750 : vector<16xf32>
        %add3A_752 = arith.constant 1 : i32
        %add3A_753 = arith.addi %mul3A_626, %add3A_752 : i32
        %get3A_754 = arith.constant 1 : i32
        %get3A_755 = arith.index_cast %get3A_754 : i32 to index
        %get3A_756 = arith.index_cast %add3A_753 : i32 to index
        %get3A_757 = arith.constant 96 : index
        %get3A_758 = tpu.vector_load %arg6[%get3A_755, %get3A_756, %get3A_757] {strides = array<i32>} : memref<3x200x128xf32, #tpu.memory_space<vmem>>, vector<1x1x16xf32>,
        %get3A_759 = vector.shape_cast %get3A_758 : vector<1x1x16xf32> to vector<16xf32>
        %add3A_760 = arith.addf %add3A_688, %get3A_759 : vector<16xf32>
        %add3A_761 = arith.constant 1 : i32
        %add3A_762 = arith.addi %mul3A_626, %add3A_761 : i32
        %get3A_763 = arith.constant 1 : i32
        %get3A_764 = arith.index_cast %get3A_763 : i32 to index
        %get3A_765 = arith.index_cast %add3A_762 : i32 to index
        %get3A_766 = arith.constant 112 : index
        %get3A_767 = tpu.vector_load %arg6[%get3A_764, %get3A_765, %get3A_766] {strides = array<i32>} : memref<3x200x128xf32, #tpu.memory_space<vmem>>, vector<1x1x16xf32>,
        %get3A_768 = vector.shape_cast %get3A_767 : vector<1x1x16xf32> to vector<16xf32>
        %add3A_769 = arith.addf %add3A_697, %get3A_768 : vector<16xf32>
        %add3A_770 = arith.constant 2 : i32
        %add3A_771 = arith.addi %mul3A_626, %add3A_770 : i32
        %get3A_772 = arith.constant 1 : i32
        %get3A_773 = arith.index_cast %get3A_772 : i32 to index
        %get3A_774 = arith.index_cast %add3A_771 : i32 to index
        %get3A_775 = arith.constant 0 : index
        %get3A_776 = tpu.vector_load %arg6[%get3A_773, %get3A_774, %get3A_775] {strides = array<i32>} : memref<3x200x128xf32, #tpu.memory_space<vmem>>, vector<1x1x16xf32>,
        %get3A_777 = vector.shape_cast %get3A_776 : vector<1x1x16xf32> to vector<16xf32>
        %add3A_778 = arith.addf %add3A_706, %get3A_777 : vector<16xf32>
        %add3A_779 = arith.constant 2 : i32
        %add3A_780 = arith.addi %mul3A_626, %add3A_779 : i32
        %get3A_781 = arith.constant 1 : i32
        %get3A_782 = arith.index_cast %get3A_781 : i32 to index
        %get3A_783 = arith.index_cast %add3A_780 : i32 to index
        %get3A_784 = arith.constant 16 : index
        %get3A_785 = tpu.vector_load %arg6[%get3A_782, %get3A_783, %get3A_784] {strides = array<i32>} : memref<3x200x128xf32, #tpu.memory_space<vmem>>, vector<1x1x16xf32>,
        %get3A_786 = vector.shape_cast %get3A_785 : vector<1x1x16xf32> to vector<16xf32>
        %add3A_787 = arith.addf %add3A_715, %get3A_786 : vector<16xf32>
        %add3A_788 = arith.constant 2 : i32
        %add3A_789 = arith.addi %mul3A_626, %add3A_788 : i32
        %get3A_790 = arith.constant 1 : i32
        %get3A_791 = arith.index_cast %get3A_790 : i32 to index
        %get3A_792 = arith.index_cast %add3A_789 : i32 to index
        %get3A_793 = arith.constant 32 : index
        %get3A_794 = tpu.vector_load %arg6[%get3A_791, %get3A_792, %get3A_793] {strides = array<i32>} : memref<3x200x128xf32, #tpu.memory_space<vmem>>, vector<1x1x16xf32>,
        %get3A_795 = vector.shape_cast %get3A_794 : vector<1x1x16xf32> to vector<16xf32>
        %add3A_796 = arith.addf %add3A_724, %get3A_795 : vector<16xf32>
        %add3A_797 = arith.constant 2 : i32
        %add3A_798 = arith.addi %mul3A_626, %add3A_797 : i32
        %get3A_799 = arith.constant 1 : i32
        %get3A_800 = arith.index_cast %get3A_799 : i32 to index
        %get3A_801 = arith.index_cast %add3A_798 : i32 to index
        %get3A_802 = arith.constant 48 : index
        %get3A_803 = tpu.vector_load %arg6[%get3A_800, %get3A_801, %get3A_802] {strides = array<i32>} : memref<3x200x128xf32, #tpu.memory_space<vmem>>, vector<1x1x16xf32>,
        %get3A_804 = vector.shape_cast %get3A_803 : vector<1x1x16xf32> to vector<16xf32>
        %add3A_805 = arith.addf %add3A_733, %get3A_804 : vector<16xf32>
        %add3A_806 = arith.constant 2 : i32
        %add3A_807 = arith.addi %mul3A_626, %add3A_806 : i32
        %get3A_808 = arith.constant 1 : i32
        %get3A_809 = arith.index_cast %get3A_808 : i32 to index
        %get3A_810 = arith.index_cast %add3A_807 : i32 to index
        %get3A_811 = arith.constant 64 : index
        %get3A_812 = tpu.vector_load %arg6[%get3A_809, %get3A_810, %get3A_811] {strides = array<i32>} : memref<3x200x128xf32, #tpu.memory_space<vmem>>, vector<1x1x16xf32>,
        %get3A_813 = vector.shape_cast %get3A_812 : vector<1x1x16xf32> to vector<16xf32>
        %add3A_814 = arith.addf %add3A_742, %get3A_813 : vector<16xf32>
        %add3A_815 = arith.constant 2 : i32
        %add3A_816 = arith.addi %mul3A_626, %add3A_815 : i32
        %get3A_817 = arith.constant 1 : i32
        %get3A_818 = arith.index_cast %get3A_817 : i32 to index
        %get3A_819 = arith.index_cast %add3A_816 : i32 to index
        %get3A_820 = arith.constant 80 : index
        %get3A_821 = tpu.vector_load %arg6[%get3A_818, %get3A_819, %get3A_820] {strides = array<i32>} : memref<3x200x128xf32, #tpu.memory_space<vmem>>, vector<1x1x16xf32>,
        %get3A_822 = vector.shape_cast %get3A_821 : vector<1x1x16xf32> to vector<16xf32>
        %add3A_823 = arith.addf %add3A_751, %get3A_822 : vector<16xf32>
        %add3A_824 = arith.constant 2 : i32
        %add3A_825 = arith.addi %mul3A_626, %add3A_824 : i32
        %get3A_826 = arith.constant 1 : i32
        %get3A_827 = arith.index_cast %get3A_826 : i32 to index
        %get3A_828 = arith.index_cast %add3A_825 : i32 to index
        %get3A_829 = arith.constant 96 : index
        %get3A_830 = tpu.vector_load %arg6[%get3A_827, %get3A_828, %get3A_829] {strides = array<i32>} : memref<3x200x128xf32, #tpu.memory_space<vmem>>, vector<1x1x16xf32>,
        %get3A_831 = vector.shape_cast %get3A_830 : vector<1x1x16xf32> to vector<16xf32>
        %add3A_832 = arith.addf %add3A_760, %get3A_831 : vector<16xf32>
        %add3A_833 = arith.constant 2 : i32
        %add3A_834 = arith.addi %mul3A_626, %add3A_833 : i32
        %get3A_835 = arith.constant 1 : i32
        %get3A_836 = arith.index_cast %get3A_835 : i32 to index
        %get3A_837 = arith.index_cast %add3A_834 : i32 to index
        %get3A_838 = arith.constant 112 : index
        %get3A_839 = tpu.vector_load %arg6[%get3A_836, %get3A_837, %get3A_838] {strides = array<i32>} : memref<3x200x128xf32, #tpu.memory_space<vmem>>, vector<1x1x16xf32>,
        %get3A_840 = vector.shape_cast %get3A_839 : vector<1x1x16xf32> to vector<16xf32>
        %add3A_841 = arith.addf %add3A_769, %get3A_840 : vector<16xf32>
        %add3A_842 = arith.constant 3 : i32
        %add3A_843 = arith.addi %mul3A_626, %add3A_842 : i32
        %get3A_844 = arith.constant 1 : i32
        %get3A_845 = arith.index_cast %get3A_844 : i32 to index
        %get3A_846 = arith.index_cast %add3A_843 : i32 to index
        %get3A_847 = arith.constant 0 : index
        %get3A_848 = tpu.vector_load %arg6[%get3A_845, %get3A_846, %get3A_847] {strides = array<i32>} : memref<3x200x128xf32, #tpu.memory_space<vmem>>, vector<1x1x16xf32>,
        %get3A_849 = vector.shape_cast %get3A_848 : vector<1x1x16xf32> to vector<16xf32>
        %add3A_850 = arith.addf %add3A_778, %get3A_849 : vector<16xf32>
        %add3A_851 = arith.constant 3 : i32
        %add3A_852 = arith.addi %mul3A_626, %add3A_851 : i32
        %get3A_853 = arith.constant 1 : i32
        %get3A_854 = arith.index_cast %get3A_853 : i32 to index
        %get3A_855 = arith.index_cast %add3A_852 : i32 to index
        %get3A_856 = arith.constant 16 : index
        %get3A_857 = tpu.vector_load %arg6[%get3A_854, %get3A_855, %get3A_856] {strides = array<i32>} : memref<3x200x128xf32, #tpu.memory_space<vmem>>, vector<1x1x16xf32>,
        %get3A_858 = vector.shape_cast %get3A_857 : vector<1x1x16xf32> to vector<16xf32>
        %add3A_859 = arith.addf %add3A_787, %get3A_858 : vector<16xf32>
        %add3A_860 = arith.constant 3 : i32
        %add3A_861 = arith.addi %mul3A_626, %add3A_860 : i32
        %get3A_862 = arith.constant 1 : i32
        %get3A_863 = arith.index_cast %get3A_862 : i32 to index
        %get3A_864 = arith.index_cast %add3A_861 : i32 to index
        %get3A_865 = arith.constant 32 : index
        %get3A_866 = tpu.vector_load %arg6[%get3A_863, %get3A_864, %get3A_865] {strides = array<i32>} : memref<3x200x128xf32, #tpu.memory_space<vmem>>, vector<1x1x16xf32>,
        %get3A_867 = vector.shape_cast %get3A_866 : vector<1x1x16xf32> to vector<16xf32>
        %add3A_868 = arith.addf %add3A_796, %get3A_867 : vector<16xf32>
        %add3A_869 = arith.constant 3 : i32
        %add3A_870 = arith.addi %mul3A_626, %add3A_869 : i32
        %get3A_871 = arith.constant 1 : i32
        %get3A_872 = arith.index_cast %get3A_871 : i32 to index
        %get3A_873 = arith.index_cast %add3A_870 : i32 to index
        %get3A_874 = arith.constant 48 : index
        %get3A_875 = tpu.vector_load %arg6[%get3A_872, %get3A_873, %get3A_874] {strides = array<i32>} : memref<3x200x128xf32, #tpu.memory_space<vmem>>, vector<1x1x16xf32>,
        %get3A_876 = vector.shape_cast %get3A_875 : vector<1x1x16xf32> to vector<16xf32>
        %add3A_877 = arith.addf %add3A_805, %get3A_876 : vector<16xf32>
        %add3A_878 = arith.constant 3 : i32
        %add3A_879 = arith.addi %mul3A_626, %add3A_878 : i32
        %get3A_880 = arith.constant 1 : i32
        %get3A_881 = arith.index_cast %get3A_880 : i32 to index
        %get3A_882 = arith.index_cast %add3A_879 : i32 to index
        %get3A_883 = arith.constant 64 : index
        %get3A_884 = tpu.vector_load %arg6[%get3A_881, %get3A_882, %get3A_883] {strides = array<i32>} : memref<3x200x128xf32, #tpu.memory_space<vmem>>, vector<1x1x16xf32>,
        %get3A_885 = vector.shape_cast %get3A_884 : vector<1x1x16xf32> to vector<16xf32>
        %add3A_886 = arith.addf %add3A_814, %get3A_885 : vector<16xf32>
        %add3A_887 = arith.constant 3 : i32
        %add3A_888 = arith.addi %mul3A_626, %add3A_887 : i32
        %get3A_889 = arith.constant 1 : i32
        %get3A_890 = arith.index_cast %get3A_889 : i32 to index
        %get3A_891 = arith.index_cast %add3A_888 : i32 to index
        %get3A_892 = arith.constant 80 : index
        %get3A_893 = tpu.vector_load %arg6[%get3A_890, %get3A_891, %get3A_892] {strides = array<i32>} : memref<3x200x128xf32, #tpu.memory_space<vmem>>, vector<1x1x16xf32>,
        %get3A_894 = vector.shape_cast %get3A_893 : vector<1x1x16xf32> to vector<16xf32>
        %add3A_895 = arith.addf %add3A_823, %get3A_894 : vector<16xf32>
        %add3A_896 = arith.constant 3 : i32
        %add3A_897 = arith.addi %mul3A_626, %add3A_896 : i32
        %get3A_898 = arith.constant 1 : i32
        %get3A_899 = arith.index_cast %get3A_898 : i32 to index
        %get3A_900 = arith.index_cast %add3A_897 : i32 to index
        %get3A_901 = arith.constant 96 : index
        %get3A_902 = tpu.vector_load %arg6[%get3A_899, %get3A_900, %get3A_901] {strides = array<i32>} : memref<3x200x128xf32, #tpu.memory_space<vmem>>, vector<1x1x16xf32>,
        %get3A_903 = vector.shape_cast %get3A_902 : vector<1x1x16xf32> to vector<16xf32>
        %add3A_904 = arith.addf %add3A_832, %get3A_903 : vector<16xf32>
        %add3A_905 = arith.constant 3 : i32
        %add3A_906 = arith.addi %mul3A_626, %add3A_905 : i32
        %get3A_907 = arith.constant 1 : i32
        %get3A_908 = arith.index_cast %get3A_907 : i32 to index
        %get3A_909 = arith.index_cast %add3A_906 : i32 to index
        %get3A_910 = arith.constant 112 : index
        %get3A_911 = tpu.vector_load %arg6[%get3A_908, %get3A_909, %get3A_910] {strides = array<i32>} : memref<3x200x128xf32, #tpu.memory_space<vmem>>, vector<1x1x16xf32>,
        %get3A_912 = vector.shape_cast %get3A_911 : vector<1x1x16xf32> to vector<16xf32>
        %add3A_913 = arith.addf %add3A_841, %get3A_912 : vector<16xf32>
        %add3A_914 = arith.constant 4 : i32
        %add3A_915 = arith.addi %mul3A_626, %add3A_914 : i32
        %get3A_916 = arith.constant 1 : i32
        %get3A_917 = arith.index_cast %get3A_916 : i32 to index
        %get3A_918 = arith.index_cast %add3A_915 : i32 to index
        %get3A_919 = arith.constant 0 : index
        %get3A_920 = tpu.vector_load %arg6[%get3A_917, %get3A_918, %get3A_919] {strides = array<i32>} : memref<3x200x128xf32, #tpu.memory_space<vmem>>, vector<1x1x16xf32>,
        %get3A_921 = vector.shape_cast %get3A_920 : vector<1x1x16xf32> to vector<16xf32>
        %add3A_922 = arith.addf %add3A_850, %get3A_921 : vector<16xf32>
        %add3A_923 = arith.constant 4 : i32
        %add3A_924 = arith.addi %mul3A_626, %add3A_923 : i32
        %get3A_925 = arith.constant 1 : i32
        %get3A_926 = arith.index_cast %get3A_925 : i32 to index
        %get3A_927 = arith.index_cast %add3A_924 : i32 to index
        %get3A_928 = arith.constant 16 : index
        %get3A_929 = tpu.vector_load %arg6[%get3A_926, %get3A_927, %get3A_928] {strides = array<i32>} : memref<3x200x128xf32, #tpu.memory_space<vmem>>, vector<1x1x16xf32>,
        %get3A_930 = vector.shape_cast %get3A_929 : vector<1x1x16xf32> to vector<16xf32>
        %add3A_931 = arith.addf %add3A_859, %get3A_930 : vector<16xf32>
        %add3A_932 = arith.constant 4 : i32
        %add3A_933 = arith.addi %mul3A_626, %add3A_932 : i32
        %get3A_934 = arith.constant 1 : i32
        %get3A_935 = arith.index_cast %get3A_934 : i32 to index
        %get3A_936 = arith.index_cast %add3A_933 : i32 to index
        %get3A_937 = arith.constant 32 : index
        %get3A_938 = tpu.vector_load %arg6[%get3A_935, %get3A_936, %get3A_937] {strides = array<i32>} : memref<3x200x128xf32, #tpu.memory_space<vmem>>, vector<1x1x16xf32>,
        %get3A_939 = vector.shape_cast %get3A_938 : vector<1x1x16xf32> to vector<16xf32>
        %add3A_940 = arith.addf %add3A_868, %get3A_939 : vector<16xf32>
        %add3A_941 = arith.constant 4 : i32
        %add3A_942 = arith.addi %mul3A_626, %add3A_941 : i32
        %get3A_943 = arith.constant 1 : i32
        %get3A_944 = arith.index_cast %get3A_943 : i32 to index
        %get3A_945 = arith.index_cast %add3A_942 : i32 to index
        %get3A_946 = arith.constant 48 : index
        %get3A_947 = tpu.vector_load %arg6[%get3A_944, %get3A_945, %get3A_946] {strides = array<i32>} : memref<3x200x128xf32, #tpu.memory_space<vmem>>, vector<1x1x16xf32>,
        %get3A_948 = vector.shape_cast %get3A_947 : vector<1x1x16xf32> to vector<16xf32>
        %add3A_949 = arith.addf %add3A_877, %get3A_948 : vector<16xf32>
        %add3A_950 = arith.constant 4 : i32
        %add3A_951 = arith.addi %mul3A_626, %add3A_950 : i32
        %get3A_952 = arith.constant 1 : i32
        %get3A_953 = arith.index_cast %get3A_952 : i32 to index
        %get3A_954 = arith.index_cast %add3A_951 : i32 to index
        %get3A_955 = arith.constant 64 : index
        %get3A_956 = tpu.vector_load %arg6[%get3A_953, %get3A_954, %get3A_955] {strides = array<i32>} : memref<3x200x128xf32, #tpu.memory_space<vmem>>, vector<1x1x16xf32>,
        %get3A_957 = vector.shape_cast %get3A_956 : vector<1x1x16xf32> to vector<16xf32>
        %add3A_958 = arith.addf %add3A_886, %get3A_957 : vector<16xf32>
        %add3A_959 = arith.constant 4 : i32
        %add3A_960 = arith.addi %mul3A_626, %add3A_959 : i32
        %get3A_961 = arith.constant 1 : i32
        %get3A_962 = arith.index_cast %get3A_961 : i32 to index
        %get3A_963 = arith.index_cast %add3A_960 : i32 to index
        %get3A_964 = arith.constant 80 : index
        %get3A_965 = tpu.vector_load %arg6[%get3A_962, %get3A_963, %get3A_964] {strides = array<i32>} : memref<3x200x128xf32, #tpu.memory_space<vmem>>, vector<1x1x16xf32>,
        %get3A_966 = vector.shape_cast %get3A_965 : vector<1x1x16xf32> to vector<16xf32>
        %add3A_967 = arith.addf %add3A_895, %get3A_966 : vector<16xf32>
        %add3A_968 = arith.constant 4 : i32
        %add3A_969 = arith.addi %mul3A_626, %add3A_968 : i32
        %get3A_970 = arith.constant 1 : i32
        %get3A_971 = arith.index_cast %get3A_970 : i32 to index
        %get3A_972 = arith.index_cast %add3A_969 : i32 to index
        %get3A_973 = arith.constant 96 : index
        %get3A_974 = tpu.vector_load %arg6[%get3A_971, %get3A_972, %get3A_973] {strides = array<i32>} : memref<3x200x128xf32, #tpu.memory_space<vmem>>, vector<1x1x16xf32>,
        %get3A_975 = vector.shape_cast %get3A_974 : vector<1x1x16xf32> to vector<16xf32>
        %add3A_976 = arith.addf %add3A_904, %get3A_975 : vector<16xf32>
        %add3A_977 = arith.constant 4 : i32
        %add3A_978 = arith.addi %mul3A_626, %add3A_977 : i32
        %get3A_979 = arith.constant 1 : i32
        %get3A_980 = arith.index_cast %get3A_979 : i32 to index
        %get3A_981 = arith.index_cast %add3A_978 : i32 to index
        %get3A_982 = arith.constant 112 : index
        %get3A_983 = tpu.vector_load %arg6[%get3A_980, %get3A_981, %get3A_982] {strides = array<i32>} : memref<3x200x128xf32, #tpu.memory_space<vmem>>, vector<1x1x16xf32>,
        %get3A_984 = vector.shape_cast %get3A_983 : vector<1x1x16xf32> to vector<16xf32>
        %add3A_985 = arith.addf %add3A_913, %get3A_984 : vector<16xf32>
        %add3A_986 = arith.constant 5 : i32
        %add3A_987 = arith.addi %mul3A_626, %add3A_986 : i32
        %get3A_988 = arith.constant 1 : i32
        %get3A_989 = arith.index_cast %get3A_988 : i32 to index
        %get3A_990 = arith.index_cast %add3A_987 : i32 to index
        %get3A_991 = arith.constant 0 : index
        %get3A_992 = tpu.vector_load %arg6[%get3A_989, %get3A_990, %get3A_991] {strides = array<i32>} : memref<3x200x128xf32, #tpu.memory_space<vmem>>, vector<1x1x16xf32>,
        %get3A_993 = vector.shape_cast %get3A_992 : vector<1x1x16xf32> to vector<16xf32>
        %add3A_994 = arith.addf %add3A_922, %get3A_993 : vector<16xf32>
        %add3A_995 = arith.constant 5 : i32
        %add3A_996 = arith.addi %mul3A_626, %add3A_995 : i32
        %get3A_997 = arith.constant 1 : i32
        %get3A_998 = arith.index_cast %get3A_997 : i32 to index
        %get3A_999 = arith.index_cast %add3A_996 : i32 to index
        %get3A_1000 = arith.constant 16 : index
        %get3A_1001 = tpu.vector_load %arg6[%get3A_998, %get3A_999, %get3A_1000] {strides = array<i32>} : memref<3x200x128xf32, #tpu.memory_space<vmem>>, vector<1x1x16xf32>,
        %get3A_1002 = vector.shape_cast %get3A_1001 : vector<1x1x16xf32> to vector<16xf32>
        %add3A_1003 = arith.addf %add3A_931, %get3A_1002 : vector<16xf32>
        %add3A_1004 = arith.constant 5 : i32
        %add3A_1005 = arith.addi %mul3A_626, %add3A_1004 : i32
        %get3A_1006 = arith.constant 1 : i32
        %get3A_1007 = arith.index_cast %get3A_1006 : i32 to index
        %get3A_1008 = arith.index_cast %add3A_1005 : i32 to index
        %get3A_1009 = arith.constant 32 : index
        %get3A_1010 = tpu.vector_load %arg6[%get3A_1007, %get3A_1008, %get3A_1009] {strides = array<i32>} : memref<3x200x128xf32, #tpu.memory_space<vmem>>, vector<1x1x16xf32>,
        %get3A_1011 = vector.shape_cast %get3A_1010 : vector<1x1x16xf32> to vector<16xf32>
        %add3A_1012 = arith.addf %add3A_940, %get3A_1011 : vector<16xf32>
        %add3A_1013 = arith.constant 5 : i32
        %add3A_1014 = arith.addi %mul3A_626, %add3A_1013 : i32
        %get3A_1015 = arith.constant 1 : i32
        %get3A_1016 = arith.index_cast %get3A_1015 : i32 to index
        %get3A_1017 = arith.index_cast %add3A_1014 : i32 to index
        %get3A_1018 = arith.constant 48 : index
        %get3A_1019 = tpu.vector_load %arg6[%get3A_1016, %get3A_1017, %get3A_1018] {strides = array<i32>} : memref<3x200x128xf32, #tpu.memory_space<vmem>>, vector<1x1x16xf32>,
        %get3A_1020 = vector.shape_cast %get3A_1019 : vector<1x1x16xf32> to vector<16xf32>
        %add3A_1021 = arith.addf %add3A_949, %get3A_1020 : vector<16xf32>
        %add3A_1022 = arith.constant 5 : i32
        %add3A_1023 = arith.addi %mul3A_626, %add3A_1022 : i32
        %get3A_1024 = arith.constant 1 : i32
        %get3A_1025 = arith.index_cast %get3A_1024 : i32 to index
        %get3A_1026 = arith.index_cast %add3A_1023 : i32 to index
        %get3A_1027 = arith.constant 64 : index
        %get3A_1028 = tpu.vector_load %arg6[%get3A_1025, %get3A_1026, %get3A_1027] {strides = array<i32>} : memref<3x200x128xf32, #tpu.memory_space<vmem>>, vector<1x1x16xf32>,
        %get3A_1029 = vector.shape_cast %get3A_1028 : vector<1x1x16xf32> to vector<16xf32>
        %add3A_1030 = arith.addf %add3A_958, %get3A_1029 : vector<16xf32>
        %add3A_1031 = arith.constant 5 : i32
        %add3A_1032 = arith.addi %mul3A_626, %add3A_1031 : i32
        %get3A_1033 = arith.constant 1 : i32
        %get3A_1034 = arith.index_cast %get3A_1033 : i32 to index
        %get3A_1035 = arith.index_cast %add3A_1032 : i32 to index
        %get3A_1036 = arith.constant 80 : index
        %get3A_1037 = tpu.vector_load %arg6[%get3A_1034, %get3A_1035, %get3A_1036] {strides = array<i32>} : memref<3x200x128xf32, #tpu.memory_space<vmem>>, vector<1x1x16xf32>,
        %get3A_1038 = vector.shape_cast %get3A_1037 : vector<1x1x16xf32> to vector<16xf32>
        %add3A_1039 = arith.addf %add3A_967, %get3A_1038 : vector<16xf32>
        %add3A_1040 = arith.constant 5 : i32
        %add3A_1041 = arith.addi %mul3A_626, %add3A_1040 : i32
        %get3A_1042 = arith.constant 1 : i32
        %get3A_1043 = arith.index_cast %get3A_1042 : i32 to index
        %get3A_1044 = arith.index_cast %add3A_1041 : i32 to index
        %get3A_1045 = arith.constant 96 : index
        %get3A_1046 = tpu.vector_load %arg6[%get3A_1043, %get3A_1044, %get3A_1045] {strides = array<i32>} : memref<3x200x128xf32, #tpu.memory_space<vmem>>, vector<1x1x16xf32>,
        %get3A_1047 = vector.shape_cast %get3A_1046 : vector<1x1x16xf32> to vector<16xf32>
        %add3A_1048 = arith.addf %add3A_976, %get3A_1047 : vector<16xf32>
        %add3A_1049 = arith.constant 5 : i32
        %add3A_1050 = arith.addi %mul3A_626, %add3A_1049 : i32
        %get3A_1051 = arith.constant 1 : i32
        %get3A_1052 = arith.index_cast %get3A_1051 : i32 to index
        %get3A_1053 = arith.index_cast %add3A_1050 : i32 to index
        %get3A_1054 = arith.constant 112 : index
        %get3A_1055 = tpu.vector_load %arg6[%get3A_1052, %get3A_1053, %get3A_1054] {strides = array<i32>} : memref<3x200x128xf32, #tpu.memory_space<vmem>>, vector<1x1x16xf32>,
        %get3A_1056 = vector.shape_cast %get3A_1055 : vector<1x1x16xf32> to vector<16xf32>
        %add3A_1057 = arith.addf %add3A_985, %get3A_1056 : vector<16xf32>
        %add3A_1058 = arith.constant 6 : i32
        %add3A_1059 = arith.addi %mul3A_626, %add3A_1058 : i32
        %get3A_1060 = arith.constant 1 : i32
        %get3A_1061 = arith.index_cast %get3A_1060 : i32 to index
        %get3A_1062 = arith.index_cast %add3A_1059 : i32 to index
        %get3A_1063 = arith.constant 0 : index
        %get3A_1064 = tpu.vector_load %arg6[%get3A_1061, %get3A_1062, %get3A_1063] {strides = array<i32>} : memref<3x200x128xf32, #tpu.memory_space<vmem>>, vector<1x1x16xf32>,
        %get3A_1065 = vector.shape_cast %get3A_1064 : vector<1x1x16xf32> to vector<16xf32>
        %add3A_1066 = arith.addf %add3A_994, %get3A_1065 : vector<16xf32>
        %add3A_1067 = arith.constant 6 : i32
        %add3A_1068 = arith.addi %mul3A_626, %add3A_1067 : i32
        %get3A_1069 = arith.constant 1 : i32
        %get3A_1070 = arith.index_cast %get3A_1069 : i32 to index
        %get3A_1071 = arith.index_cast %add3A_1068 : i32 to index
        %get3A_1072 = arith.constant 16 : index
        %get3A_1073 = tpu.vector_load %arg6[%get3A_1070, %get3A_1071, %get3A_1072] {strides = array<i32>} : memref<3x200x128xf32, #tpu.memory_space<vmem>>, vector<1x1x16xf32>,
        %get3A_1074 = vector.shape_cast %get3A_1073 : vector<1x1x16xf32> to vector<16xf32>
        %add3A_1075 = arith.addf %add3A_1003, %get3A_1074 : vector<16xf32>
        %add3A_1076 = arith.constant 6 : i32
        %add3A_1077 = arith.addi %mul3A_626, %add3A_1076 : i32
        %get3A_1078 = arith.constant 1 : i32
        %get3A_1079 = arith.index_cast %get3A_1078 : i32 to index
        %get3A_1080 = arith.index_cast %add3A_1077 : i32 to index
        %get3A_1081 = arith.constant 32 : index
        %get3A_1082 = tpu.vector_load %arg6[%get3A_1079, %get3A_1080, %get3A_1081] {strides = array<i32>} : memref<3x200x128xf32, #tpu.memory_space<vmem>>, vector<1x1x16xf32>,
        %get3A_1083 = vector.shape_cast %get3A_1082 : vector<1x1x16xf32> to vector<16xf32>
        %add3A_1084 = arith.addf %add3A_1012, %get3A_1083 : vector<16xf32>
        %add3A_1085 = arith.constant 6 : i32
        %add3A_1086 = arith.addi %mul3A_626, %add3A_1085 : i32
        %get3A_1087 = arith.constant 1 : i32
        %get3A_1088 = arith.index_cast %get3A_1087 : i32 to index
        %get3A_1089 = arith.index_cast %add3A_1086 : i32 to index
        %get3A_1090 = arith.constant 48 : index
        %get3A_1091 = tpu.vector_load %arg6[%get3A_1088, %get3A_1089, %get3A_1090] {strides = array<i32>} : memref<3x200x128xf32, #tpu.memory_space<vmem>>, vector<1x1x16xf32>,
        %get3A_1092 = vector.shape_cast %get3A_1091 : vector<1x1x16xf32> to vector<16xf32>
        %add3A_1093 = arith.addf %add3A_1021, %get3A_1092 : vector<16xf32>
        %add3A_1094 = arith.constant 6 : i32
        %add3A_1095 = arith.addi %mul3A_626, %add3A_1094 : i32
        %get3A_1096 = arith.constant 1 : i32
        %get3A_1097 = arith.index_cast %get3A_1096 : i32 to index
        %get3A_1098 = arith.index_cast %add3A_1095 : i32 to index
        %get3A_1099 = arith.constant 64 : index
        %get3A_1100 = tpu.vector_load %arg6[%get3A_1097, %get3A_1098, %get3A_1099] {strides = array<i32>} : memref<3x200x128xf32, #tpu.memory_space<vmem>>, vector<1x1x16xf32>,
        %get3A_1101 = vector.shape_cast %get3A_1100 : vector<1x1x16xf32> to vector<16xf32>
        %add3A_1102 = arith.addf %add3A_1030, %get3A_1101 : vector<16xf32>
        %add3A_1103 = arith.constant 6 : i32
        %add3A_1104 = arith.addi %mul3A_626, %add3A_1103 : i32
        %get3A_1105 = arith.constant 1 : i32
        %get3A_1106 = arith.index_cast %get3A_1105 : i32 to index
        %get3A_1107 = arith.index_cast %add3A_1104 : i32 to index
        %get3A_1108 = arith.constant 80 : index
        %get3A_1109 = tpu.vector_load %arg6[%get3A_1106, %get3A_1107, %get3A_1108] {strides = array<i32>} : memref<3x200x128xf32, #tpu.memory_space<vmem>>, vector<1x1x16xf32>,
        %get3A_1110 = vector.shape_cast %get3A_1109 : vector<1x1x16xf32> to vector<16xf32>
        %add3A_1111 = arith.addf %add3A_1039, %get3A_1110 : vector<16xf32>
        %add3A_1112 = arith.constant 6 : i32
        %add3A_1113 = arith.addi %mul3A_626, %add3A_1112 : i32
        %get3A_1114 = arith.constant 1 : i32
        %get3A_1115 = arith.index_cast %get3A_1114 : i32 to index
        %get3A_1116 = arith.index_cast %add3A_1113 : i32 to index
        %get3A_1117 = arith.constant 96 : index
        %get3A_1118 = tpu.vector_load %arg6[%get3A_1115, %get3A_1116, %get3A_1117] {strides = array<i32>} : memref<3x200x128xf32, #tpu.memory_space<vmem>>, vector<1x1x16xf32>,
        %get3A_1119 = vector.shape_cast %get3A_1118 : vector<1x1x16xf32> to vector<16xf32>
        %add3A_1120 = arith.addf %add3A_1048, %get3A_1119 : vector<16xf32>
        %add3A_1121 = arith.constant 6 : i32
        %add3A_1122 = arith.addi %mul3A_626, %add3A_1121 : i32
        %get3A_1123 = arith.constant 1 : i32
        %get3A_1124 = arith.index_cast %get3A_1123 : i32 to index
        %get3A_1125 = arith.index_cast %add3A_1122 : i32 to index
        %get3A_1126 = arith.constant 112 : index
        %get3A_1127 = tpu.vector_load %arg6[%get3A_1124, %get3A_1125, %get3A_1126] {strides = array<i32>} : memref<3x200x128xf32, #tpu.memory_space<vmem>>, vector<1x1x16xf32>,
        %get3A_1128 = vector.shape_cast %get3A_1127 : vector<1x1x16xf32> to vector<16xf32>
        %add3A_1129 = arith.addf %add3A_1057, %get3A_1128 : vector<16xf32>
        %add3A_1130 = arith.constant 7 : i32
        %add3A_1131 = arith.addi %mul3A_626, %add3A_1130 : i32
        %get3A_1132 = arith.constant 1 : i32
        %get3A_1133 = arith.index_cast %get3A_1132 : i32 to index
        %get3A_1134 = arith.index_cast %add3A_1131 : i32 to index
        %get3A_1135 = arith.constant 0 : index
        %get3A_1136 = tpu.vector_load %arg6[%get3A_1133, %get3A_1134, %get3A_1135] {strides = array<i32>} : memref<3x200x128xf32, #tpu.memory_space<vmem>>, vector<1x1x16xf32>,
        %get3A_1137 = vector.shape_cast %get3A_1136 : vector<1x1x16xf32> to vector<16xf32>
        %add3A_1138 = arith.addf %add3A_1066, %get3A_1137 : vector<16xf32>
        %add3A_1139 = arith.constant 7 : i32
        %add3A_1140 = arith.addi %mul3A_626, %add3A_1139 : i32
        %get3A_1141 = arith.constant 1 : i32
        %get3A_1142 = arith.index_cast %get3A_1141 : i32 to index
        %get3A_1143 = arith.index_cast %add3A_1140 : i32 to index
        %get3A_1144 = arith.constant 16 : index
        %get3A_1145 = tpu.vector_load %arg6[%get3A_1142, %get3A_1143, %get3A_1144] {strides = array<i32>} : memref<3x200x128xf32, #tpu.memory_space<vmem>>, vector<1x1x16xf32>,
        %get3A_1146 = vector.shape_cast %get3A_1145 : vector<1x1x16xf32> to vector<16xf32>
        %add3A_1147 = arith.addf %add3A_1075, %get3A_1146 : vector<16xf32>
        %add3A_1148 = arith.constant 7 : i32
        %add3A_1149 = arith.addi %mul3A_626, %add3A_1148 : i32
        %get3A_1150 = arith.constant 1 : i32
        %get3A_1151 = arith.index_cast %get3A_1150 : i32 to index
        %get3A_1152 = arith.index_cast %add3A_1149 : i32 to index
        %get3A_1153 = arith.constant 32 : index
        %get3A_1154 = tpu.vector_load %arg6[%get3A_1151, %get3A_1152, %get3A_1153] {strides = array<i32>} : memref<3x200x128xf32, #tpu.memory_space<vmem>>, vector<1x1x16xf32>,
        %get3A_1155 = vector.shape_cast %get3A_1154 : vector<1x1x16xf32> to vector<16xf32>
        %add3A_1156 = arith.addf %add3A_1084, %get3A_1155 : vector<16xf32>
        %add3A_1157 = arith.constant 7 : i32
        %add3A_1158 = arith.addi %mul3A_626, %add3A_1157 : i32
        %get3A_1159 = arith.constant 1 : i32
        %get3A_1160 = arith.index_cast %get3A_1159 : i32 to index
        %get3A_1161 = arith.index_cast %add3A_1158 : i32 to index
        %get3A_1162 = arith.constant 48 : index
        %get3A_1163 = tpu.vector_load %arg6[%get3A_1160, %get3A_1161, %get3A_1162] {strides = array<i32>} : memref<3x200x128xf32, #tpu.memory_space<vmem>>, vector<1x1x16xf32>,
        %get3A_1164 = vector.shape_cast %get3A_1163 : vector<1x1x16xf32> to vector<16xf32>
        %add3A_1165 = arith.addf %add3A_1093, %get3A_1164 : vector<16xf32>
        %add3A_1166 = arith.constant 7 : i32
        %add3A_1167 = arith.addi %mul3A_626, %add3A_1166 : i32
        %get3A_1168 = arith.constant 1 : i32
        %get3A_1169 = arith.index_cast %get3A_1168 : i32 to index
        %get3A_1170 = arith.index_cast %add3A_1167 : i32 to index
        %get3A_1171 = arith.constant 64 : index
        %get3A_1172 = tpu.vector_load %arg6[%get3A_1169, %get3A_1170, %get3A_1171] {strides = array<i32>} : memref<3x200x128xf32, #tpu.memory_space<vmem>>, vector<1x1x16xf32>,
        %get3A_1173 = vector.shape_cast %get3A_1172 : vector<1x1x16xf32> to vector<16xf32>
        %add3A_1174 = arith.addf %add3A_1102, %get3A_1173 : vector<16xf32>
        %add3A_1175 = arith.constant 7 : i32
        %add3A_1176 = arith.addi %mul3A_626, %add3A_1175 : i32
        %get3A_1177 = arith.constant 1 : i32
        %get3A_1178 = arith.index_cast %get3A_1177 : i32 to index
        %get3A_1179 = arith.index_cast %add3A_1176 : i32 to index
        %get3A_1180 = arith.constant 80 : index
        %get3A_1181 = tpu.vector_load %arg6[%get3A_1178, %get3A_1179, %get3A_1180] {strides = array<i32>} : memref<3x200x128xf32, #tpu.memory_space<vmem>>, vector<1x1x16xf32>,
        %get3A_1182 = vector.shape_cast %get3A_1181 : vector<1x1x16xf32> to vector<16xf32>
        %add3A_1183 = arith.addf %add3A_1111, %get3A_1182 : vector<16xf32>
        %add3A_1184 = arith.constant 7 : i32
        %add3A_1185 = arith.addi %mul3A_626, %add3A_1184 : i32
        %get3A_1186 = arith.constant 1 : i32
        %get3A_1187 = arith.index_cast %get3A_1186 : i32 to index
        %get3A_1188 = arith.index_cast %add3A_1185 : i32 to index
        %get3A_1189 = arith.constant 96 : index
        %get3A_1190 = tpu.vector_load %arg6[%get3A_1187, %get3A_1188, %get3A_1189] {strides = array<i32>} : memref<3x200x128xf32, #tpu.memory_space<vmem>>, vector<1x1x16xf32>,
        %get3A_1191 = vector.shape_cast %get3A_1190 : vector<1x1x16xf32> to vector<16xf32>
        %add3A_1192 = arith.addf %add3A_1120, %get3A_1191 : vector<16xf32>
        %add3A_1193 = arith.constant 7 : i32
        %add3A_1194 = arith.addi %mul3A_626, %add3A_1193 : i32
        %get3A_1195 = arith.constant 1 : i32
        %get3A_1196 = arith.index_cast %get3A_1195 : i32 to index
        %get3A_1197 = arith.index_cast %add3A_1194 : i32 to index
        %get3A_1198 = arith.constant 112 : index
        %get3A_1199 = tpu.vector_load %arg6[%get3A_1196, %get3A_1197, %get3A_1198] {strides = array<i32>} : memref<3x200x128xf32, #tpu.memory_space<vmem>>, vector<1x1x16xf32>,
        %get3A_1200 = vector.shape_cast %get3A_1199 : vector<1x1x16xf32> to vector<16xf32>
        %add3A_1201 = arith.addf %add3A_1129, %get3A_1200 : vector<16xf32>
        scf.yield %add3A_1138, %add3A_1147, %add3A_1156, %add3A_1165, %add3A_1174, %add3A_1183, %add3A_1192, %add3A_1201 : vector<16xf32>, vector<16xf32>, vector<16xf32>, vector<16xf32>, vector<16xf32>, vector<16xf32>, vector<16xf32>, vector<16xf32>
      }
      %scan3A_436 = arith.constant 25 : i32
      %add3A_437 = arith.constant 1 : i32
      %add3A_438 = arith.addi %mul3A_278, %add3A_437 : i32
      %swap3A_439 = arith.index_cast %add3A_438 : i32 to index
      %swap3A_440 = arith.constant 0 : index
      %swap3A_441 = tpu.vector_load %arg7[%swap3A_439, %swap3A_440] {strides = array<i32>} : memref<128x128xf32, #tpu.memory_space<vmem>>, vector<1x16xf32>,
      %swap3A_442 = vector.shape_cast %swap3A_441 : vector<1x16xf32> to vector<16xf32>
      %swap3A_443 = vector.shape_cast %scan3A_435#0 : vector<16xf32> to vector<1x16xf32>
      tpu.vector_store %arg7[%swap3A_439, %swap3A_440], %swap3A_443 {strides = array<i32>} : memref<128x128xf32, #tpu.memory_space<vmem>>, vector<1x16xf32>,
      %add3A_444 = arith.constant 1 : i32
      %add3A_445 = arith.addi %mul3A_278, %add3A_444 : i32
      %swap3A_446 = arith.index_cast %add3A_445 : i32 to index
      %swap3A_447 = arith.constant 16 : index
      %swap3A_448 = tpu.vector_load %arg7[%swap3A_446, %swap3A_447] {strides = array<i32>} : memref<128x128xf32, #tpu.memory_space<vmem>>, vector<1x16xf32>,
      %swap3A_449 = vector.shape_cast %swap3A_448 : vector<1x16xf32> to vector<16xf32>
      %swap3A_450 = vector.shape_cast %scan3A_435#1 : vector<16xf32> to vector<1x16xf32>
      tpu.vector_store %arg7[%swap3A_446, %swap3A_447], %swap3A_450 {strides = array<i32>} : memref<128x128xf32, #tpu.memory_space<vmem>>, vector<1x16xf32>,
      %add3A_451 = arith.constant 1 : i32
      %add3A_452 = arith.addi %mul3A_278, %add3A_451 : i32
      %swap3A_453 = arith.index_cast %add3A_452 : i32 to index
      %swap3A_454 = arith.constant 32 : index
      %swap3A_455 = tpu.vector_load %arg7[%swap3A_453, %swap3A_454] {strides = array<i32>} : memref<128x128xf32, #tpu.memory_space<vmem>>, vector<1x16xf32>,
      %swap3A_456 = vector.shape_cast %swap3A_455 : vector<1x16xf32> to vector<16xf32>
      %swap3A_457 = vector.shape_cast %scan3A_435#2 : vector<16xf32> to vector<1x16xf32>
      tpu.vector_store %arg7[%swap3A_453, %swap3A_454], %swap3A_457 {strides = array<i32>} : memref<128x128xf32, #tpu.memory_space<vmem>>, vector<1x16xf32>,
      %add3A_458 = arith.constant 1 : i32
      %add3A_459 = arith.addi %mul3A_278, %add3A_458 : i32
      %swap3A_460 = arith.index_cast %add3A_459 : i32 to index
      %swap3A_461 = arith.constant 48 : index
      %swap3A_462 = tpu.vector_load %arg7[%swap3A_460, %swap3A_461] {strides = array<i32>} : memref<128x128xf32, #tpu.memory_space<vmem>>, vector<1x16xf32>,
      %swap3A_463 = vector.shape_cast %swap3A_462 : vector<1x16xf32> to vector<16xf32>
      %swap3A_464 = vector.shape_cast %scan3A_435#3 : vector<16xf32> to vector<1x16xf32>
      tpu.vector_store %arg7[%swap3A_460, %swap3A_461], %swap3A_464 {strides = array<i32>} : memref<128x128xf32, #tpu.memory_space<vmem>>, vector<1x16xf32>,
      %add3A_465 = arith.constant 1 : i32
      %add3A_466 = arith.addi %mul3A_278, %add3A_465 : i32
      %swap3A_467 = arith.index_cast %add3A_466 : i32 to index
      %swap3A_468 = arith.constant 64 : index
      %swap3A_469 = tpu.vector_load %arg7[%swap3A_467, %swap3A_468] {strides = array<i32>} : memref<128x128xf32, #tpu.memory_space<vmem>>, vector<1x16xf32>,
      %swap3A_470 = vector.shape_cast %swap3A_469 : vector<1x16xf32> to vector<16xf32>
      %swap3A_471 = vector.shape_cast %scan3A_435#4 : vector<16xf32> to vector<1x16xf32>
      tpu.vector_store %arg7[%swap3A_467, %swap3A_468], %swap3A_471 {strides = array<i32>} : memref<128x128xf32, #tpu.memory_space<vmem>>, vector<1x16xf32>,
      %add3A_472 = arith.constant 1 : i32
      %add3A_473 = arith.addi %mul3A_278, %add3A_472 : i32
      %swap3A_474 = arith.index_cast %add3A_473 : i32 to index
      %swap3A_475 = arith.constant 80 : index
      %swap3A_476 = tpu.vector_load %arg7[%swap3A_474, %swap3A_475] {strides = array<i32>} : memref<128x128xf32, #tpu.memory_space<vmem>>, vector<1x16xf32>,
      %swap3A_477 = vector.shape_cast %swap3A_476 : vector<1x16xf32> to vector<16xf32>
      %swap3A_478 = vector.shape_cast %scan3A_435#5 : vector<16xf32> to vector<1x16xf32>
      tpu.vector_store %arg7[%swap3A_474, %swap3A_475], %swap3A_478 {strides = array<i32>} : memref<128x128xf32, #tpu.memory_space<vmem>>, vector<1x16xf32>,
      %add3A_479 = arith.constant 1 : i32
      %add3A_480 = arith.addi %mul3A_278, %add3A_479 : i32
      %swap3A_481 = arith.index_cast %add3A_480 : i32 to index
      %swap3A_482 = arith.constant 96 : index
      %swap3A_483 = tpu.vector_load %arg7[%swap3A_481, %swap3A_482] {strides = array<i32>} : memref<128x128xf32, #tpu.memory_space<vmem>>, vector<1x16xf32>,
      %swap3A_484 = vector.shape_cast %swap3A_483 : vector<1x16xf32> to vector<16xf32>
      %swap3A_485 = vector.shape_cast %scan3A_435#6 : vector<16xf32> to vector<1x16xf32>
      tpu.vector_store %arg7[%swap3A_481, %swap3A_482], %swap3A_485 {strides = array<i32>} : memref<128x128xf32, #tpu.memory_space<vmem>>, vector<1x16xf32>,
      %add3A_486 = arith.constant 1 : i32
      %add3A_487 = arith.addi %mul3A_278, %add3A_486 : i32
      %swap3A_488 = arith.index_cast %add3A_487 : i32 to index
      %swap3A_489 = arith.constant 112 : index
      %swap3A_490 = tpu.vector_load %arg7[%swap3A_488, %swap3A_489] {strides = array<i32>} : memref<128x128xf32, #tpu.memory_space<vmem>>, vector<1x16xf32>,
      %swap3A_491 = vector.shape_cast %swap3A_490 : vector<1x16xf32> to vector<16xf32>
      %swap3A_492 = vector.shape_cast %scan3A_435#7 : vector<16xf32> to vector<1x16xf32>
      tpu.vector_store %arg7[%swap3A_488, %swap3A_489], %swap3A_492 {strides = array<i32>} : memref<128x128xf32, #tpu.memory_space<vmem>>, vector<1x16xf32>,
      %add3A_493 = arith.constant 1 : i32
      %add3A_494 = arith.addi %mul3A_278, %add3A_493 : i32
      %add3A_495 = arith.constant 3 : i32
      %add3A_496 = arith.addi %add3A_494, %add3A_495 : i32
      %lt3A_497 = arith.constant 128 : i32
      %lt3A_498 = arith.cmpi slt, %add3A_496, %lt3A_497 : i32
      %convert_element_type3A_499 = arith.extui %lt3A_498 : i1 to i32
      %cond3A_500 = arith.constant 0 : i32
      %cond3A_501 = arith.cmpi ne, %convert_element_type3A_499, %cond3A_500 : i32
      scf.if %cond3A_501 {
        %add3A_616 = arith.constant 1 : i32
        %add3A_617 = arith.addi %mul3A_278, %add3A_616 : i32
        %add3A_618 = arith.constant 3 : i32
        %add3A_619 = arith.addi %add3A_617, %add3A_618 : i32
        %dma_start3A_620 = arith.constant 0 : i32
        %dma_start3A_621 = arith.constant 1 : i32
        %dma_start3A_622 = arith.constant 0 : i32
        %dma_start3A_623 = arith.constant 0 : i32
        %dma_start3A_624 = tpu.memref_slice %arg6[%dma_start3A_621, %dma_start3A_622, %dma_start3A_623] : memref<3x200x128xf32, #tpu.memory_space<vmem>> -> memref<1x100x128xf32, #tpu.memory_space<vmem>>
        %dma_start3A_625 = tpu.memref_squeeze %dma_start3A_624 : memref<1x100x128xf32, #tpu.memory_space<vmem>> -> memref<100x128xf32, #tpu.memory_space<vmem>>
        %dma_start3A_626 = arith.constant 0 : i32
        %dma_start3A_627 = tpu.memref_slice %arg5[%add3A_619, %dma_start3A_620, %dma_start3A_626] : memref<128x2x100xi32, #tpu.memory_space<vmem>> -> memref<1x1x100xi32, #tpu.memory_space<vmem>>
        %dma_start3A_628 = tpu.memref_squeeze %dma_start3A_627 : memref<1x1x100xi32, #tpu.memory_space<vmem>> -> memref<100xi32, #tpu.memory_space<vmem>>
        %dma_start3A_629 = arith.constant 0 : i32
        %dma_start3A_630 = arith.constant 0 : i32
        %dma_start3A_631 = tpu.memref_slice %arg3[%dma_start3A_629, %dma_start3A_630] : memref<100000x128xf32, #tpu.memory_space<hbm>> -> memref<100000x128xf32, #tpu.memory_space<hbm>>
        tpu.enqueue_indirect_dma source(%dma_start3A_631 : memref<100000x128xf32, #tpu.memory_space<hbm>>) target(%dma_start3A_625 : memref<100x128xf32, #tpu.memory_space<vmem>>) offsets(%dma_start3A_628 : memref<100xi32, #tpu.memory_space<vmem>>) semaphore(%arg9 : memref<!tpu.dma_semaphore, #tpu.memory_space<semaphore_mem>>)
        %dma_start3A_632 = arith.constant 1 : i32
        %dma_start3A_633 = arith.constant 1 : i32
        %dma_start3A_634 = arith.constant 100 : i32
        %dma_start3A_635 = arith.constant 0 : i32
        %dma_start3A_636 = tpu.memref_slice %arg6[%dma_start3A_633, %dma_start3A_634, %dma_start3A_635] : memref<3x200x128xf32, #tpu.memory_space<vmem>> -> memref<1x100x128xf32, #tpu.memory_space<vmem>>
        %dma_start3A_637 = tpu.memref_squeeze %dma_start3A_636 : memref<1x100x128xf32, #tpu.memory_space<vmem>> -> memref<100x128xf32, #tpu.memory_space<vmem>>
        %dma_start3A_638 = arith.constant 0 : i32
        %dma_start3A_639 = tpu.memref_slice %arg5[%add3A_619, %dma_start3A_632, %dma_start3A_638] : memref<128x2x100xi32, #tpu.memory_space<vmem>> -> memref<1x1x100xi32, #tpu.memory_space<vmem>>
        %dma_start3A_640 = tpu.memref_squeeze %dma_start3A_639 : memref<1x1x100xi32, #tpu.memory_space<vmem>> -> memref<100xi32, #tpu.memory_space<vmem>>
        %dma_start3A_641 = arith.constant 0 : i32
        %dma_start3A_642 = arith.constant 0 : i32
        %dma_start3A_643 = tpu.memref_slice %arg3[%dma_start3A_641, %dma_start3A_642] : memref<100000x128xf32, #tpu.memory_space<hbm>> -> memref<100000x128xf32, #tpu.memory_space<hbm>>
        tpu.enqueue_indirect_dma source(%dma_start3A_643 : memref<100000x128xf32, #tpu.memory_space<hbm>>) target(%dma_start3A_637 : memref<100x128xf32, #tpu.memory_space<vmem>>) offsets(%dma_start3A_640 : memref<100xi32, #tpu.memory_space<vmem>>) semaphore(%arg9 : memref<!tpu.dma_semaphore, #tpu.memory_space<semaphore_mem>>)
      } else {
      }
      %add3A_502 = arith.constant 2 : i32
      %add3A_503 = arith.addi %mul3A_278, %add3A_502 : i32
      %dma_wait3A_504 = arith.constant 0 : i32
      %dma_wait3A_505 = arith.constant 2 : i32
      %dma_wait3A_506 = arith.constant 0 : i32
      %dma_wait3A_507 = arith.constant 0 : i32
      %dma_wait3A_508 = tpu.memref_slice %arg6[%dma_wait3A_505, %dma_wait3A_506, %dma_wait3A_507] : memref<3x200x128xf32, #tpu.memory_space<vmem>> -> memref<1x100x128xf32, #tpu.memory_space<vmem>>
      %dma_wait3A_509 = tpu.memref_squeeze %dma_wait3A_508 : memref<1x100x128xf32, #tpu.memory_space<vmem>> -> memref<100x128xf32, #tpu.memory_space<vmem>>
      %dma_wait3A_510 = arith.constant 0 : i32
      %dma_wait3A_511 = tpu.memref_slice %arg5[%add3A_503, %dma_wait3A_504, %dma_wait3A_510] : memref<128x2x100xi32, #tpu.memory_space<vmem>> -> memref<1x1x100xi32, #tpu.memory_space<vmem>>
      %dma_wait3A_512 = tpu.memref_squeeze %dma_wait3A_511 : memref<1x1x100xi32, #tpu.memory_space<vmem>> -> memref<100xi32, #tpu.memory_space<vmem>>
      %dma_wait3A_513 = arith.constant 0 : i32
      %dma_wait3A_514 = arith.constant 0 : i32
      %dma_wait3A_515 = tpu.memref_slice %arg3[%dma_wait3A_513, %dma_wait3A_514] : memref<100000x128xf32, #tpu.memory_space<hbm>> -> memref<100000x128xf32, #tpu.memory_space<hbm>>
      tpu.wait_indirect_dma semaphore(%arg10 : memref<!tpu.dma_semaphore, #tpu.memory_space<semaphore_mem>>) src(%dma_wait3A_515 : memref<100000x128xf32, #tpu.memory_space<hbm>>) dst(%dma_wait3A_509 : memref<100x128xf32, #tpu.memory_space<vmem>>)
      %dma_wait3A_516 = arith.constant 1 : i32
      %dma_wait3A_517 = arith.constant 2 : i32
      %dma_wait3A_518 = arith.constant 100 : i32
      %dma_wait3A_519 = arith.constant 0 : i32
      %dma_wait3A_520 = tpu.memref_slice %arg6[%dma_wait3A_517, %dma_wait3A_518, %dma_wait3A_519] : memref<3x200x128xf32, #tpu.memory_space<vmem>> -> memref<1x100x128xf32, #tpu.memory_space<vmem>>
      %dma_wait3A_521 = tpu.memref_squeeze %dma_wait3A_520 : memref<1x100x128xf32, #tpu.memory_space<vmem>> -> memref<100x128xf32, #tpu.memory_space<vmem>>
      %dma_wait3A_522 = arith.constant 0 : i32
      %dma_wait3A_523 = tpu.memref_slice %arg5[%add3A_503, %dma_wait3A_516, %dma_wait3A_522] : memref<128x2x100xi32, #tpu.memory_space<vmem>> -> memref<1x1x100xi32, #tpu.memory_space<vmem>>
      %dma_wait3A_524 = tpu.memref_squeeze %dma_wait3A_523 : memref<1x1x100xi32, #tpu.memory_space<vmem>> -> memref<100xi32, #tpu.memory_space<vmem>>
      %dma_wait3A_525 = arith.constant 0 : i32
      %dma_wait3A_526 = arith.constant 0 : i32
      %dma_wait3A_527 = tpu.memref_slice %arg3[%dma_wait3A_525, %dma_wait3A_526] : memref<100000x128xf32, #tpu.memory_space<hbm>> -> memref<100000x128xf32, #tpu.memory_space<hbm>>
      tpu.wait_indirect_dma semaphore(%arg10 : memref<!tpu.dma_semaphore, #tpu.memory_space<semaphore_mem>>) src(%dma_wait3A_527 : memref<100000x128xf32, #tpu.memory_space<hbm>>) dst(%dma_wait3A_521 : memref<100x128xf32, #tpu.memory_space<vmem>>)
      %broadcast_in_dim3A_528 = arith.constant 0.000000e+00 : f32
      %broadcast_in_dim3A_529 = vector.broadcast %broadcast_in_dim3A_528 : f32 to vector<16xf32>
      %broadcast_in_dim3A_530 = arith.constant 0.000000e+00 : f32
      %broadcast_in_dim3A_531 = vector.broadcast %broadcast_in_dim3A_530 : f32 to vector<16xf32>
      %broadcast_in_dim3A_532 = arith.constant 0.000000e+00 : f32
      %broadcast_in_dim3A_533 = vector.broadcast %broadcast_in_dim3A_532 : f32 to vector<16xf32>
      %broadcast_in_dim3A_534 = arith.constant 0.000000e+00 : f32
      %broadcast_in_dim3A_535 = vector.broadcast %broadcast_in_dim3A_534 : f32 to vector<16xf32>
      %broadcast_in_dim3A_536 = arith.constant 0.000000e+00 : f32
      %broadcast_in_dim3A_537 = vector.broadcast %broadcast_in_dim3A_536 : f32 to vector<16xf32>
      %broadcast_in_dim3A_538 = arith.constant 0.000000e+00 : f32
      %broadcast_in_dim3A_539 = vector.broadcast %broadcast_in_dim3A_538 : f32 to vector<16xf32>
      %broadcast_in_dim3A_540 = arith.constant 0.000000e+00 : f32
      %broadcast_in_dim3A_541 = vector.broadcast %broadcast_in_dim3A_540 : f32 to vector<16xf32>
      %broadcast_in_dim3A_542 = arith.constant 0.000000e+00 : f32
      %broadcast_in_dim3A_543 = vector.broadcast %broadcast_in_dim3A_542 : f32 to vector<16xf32>
      %scan3A_544 = arith.constant 0 : i32
      %scan3A_545 = arith.constant 25 : i32
      %scan3A_546 = arith.addi %scan3A_544, %scan3A_545 : i32
      %scan3A_547 = arith.constant 1 : i32
      %scan3A_548:8 = scf.for %scan3A_616 = %scan3A_544 to %scan3A_546 step %scan3A_547 iter_args(%scan3A_617 = %broadcast_in_dim3A_529, %scan3A_618 = %broadcast_in_dim3A_531, %scan3A_619 = %broadcast_in_dim3A_533, %scan3A_620 = %broadcast_in_dim3A_535, %scan3A_621 = %broadcast_in_dim3A_537, %scan3A_622 = %broadcast_in_dim3A_539, %scan3A_623 = %broadcast_in_dim3A_541, %scan3A_624 = %broadcast_in_dim3A_543) -> (vector<16xf32>, vector<16xf32>, vector<16xf32>, vector<16xf32>, vector<16xf32>, vector<16xf32>, vector<16xf32>, vector<16xf32>)  : i32 {
        %mul3A_625 = arith.constant 8 : i32
        %mul3A_626 = arith.muli %scan3A_616, %mul3A_625 : i32
        %add3A_627 = arith.constant 0 : i32
        %add3A_628 = arith.addi %mul3A_626, %add3A_627 : i32
        %get3A = arith.constant 2 : i32
        %get3A_629 = arith.index_cast %get3A : i32 to index
        %get3A_630 = arith.index_cast %add3A_628 : i32 to index
        %get3A_631 = arith.constant 0 : index
        %get3A_632 = tpu.vector_load %arg6[%get3A_629, %get3A_630, %get3A_631] {strides = array<i32>} : memref<3x200x128xf32, #tpu.memory_space<vmem>>, vector<1x1x16xf32>,
        %get3A_633 = vector.shape_cast %get3A_632 : vector<1x1x16xf32> to vector<16xf32>
        %add3A_634 = arith.addf %scan3A_617, %get3A_633 : vector<16xf32>
        %add3A_635 = arith.constant 0 : i32
        %add3A_636 = arith.addi %mul3A_626, %add3A_635 : i32
        %get3A_637 = arith.constant 2 : i32
        %get3A_638 = arith.index_cast %get3A_637 : i32 to index
        %get3A_639 = arith.index_cast %add3A_636 : i32 to index
        %get3A_640 = arith.constant 16 : index
        %get3A_641 = tpu.vector_load %arg6[%get3A_638, %get3A_639, %get3A_640] {strides = array<i32>} : memref<3x200x128xf32, #tpu.memory_space<vmem>>, vector<1x1x16xf32>,
        %get3A_642 = vector.shape_cast %get3A_641 : vector<1x1x16xf32> to vector<16xf32>
        %add3A_643 = arith.addf %scan3A_618, %get3A_642 : vector<16xf32>
        %add3A_644 = arith.constant 0 : i32
        %add3A_645 = arith.addi %mul3A_626, %add3A_644 : i32
        %get3A_646 = arith.constant 2 : i32
        %get3A_647 = arith.index_cast %get3A_646 : i32 to index
        %get3A_648 = arith.index_cast %add3A_645 : i32 to index
        %get3A_649 = arith.constant 32 : index
        %get3A_650 = tpu.vector_load %arg6[%get3A_647, %get3A_648, %get3A_649] {strides = array<i32>} : memref<3x200x128xf32, #tpu.memory_space<vmem>>, vector<1x1x16xf32>,
        %get3A_651 = vector.shape_cast %get3A_650 : vector<1x1x16xf32> to vector<16xf32>
        %add3A_652 = arith.addf %scan3A_619, %get3A_651 : vector<16xf32>
        %add3A_653 = arith.constant 0 : i32
        %add3A_654 = arith.addi %mul3A_626, %add3A_653 : i32
        %get3A_655 = arith.constant 2 : i32
        %get3A_656 = arith.index_cast %get3A_655 : i32 to index
        %get3A_657 = arith.index_cast %add3A_654 : i32 to index
        %get3A_658 = arith.constant 48 : index
        %get3A_659 = tpu.vector_load %arg6[%get3A_656, %get3A_657, %get3A_658] {strides = array<i32>} : memref<3x200x128xf32, #tpu.memory_space<vmem>>, vector<1x1x16xf32>,
        %get3A_660 = vector.shape_cast %get3A_659 : vector<1x1x16xf32> to vector<16xf32>
        %add3A_661 = arith.addf %scan3A_620, %get3A_660 : vector<16xf32>
        %add3A_662 = arith.constant 0 : i32
        %add3A_663 = arith.addi %mul3A_626, %add3A_662 : i32
        %get3A_664 = arith.constant 2 : i32
        %get3A_665 = arith.index_cast %get3A_664 : i32 to index
        %get3A_666 = arith.index_cast %add3A_663 : i32 to index
        %get3A_667 = arith.constant 64 : index
        %get3A_668 = tpu.vector_load %arg6[%get3A_665, %get3A_666, %get3A_667] {strides = array<i32>} : memref<3x200x128xf32, #tpu.memory_space<vmem>>, vector<1x1x16xf32>,
        %get3A_669 = vector.shape_cast %get3A_668 : vector<1x1x16xf32> to vector<16xf32>
        %add3A_670 = arith.addf %scan3A_621, %get3A_669 : vector<16xf32>
        %add3A_671 = arith.constant 0 : i32
        %add3A_672 = arith.addi %mul3A_626, %add3A_671 : i32
        %get3A_673 = arith.constant 2 : i32
        %get3A_674 = arith.index_cast %get3A_673 : i32 to index
        %get3A_675 = arith.index_cast %add3A_672 : i32 to index
        %get3A_676 = arith.constant 80 : index
        %get3A_677 = tpu.vector_load %arg6[%get3A_674, %get3A_675, %get3A_676] {strides = array<i32>} : memref<3x200x128xf32, #tpu.memory_space<vmem>>, vector<1x1x16xf32>,
        %get3A_678 = vector.shape_cast %get3A_677 : vector<1x1x16xf32> to vector<16xf32>
        %add3A_679 = arith.addf %scan3A_622, %get3A_678 : vector<16xf32>
        %add3A_680 = arith.constant 0 : i32
        %add3A_681 = arith.addi %mul3A_626, %add3A_680 : i32
        %get3A_682 = arith.constant 2 : i32
        %get3A_683 = arith.index_cast %get3A_682 : i32 to index
        %get3A_684 = arith.index_cast %add3A_681 : i32 to index
        %get3A_685 = arith.constant 96 : index
        %get3A_686 = tpu.vector_load %arg6[%get3A_683, %get3A_684, %get3A_685] {strides = array<i32>} : memref<3x200x128xf32, #tpu.memory_space<vmem>>, vector<1x1x16xf32>,
        %get3A_687 = vector.shape_cast %get3A_686 : vector<1x1x16xf32> to vector<16xf32>
        %add3A_688 = arith.addf %scan3A_623, %get3A_687 : vector<16xf32>
        %add3A_689 = arith.constant 0 : i32
        %add3A_690 = arith.addi %mul3A_626, %add3A_689 : i32
        %get3A_691 = arith.constant 2 : i32
        %get3A_692 = arith.index_cast %get3A_691 : i32 to index
        %get3A_693 = arith.index_cast %add3A_690 : i32 to index
        %get3A_694 = arith.constant 112 : index
        %get3A_695 = tpu.vector_load %arg6[%get3A_692, %get3A_693, %get3A_694] {strides = array<i32>} : memref<3x200x128xf32, #tpu.memory_space<vmem>>, vector<1x1x16xf32>,
        %get3A_696 = vector.shape_cast %get3A_695 : vector<1x1x16xf32> to vector<16xf32>
        %add3A_697 = arith.addf %scan3A_624, %get3A_696 : vector<16xf32>
        %add3A_698 = arith.constant 1 : i32
        %add3A_699 = arith.addi %mul3A_626, %add3A_698 : i32
        %get3A_700 = arith.constant 2 : i32
        %get3A_701 = arith.index_cast %get3A_700 : i32 to index
        %get3A_702 = arith.index_cast %add3A_699 : i32 to index
        %get3A_703 = arith.constant 0 : index
        %get3A_704 = tpu.vector_load %arg6[%get3A_701, %get3A_702, %get3A_703] {strides = array<i32>} : memref<3x200x128xf32, #tpu.memory_space<vmem>>, vector<1x1x16xf32>,
        %get3A_705 = vector.shape_cast %get3A_704 : vector<1x1x16xf32> to vector<16xf32>
        %add3A_706 = arith.addf %add3A_634, %get3A_705 : vector<16xf32>
        %add3A_707 = arith.constant 1 : i32
        %add3A_708 = arith.addi %mul3A_626, %add3A_707 : i32
        %get3A_709 = arith.constant 2 : i32
        %get3A_710 = arith.index_cast %get3A_709 : i32 to index
        %get3A_711 = arith.index_cast %add3A_708 : i32 to index
        %get3A_712 = arith.constant 16 : index
        %get3A_713 = tpu.vector_load %arg6[%get3A_710, %get3A_711, %get3A_712] {strides = array<i32>} : memref<3x200x128xf32, #tpu.memory_space<vmem>>, vector<1x1x16xf32>,
        %get3A_714 = vector.shape_cast %get3A_713 : vector<1x1x16xf32> to vector<16xf32>
        %add3A_715 = arith.addf %add3A_643, %get3A_714 : vector<16xf32>
        %add3A_716 = arith.constant 1 : i32
        %add3A_717 = arith.addi %mul3A_626, %add3A_716 : i32
        %get3A_718 = arith.constant 2 : i32
        %get3A_719 = arith.index_cast %get3A_718 : i32 to index
        %get3A_720 = arith.index_cast %add3A_717 : i32 to index
        %get3A_721 = arith.constant 32 : index
        %get3A_722 = tpu.vector_load %arg6[%get3A_719, %get3A_720, %get3A_721] {strides = array<i32>} : memref<3x200x128xf32, #tpu.memory_space<vmem>>, vector<1x1x16xf32>,
        %get3A_723 = vector.shape_cast %get3A_722 : vector<1x1x16xf32> to vector<16xf32>
        %add3A_724 = arith.addf %add3A_652, %get3A_723 : vector<16xf32>
        %add3A_725 = arith.constant 1 : i32
        %add3A_726 = arith.addi %mul3A_626, %add3A_725 : i32
        %get3A_727 = arith.constant 2 : i32
        %get3A_728 = arith.index_cast %get3A_727 : i32 to index
        %get3A_729 = arith.index_cast %add3A_726 : i32 to index
        %get3A_730 = arith.constant 48 : index
        %get3A_731 = tpu.vector_load %arg6[%get3A_728, %get3A_729, %get3A_730] {strides = array<i32>} : memref<3x200x128xf32, #tpu.memory_space<vmem>>, vector<1x1x16xf32>,
        %get3A_732 = vector.shape_cast %get3A_731 : vector<1x1x16xf32> to vector<16xf32>
        %add3A_733 = arith.addf %add3A_661, %get3A_732 : vector<16xf32>
        %add3A_734 = arith.constant 1 : i32
        %add3A_735 = arith.addi %mul3A_626, %add3A_734 : i32
        %get3A_736 = arith.constant 2 : i32
        %get3A_737 = arith.index_cast %get3A_736 : i32 to index
        %get3A_738 = arith.index_cast %add3A_735 : i32 to index
        %get3A_739 = arith.constant 64 : index
        %get3A_740 = tpu.vector_load %arg6[%get3A_737, %get3A_738, %get3A_739] {strides = array<i32>} : memref<3x200x128xf32, #tpu.memory_space<vmem>>, vector<1x1x16xf32>,
        %get3A_741 = vector.shape_cast %get3A_740 : vector<1x1x16xf32> to vector<16xf32>
        %add3A_742 = arith.addf %add3A_670, %get3A_741 : vector<16xf32>
        %add3A_743 = arith.constant 1 : i32
        %add3A_744 = arith.addi %mul3A_626, %add3A_743 : i32
        %get3A_745 = arith.constant 2 : i32
        %get3A_746 = arith.index_cast %get3A_745 : i32 to index
        %get3A_747 = arith.index_cast %add3A_744 : i32 to index
        %get3A_748 = arith.constant 80 : index
        %get3A_749 = tpu.vector_load %arg6[%get3A_746, %get3A_747, %get3A_748] {strides = array<i32>} : memref<3x200x128xf32, #tpu.memory_space<vmem>>, vector<1x1x16xf32>,
        %get3A_750 = vector.shape_cast %get3A_749 : vector<1x1x16xf32> to vector<16xf32>
        %add3A_751 = arith.addf %add3A_679, %get3A_750 : vector<16xf32>
        %add3A_752 = arith.constant 1 : i32
        %add3A_753 = arith.addi %mul3A_626, %add3A_752 : i32
        %get3A_754 = arith.constant 2 : i32
        %get3A_755 = arith.index_cast %get3A_754 : i32 to index
        %get3A_756 = arith.index_cast %add3A_753 : i32 to index
        %get3A_757 = arith.constant 96 : index
        %get3A_758 = tpu.vector_load %arg6[%get3A_755, %get3A_756, %get3A_757] {strides = array<i32>} : memref<3x200x128xf32, #tpu.memory_space<vmem>>, vector<1x1x16xf32>,
        %get3A_759 = vector.shape_cast %get3A_758 : vector<1x1x16xf32> to vector<16xf32>
        %add3A_760 = arith.addf %add3A_688, %get3A_759 : vector<16xf32>
        %add3A_761 = arith.constant 1 : i32
        %add3A_762 = arith.addi %mul3A_626, %add3A_761 : i32
        %get3A_763 = arith.constant 2 : i32
        %get3A_764 = arith.index_cast %get3A_763 : i32 to index
        %get3A_765 = arith.index_cast %add3A_762 : i32 to index
        %get3A_766 = arith.constant 112 : index
        %get3A_767 = tpu.vector_load %arg6[%get3A_764, %get3A_765, %get3A_766] {strides = array<i32>} : memref<3x200x128xf32, #tpu.memory_space<vmem>>, vector<1x1x16xf32>,
        %get3A_768 = vector.shape_cast %get3A_767 : vector<1x1x16xf32> to vector<16xf32>
        %add3A_769 = arith.addf %add3A_697, %get3A_768 : vector<16xf32>
        %add3A_770 = arith.constant 2 : i32
        %add3A_771 = arith.addi %mul3A_626, %add3A_770 : i32
        %get3A_772 = arith.constant 2 : i32
        %get3A_773 = arith.index_cast %get3A_772 : i32 to index
        %get3A_774 = arith.index_cast %add3A_771 : i32 to index
        %get3A_775 = arith.constant 0 : index
        %get3A_776 = tpu.vector_load %arg6[%get3A_773, %get3A_774, %get3A_775] {strides = array<i32>} : memref<3x200x128xf32, #tpu.memory_space<vmem>>, vector<1x1x16xf32>,
        %get3A_777 = vector.shape_cast %get3A_776 : vector<1x1x16xf32> to vector<16xf32>
        %add3A_778 = arith.addf %add3A_706, %get3A_777 : vector<16xf32>
        %add3A_779 = arith.constant 2 : i32
        %add3A_780 = arith.addi %mul3A_626, %add3A_779 : i32
        %get3A_781 = arith.constant 2 : i32
        %get3A_782 = arith.index_cast %get3A_781 : i32 to index
        %get3A_783 = arith.index_cast %add3A_780 : i32 to index
        %get3A_784 = arith.constant 16 : index
        %get3A_785 = tpu.vector_load %arg6[%get3A_782, %get3A_783, %get3A_784] {strides = array<i32>} : memref<3x200x128xf32, #tpu.memory_space<vmem>>, vector<1x1x16xf32>,
        %get3A_786 = vector.shape_cast %get3A_785 : vector<1x1x16xf32> to vector<16xf32>
        %add3A_787 = arith.addf %add3A_715, %get3A_786 : vector<16xf32>
        %add3A_788 = arith.constant 2 : i32
        %add3A_789 = arith.addi %mul3A_626, %add3A_788 : i32
        %get3A_790 = arith.constant 2 : i32
        %get3A_791 = arith.index_cast %get3A_790 : i32 to index
        %get3A_792 = arith.index_cast %add3A_789 : i32 to index
        %get3A_793 = arith.constant 32 : index
        %get3A_794 = tpu.vector_load %arg6[%get3A_791, %get3A_792, %get3A_793] {strides = array<i32>} : memref<3x200x128xf32, #tpu.memory_space<vmem>>, vector<1x1x16xf32>,
        %get3A_795 = vector.shape_cast %get3A_794 : vector<1x1x16xf32> to vector<16xf32>
        %add3A_796 = arith.addf %add3A_724, %get3A_795 : vector<16xf32>
        %add3A_797 = arith.constant 2 : i32
        %add3A_798 = arith.addi %mul3A_626, %add3A_797 : i32
        %get3A_799 = arith.constant 2 : i32
        %get3A_800 = arith.index_cast %get3A_799 : i32 to index
        %get3A_801 = arith.index_cast %add3A_798 : i32 to index
        %get3A_802 = arith.constant 48 : index
        %get3A_803 = tpu.vector_load %arg6[%get3A_800, %get3A_801, %get3A_802] {strides = array<i32>} : memref<3x200x128xf32, #tpu.memory_space<vmem>>, vector<1x1x16xf32>,
        %get3A_804 = vector.shape_cast %get3A_803 : vector<1x1x16xf32> to vector<16xf32>
        %add3A_805 = arith.addf %add3A_733, %get3A_804 : vector<16xf32>
        %add3A_806 = arith.constant 2 : i32
        %add3A_807 = arith.addi %mul3A_626, %add3A_806 : i32
        %get3A_808 = arith.constant 2 : i32
        %get3A_809 = arith.index_cast %get3A_808 : i32 to index
        %get3A_810 = arith.index_cast %add3A_807 : i32 to index
        %get3A_811 = arith.constant 64 : index
        %get3A_812 = tpu.vector_load %arg6[%get3A_809, %get3A_810, %get3A_811] {strides = array<i32>} : memref<3x200x128xf32, #tpu.memory_space<vmem>>, vector<1x1x16xf32>,
        %get3A_813 = vector.shape_cast %get3A_812 : vector<1x1x16xf32> to vector<16xf32>
        %add3A_814 = arith.addf %add3A_742, %get3A_813 : vector<16xf32>
        %add3A_815 = arith.constant 2 : i32
        %add3A_816 = arith.addi %mul3A_626, %add3A_815 : i32
        %get3A_817 = arith.constant 2 : i32
        %get3A_818 = arith.index_cast %get3A_817 : i32 to index
        %get3A_819 = arith.index_cast %add3A_816 : i32 to index
        %get3A_820 = arith.constant 80 : index
        %get3A_821 = tpu.vector_load %arg6[%get3A_818, %get3A_819, %get3A_820] {strides = array<i32>} : memref<3x200x128xf32, #tpu.memory_space<vmem>>, vector<1x1x16xf32>,
        %get3A_822 = vector.shape_cast %get3A_821 : vector<1x1x16xf32> to vector<16xf32>
        %add3A_823 = arith.addf %add3A_751, %get3A_822 : vector<16xf32>
        %add3A_824 = arith.constant 2 : i32
        %add3A_825 = arith.addi %mul3A_626, %add3A_824 : i32
        %get3A_826 = arith.constant 2 : i32
        %get3A_827 = arith.index_cast %get3A_826 : i32 to index
        %get3A_828 = arith.index_cast %add3A_825 : i32 to index
        %get3A_829 = arith.constant 96 : index
        %get3A_830 = tpu.vector_load %arg6[%get3A_827, %get3A_828, %get3A_829] {strides = array<i32>} : memref<3x200x128xf32, #tpu.memory_space<vmem>>, vector<1x1x16xf32>,
        %get3A_831 = vector.shape_cast %get3A_830 : vector<1x1x16xf32> to vector<16xf32>
        %add3A_832 = arith.addf %add3A_760, %get3A_831 : vector<16xf32>
        %add3A_833 = arith.constant 2 : i32
        %add3A_834 = arith.addi %mul3A_626, %add3A_833 : i32
        %get3A_835 = arith.constant 2 : i32
        %get3A_836 = arith.index_cast %get3A_835 : i32 to index
        %get3A_837 = arith.index_cast %add3A_834 : i32 to index
        %get3A_838 = arith.constant 112 : index
        %get3A_839 = tpu.vector_load %arg6[%get3A_836, %get3A_837, %get3A_838] {strides = array<i32>} : memref<3x200x128xf32, #tpu.memory_space<vmem>>, vector<1x1x16xf32>,
        %get3A_840 = vector.shape_cast %get3A_839 : vector<1x1x16xf32> to vector<16xf32>
        %add3A_841 = arith.addf %add3A_769, %get3A_840 : vector<16xf32>
        %add3A_842 = arith.constant 3 : i32
        %add3A_843 = arith.addi %mul3A_626, %add3A_842 : i32
        %get3A_844 = arith.constant 2 : i32
        %get3A_845 = arith.index_cast %get3A_844 : i32 to index
        %get3A_846 = arith.index_cast %add3A_843 : i32 to index
        %get3A_847 = arith.constant 0 : index
        %get3A_848 = tpu.vector_load %arg6[%get3A_845, %get3A_846, %get3A_847] {strides = array<i32>} : memref<3x200x128xf32, #tpu.memory_space<vmem>>, vector<1x1x16xf32>,
        %get3A_849 = vector.shape_cast %get3A_848 : vector<1x1x16xf32> to vector<16xf32>
        %add3A_850 = arith.addf %add3A_778, %get3A_849 : vector<16xf32>
        %add3A_851 = arith.constant 3 : i32
        %add3A_852 = arith.addi %mul3A_626, %add3A_851 : i32
        %get3A_853 = arith.constant 2 : i32
        %get3A_854 = arith.index_cast %get3A_853 : i32 to index
        %get3A_855 = arith.index_cast %add3A_852 : i32 to index
        %get3A_856 = arith.constant 16 : index
        %get3A_857 = tpu.vector_load %arg6[%get3A_854, %get3A_855, %get3A_856] {strides = array<i32>} : memref<3x200x128xf32, #tpu.memory_space<vmem>>, vector<1x1x16xf32>,
        %get3A_858 = vector.shape_cast %get3A_857 : vector<1x1x16xf32> to vector<16xf32>
        %add3A_859 = arith.addf %add3A_787, %get3A_858 : vector<16xf32>
        %add3A_860 = arith.constant 3 : i32
        %add3A_861 = arith.addi %mul3A_626, %add3A_860 : i32
        %get3A_862 = arith.constant 2 : i32
        %get3A_863 = arith.index_cast %get3A_862 : i32 to index
        %get3A_864 = arith.index_cast %add3A_861 : i32 to index
        %get3A_865 = arith.constant 32 : index
        %get3A_866 = tpu.vector_load %arg6[%get3A_863, %get3A_864, %get3A_865] {strides = array<i32>} : memref<3x200x128xf32, #tpu.memory_space<vmem>>, vector<1x1x16xf32>,
        %get3A_867 = vector.shape_cast %get3A_866 : vector<1x1x16xf32> to vector<16xf32>
        %add3A_868 = arith.addf %add3A_796, %get3A_867 : vector<16xf32>
        %add3A_869 = arith.constant 3 : i32
        %add3A_870 = arith.addi %mul3A_626, %add3A_869 : i32
        %get3A_871 = arith.constant 2 : i32
        %get3A_872 = arith.index_cast %get3A_871 : i32 to index
        %get3A_873 = arith.index_cast %add3A_870 : i32 to index
        %get3A_874 = arith.constant 48 : index
        %get3A_875 = tpu.vector_load %arg6[%get3A_872, %get3A_873, %get3A_874] {strides = array<i32>} : memref<3x200x128xf32, #tpu.memory_space<vmem>>, vector<1x1x16xf32>,
        %get3A_876 = vector.shape_cast %get3A_875 : vector<1x1x16xf32> to vector<16xf32>
        %add3A_877 = arith.addf %add3A_805, %get3A_876 : vector<16xf32>
        %add3A_878 = arith.constant 3 : i32
        %add3A_879 = arith.addi %mul3A_626, %add3A_878 : i32
        %get3A_880 = arith.constant 2 : i32
        %get3A_881 = arith.index_cast %get3A_880 : i32 to index
        %get3A_882 = arith.index_cast %add3A_879 : i32 to index
        %get3A_883 = arith.constant 64 : index
        %get3A_884 = tpu.vector_load %arg6[%get3A_881, %get3A_882, %get3A_883] {strides = array<i32>} : memref<3x200x128xf32, #tpu.memory_space<vmem>>, vector<1x1x16xf32>,
        %get3A_885 = vector.shape_cast %get3A_884 : vector<1x1x16xf32> to vector<16xf32>
        %add3A_886 = arith.addf %add3A_814, %get3A_885 : vector<16xf32>
        %add3A_887 = arith.constant 3 : i32
        %add3A_888 = arith.addi %mul3A_626, %add3A_887 : i32
        %get3A_889 = arith.constant 2 : i32
        %get3A_890 = arith.index_cast %get3A_889 : i32 to index
        %get3A_891 = arith.index_cast %add3A_888 : i32 to index
        %get3A_892 = arith.constant 80 : index
        %get3A_893 = tpu.vector_load %arg6[%get3A_890, %get3A_891, %get3A_892] {strides = array<i32>} : memref<3x200x128xf32, #tpu.memory_space<vmem>>, vector<1x1x16xf32>,
        %get3A_894 = vector.shape_cast %get3A_893 : vector<1x1x16xf32> to vector<16xf32>
        %add3A_895 = arith.addf %add3A_823, %get3A_894 : vector<16xf32>
        %add3A_896 = arith.constant 3 : i32
        %add3A_897 = arith.addi %mul3A_626, %add3A_896 : i32
        %get3A_898 = arith.constant 2 : i32
        %get3A_899 = arith.index_cast %get3A_898 : i32 to index
        %get3A_900 = arith.index_cast %add3A_897 : i32 to index
        %get3A_901 = arith.constant 96 : index
        %get3A_902 = tpu.vector_load %arg6[%get3A_899, %get3A_900, %get3A_901] {strides = array<i32>} : memref<3x200x128xf32, #tpu.memory_space<vmem>>, vector<1x1x16xf32>,
        %get3A_903 = vector.shape_cast %get3A_902 : vector<1x1x16xf32> to vector<16xf32>
        %add3A_904 = arith.addf %add3A_832, %get3A_903 : vector<16xf32>
        %add3A_905 = arith.constant 3 : i32
        %add3A_906 = arith.addi %mul3A_626, %add3A_905 : i32
        %get3A_907 = arith.constant 2 : i32
        %get3A_908 = arith.index_cast %get3A_907 : i32 to index
        %get3A_909 = arith.index_cast %add3A_906 : i32 to index
        %get3A_910 = arith.constant 112 : index
        %get3A_911 = tpu.vector_load %arg6[%get3A_908, %get3A_909, %get3A_910] {strides = array<i32>} : memref<3x200x128xf32, #tpu.memory_space<vmem>>, vector<1x1x16xf32>,
        %get3A_912 = vector.shape_cast %get3A_911 : vector<1x1x16xf32> to vector<16xf32>
        %add3A_913 = arith.addf %add3A_841, %get3A_912 : vector<16xf32>
        %add3A_914 = arith.constant 4 : i32
        %add3A_915 = arith.addi %mul3A_626, %add3A_914 : i32
        %get3A_916 = arith.constant 2 : i32
        %get3A_917 = arith.index_cast %get3A_916 : i32 to index
        %get3A_918 = arith.index_cast %add3A_915 : i32 to index
        %get3A_919 = arith.constant 0 : index
        %get3A_920 = tpu.vector_load %arg6[%get3A_917, %get3A_918, %get3A_919] {strides = array<i32>} : memref<3x200x128xf32, #tpu.memory_space<vmem>>, vector<1x1x16xf32>,
        %get3A_921 = vector.shape_cast %get3A_920 : vector<1x1x16xf32> to vector<16xf32>
        %add3A_922 = arith.addf %add3A_850, %get3A_921 : vector<16xf32>
        %add3A_923 = arith.constant 4 : i32
        %add3A_924 = arith.addi %mul3A_626, %add3A_923 : i32
        %get3A_925 = arith.constant 2 : i32
        %get3A_926 = arith.index_cast %get3A_925 : i32 to index
        %get3A_927 = arith.index_cast %add3A_924 : i32 to index
        %get3A_928 = arith.constant 16 : index
        %get3A_929 = tpu.vector_load %arg6[%get3A_926, %get3A_927, %get3A_928] {strides = array<i32>} : memref<3x200x128xf32, #tpu.memory_space<vmem>>, vector<1x1x16xf32>,
        %get3A_930 = vector.shape_cast %get3A_929 : vector<1x1x16xf32> to vector<16xf32>
        %add3A_931 = arith.addf %add3A_859, %get3A_930 : vector<16xf32>
        %add3A_932 = arith.constant 4 : i32
        %add3A_933 = arith.addi %mul3A_626, %add3A_932 : i32
        %get3A_934 = arith.constant 2 : i32
        %get3A_935 = arith.index_cast %get3A_934 : i32 to index
        %get3A_936 = arith.index_cast %add3A_933 : i32 to index
        %get3A_937 = arith.constant 32 : index
        %get3A_938 = tpu.vector_load %arg6[%get3A_935, %get3A_936, %get3A_937] {strides = array<i32>} : memref<3x200x128xf32, #tpu.memory_space<vmem>>, vector<1x1x16xf32>,
        %get3A_939 = vector.shape_cast %get3A_938 : vector<1x1x16xf32> to vector<16xf32>
        %add3A_940 = arith.addf %add3A_868, %get3A_939 : vector<16xf32>
        %add3A_941 = arith.constant 4 : i32
        %add3A_942 = arith.addi %mul3A_626, %add3A_941 : i32
        %get3A_943 = arith.constant 2 : i32
        %get3A_944 = arith.index_cast %get3A_943 : i32 to index
        %get3A_945 = arith.index_cast %add3A_942 : i32 to index
        %get3A_946 = arith.constant 48 : index
        %get3A_947 = tpu.vector_load %arg6[%get3A_944, %get3A_945, %get3A_946] {strides = array<i32>} : memref<3x200x128xf32, #tpu.memory_space<vmem>>, vector<1x1x16xf32>,
        %get3A_948 = vector.shape_cast %get3A_947 : vector<1x1x16xf32> to vector<16xf32>
        %add3A_949 = arith.addf %add3A_877, %get3A_948 : vector<16xf32>
        %add3A_950 = arith.constant 4 : i32
        %add3A_951 = arith.addi %mul3A_626, %add3A_950 : i32
        %get3A_952 = arith.constant 2 : i32
        %get3A_953 = arith.index_cast %get3A_952 : i32 to index
        %get3A_954 = arith.index_cast %add3A_951 : i32 to index
        %get3A_955 = arith.constant 64 : index
        %get3A_956 = tpu.vector_load %arg6[%get3A_953, %get3A_954, %get3A_955] {strides = array<i32>} : memref<3x200x128xf32, #tpu.memory_space<vmem>>, vector<1x1x16xf32>,
        %get3A_957 = vector.shape_cast %get3A_956 : vector<1x1x16xf32> to vector<16xf32>
        %add3A_958 = arith.addf %add3A_886, %get3A_957 : vector<16xf32>
        %add3A_959 = arith.constant 4 : i32
        %add3A_960 = arith.addi %mul3A_626, %add3A_959 : i32
        %get3A_961 = arith.constant 2 : i32
        %get3A_962 = arith.index_cast %get3A_961 : i32 to index
        %get3A_963 = arith.index_cast %add3A_960 : i32 to index
        %get3A_964 = arith.constant 80 : index
        %get3A_965 = tpu.vector_load %arg6[%get3A_962, %get3A_963, %get3A_964] {strides = array<i32>} : memref<3x200x128xf32, #tpu.memory_space<vmem>>, vector<1x1x16xf32>,
        %get3A_966 = vector.shape_cast %get3A_965 : vector<1x1x16xf32> to vector<16xf32>
        %add3A_967 = arith.addf %add3A_895, %get3A_966 : vector<16xf32>
        %add3A_968 = arith.constant 4 : i32
        %add3A_969 = arith.addi %mul3A_626, %add3A_968 : i32
        %get3A_970 = arith.constant 2 : i32
        %get3A_971 = arith.index_cast %get3A_970 : i32 to index
        %get3A_972 = arith.index_cast %add3A_969 : i32 to index
        %get3A_973 = arith.constant 96 : index
        %get3A_974 = tpu.vector_load %arg6[%get3A_971, %get3A_972, %get3A_973] {strides = array<i32>} : memref<3x200x128xf32, #tpu.memory_space<vmem>>, vector<1x1x16xf32>,
        %get3A_975 = vector.shape_cast %get3A_974 : vector<1x1x16xf32> to vector<16xf32>
        %add3A_976 = arith.addf %add3A_904, %get3A_975 : vector<16xf32>
        %add3A_977 = arith.constant 4 : i32
        %add3A_978 = arith.addi %mul3A_626, %add3A_977 : i32
        %get3A_979 = arith.constant 2 : i32
        %get3A_980 = arith.index_cast %get3A_979 : i32 to index
        %get3A_981 = arith.index_cast %add3A_978 : i32 to index
        %get3A_982 = arith.constant 112 : index
        %get3A_983 = tpu.vector_load %arg6[%get3A_980, %get3A_981, %get3A_982] {strides = array<i32>} : memref<3x200x128xf32, #tpu.memory_space<vmem>>, vector<1x1x16xf32>,
        %get3A_984 = vector.shape_cast %get3A_983 : vector<1x1x16xf32> to vector<16xf32>
        %add3A_985 = arith.addf %add3A_913, %get3A_984 : vector<16xf32>
        %add3A_986 = arith.constant 5 : i32
        %add3A_987 = arith.addi %mul3A_626, %add3A_986 : i32
        %get3A_988 = arith.constant 2 : i32
        %get3A_989 = arith.index_cast %get3A_988 : i32 to index
        %get3A_990 = arith.index_cast %add3A_987 : i32 to index
        %get3A_991 = arith.constant 0 : index
        %get3A_992 = tpu.vector_load %arg6[%get3A_989, %get3A_990, %get3A_991] {strides = array<i32>} : memref<3x200x128xf32, #tpu.memory_space<vmem>>, vector<1x1x16xf32>,
        %get3A_993 = vector.shape_cast %get3A_992 : vector<1x1x16xf32> to vector<16xf32>
        %add3A_994 = arith.addf %add3A_922, %get3A_993 : vector<16xf32>
        %add3A_995 = arith.constant 5 : i32
        %add3A_996 = arith.addi %mul3A_626, %add3A_995 : i32
        %get3A_997 = arith.constant 2 : i32
        %get3A_998 = arith.index_cast %get3A_997 : i32 to index
        %get3A_999 = arith.index_cast %add3A_996 : i32 to index
        %get3A_1000 = arith.constant 16 : index
        %get3A_1001 = tpu.vector_load %arg6[%get3A_998, %get3A_999, %get3A_1000] {strides = array<i32>} : memref<3x200x128xf32, #tpu.memory_space<vmem>>, vector<1x1x16xf32>,
        %get3A_1002 = vector.shape_cast %get3A_1001 : vector<1x1x16xf32> to vector<16xf32>
        %add3A_1003 = arith.addf %add3A_931, %get3A_1002 : vector<16xf32>
        %add3A_1004 = arith.constant 5 : i32
        %add3A_1005 = arith.addi %mul3A_626, %add3A_1004 : i32
        %get3A_1006 = arith.constant 2 : i32
        %get3A_1007 = arith.index_cast %get3A_1006 : i32 to index
        %get3A_1008 = arith.index_cast %add3A_1005 : i32 to index
        %get3A_1009 = arith.constant 32 : index
        %get3A_1010 = tpu.vector_load %arg6[%get3A_1007, %get3A_1008, %get3A_1009] {strides = array<i32>} : memref<3x200x128xf32, #tpu.memory_space<vmem>>, vector<1x1x16xf32>,
        %get3A_1011 = vector.shape_cast %get3A_1010 : vector<1x1x16xf32> to vector<16xf32>
        %add3A_1012 = arith.addf %add3A_940, %get3A_1011 : vector<16xf32>
        %add3A_1013 = arith.constant 5 : i32
        %add3A_1014 = arith.addi %mul3A_626, %add3A_1013 : i32
        %get3A_1015 = arith.constant 2 : i32
        %get3A_1016 = arith.index_cast %get3A_1015 : i32 to index
        %get3A_1017 = arith.index_cast %add3A_1014 : i32 to index
        %get3A_1018 = arith.constant 48 : index
        %get3A_1019 = tpu.vector_load %arg6[%get3A_1016, %get3A_1017, %get3A_1018] {strides = array<i32>} : memref<3x200x128xf32, #tpu.memory_space<vmem>>, vector<1x1x16xf32>,
        %get3A_1020 = vector.shape_cast %get3A_1019 : vector<1x1x16xf32> to vector<16xf32>
        %add3A_1021 = arith.addf %add3A_949, %get3A_1020 : vector<16xf32>
        %add3A_1022 = arith.constant 5 : i32
        %add3A_1023 = arith.addi %mul3A_626, %add3A_1022 : i32
        %get3A_1024 = arith.constant 2 : i32
        %get3A_1025 = arith.index_cast %get3A_1024 : i32 to index
        %get3A_1026 = arith.index_cast %add3A_1023 : i32 to index
        %get3A_1027 = arith.constant 64 : index
        %get3A_1028 = tpu.vector_load %arg6[%get3A_1025, %get3A_1026, %get3A_1027] {strides = array<i32>} : memref<3x200x128xf32, #tpu.memory_space<vmem>>, vector<1x1x16xf32>,
        %get3A_1029 = vector.shape_cast %get3A_1028 : vector<1x1x16xf32> to vector<16xf32>
        %add3A_1030 = arith.addf %add3A_958, %get3A_1029 : vector<16xf32>
        %add3A_1031 = arith.constant 5 : i32
        %add3A_1032 = arith.addi %mul3A_626, %add3A_1031 : i32
        %get3A_1033 = arith.constant 2 : i32
        %get3A_1034 = arith.index_cast %get3A_1033 : i32 to index
        %get3A_1035 = arith.index_cast %add3A_1032 : i32 to index
        %get3A_1036 = arith.constant 80 : index
        %get3A_1037 = tpu.vector_load %arg6[%get3A_1034, %get3A_1035, %get3A_1036] {strides = array<i32>} : memref<3x200x128xf32, #tpu.memory_space<vmem>>, vector<1x1x16xf32>,
        %get3A_1038 = vector.shape_cast %get3A_1037 : vector<1x1x16xf32> to vector<16xf32>
        %add3A_1039 = arith.addf %add3A_967, %get3A_1038 : vector<16xf32>
        %add3A_1040 = arith.constant 5 : i32
        %add3A_1041 = arith.addi %mul3A_626, %add3A_1040 : i32
        %get3A_1042 = arith.constant 2 : i32
        %get3A_1043 = arith.index_cast %get3A_1042 : i32 to index
        %get3A_1044 = arith.index_cast %add3A_1041 : i32 to index
        %get3A_1045 = arith.constant 96 : index
        %get3A_1046 = tpu.vector_load %arg6[%get3A_1043, %get3A_1044, %get3A_1045] {strides = array<i32>} : memref<3x200x128xf32, #tpu.memory_space<vmem>>, vector<1x1x16xf32>,
        %get3A_1047 = vector.shape_cast %get3A_1046 : vector<1x1x16xf32> to vector<16xf32>
        %add3A_1048 = arith.addf %add3A_976, %get3A_1047 : vector<16xf32>
        %add3A_1049 = arith.constant 5 : i32
        %add3A_1050 = arith.addi %mul3A_626, %add3A_1049 : i32
        %get3A_1051 = arith.constant 2 : i32
        %get3A_1052 = arith.index_cast %get3A_1051 : i32 to index
        %get3A_1053 = arith.index_cast %add3A_1050 : i32 to index
        %get3A_1054 = arith.constant 112 : index
        %get3A_1055 = tpu.vector_load %arg6[%get3A_1052, %get3A_1053, %get3A_1054] {strides = array<i32>} : memref<3x200x128xf32, #tpu.memory_space<vmem>>, vector<1x1x16xf32>,
        %get3A_1056 = vector.shape_cast %get3A_1055 : vector<1x1x16xf32> to vector<16xf32>
        %add3A_1057 = arith.addf %add3A_985, %get3A_1056 : vector<16xf32>
        %add3A_1058 = arith.constant 6 : i32
        %add3A_1059 = arith.addi %mul3A_626, %add3A_1058 : i32
        %get3A_1060 = arith.constant 2 : i32
        %get3A_1061 = arith.index_cast %get3A_1060 : i32 to index
        %get3A_1062 = arith.index_cast %add3A_1059 : i32 to index
        %get3A_1063 = arith.constant 0 : index
        %get3A_1064 = tpu.vector_load %arg6[%get3A_1061, %get3A_1062, %get3A_1063] {strides = array<i32>} : memref<3x200x128xf32, #tpu.memory_space<vmem>>, vector<1x1x16xf32>,
        %get3A_1065 = vector.shape_cast %get3A_1064 : vector<1x1x16xf32> to vector<16xf32>
        %add3A_1066 = arith.addf %add3A_994, %get3A_1065 : vector<16xf32>
        %add3A_1067 = arith.constant 6 : i32
        %add3A_1068 = arith.addi %mul3A_626, %add3A_1067 : i32
        %get3A_1069 = arith.constant 2 : i32
        %get3A_1070 = arith.index_cast %get3A_1069 : i32 to index
        %get3A_1071 = arith.index_cast %add3A_1068 : i32 to index
        %get3A_1072 = arith.constant 16 : index
        %get3A_1073 = tpu.vector_load %arg6[%get3A_1070, %get3A_1071, %get3A_1072] {strides = array<i32>} : memref<3x200x128xf32, #tpu.memory_space<vmem>>, vector<1x1x16xf32>,
        %get3A_1074 = vector.shape_cast %get3A_1073 : vector<1x1x16xf32> to vector<16xf32>
        %add3A_1075 = arith.addf %add3A_1003, %get3A_1074 : vector<16xf32>
        %add3A_1076 = arith.constant 6 : i32
        %add3A_1077 = arith.addi %mul3A_626, %add3A_1076 : i32
        %get3A_1078 = arith.constant 2 : i32
        %get3A_1079 = arith.index_cast %get3A_1078 : i32 to index
        %get3A_1080 = arith.index_cast %add3A_1077 : i32 to index
        %get3A_1081 = arith.constant 32 : index
        %get3A_1082 = tpu.vector_load %arg6[%get3A_1079, %get3A_1080, %get3A_1081] {strides = array<i32>} : memref<3x200x128xf32, #tpu.memory_space<vmem>>, vector<1x1x16xf32>,
        %get3A_1083 = vector.shape_cast %get3A_1082 : vector<1x1x16xf32> to vector<16xf32>
        %add3A_1084 = arith.addf %add3A_1012, %get3A_1083 : vector<16xf32>
        %add3A_1085 = arith.constant 6 : i32
        %add3A_1086 = arith.addi %mul3A_626, %add3A_1085 : i32
        %get3A_1087 = arith.constant 2 : i32
        %get3A_1088 = arith.index_cast %get3A_1087 : i32 to index
        %get3A_1089 = arith.index_cast %add3A_1086 : i32 to index
        %get3A_1090 = arith.constant 48 : index
        %get3A_1091 = tpu.vector_load %arg6[%get3A_1088, %get3A_1089, %get3A_1090] {strides = array<i32>} : memref<3x200x128xf32, #tpu.memory_space<vmem>>, vector<1x1x16xf32>,
        %get3A_1092 = vector.shape_cast %get3A_1091 : vector<1x1x16xf32> to vector<16xf32>
        %add3A_1093 = arith.addf %add3A_1021, %get3A_1092 : vector<16xf32>
        %add3A_1094 = arith.constant 6 : i32
        %add3A_1095 = arith.addi %mul3A_626, %add3A_1094 : i32
        %get3A_1096 = arith.constant 2 : i32
        %get3A_1097 = arith.index_cast %get3A_1096 : i32 to index
        %get3A_1098 = arith.index_cast %add3A_1095 : i32 to index
        %get3A_1099 = arith.constant 64 : index
        %get3A_1100 = tpu.vector_load %arg6[%get3A_1097, %get3A_1098, %get3A_1099] {strides = array<i32>} : memref<3x200x128xf32, #tpu.memory_space<vmem>>, vector<1x1x16xf32>,
        %get3A_1101 = vector.shape_cast %get3A_1100 : vector<1x1x16xf32> to vector<16xf32>
        %add3A_1102 = arith.addf %add3A_1030, %get3A_1101 : vector<16xf32>
        %add3A_1103 = arith.constant 6 : i32
        %add3A_1104 = arith.addi %mul3A_626, %add3A_1103 : i32
        %get3A_1105 = arith.constant 2 : i32
        %get3A_1106 = arith.index_cast %get3A_1105 : i32 to index
        %get3A_1107 = arith.index_cast %add3A_1104 : i32 to index
        %get3A_1108 = arith.constant 80 : index
        %get3A_1109 = tpu.vector_load %arg6[%get3A_1106, %get3A_1107, %get3A_1108] {strides = array<i32>} : memref<3x200x128xf32, #tpu.memory_space<vmem>>, vector<1x1x16xf32>,
        %get3A_1110 = vector.shape_cast %get3A_1109 : vector<1x1x16xf32> to vector<16xf32>
        %add3A_1111 = arith.addf %add3A_1039, %get3A_1110 : vector<16xf32>
        %add3A_1112 = arith.constant 6 : i32
        %add3A_1113 = arith.addi %mul3A_626, %add3A_1112 : i32
        %get3A_1114 = arith.constant 2 : i32
        %get3A_1115 = arith.index_cast %get3A_1114 : i32 to index
        %get3A_1116 = arith.index_cast %add3A_1113 : i32 to index
        %get3A_1117 = arith.constant 96 : index
        %get3A_1118 = tpu.vector_load %arg6[%get3A_1115, %get3A_1116, %get3A_1117] {strides = array<i32>} : memref<3x200x128xf32, #tpu.memory_space<vmem>>, vector<1x1x16xf32>,
        %get3A_1119 = vector.shape_cast %get3A_1118 : vector<1x1x16xf32> to vector<16xf32>
        %add3A_1120 = arith.addf %add3A_1048, %get3A_1119 : vector<16xf32>
        %add3A_1121 = arith.constant 6 : i32
        %add3A_1122 = arith.addi %mul3A_626, %add3A_1121 : i32
        %get3A_1123 = arith.constant 2 : i32
        %get3A_1124 = arith.index_cast %get3A_1123 : i32 to index
        %get3A_1125 = arith.index_cast %add3A_1122 : i32 to index
        %get3A_1126 = arith.constant 112 : index
        %get3A_1127 = tpu.vector_load %arg6[%get3A_1124, %get3A_1125, %get3A_1126] {strides = array<i32>} : memref<3x200x128xf32, #tpu.memory_space<vmem>>, vector<1x1x16xf32>,
        %get3A_1128 = vector.shape_cast %get3A_1127 : vector<1x1x16xf32> to vector<16xf32>
        %add3A_1129 = arith.addf %add3A_1057, %get3A_1128 : vector<16xf32>
        %add3A_1130 = arith.constant 7 : i32
        %add3A_1131 = arith.addi %mul3A_626, %add3A_1130 : i32
        %get3A_1132 = arith.constant 2 : i32
        %get3A_1133 = arith.index_cast %get3A_1132 : i32 to index
        %get3A_1134 = arith.index_cast %add3A_1131 : i32 to index
        %get3A_1135 = arith.constant 0 : index
        %get3A_1136 = tpu.vector_load %arg6[%get3A_1133, %get3A_1134, %get3A_1135] {strides = array<i32>} : memref<3x200x128xf32, #tpu.memory_space<vmem>>, vector<1x1x16xf32>,
        %get3A_1137 = vector.shape_cast %get3A_1136 : vector<1x1x16xf32> to vector<16xf32>
        %add3A_1138 = arith.addf %add3A_1066, %get3A_1137 : vector<16xf32>
        %add3A_1139 = arith.constant 7 : i32
        %add3A_1140 = arith.addi %mul3A_626, %add3A_1139 : i32
        %get3A_1141 = arith.constant 2 : i32
        %get3A_1142 = arith.index_cast %get3A_1141 : i32 to index
        %get3A_1143 = arith.index_cast %add3A_1140 : i32 to index
        %get3A_1144 = arith.constant 16 : index
        %get3A_1145 = tpu.vector_load %arg6[%get3A_1142, %get3A_1143, %get3A_1144] {strides = array<i32>} : memref<3x200x128xf32, #tpu.memory_space<vmem>>, vector<1x1x16xf32>,
        %get3A_1146 = vector.shape_cast %get3A_1145 : vector<1x1x16xf32> to vector<16xf32>
        %add3A_1147 = arith.addf %add3A_1075, %get3A_1146 : vector<16xf32>
        %add3A_1148 = arith.constant 7 : i32
        %add3A_1149 = arith.addi %mul3A_626, %add3A_1148 : i32
        %get3A_1150 = arith.constant 2 : i32
        %get3A_1151 = arith.index_cast %get3A_1150 : i32 to index
        %get3A_1152 = arith.index_cast %add3A_1149 : i32 to index
        %get3A_1153 = arith.constant 32 : index
        %get3A_1154 = tpu.vector_load %arg6[%get3A_1151, %get3A_1152, %get3A_1153] {strides = array<i32>} : memref<3x200x128xf32, #tpu.memory_space<vmem>>, vector<1x1x16xf32>,
        %get3A_1155 = vector.shape_cast %get3A_1154 : vector<1x1x16xf32> to vector<16xf32>
        %add3A_1156 = arith.addf %add3A_1084, %get3A_1155 : vector<16xf32>
        %add3A_1157 = arith.constant 7 : i32
        %add3A_1158 = arith.addi %mul3A_626, %add3A_1157 : i32
        %get3A_1159 = arith.constant 2 : i32
        %get3A_1160 = arith.index_cast %get3A_1159 : i32 to index
        %get3A_1161 = arith.index_cast %add3A_1158 : i32 to index
        %get3A_1162 = arith.constant 48 : index
        %get3A_1163 = tpu.vector_load %arg6[%get3A_1160, %get3A_1161, %get3A_1162] {strides = array<i32>} : memref<3x200x128xf32, #tpu.memory_space<vmem>>, vector<1x1x16xf32>,
        %get3A_1164 = vector.shape_cast %get3A_1163 : vector<1x1x16xf32> to vector<16xf32>
        %add3A_1165 = arith.addf %add3A_1093, %get3A_1164 : vector<16xf32>
        %add3A_1166 = arith.constant 7 : i32
        %add3A_1167 = arith.addi %mul3A_626, %add3A_1166 : i32
        %get3A_1168 = arith.constant 2 : i32
        %get3A_1169 = arith.index_cast %get3A_1168 : i32 to index
        %get3A_1170 = arith.index_cast %add3A_1167 : i32 to index
        %get3A_1171 = arith.constant 64 : index
        %get3A_1172 = tpu.vector_load %arg6[%get3A_1169, %get3A_1170, %get3A_1171] {strides = array<i32>} : memref<3x200x128xf32, #tpu.memory_space<vmem>>, vector<1x1x16xf32>,
        %get3A_1173 = vector.shape_cast %get3A_1172 : vector<1x1x16xf32> to vector<16xf32>
        %add3A_1174 = arith.addf %add3A_1102, %get3A_1173 : vector<16xf32>
        %add3A_1175 = arith.constant 7 : i32
        %add3A_1176 = arith.addi %mul3A_626, %add3A_1175 : i32
        %get3A_1177 = arith.constant 2 : i32
        %get3A_1178 = arith.index_cast %get3A_1177 : i32 to index
        %get3A_1179 = arith.index_cast %add3A_1176 : i32 to index
        %get3A_1180 = arith.constant 80 : index
        %get3A_1181 = tpu.vector_load %arg6[%get3A_1178, %get3A_1179, %get3A_1180] {strides = array<i32>} : memref<3x200x128xf32, #tpu.memory_space<vmem>>, vector<1x1x16xf32>,
        %get3A_1182 = vector.shape_cast %get3A_1181 : vector<1x1x16xf32> to vector<16xf32>
        %add3A_1183 = arith.addf %add3A_1111, %get3A_1182 : vector<16xf32>
        %add3A_1184 = arith.constant 7 : i32
        %add3A_1185 = arith.addi %mul3A_626, %add3A_1184 : i32
        %get3A_1186 = arith.constant 2 : i32
        %get3A_1187 = arith.index_cast %get3A_1186 : i32 to index
        %get3A_1188 = arith.index_cast %add3A_1185 : i32 to index
        %get3A_1189 = arith.constant 96 : index
        %get3A_1190 = tpu.vector_load %arg6[%get3A_1187, %get3A_1188, %get3A_1189] {strides = array<i32>} : memref<3x200x128xf32, #tpu.memory_space<vmem>>, vector<1x1x16xf32>,
        %get3A_1191 = vector.shape_cast %get3A_1190 : vector<1x1x16xf32> to vector<16xf32>
        %add3A_1192 = arith.addf %add3A_1120, %get3A_1191 : vector<16xf32>
        %add3A_1193 = arith.constant 7 : i32
        %add3A_1194 = arith.addi %mul3A_626, %add3A_1193 : i32
        %get3A_1195 = arith.constant 2 : i32
        %get3A_1196 = arith.index_cast %get3A_1195 : i32 to index
        %get3A_1197 = arith.index_cast %add3A_1194 : i32 to index
        %get3A_1198 = arith.constant 112 : index
        %get3A_1199 = tpu.vector_load %arg6[%get3A_1196, %get3A_1197, %get3A_1198] {strides = array<i32>} : memref<3x200x128xf32, #tpu.memory_space<vmem>>, vector<1x1x16xf32>,
        %get3A_1200 = vector.shape_cast %get3A_1199 : vector<1x1x16xf32> to vector<16xf32>
        %add3A_1201 = arith.addf %add3A_1129, %get3A_1200 : vector<16xf32>
        scf.yield %add3A_1138, %add3A_1147, %add3A_1156, %add3A_1165, %add3A_1174, %add3A_1183, %add3A_1192, %add3A_1201 : vector<16xf32>, vector<16xf32>, vector<16xf32>, vector<16xf32>, vector<16xf32>, vector<16xf32>, vector<16xf32>, vector<16xf32>
      }
      %scan3A_549 = arith.constant 25 : i32
      %add3A_550 = arith.constant 2 : i32
      %add3A_551 = arith.addi %mul3A_278, %add3A_550 : i32
      %swap3A_552 = arith.index_cast %add3A_551 : i32 to index
      %swap3A_553 = arith.constant 0 : index
      %swap3A_554 = tpu.vector_load %arg7[%swap3A_552, %swap3A_553] {strides = array<i32>} : memref<128x128xf32, #tpu.memory_space<vmem>>, vector<1x16xf32>,
      %swap3A_555 = vector.shape_cast %swap3A_554 : vector<1x16xf32> to vector<16xf32>
      %swap3A_556 = vector.shape_cast %scan3A_548#0 : vector<16xf32> to vector<1x16xf32>
      tpu.vector_store %arg7[%swap3A_552, %swap3A_553], %swap3A_556 {strides = array<i32>} : memref<128x128xf32, #tpu.memory_space<vmem>>, vector<1x16xf32>,
      %add3A_557 = arith.constant 2 : i32
      %add3A_558 = arith.addi %mul3A_278, %add3A_557 : i32
      %swap3A_559 = arith.index_cast %add3A_558 : i32 to index
      %swap3A_560 = arith.constant 16 : index
      %swap3A_561 = tpu.vector_load %arg7[%swap3A_559, %swap3A_560] {strides = array<i32>} : memref<128x128xf32, #tpu.memory_space<vmem>>, vector<1x16xf32>,
      %swap3A_562 = vector.shape_cast %swap3A_561 : vector<1x16xf32> to vector<16xf32>
      %swap3A_563 = vector.shape_cast %scan3A_548#1 : vector<16xf32> to vector<1x16xf32>
      tpu.vector_store %arg7[%swap3A_559, %swap3A_560], %swap3A_563 {strides = array<i32>} : memref<128x128xf32, #tpu.memory_space<vmem>>, vector<1x16xf32>,
      %add3A_564 = arith.constant 2 : i32
      %add3A_565 = arith.addi %mul3A_278, %add3A_564 : i32
      %swap3A_566 = arith.index_cast %add3A_565 : i32 to index
      %swap3A_567 = arith.constant 32 : index
      %swap3A_568 = tpu.vector_load %arg7[%swap3A_566, %swap3A_567] {strides = array<i32>} : memref<128x128xf32, #tpu.memory_space<vmem>>, vector<1x16xf32>,
      %swap3A_569 = vector.shape_cast %swap3A_568 : vector<1x16xf32> to vector<16xf32>
      %swap3A_570 = vector.shape_cast %scan3A_548#2 : vector<16xf32> to vector<1x16xf32>
      tpu.vector_store %arg7[%swap3A_566, %swap3A_567], %swap3A_570 {strides = array<i32>} : memref<128x128xf32, #tpu.memory_space<vmem>>, vector<1x16xf32>,
      %add3A_571 = arith.constant 2 : i32
      %add3A_572 = arith.addi %mul3A_278, %add3A_571 : i32
      %swap3A_573 = arith.index_cast %add3A_572 : i32 to index
      %swap3A_574 = arith.constant 48 : index
      %swap3A_575 = tpu.vector_load %arg7[%swap3A_573, %swap3A_574] {strides = array<i32>} : memref<128x128xf32, #tpu.memory_space<vmem>>, vector<1x16xf32>,
      %swap3A_576 = vector.shape_cast %swap3A_575 : vector<1x16xf32> to vector<16xf32>
      %swap3A_577 = vector.shape_cast %scan3A_548#3 : vector<16xf32> to vector<1x16xf32>
      tpu.vector_store %arg7[%swap3A_573, %swap3A_574], %swap3A_577 {strides = array<i32>} : memref<128x128xf32, #tpu.memory_space<vmem>>, vector<1x16xf32>,
      %add3A_578 = arith.constant 2 : i32
      %add3A_579 = arith.addi %mul3A_278, %add3A_578 : i32
      %swap3A_580 = arith.index_cast %add3A_579 : i32 to index
      %swap3A_581 = arith.constant 64 : index
      %swap3A_582 = tpu.vector_load %arg7[%swap3A_580, %swap3A_581] {strides = array<i32>} : memref<128x128xf32, #tpu.memory_space<vmem>>, vector<1x16xf32>,
      %swap3A_583 = vector.shape_cast %swap3A_582 : vector<1x16xf32> to vector<16xf32>
      %swap3A_584 = vector.shape_cast %scan3A_548#4 : vector<16xf32> to vector<1x16xf32>
      tpu.vector_store %arg7[%swap3A_580, %swap3A_581], %swap3A_584 {strides = array<i32>} : memref<128x128xf32, #tpu.memory_space<vmem>>, vector<1x16xf32>,
      %add3A_585 = arith.constant 2 : i32
      %add3A_586 = arith.addi %mul3A_278, %add3A_585 : i32
      %swap3A_587 = arith.index_cast %add3A_586 : i32 to index
      %swap3A_588 = arith.constant 80 : index
      %swap3A_589 = tpu.vector_load %arg7[%swap3A_587, %swap3A_588] {strides = array<i32>} : memref<128x128xf32, #tpu.memory_space<vmem>>, vector<1x16xf32>,
      %swap3A_590 = vector.shape_cast %swap3A_589 : vector<1x16xf32> to vector<16xf32>
      %swap3A_591 = vector.shape_cast %scan3A_548#5 : vector<16xf32> to vector<1x16xf32>
      tpu.vector_store %arg7[%swap3A_587, %swap3A_588], %swap3A_591 {strides = array<i32>} : memref<128x128xf32, #tpu.memory_space<vmem>>, vector<1x16xf32>,
      %add3A_592 = arith.constant 2 : i32
      %add3A_593 = arith.addi %mul3A_278, %add3A_592 : i32
      %swap3A_594 = arith.index_cast %add3A_593 : i32 to index
      %swap3A_595 = arith.constant 96 : index
      %swap3A_596 = tpu.vector_load %arg7[%swap3A_594, %swap3A_595] {strides = array<i32>} : memref<128x128xf32, #tpu.memory_space<vmem>>, vector<1x16xf32>,
      %swap3A_597 = vector.shape_cast %swap3A_596 : vector<1x16xf32> to vector<16xf32>
      %swap3A_598 = vector.shape_cast %scan3A_548#6 : vector<16xf32> to vector<1x16xf32>
      tpu.vector_store %arg7[%swap3A_594, %swap3A_595], %swap3A_598 {strides = array<i32>} : memref<128x128xf32, #tpu.memory_space<vmem>>, vector<1x16xf32>,
      %add3A_599 = arith.constant 2 : i32
      %add3A_600 = arith.addi %mul3A_278, %add3A_599 : i32
      %swap3A_601 = arith.index_cast %add3A_600 : i32 to index
      %swap3A_602 = arith.constant 112 : index
      %swap3A_603 = tpu.vector_load %arg7[%swap3A_601, %swap3A_602] {strides = array<i32>} : memref<128x128xf32, #tpu.memory_space<vmem>>, vector<1x16xf32>,
      %swap3A_604 = vector.shape_cast %swap3A_603 : vector<1x16xf32> to vector<16xf32>
      %swap3A_605 = vector.shape_cast %scan3A_548#7 : vector<16xf32> to vector<1x16xf32>
      tpu.vector_store %arg7[%swap3A_601, %swap3A_602], %swap3A_605 {strides = array<i32>} : memref<128x128xf32, #tpu.memory_space<vmem>>, vector<1x16xf32>,
      %add3A_606 = arith.constant 2 : i32
      %add3A_607 = arith.addi %mul3A_278, %add3A_606 : i32
      %add3A_608 = arith.constant 3 : i32
      %add3A_609 = arith.addi %add3A_607, %add3A_608 : i32
      %lt3A_610 = arith.constant 128 : i32
      %lt3A_611 = arith.cmpi slt, %add3A_609, %lt3A_610 : i32
      %convert_element_type3A_612 = arith.extui %lt3A_611 : i1 to i32
      %cond3A_613 = arith.constant 0 : i32
      %cond3A_614 = arith.cmpi ne, %convert_element_type3A_612, %cond3A_613 : i32
      scf.if %cond3A_614 {
        %add3A_616 = arith.constant 2 : i32
        %add3A_617 = arith.addi %mul3A_278, %add3A_616 : i32
        %add3A_618 = arith.constant 3 : i32
        %add3A_619 = arith.addi %add3A_617, %add3A_618 : i32
        %dma_start3A_620 = arith.constant 0 : i32
        %dma_start3A_621 = arith.constant 2 : i32
        %dma_start3A_622 = arith.constant 0 : i32
        %dma_start3A_623 = arith.constant 0 : i32
        %dma_start3A_624 = tpu.memref_slice %arg6[%dma_start3A_621, %dma_start3A_622, %dma_start3A_623] : memref<3x200x128xf32, #tpu.memory_space<vmem>> -> memref<1x100x128xf32, #tpu.memory_space<vmem>>
        %dma_start3A_625 = tpu.memref_squeeze %dma_start3A_624 : memref<1x100x128xf32, #tpu.memory_space<vmem>> -> memref<100x128xf32, #tpu.memory_space<vmem>>
        %dma_start3A_626 = arith.constant 0 : i32
        %dma_start3A_627 = tpu.memref_slice %arg5[%add3A_619, %dma_start3A_620, %dma_start3A_626] : memref<128x2x100xi32, #tpu.memory_space<vmem>> -> memref<1x1x100xi32, #tpu.memory_space<vmem>>
        %dma_start3A_628 = tpu.memref_squeeze %dma_start3A_627 : memref<1x1x100xi32, #tpu.memory_space<vmem>> -> memref<100xi32, #tpu.memory_space<vmem>>
        %dma_start3A_629 = arith.constant 0 : i32
        %dma_start3A_630 = arith.constant 0 : i32
        %dma_start3A_631 = tpu.memref_slice %arg3[%dma_start3A_629, %dma_start3A_630] : memref<100000x128xf32, #tpu.memory_space<hbm>> -> memref<100000x128xf32, #tpu.memory_space<hbm>>
        tpu.enqueue_indirect_dma source(%dma_start3A_631 : memref<100000x128xf32, #tpu.memory_space<hbm>>) target(%dma_start3A_625 : memref<100x128xf32, #tpu.memory_space<vmem>>) offsets(%dma_start3A_628 : memref<100xi32, #tpu.memory_space<vmem>>) semaphore(%arg10 : memref<!tpu.dma_semaphore, #tpu.memory_space<semaphore_mem>>)
        %dma_start3A_632 = arith.constant 1 : i32
        %dma_start3A_633 = arith.constant 2 : i32
        %dma_start3A_634 = arith.constant 100 : i32
        %dma_start3A_635 = arith.constant 0 : i32
        %dma_start3A_636 = tpu.memref_slice %arg6[%dma_start3A_633, %dma_start3A_634, %dma_start3A_635] : memref<3x200x128xf32, #tpu.memory_space<vmem>> -> memref<1x100x128xf32, #tpu.memory_space<vmem>>
        %dma_start3A_637 = tpu.memref_squeeze %dma_start3A_636 : memref<1x100x128xf32, #tpu.memory_space<vmem>> -> memref<100x128xf32, #tpu.memory_space<vmem>>
        %dma_start3A_638 = arith.constant 0 : i32
        %dma_start3A_639 = tpu.memref_slice %arg5[%add3A_619, %dma_start3A_632, %dma_start3A_638] : memref<128x2x100xi32, #tpu.memory_space<vmem>> -> memref<1x1x100xi32, #tpu.memory_space<vmem>>
        %dma_start3A_640 = tpu.memref_squeeze %dma_start3A_639 : memref<1x1x100xi32, #tpu.memory_space<vmem>> -> memref<100xi32, #tpu.memory_space<vmem>>
        %dma_start3A_641 = arith.constant 0 : i32
        %dma_start3A_642 = arith.constant 0 : i32
        %dma_start3A_643 = tpu.memref_slice %arg3[%dma_start3A_641, %dma_start3A_642] : memref<100000x128xf32, #tpu.memory_space<hbm>> -> memref<100000x128xf32, #tpu.memory_space<hbm>>
        tpu.enqueue_indirect_dma source(%dma_start3A_643 : memref<100000x128xf32, #tpu.memory_space<hbm>>) target(%dma_start3A_637 : memref<100x128xf32, #tpu.memory_space<vmem>>) offsets(%dma_start3A_640 : memref<100xi32, #tpu.memory_space<vmem>>) semaphore(%arg10 : memref<!tpu.dma_semaphore, #tpu.memory_space<semaphore_mem>>)
      } else {
      }
      %scan3A_615 = arith.constant 0 : i32
      scf.yield %scan3A_615 : i32
    }
    %scan3A_85 = arith.constant 42 : i32
    %dma_wait3A = arith.constant 126 : i32
    %dma_wait3A_86 = arith.constant 0 : i32
    %dma_wait3A_87 = arith.constant 0 : i32
    %dma_wait3A_88 = arith.constant 0 : i32
    %dma_wait3A_89 = arith.constant 0 : i32
    %dma_wait3A_90 = tpu.memref_slice %arg6[%dma_wait3A_87, %dma_wait3A_88, %dma_wait3A_89] : memref<3x200x128xf32, #tpu.memory_space<vmem>> -> memref<1x100x128xf32, #tpu.memory_space<vmem>>
    %dma_wait3A_91 = tpu.memref_squeeze %dma_wait3A_90 : memref<1x100x128xf32, #tpu.memory_space<vmem>> -> memref<100x128xf32, #tpu.memory_space<vmem>>
    %dma_wait3A_92 = arith.constant 0 : i32
    %dma_wait3A_93 = tpu.memref_slice %arg5[%dma_wait3A, %dma_wait3A_86, %dma_wait3A_92] : memref<128x2x100xi32, #tpu.memory_space<vmem>> -> memref<1x1x100xi32, #tpu.memory_space<vmem>>
    %dma_wait3A_94 = tpu.memref_squeeze %dma_wait3A_93 : memref<1x1x100xi32, #tpu.memory_space<vmem>> -> memref<100xi32, #tpu.memory_space<vmem>>
    %dma_wait3A_95 = arith.constant 0 : i32
    %dma_wait3A_96 = arith.constant 0 : i32
    %dma_wait3A_97 = tpu.memref_slice %arg3[%dma_wait3A_95, %dma_wait3A_96] : memref<100000x128xf32, #tpu.memory_space<hbm>> -> memref<100000x128xf32, #tpu.memory_space<hbm>>
    tpu.wait_indirect_dma semaphore(%arg8 : memref<!tpu.dma_semaphore, #tpu.memory_space<semaphore_mem>>) src(%dma_wait3A_97 : memref<100000x128xf32, #tpu.memory_space<hbm>>) dst(%dma_wait3A_91 : memref<100x128xf32, #tpu.memory_space<vmem>>)
    %dma_wait3A_98 = arith.constant 126 : i32
    %dma_wait3A_99 = arith.constant 1 : i32
    %dma_wait3A_100 = arith.constant 0 : i32
    %dma_wait3A_101 = arith.constant 100 : i32
    %dma_wait3A_102 = arith.constant 0 : i32
    %dma_wait3A_103 = tpu.memref_slice %arg6[%dma_wait3A_100, %dma_wait3A_101, %dma_wait3A_102] : memref<3x200x128xf32, #tpu.memory_space<vmem>> -> memref<1x100x128xf32, #tpu.memory_space<vmem>>
    %dma_wait3A_104 = tpu.memref_squeeze %dma_wait3A_103 : memref<1x100x128xf32, #tpu.memory_space<vmem>> -> memref<100x128xf32, #tpu.memory_space<vmem>>
    %dma_wait3A_105 = arith.constant 0 : i32
    %dma_wait3A_106 = tpu.memref_slice %arg5[%dma_wait3A_98, %dma_wait3A_99, %dma_wait3A_105] : memref<128x2x100xi32, #tpu.memory_space<vmem>> -> memref<1x1x100xi32, #tpu.memory_space<vmem>>
    %dma_wait3A_107 = tpu.memref_squeeze %dma_wait3A_106 : memref<1x1x100xi32, #tpu.memory_space<vmem>> -> memref<100xi32, #tpu.memory_space<vmem>>
    %dma_wait3A_108 = arith.constant 0 : i32
    %dma_wait3A_109 = arith.constant 0 : i32
    %dma_wait3A_110 = tpu.memref_slice %arg3[%dma_wait3A_108, %dma_wait3A_109] : memref<100000x128xf32, #tpu.memory_space<hbm>> -> memref<100000x128xf32, #tpu.memory_space<hbm>>
    tpu.wait_indirect_dma semaphore(%arg8 : memref<!tpu.dma_semaphore, #tpu.memory_space<semaphore_mem>>) src(%dma_wait3A_110 : memref<100000x128xf32, #tpu.memory_space<hbm>>) dst(%dma_wait3A_104 : memref<100x128xf32, #tpu.memory_space<vmem>>)
    %broadcast_in_dim3A = arith.constant 0.000000e+00 : f32
    %broadcast_in_dim3A_111 = vector.broadcast %broadcast_in_dim3A : f32 to vector<16xf32>
    %broadcast_in_dim3A_112 = arith.constant 0.000000e+00 : f32
    %broadcast_in_dim3A_113 = vector.broadcast %broadcast_in_dim3A_112 : f32 to vector<16xf32>
    %broadcast_in_dim3A_114 = arith.constant 0.000000e+00 : f32
    %broadcast_in_dim3A_115 = vector.broadcast %broadcast_in_dim3A_114 : f32 to vector<16xf32>
    %broadcast_in_dim3A_116 = arith.constant 0.000000e+00 : f32
    %broadcast_in_dim3A_117 = vector.broadcast %broadcast_in_dim3A_116 : f32 to vector<16xf32>
    %broadcast_in_dim3A_118 = arith.constant 0.000000e+00 : f32
    %broadcast_in_dim3A_119 = vector.broadcast %broadcast_in_dim3A_118 : f32 to vector<16xf32>
    %broadcast_in_dim3A_120 = arith.constant 0.000000e+00 : f32
    %broadcast_in_dim3A_121 = vector.broadcast %broadcast_in_dim3A_120 : f32 to vector<16xf32>
    %broadcast_in_dim3A_122 = arith.constant 0.000000e+00 : f32
    %broadcast_in_dim3A_123 = vector.broadcast %broadcast_in_dim3A_122 : f32 to vector<16xf32>
    %broadcast_in_dim3A_124 = arith.constant 0.000000e+00 : f32
    %broadcast_in_dim3A_125 = vector.broadcast %broadcast_in_dim3A_124 : f32 to vector<16xf32>
    %scan3A_126 = arith.constant 0 : i32
    %scan3A_127 = arith.constant 25 : i32
    %scan3A_128 = arith.addi %scan3A_126, %scan3A_127 : i32
    %scan3A_129 = arith.constant 1 : i32
    %scan3A_130:8 = scf.for %scan3A_275 = %scan3A_126 to %scan3A_128 step %scan3A_129 iter_args(%scan3A_276 = %broadcast_in_dim3A_111, %scan3A_277 = %broadcast_in_dim3A_113, %scan3A_278 = %broadcast_in_dim3A_115, %scan3A_279 = %broadcast_in_dim3A_117, %scan3A_280 = %broadcast_in_dim3A_119, %scan3A_281 = %broadcast_in_dim3A_121, %scan3A_282 = %broadcast_in_dim3A_123, %scan3A_283 = %broadcast_in_dim3A_125) -> (vector<16xf32>, vector<16xf32>, vector<16xf32>, vector<16xf32>, vector<16xf32>, vector<16xf32>, vector<16xf32>, vector<16xf32>)  : i32 {
      %mul3A_284 = arith.constant 8 : i32
      %mul3A_285 = arith.muli %scan3A_275, %mul3A_284 : i32
      %add3A_286 = arith.constant 0 : i32
      %add3A_287 = arith.addi %mul3A_285, %add3A_286 : i32
      %get3A = arith.constant 0 : i32
      %get3A_288 = arith.index_cast %get3A : i32 to index
      %get3A_289 = arith.index_cast %add3A_287 : i32 to index
      %get3A_290 = arith.constant 0 : index
      %get3A_291 = tpu.vector_load %arg6[%get3A_288, %get3A_289, %get3A_290] {strides = array<i32>} : memref<3x200x128xf32, #tpu.memory_space<vmem>>, vector<1x1x16xf32>,
      %get3A_292 = vector.shape_cast %get3A_291 : vector<1x1x16xf32> to vector<16xf32>
      %add3A_293 = arith.addf %scan3A_276, %get3A_292 : vector<16xf32>
      %add3A_294 = arith.constant 0 : i32
      %add3A_295 = arith.addi %mul3A_285, %add3A_294 : i32
      %get3A_296 = arith.constant 0 : i32
      %get3A_297 = arith.index_cast %get3A_296 : i32 to index
      %get3A_298 = arith.index_cast %add3A_295 : i32 to index
      %get3A_299 = arith.constant 16 : index
      %get3A_300 = tpu.vector_load %arg6[%get3A_297, %get3A_298, %get3A_299] {strides = array<i32>} : memref<3x200x128xf32, #tpu.memory_space<vmem>>, vector<1x1x16xf32>,
      %get3A_301 = vector.shape_cast %get3A_300 : vector<1x1x16xf32> to vector<16xf32>
      %add3A_302 = arith.addf %scan3A_277, %get3A_301 : vector<16xf32>
      %add3A_303 = arith.constant 0 : i32
      %add3A_304 = arith.addi %mul3A_285, %add3A_303 : i32
      %get3A_305 = arith.constant 0 : i32
      %get3A_306 = arith.index_cast %get3A_305 : i32 to index
      %get3A_307 = arith.index_cast %add3A_304 : i32 to index
      %get3A_308 = arith.constant 32 : index
      %get3A_309 = tpu.vector_load %arg6[%get3A_306, %get3A_307, %get3A_308] {strides = array<i32>} : memref<3x200x128xf32, #tpu.memory_space<vmem>>, vector<1x1x16xf32>,
      %get3A_310 = vector.shape_cast %get3A_309 : vector<1x1x16xf32> to vector<16xf32>
      %add3A_311 = arith.addf %scan3A_278, %get3A_310 : vector<16xf32>
      %add3A_312 = arith.constant 0 : i32
      %add3A_313 = arith.addi %mul3A_285, %add3A_312 : i32
      %get3A_314 = arith.constant 0 : i32
      %get3A_315 = arith.index_cast %get3A_314 : i32 to index
      %get3A_316 = arith.index_cast %add3A_313 : i32 to index
      %get3A_317 = arith.constant 48 : index
      %get3A_318 = tpu.vector_load %arg6[%get3A_315, %get3A_316, %get3A_317] {strides = array<i32>} : memref<3x200x128xf32, #tpu.memory_space<vmem>>, vector<1x1x16xf32>,
      %get3A_319 = vector.shape_cast %get3A_318 : vector<1x1x16xf32> to vector<16xf32>
      %add3A_320 = arith.addf %scan3A_279, %get3A_319 : vector<16xf32>
      %add3A_321 = arith.constant 0 : i32
      %add3A_322 = arith.addi %mul3A_285, %add3A_321 : i32
      %get3A_323 = arith.constant 0 : i32
      %get3A_324 = arith.index_cast %get3A_323 : i32 to index
      %get3A_325 = arith.index_cast %add3A_322 : i32 to index
      %get3A_326 = arith.constant 64 : index
      %get3A_327 = tpu.vector_load %arg6[%get3A_324, %get3A_325, %get3A_326] {strides = array<i32>} : memref<3x200x128xf32, #tpu.memory_space<vmem>>, vector<1x1x16xf32>,
      %get3A_328 = vector.shape_cast %get3A_327 : vector<1x1x16xf32> to vector<16xf32>
      %add3A_329 = arith.addf %scan3A_280, %get3A_328 : vector<16xf32>
      %add3A_330 = arith.constant 0 : i32
      %add3A_331 = arith.addi %mul3A_285, %add3A_330 : i32
      %get3A_332 = arith.constant 0 : i32
      %get3A_333 = arith.index_cast %get3A_332 : i32 to index
      %get3A_334 = arith.index_cast %add3A_331 : i32 to index
      %get3A_335 = arith.constant 80 : index
      %get3A_336 = tpu.vector_load %arg6[%get3A_333, %get3A_334, %get3A_335] {strides = array<i32>} : memref<3x200x128xf32, #tpu.memory_space<vmem>>, vector<1x1x16xf32>,
      %get3A_337 = vector.shape_cast %get3A_336 : vector<1x1x16xf32> to vector<16xf32>
      %add3A_338 = arith.addf %scan3A_281, %get3A_337 : vector<16xf32>
      %add3A_339 = arith.constant 0 : i32
      %add3A_340 = arith.addi %mul3A_285, %add3A_339 : i32
      %get3A_341 = arith.constant 0 : i32
      %get3A_342 = arith.index_cast %get3A_341 : i32 to index
      %get3A_343 = arith.index_cast %add3A_340 : i32 to index
      %get3A_344 = arith.constant 96 : index
      %get3A_345 = tpu.vector_load %arg6[%get3A_342, %get3A_343, %get3A_344] {strides = array<i32>} : memref<3x200x128xf32, #tpu.memory_space<vmem>>, vector<1x1x16xf32>,
      %get3A_346 = vector.shape_cast %get3A_345 : vector<1x1x16xf32> to vector<16xf32>
      %add3A_347 = arith.addf %scan3A_282, %get3A_346 : vector<16xf32>
      %add3A_348 = arith.constant 0 : i32
      %add3A_349 = arith.addi %mul3A_285, %add3A_348 : i32
      %get3A_350 = arith.constant 0 : i32
      %get3A_351 = arith.index_cast %get3A_350 : i32 to index
      %get3A_352 = arith.index_cast %add3A_349 : i32 to index
      %get3A_353 = arith.constant 112 : index
      %get3A_354 = tpu.vector_load %arg6[%get3A_351, %get3A_352, %get3A_353] {strides = array<i32>} : memref<3x200x128xf32, #tpu.memory_space<vmem>>, vector<1x1x16xf32>,
      %get3A_355 = vector.shape_cast %get3A_354 : vector<1x1x16xf32> to vector<16xf32>
      %add3A_356 = arith.addf %scan3A_283, %get3A_355 : vector<16xf32>
      %add3A_357 = arith.constant 1 : i32
      %add3A_358 = arith.addi %mul3A_285, %add3A_357 : i32
      %get3A_359 = arith.constant 0 : i32
      %get3A_360 = arith.index_cast %get3A_359 : i32 to index
      %get3A_361 = arith.index_cast %add3A_358 : i32 to index
      %get3A_362 = arith.constant 0 : index
      %get3A_363 = tpu.vector_load %arg6[%get3A_360, %get3A_361, %get3A_362] {strides = array<i32>} : memref<3x200x128xf32, #tpu.memory_space<vmem>>, vector<1x1x16xf32>,
      %get3A_364 = vector.shape_cast %get3A_363 : vector<1x1x16xf32> to vector<16xf32>
      %add3A_365 = arith.addf %add3A_293, %get3A_364 : vector<16xf32>
      %add3A_366 = arith.constant 1 : i32
      %add3A_367 = arith.addi %mul3A_285, %add3A_366 : i32
      %get3A_368 = arith.constant 0 : i32
      %get3A_369 = arith.index_cast %get3A_368 : i32 to index
      %get3A_370 = arith.index_cast %add3A_367 : i32 to index
      %get3A_371 = arith.constant 16 : index
      %get3A_372 = tpu.vector_load %arg6[%get3A_369, %get3A_370, %get3A_371] {strides = array<i32>} : memref<3x200x128xf32, #tpu.memory_space<vmem>>, vector<1x1x16xf32>,
      %get3A_373 = vector.shape_cast %get3A_372 : vector<1x1x16xf32> to vector<16xf32>
      %add3A_374 = arith.addf %add3A_302, %get3A_373 : vector<16xf32>
      %add3A_375 = arith.constant 1 : i32
      %add3A_376 = arith.addi %mul3A_285, %add3A_375 : i32
      %get3A_377 = arith.constant 0 : i32
      %get3A_378 = arith.index_cast %get3A_377 : i32 to index
      %get3A_379 = arith.index_cast %add3A_376 : i32 to index
      %get3A_380 = arith.constant 32 : index
      %get3A_381 = tpu.vector_load %arg6[%get3A_378, %get3A_379, %get3A_380] {strides = array<i32>} : memref<3x200x128xf32, #tpu.memory_space<vmem>>, vector<1x1x16xf32>,
      %get3A_382 = vector.shape_cast %get3A_381 : vector<1x1x16xf32> to vector<16xf32>
      %add3A_383 = arith.addf %add3A_311, %get3A_382 : vector<16xf32>
      %add3A_384 = arith.constant 1 : i32
      %add3A_385 = arith.addi %mul3A_285, %add3A_384 : i32
      %get3A_386 = arith.constant 0 : i32
      %get3A_387 = arith.index_cast %get3A_386 : i32 to index
      %get3A_388 = arith.index_cast %add3A_385 : i32 to index
      %get3A_389 = arith.constant 48 : index
      %get3A_390 = tpu.vector_load %arg6[%get3A_387, %get3A_388, %get3A_389] {strides = array<i32>} : memref<3x200x128xf32, #tpu.memory_space<vmem>>, vector<1x1x16xf32>,
      %get3A_391 = vector.shape_cast %get3A_390 : vector<1x1x16xf32> to vector<16xf32>
      %add3A_392 = arith.addf %add3A_320, %get3A_391 : vector<16xf32>
      %add3A_393 = arith.constant 1 : i32
      %add3A_394 = arith.addi %mul3A_285, %add3A_393 : i32
      %get3A_395 = arith.constant 0 : i32
      %get3A_396 = arith.index_cast %get3A_395 : i32 to index
      %get3A_397 = arith.index_cast %add3A_394 : i32 to index
      %get3A_398 = arith.constant 64 : index
      %get3A_399 = tpu.vector_load %arg6[%get3A_396, %get3A_397, %get3A_398] {strides = array<i32>} : memref<3x200x128xf32, #tpu.memory_space<vmem>>, vector<1x1x16xf32>,
      %get3A_400 = vector.shape_cast %get3A_399 : vector<1x1x16xf32> to vector<16xf32>
      %add3A_401 = arith.addf %add3A_329, %get3A_400 : vector<16xf32>
      %add3A_402 = arith.constant 1 : i32
      %add3A_403 = arith.addi %mul3A_285, %add3A_402 : i32
      %get3A_404 = arith.constant 0 : i32
      %get3A_405 = arith.index_cast %get3A_404 : i32 to index
      %get3A_406 = arith.index_cast %add3A_403 : i32 to index
      %get3A_407 = arith.constant 80 : index
      %get3A_408 = tpu.vector_load %arg6[%get3A_405, %get3A_406, %get3A_407] {strides = array<i32>} : memref<3x200x128xf32, #tpu.memory_space<vmem>>, vector<1x1x16xf32>,
      %get3A_409 = vector.shape_cast %get3A_408 : vector<1x1x16xf32> to vector<16xf32>
      %add3A_410 = arith.addf %add3A_338, %get3A_409 : vector<16xf32>
      %add3A_411 = arith.constant 1 : i32
      %add3A_412 = arith.addi %mul3A_285, %add3A_411 : i32
      %get3A_413 = arith.constant 0 : i32
      %get3A_414 = arith.index_cast %get3A_413 : i32 to index
      %get3A_415 = arith.index_cast %add3A_412 : i32 to index
      %get3A_416 = arith.constant 96 : index
      %get3A_417 = tpu.vector_load %arg6[%get3A_414, %get3A_415, %get3A_416] {strides = array<i32>} : memref<3x200x128xf32, #tpu.memory_space<vmem>>, vector<1x1x16xf32>,
      %get3A_418 = vector.shape_cast %get3A_417 : vector<1x1x16xf32> to vector<16xf32>
      %add3A_419 = arith.addf %add3A_347, %get3A_418 : vector<16xf32>
      %add3A_420 = arith.constant 1 : i32
      %add3A_421 = arith.addi %mul3A_285, %add3A_420 : i32
      %get3A_422 = arith.constant 0 : i32
      %get3A_423 = arith.index_cast %get3A_422 : i32 to index
      %get3A_424 = arith.index_cast %add3A_421 : i32 to index
      %get3A_425 = arith.constant 112 : index
      %get3A_426 = tpu.vector_load %arg6[%get3A_423, %get3A_424, %get3A_425] {strides = array<i32>} : memref<3x200x128xf32, #tpu.memory_space<vmem>>, vector<1x1x16xf32>,
      %get3A_427 = vector.shape_cast %get3A_426 : vector<1x1x16xf32> to vector<16xf32>
      %add3A_428 = arith.addf %add3A_356, %get3A_427 : vector<16xf32>
      %add3A_429 = arith.constant 2 : i32
      %add3A_430 = arith.addi %mul3A_285, %add3A_429 : i32
      %get3A_431 = arith.constant 0 : i32
      %get3A_432 = arith.index_cast %get3A_431 : i32 to index
      %get3A_433 = arith.index_cast %add3A_430 : i32 to index
      %get3A_434 = arith.constant 0 : index
      %get3A_435 = tpu.vector_load %arg6[%get3A_432, %get3A_433, %get3A_434] {strides = array<i32>} : memref<3x200x128xf32, #tpu.memory_space<vmem>>, vector<1x1x16xf32>,
      %get3A_436 = vector.shape_cast %get3A_435 : vector<1x1x16xf32> to vector<16xf32>
      %add3A_437 = arith.addf %add3A_365, %get3A_436 : vector<16xf32>
      %add3A_438 = arith.constant 2 : i32
      %add3A_439 = arith.addi %mul3A_285, %add3A_438 : i32
      %get3A_440 = arith.constant 0 : i32
      %get3A_441 = arith.index_cast %get3A_440 : i32 to index
      %get3A_442 = arith.index_cast %add3A_439 : i32 to index
      %get3A_443 = arith.constant 16 : index
      %get3A_444 = tpu.vector_load %arg6[%get3A_441, %get3A_442, %get3A_443] {strides = array<i32>} : memref<3x200x128xf32, #tpu.memory_space<vmem>>, vector<1x1x16xf32>,
      %get3A_445 = vector.shape_cast %get3A_444 : vector<1x1x16xf32> to vector<16xf32>
      %add3A_446 = arith.addf %add3A_374, %get3A_445 : vector<16xf32>
      %add3A_447 = arith.constant 2 : i32
      %add3A_448 = arith.addi %mul3A_285, %add3A_447 : i32
      %get3A_449 = arith.constant 0 : i32
      %get3A_450 = arith.index_cast %get3A_449 : i32 to index
      %get3A_451 = arith.index_cast %add3A_448 : i32 to index
      %get3A_452 = arith.constant 32 : index
      %get3A_453 = tpu.vector_load %arg6[%get3A_450, %get3A_451, %get3A_452] {strides = array<i32>} : memref<3x200x128xf32, #tpu.memory_space<vmem>>, vector<1x1x16xf32>,
      %get3A_454 = vector.shape_cast %get3A_453 : vector<1x1x16xf32> to vector<16xf32>
      %add3A_455 = arith.addf %add3A_383, %get3A_454 : vector<16xf32>
      %add3A_456 = arith.constant 2 : i32
      %add3A_457 = arith.addi %mul3A_285, %add3A_456 : i32
      %get3A_458 = arith.constant 0 : i32
      %get3A_459 = arith.index_cast %get3A_458 : i32 to index
      %get3A_460 = arith.index_cast %add3A_457 : i32 to index
      %get3A_461 = arith.constant 48 : index
      %get3A_462 = tpu.vector_load %arg6[%get3A_459, %get3A_460, %get3A_461] {strides = array<i32>} : memref<3x200x128xf32, #tpu.memory_space<vmem>>, vector<1x1x16xf32>,
      %get3A_463 = vector.shape_cast %get3A_462 : vector<1x1x16xf32> to vector<16xf32>
      %add3A_464 = arith.addf %add3A_392, %get3A_463 : vector<16xf32>
      %add3A_465 = arith.constant 2 : i32
      %add3A_466 = arith.addi %mul3A_285, %add3A_465 : i32
      %get3A_467 = arith.constant 0 : i32
      %get3A_468 = arith.index_cast %get3A_467 : i32 to index
      %get3A_469 = arith.index_cast %add3A_466 : i32 to index
      %get3A_470 = arith.constant 64 : index
      %get3A_471 = tpu.vector_load %arg6[%get3A_468, %get3A_469, %get3A_470] {strides = array<i32>} : memref<3x200x128xf32, #tpu.memory_space<vmem>>, vector<1x1x16xf32>,
      %get3A_472 = vector.shape_cast %get3A_471 : vector<1x1x16xf32> to vector<16xf32>
      %add3A_473 = arith.addf %add3A_401, %get3A_472 : vector<16xf32>
      %add3A_474 = arith.constant 2 : i32
      %add3A_475 = arith.addi %mul3A_285, %add3A_474 : i32
      %get3A_476 = arith.constant 0 : i32
      %get3A_477 = arith.index_cast %get3A_476 : i32 to index
      %get3A_478 = arith.index_cast %add3A_475 : i32 to index
      %get3A_479 = arith.constant 80 : index
      %get3A_480 = tpu.vector_load %arg6[%get3A_477, %get3A_478, %get3A_479] {strides = array<i32>} : memref<3x200x128xf32, #tpu.memory_space<vmem>>, vector<1x1x16xf32>,
      %get3A_481 = vector.shape_cast %get3A_480 : vector<1x1x16xf32> to vector<16xf32>
      %add3A_482 = arith.addf %add3A_410, %get3A_481 : vector<16xf32>
      %add3A_483 = arith.constant 2 : i32
      %add3A_484 = arith.addi %mul3A_285, %add3A_483 : i32
      %get3A_485 = arith.constant 0 : i32
      %get3A_486 = arith.index_cast %get3A_485 : i32 to index
      %get3A_487 = arith.index_cast %add3A_484 : i32 to index
      %get3A_488 = arith.constant 96 : index
      %get3A_489 = tpu.vector_load %arg6[%get3A_486, %get3A_487, %get3A_488] {strides = array<i32>} : memref<3x200x128xf32, #tpu.memory_space<vmem>>, vector<1x1x16xf32>,
      %get3A_490 = vector.shape_cast %get3A_489 : vector<1x1x16xf32> to vector<16xf32>
      %add3A_491 = arith.addf %add3A_419, %get3A_490 : vector<16xf32>
      %add3A_492 = arith.constant 2 : i32
      %add3A_493 = arith.addi %mul3A_285, %add3A_492 : i32
      %get3A_494 = arith.constant 0 : i32
      %get3A_495 = arith.index_cast %get3A_494 : i32 to index
      %get3A_496 = arith.index_cast %add3A_493 : i32 to index
      %get3A_497 = arith.constant 112 : index
      %get3A_498 = tpu.vector_load %arg6[%get3A_495, %get3A_496, %get3A_497] {strides = array<i32>} : memref<3x200x128xf32, #tpu.memory_space<vmem>>, vector<1x1x16xf32>,
      %get3A_499 = vector.shape_cast %get3A_498 : vector<1x1x16xf32> to vector<16xf32>
      %add3A_500 = arith.addf %add3A_428, %get3A_499 : vector<16xf32>
      %add3A_501 = arith.constant 3 : i32
      %add3A_502 = arith.addi %mul3A_285, %add3A_501 : i32
      %get3A_503 = arith.constant 0 : i32
      %get3A_504 = arith.index_cast %get3A_503 : i32 to index
      %get3A_505 = arith.index_cast %add3A_502 : i32 to index
      %get3A_506 = arith.constant 0 : index
      %get3A_507 = tpu.vector_load %arg6[%get3A_504, %get3A_505, %get3A_506] {strides = array<i32>} : memref<3x200x128xf32, #tpu.memory_space<vmem>>, vector<1x1x16xf32>,
      %get3A_508 = vector.shape_cast %get3A_507 : vector<1x1x16xf32> to vector<16xf32>
      %add3A_509 = arith.addf %add3A_437, %get3A_508 : vector<16xf32>
      %add3A_510 = arith.constant 3 : i32
      %add3A_511 = arith.addi %mul3A_285, %add3A_510 : i32
      %get3A_512 = arith.constant 0 : i32
      %get3A_513 = arith.index_cast %get3A_512 : i32 to index
      %get3A_514 = arith.index_cast %add3A_511 : i32 to index
      %get3A_515 = arith.constant 16 : index
      %get3A_516 = tpu.vector_load %arg6[%get3A_513, %get3A_514, %get3A_515] {strides = array<i32>} : memref<3x200x128xf32, #tpu.memory_space<vmem>>, vector<1x1x16xf32>,
      %get3A_517 = vector.shape_cast %get3A_516 : vector<1x1x16xf32> to vector<16xf32>
      %add3A_518 = arith.addf %add3A_446, %get3A_517 : vector<16xf32>
      %add3A_519 = arith.constant 3 : i32
      %add3A_520 = arith.addi %mul3A_285, %add3A_519 : i32
      %get3A_521 = arith.constant 0 : i32
      %get3A_522 = arith.index_cast %get3A_521 : i32 to index
      %get3A_523 = arith.index_cast %add3A_520 : i32 to index
      %get3A_524 = arith.constant 32 : index
      %get3A_525 = tpu.vector_load %arg6[%get3A_522, %get3A_523, %get3A_524] {strides = array<i32>} : memref<3x200x128xf32, #tpu.memory_space<vmem>>, vector<1x1x16xf32>,
      %get3A_526 = vector.shape_cast %get3A_525 : vector<1x1x16xf32> to vector<16xf32>
      %add3A_527 = arith.addf %add3A_455, %get3A_526 : vector<16xf32>
      %add3A_528 = arith.constant 3 : i32
      %add3A_529 = arith.addi %mul3A_285, %add3A_528 : i32
      %get3A_530 = arith.constant 0 : i32
      %get3A_531 = arith.index_cast %get3A_530 : i32 to index
      %get3A_532 = arith.index_cast %add3A_529 : i32 to index
      %get3A_533 = arith.constant 48 : index
      %get3A_534 = tpu.vector_load %arg6[%get3A_531, %get3A_532, %get3A_533] {strides = array<i32>} : memref<3x200x128xf32, #tpu.memory_space<vmem>>, vector<1x1x16xf32>,
      %get3A_535 = vector.shape_cast %get3A_534 : vector<1x1x16xf32> to vector<16xf32>
      %add3A_536 = arith.addf %add3A_464, %get3A_535 : vector<16xf32>
      %add3A_537 = arith.constant 3 : i32
      %add3A_538 = arith.addi %mul3A_285, %add3A_537 : i32
      %get3A_539 = arith.constant 0 : i32
      %get3A_540 = arith.index_cast %get3A_539 : i32 to index
      %get3A_541 = arith.index_cast %add3A_538 : i32 to index
      %get3A_542 = arith.constant 64 : index
      %get3A_543 = tpu.vector_load %arg6[%get3A_540, %get3A_541, %get3A_542] {strides = array<i32>} : memref<3x200x128xf32, #tpu.memory_space<vmem>>, vector<1x1x16xf32>,
      %get3A_544 = vector.shape_cast %get3A_543 : vector<1x1x16xf32> to vector<16xf32>
      %add3A_545 = arith.addf %add3A_473, %get3A_544 : vector<16xf32>
      %add3A_546 = arith.constant 3 : i32
      %add3A_547 = arith.addi %mul3A_285, %add3A_546 : i32
      %get3A_548 = arith.constant 0 : i32
      %get3A_549 = arith.index_cast %get3A_548 : i32 to index
      %get3A_550 = arith.index_cast %add3A_547 : i32 to index
      %get3A_551 = arith.constant 80 : index
      %get3A_552 = tpu.vector_load %arg6[%get3A_549, %get3A_550, %get3A_551] {strides = array<i32>} : memref<3x200x128xf32, #tpu.memory_space<vmem>>, vector<1x1x16xf32>,
      %get3A_553 = vector.shape_cast %get3A_552 : vector<1x1x16xf32> to vector<16xf32>
      %add3A_554 = arith.addf %add3A_482, %get3A_553 : vector<16xf32>
      %add3A_555 = arith.constant 3 : i32
      %add3A_556 = arith.addi %mul3A_285, %add3A_555 : i32
      %get3A_557 = arith.constant 0 : i32
      %get3A_558 = arith.index_cast %get3A_557 : i32 to index
      %get3A_559 = arith.index_cast %add3A_556 : i32 to index
      %get3A_560 = arith.constant 96 : index
      %get3A_561 = tpu.vector_load %arg6[%get3A_558, %get3A_559, %get3A_560] {strides = array<i32>} : memref<3x200x128xf32, #tpu.memory_space<vmem>>, vector<1x1x16xf32>,
      %get3A_562 = vector.shape_cast %get3A_561 : vector<1x1x16xf32> to vector<16xf32>
      %add3A_563 = arith.addf %add3A_491, %get3A_562 : vector<16xf32>
      %add3A_564 = arith.constant 3 : i32
      %add3A_565 = arith.addi %mul3A_285, %add3A_564 : i32
      %get3A_566 = arith.constant 0 : i32
      %get3A_567 = arith.index_cast %get3A_566 : i32 to index
      %get3A_568 = arith.index_cast %add3A_565 : i32 to index
      %get3A_569 = arith.constant 112 : index
      %get3A_570 = tpu.vector_load %arg6[%get3A_567, %get3A_568, %get3A_569] {strides = array<i32>} : memref<3x200x128xf32, #tpu.memory_space<vmem>>, vector<1x1x16xf32>,
      %get3A_571 = vector.shape_cast %get3A_570 : vector<1x1x16xf32> to vector<16xf32>
      %add3A_572 = arith.addf %add3A_500, %get3A_571 : vector<16xf32>
      %add3A_573 = arith.constant 4 : i32
      %add3A_574 = arith.addi %mul3A_285, %add3A_573 : i32
      %get3A_575 = arith.constant 0 : i32
      %get3A_576 = arith.index_cast %get3A_575 : i32 to index
      %get3A_577 = arith.index_cast %add3A_574 : i32 to index
      %get3A_578 = arith.constant 0 : index
      %get3A_579 = tpu.vector_load %arg6[%get3A_576, %get3A_577, %get3A_578] {strides = array<i32>} : memref<3x200x128xf32, #tpu.memory_space<vmem>>, vector<1x1x16xf32>,
      %get3A_580 = vector.shape_cast %get3A_579 : vector<1x1x16xf32> to vector<16xf32>
      %add3A_581 = arith.addf %add3A_509, %get3A_580 : vector<16xf32>
      %add3A_582 = arith.constant 4 : i32
      %add3A_583 = arith.addi %mul3A_285, %add3A_582 : i32
      %get3A_584 = arith.constant 0 : i32
      %get3A_585 = arith.index_cast %get3A_584 : i32 to index
      %get3A_586 = arith.index_cast %add3A_583 : i32 to index
      %get3A_587 = arith.constant 16 : index
      %get3A_588 = tpu.vector_load %arg6[%get3A_585, %get3A_586, %get3A_587] {strides = array<i32>} : memref<3x200x128xf32, #tpu.memory_space<vmem>>, vector<1x1x16xf32>,
      %get3A_589 = vector.shape_cast %get3A_588 : vector<1x1x16xf32> to vector<16xf32>
      %add3A_590 = arith.addf %add3A_518, %get3A_589 : vector<16xf32>
      %add3A_591 = arith.constant 4 : i32
      %add3A_592 = arith.addi %mul3A_285, %add3A_591 : i32
      %get3A_593 = arith.constant 0 : i32
      %get3A_594 = arith.index_cast %get3A_593 : i32 to index
      %get3A_595 = arith.index_cast %add3A_592 : i32 to index
      %get3A_596 = arith.constant 32 : index
      %get3A_597 = tpu.vector_load %arg6[%get3A_594, %get3A_595, %get3A_596] {strides = array<i32>} : memref<3x200x128xf32, #tpu.memory_space<vmem>>, vector<1x1x16xf32>,
      %get3A_598 = vector.shape_cast %get3A_597 : vector<1x1x16xf32> to vector<16xf32>
      %add3A_599 = arith.addf %add3A_527, %get3A_598 : vector<16xf32>
      %add3A_600 = arith.constant 4 : i32
      %add3A_601 = arith.addi %mul3A_285, %add3A_600 : i32
      %get3A_602 = arith.constant 0 : i32
      %get3A_603 = arith.index_cast %get3A_602 : i32 to index
      %get3A_604 = arith.index_cast %add3A_601 : i32 to index
      %get3A_605 = arith.constant 48 : index
      %get3A_606 = tpu.vector_load %arg6[%get3A_603, %get3A_604, %get3A_605] {strides = array<i32>} : memref<3x200x128xf32, #tpu.memory_space<vmem>>, vector<1x1x16xf32>,
      %get3A_607 = vector.shape_cast %get3A_606 : vector<1x1x16xf32> to vector<16xf32>
      %add3A_608 = arith.addf %add3A_536, %get3A_607 : vector<16xf32>
      %add3A_609 = arith.constant 4 : i32
      %add3A_610 = arith.addi %mul3A_285, %add3A_609 : i32
      %get3A_611 = arith.constant 0 : i32
      %get3A_612 = arith.index_cast %get3A_611 : i32 to index
      %get3A_613 = arith.index_cast %add3A_610 : i32 to index
      %get3A_614 = arith.constant 64 : index
      %get3A_615 = tpu.vector_load %arg6[%get3A_612, %get3A_613, %get3A_614] {strides = array<i32>} : memref<3x200x128xf32, #tpu.memory_space<vmem>>, vector<1x1x16xf32>,
      %get3A_616 = vector.shape_cast %get3A_615 : vector<1x1x16xf32> to vector<16xf32>
      %add3A_617 = arith.addf %add3A_545, %get3A_616 : vector<16xf32>
      %add3A_618 = arith.constant 4 : i32
      %add3A_619 = arith.addi %mul3A_285, %add3A_618 : i32
      %get3A_620 = arith.constant 0 : i32
      %get3A_621 = arith.index_cast %get3A_620 : i32 to index
      %get3A_622 = arith.index_cast %add3A_619 : i32 to index
      %get3A_623 = arith.constant 80 : index
      %get3A_624 = tpu.vector_load %arg6[%get3A_621, %get3A_622, %get3A_623] {strides = array<i32>} : memref<3x200x128xf32, #tpu.memory_space<vmem>>, vector<1x1x16xf32>,
      %get3A_625 = vector.shape_cast %get3A_624 : vector<1x1x16xf32> to vector<16xf32>
      %add3A_626 = arith.addf %add3A_554, %get3A_625 : vector<16xf32>
      %add3A_627 = arith.constant 4 : i32
      %add3A_628 = arith.addi %mul3A_285, %add3A_627 : i32
      %get3A_629 = arith.constant 0 : i32
      %get3A_630 = arith.index_cast %get3A_629 : i32 to index
      %get3A_631 = arith.index_cast %add3A_628 : i32 to index
      %get3A_632 = arith.constant 96 : index
      %get3A_633 = tpu.vector_load %arg6[%get3A_630, %get3A_631, %get3A_632] {strides = array<i32>} : memref<3x200x128xf32, #tpu.memory_space<vmem>>, vector<1x1x16xf32>,
      %get3A_634 = vector.shape_cast %get3A_633 : vector<1x1x16xf32> to vector<16xf32>
      %add3A_635 = arith.addf %add3A_563, %get3A_634 : vector<16xf32>
      %add3A_636 = arith.constant 4 : i32
      %add3A_637 = arith.addi %mul3A_285, %add3A_636 : i32
      %get3A_638 = arith.constant 0 : i32
      %get3A_639 = arith.index_cast %get3A_638 : i32 to index
      %get3A_640 = arith.index_cast %add3A_637 : i32 to index
      %get3A_641 = arith.constant 112 : index
      %get3A_642 = tpu.vector_load %arg6[%get3A_639, %get3A_640, %get3A_641] {strides = array<i32>} : memref<3x200x128xf32, #tpu.memory_space<vmem>>, vector<1x1x16xf32>,
      %get3A_643 = vector.shape_cast %get3A_642 : vector<1x1x16xf32> to vector<16xf32>
      %add3A_644 = arith.addf %add3A_572, %get3A_643 : vector<16xf32>
      %add3A_645 = arith.constant 5 : i32
      %add3A_646 = arith.addi %mul3A_285, %add3A_645 : i32
      %get3A_647 = arith.constant 0 : i32
      %get3A_648 = arith.index_cast %get3A_647 : i32 to index
      %get3A_649 = arith.index_cast %add3A_646 : i32 to index
      %get3A_650 = arith.constant 0 : index
      %get3A_651 = tpu.vector_load %arg6[%get3A_648, %get3A_649, %get3A_650] {strides = array<i32>} : memref<3x200x128xf32, #tpu.memory_space<vmem>>, vector<1x1x16xf32>,
      %get3A_652 = vector.shape_cast %get3A_651 : vector<1x1x16xf32> to vector<16xf32>
      %add3A_653 = arith.addf %add3A_581, %get3A_652 : vector<16xf32>
      %add3A_654 = arith.constant 5 : i32
      %add3A_655 = arith.addi %mul3A_285, %add3A_654 : i32
      %get3A_656 = arith.constant 0 : i32
      %get3A_657 = arith.index_cast %get3A_656 : i32 to index
      %get3A_658 = arith.index_cast %add3A_655 : i32 to index
      %get3A_659 = arith.constant 16 : index
      %get3A_660 = tpu.vector_load %arg6[%get3A_657, %get3A_658, %get3A_659] {strides = array<i32>} : memref<3x200x128xf32, #tpu.memory_space<vmem>>, vector<1x1x16xf32>,
      %get3A_661 = vector.shape_cast %get3A_660 : vector<1x1x16xf32> to vector<16xf32>
      %add3A_662 = arith.addf %add3A_590, %get3A_661 : vector<16xf32>
      %add3A_663 = arith.constant 5 : i32
      %add3A_664 = arith.addi %mul3A_285, %add3A_663 : i32
      %get3A_665 = arith.constant 0 : i32
      %get3A_666 = arith.index_cast %get3A_665 : i32 to index
      %get3A_667 = arith.index_cast %add3A_664 : i32 to index
      %get3A_668 = arith.constant 32 : index
      %get3A_669 = tpu.vector_load %arg6[%get3A_666, %get3A_667, %get3A_668] {strides = array<i32>} : memref<3x200x128xf32, #tpu.memory_space<vmem>>, vector<1x1x16xf32>,
      %get3A_670 = vector.shape_cast %get3A_669 : vector<1x1x16xf32> to vector<16xf32>
      %add3A_671 = arith.addf %add3A_599, %get3A_670 : vector<16xf32>
      %add3A_672 = arith.constant 5 : i32
      %add3A_673 = arith.addi %mul3A_285, %add3A_672 : i32
      %get3A_674 = arith.constant 0 : i32
      %get3A_675 = arith.index_cast %get3A_674 : i32 to index
      %get3A_676 = arith.index_cast %add3A_673 : i32 to index
      %get3A_677 = arith.constant 48 : index
      %get3A_678 = tpu.vector_load %arg6[%get3A_675, %get3A_676, %get3A_677] {strides = array<i32>} : memref<3x200x128xf32, #tpu.memory_space<vmem>>, vector<1x1x16xf32>,
      %get3A_679 = vector.shape_cast %get3A_678 : vector<1x1x16xf32> to vector<16xf32>
      %add3A_680 = arith.addf %add3A_608, %get3A_679 : vector<16xf32>
      %add3A_681 = arith.constant 5 : i32
      %add3A_682 = arith.addi %mul3A_285, %add3A_681 : i32
      %get3A_683 = arith.constant 0 : i32
      %get3A_684 = arith.index_cast %get3A_683 : i32 to index
      %get3A_685 = arith.index_cast %add3A_682 : i32 to index
      %get3A_686 = arith.constant 64 : index
      %get3A_687 = tpu.vector_load %arg6[%get3A_684, %get3A_685, %get3A_686] {strides = array<i32>} : memref<3x200x128xf32, #tpu.memory_space<vmem>>, vector<1x1x16xf32>,
      %get3A_688 = vector.shape_cast %get3A_687 : vector<1x1x16xf32> to vector<16xf32>
      %add3A_689 = arith.addf %add3A_617, %get3A_688 : vector<16xf32>
      %add3A_690 = arith.constant 5 : i32
      %add3A_691 = arith.addi %mul3A_285, %add3A_690 : i32
      %get3A_692 = arith.constant 0 : i32
      %get3A_693 = arith.index_cast %get3A_692 : i32 to index
      %get3A_694 = arith.index_cast %add3A_691 : i32 to index
      %get3A_695 = arith.constant 80 : index
      %get3A_696 = tpu.vector_load %arg6[%get3A_693, %get3A_694, %get3A_695] {strides = array<i32>} : memref<3x200x128xf32, #tpu.memory_space<vmem>>, vector<1x1x16xf32>,
      %get3A_697 = vector.shape_cast %get3A_696 : vector<1x1x16xf32> to vector<16xf32>
      %add3A_698 = arith.addf %add3A_626, %get3A_697 : vector<16xf32>
      %add3A_699 = arith.constant 5 : i32
      %add3A_700 = arith.addi %mul3A_285, %add3A_699 : i32
      %get3A_701 = arith.constant 0 : i32
      %get3A_702 = arith.index_cast %get3A_701 : i32 to index
      %get3A_703 = arith.index_cast %add3A_700 : i32 to index
      %get3A_704 = arith.constant 96 : index
      %get3A_705 = tpu.vector_load %arg6[%get3A_702, %get3A_703, %get3A_704] {strides = array<i32>} : memref<3x200x128xf32, #tpu.memory_space<vmem>>, vector<1x1x16xf32>,
      %get3A_706 = vector.shape_cast %get3A_705 : vector<1x1x16xf32> to vector<16xf32>
      %add3A_707 = arith.addf %add3A_635, %get3A_706 : vector<16xf32>
      %add3A_708 = arith.constant 5 : i32
      %add3A_709 = arith.addi %mul3A_285, %add3A_708 : i32
      %get3A_710 = arith.constant 0 : i32
      %get3A_711 = arith.index_cast %get3A_710 : i32 to index
      %get3A_712 = arith.index_cast %add3A_709 : i32 to index
      %get3A_713 = arith.constant 112 : index
      %get3A_714 = tpu.vector_load %arg6[%get3A_711, %get3A_712, %get3A_713] {strides = array<i32>} : memref<3x200x128xf32, #tpu.memory_space<vmem>>, vector<1x1x16xf32>,
      %get3A_715 = vector.shape_cast %get3A_714 : vector<1x1x16xf32> to vector<16xf32>
      %add3A_716 = arith.addf %add3A_644, %get3A_715 : vector<16xf32>
      %add3A_717 = arith.constant 6 : i32
      %add3A_718 = arith.addi %mul3A_285, %add3A_717 : i32
      %get3A_719 = arith.constant 0 : i32
      %get3A_720 = arith.index_cast %get3A_719 : i32 to index
      %get3A_721 = arith.index_cast %add3A_718 : i32 to index
      %get3A_722 = arith.constant 0 : index
      %get3A_723 = tpu.vector_load %arg6[%get3A_720, %get3A_721, %get3A_722] {strides = array<i32>} : memref<3x200x128xf32, #tpu.memory_space<vmem>>, vector<1x1x16xf32>,
      %get3A_724 = vector.shape_cast %get3A_723 : vector<1x1x16xf32> to vector<16xf32>
      %add3A_725 = arith.addf %add3A_653, %get3A_724 : vector<16xf32>
      %add3A_726 = arith.constant 6 : i32
      %add3A_727 = arith.addi %mul3A_285, %add3A_726 : i32
      %get3A_728 = arith.constant 0 : i32
      %get3A_729 = arith.index_cast %get3A_728 : i32 to index
      %get3A_730 = arith.index_cast %add3A_727 : i32 to index
      %get3A_731 = arith.constant 16 : index
      %get3A_732 = tpu.vector_load %arg6[%get3A_729, %get3A_730, %get3A_731] {strides = array<i32>} : memref<3x200x128xf32, #tpu.memory_space<vmem>>, vector<1x1x16xf32>,
      %get3A_733 = vector.shape_cast %get3A_732 : vector<1x1x16xf32> to vector<16xf32>
      %add3A_734 = arith.addf %add3A_662, %get3A_733 : vector<16xf32>
      %add3A_735 = arith.constant 6 : i32
      %add3A_736 = arith.addi %mul3A_285, %add3A_735 : i32
      %get3A_737 = arith.constant 0 : i32
      %get3A_738 = arith.index_cast %get3A_737 : i32 to index
      %get3A_739 = arith.index_cast %add3A_736 : i32 to index
      %get3A_740 = arith.constant 32 : index
      %get3A_741 = tpu.vector_load %arg6[%get3A_738, %get3A_739, %get3A_740] {strides = array<i32>} : memref<3x200x128xf32, #tpu.memory_space<vmem>>, vector<1x1x16xf32>,
      %get3A_742 = vector.shape_cast %get3A_741 : vector<1x1x16xf32> to vector<16xf32>
      %add3A_743 = arith.addf %add3A_671, %get3A_742 : vector<16xf32>
      %add3A_744 = arith.constant 6 : i32
      %add3A_745 = arith.addi %mul3A_285, %add3A_744 : i32
      %get3A_746 = arith.constant 0 : i32
      %get3A_747 = arith.index_cast %get3A_746 : i32 to index
      %get3A_748 = arith.index_cast %add3A_745 : i32 to index
      %get3A_749 = arith.constant 48 : index
      %get3A_750 = tpu.vector_load %arg6[%get3A_747, %get3A_748, %get3A_749] {strides = array<i32>} : memref<3x200x128xf32, #tpu.memory_space<vmem>>, vector<1x1x16xf32>,
      %get3A_751 = vector.shape_cast %get3A_750 : vector<1x1x16xf32> to vector<16xf32>
      %add3A_752 = arith.addf %add3A_680, %get3A_751 : vector<16xf32>
      %add3A_753 = arith.constant 6 : i32
      %add3A_754 = arith.addi %mul3A_285, %add3A_753 : i32
      %get3A_755 = arith.constant 0 : i32
      %get3A_756 = arith.index_cast %get3A_755 : i32 to index
      %get3A_757 = arith.index_cast %add3A_754 : i32 to index
      %get3A_758 = arith.constant 64 : index
      %get3A_759 = tpu.vector_load %arg6[%get3A_756, %get3A_757, %get3A_758] {strides = array<i32>} : memref<3x200x128xf32, #tpu.memory_space<vmem>>, vector<1x1x16xf32>,
      %get3A_760 = vector.shape_cast %get3A_759 : vector<1x1x16xf32> to vector<16xf32>
      %add3A_761 = arith.addf %add3A_689, %get3A_760 : vector<16xf32>
      %add3A_762 = arith.constant 6 : i32
      %add3A_763 = arith.addi %mul3A_285, %add3A_762 : i32
      %get3A_764 = arith.constant 0 : i32
      %get3A_765 = arith.index_cast %get3A_764 : i32 to index
      %get3A_766 = arith.index_cast %add3A_763 : i32 to index
      %get3A_767 = arith.constant 80 : index
      %get3A_768 = tpu.vector_load %arg6[%get3A_765, %get3A_766, %get3A_767] {strides = array<i32>} : memref<3x200x128xf32, #tpu.memory_space<vmem>>, vector<1x1x16xf32>,
      %get3A_769 = vector.shape_cast %get3A_768 : vector<1x1x16xf32> to vector<16xf32>
      %add3A_770 = arith.addf %add3A_698, %get3A_769 : vector<16xf32>
      %add3A_771 = arith.constant 6 : i32
      %add3A_772 = arith.addi %mul3A_285, %add3A_771 : i32
      %get3A_773 = arith.constant 0 : i32
      %get3A_774 = arith.index_cast %get3A_773 : i32 to index
      %get3A_775 = arith.index_cast %add3A_772 : i32 to index
      %get3A_776 = arith.constant 96 : index
      %get3A_777 = tpu.vector_load %arg6[%get3A_774, %get3A_775, %get3A_776] {strides = array<i32>} : memref<3x200x128xf32, #tpu.memory_space<vmem>>, vector<1x1x16xf32>,
      %get3A_778 = vector.shape_cast %get3A_777 : vector<1x1x16xf32> to vector<16xf32>
      %add3A_779 = arith.addf %add3A_707, %get3A_778 : vector<16xf32>
      %add3A_780 = arith.constant 6 : i32
      %add3A_781 = arith.addi %mul3A_285, %add3A_780 : i32
      %get3A_782 = arith.constant 0 : i32
      %get3A_783 = arith.index_cast %get3A_782 : i32 to index
      %get3A_784 = arith.index_cast %add3A_781 : i32 to index
      %get3A_785 = arith.constant 112 : index
      %get3A_786 = tpu.vector_load %arg6[%get3A_783, %get3A_784, %get3A_785] {strides = array<i32>} : memref<3x200x128xf32, #tpu.memory_space<vmem>>, vector<1x1x16xf32>,
      %get3A_787 = vector.shape_cast %get3A_786 : vector<1x1x16xf32> to vector<16xf32>
      %add3A_788 = arith.addf %add3A_716, %get3A_787 : vector<16xf32>
      %add3A_789 = arith.constant 7 : i32
      %add3A_790 = arith.addi %mul3A_285, %add3A_789 : i32
      %get3A_791 = arith.constant 0 : i32
      %get3A_792 = arith.index_cast %get3A_791 : i32 to index
      %get3A_793 = arith.index_cast %add3A_790 : i32 to index
      %get3A_794 = arith.constant 0 : index
      %get3A_795 = tpu.vector_load %arg6[%get3A_792, %get3A_793, %get3A_794] {strides = array<i32>} : memref<3x200x128xf32, #tpu.memory_space<vmem>>, vector<1x1x16xf32>,
      %get3A_796 = vector.shape_cast %get3A_795 : vector<1x1x16xf32> to vector<16xf32>
      %add3A_797 = arith.addf %add3A_725, %get3A_796 : vector<16xf32>
      %add3A_798 = arith.constant 7 : i32
      %add3A_799 = arith.addi %mul3A_285, %add3A_798 : i32
      %get3A_800 = arith.constant 0 : i32
      %get3A_801 = arith.index_cast %get3A_800 : i32 to index
      %get3A_802 = arith.index_cast %add3A_799 : i32 to index
      %get3A_803 = arith.constant 16 : index
      %get3A_804 = tpu.vector_load %arg6[%get3A_801, %get3A_802, %get3A_803] {strides = array<i32>} : memref<3x200x128xf32, #tpu.memory_space<vmem>>, vector<1x1x16xf32>,
      %get3A_805 = vector.shape_cast %get3A_804 : vector<1x1x16xf32> to vector<16xf32>
      %add3A_806 = arith.addf %add3A_734, %get3A_805 : vector<16xf32>
      %add3A_807 = arith.constant 7 : i32
      %add3A_808 = arith.addi %mul3A_285, %add3A_807 : i32
      %get3A_809 = arith.constant 0 : i32
      %get3A_810 = arith.index_cast %get3A_809 : i32 to index
      %get3A_811 = arith.index_cast %add3A_808 : i32 to index
      %get3A_812 = arith.constant 32 : index
      %get3A_813 = tpu.vector_load %arg6[%get3A_810, %get3A_811, %get3A_812] {strides = array<i32>} : memref<3x200x128xf32, #tpu.memory_space<vmem>>, vector<1x1x16xf32>,
      %get3A_814 = vector.shape_cast %get3A_813 : vector<1x1x16xf32> to vector<16xf32>
      %add3A_815 = arith.addf %add3A_743, %get3A_814 : vector<16xf32>
      %add3A_816 = arith.constant 7 : i32
      %add3A_817 = arith.addi %mul3A_285, %add3A_816 : i32
      %get3A_818 = arith.constant 0 : i32
      %get3A_819 = arith.index_cast %get3A_818 : i32 to index
      %get3A_820 = arith.index_cast %add3A_817 : i32 to index
      %get3A_821 = arith.constant 48 : index
      %get3A_822 = tpu.vector_load %arg6[%get3A_819, %get3A_820, %get3A_821] {strides = array<i32>} : memref<3x200x128xf32, #tpu.memory_space<vmem>>, vector<1x1x16xf32>,
      %get3A_823 = vector.shape_cast %get3A_822 : vector<1x1x16xf32> to vector<16xf32>
      %add3A_824 = arith.addf %add3A_752, %get3A_823 : vector<16xf32>
      %add3A_825 = arith.constant 7 : i32
      %add3A_826 = arith.addi %mul3A_285, %add3A_825 : i32
      %get3A_827 = arith.constant 0 : i32
      %get3A_828 = arith.index_cast %get3A_827 : i32 to index
      %get3A_829 = arith.index_cast %add3A_826 : i32 to index
      %get3A_830 = arith.constant 64 : index
      %get3A_831 = tpu.vector_load %arg6[%get3A_828, %get3A_829, %get3A_830] {strides = array<i32>} : memref<3x200x128xf32, #tpu.memory_space<vmem>>, vector<1x1x16xf32>,
      %get3A_832 = vector.shape_cast %get3A_831 : vector<1x1x16xf32> to vector<16xf32>
      %add3A_833 = arith.addf %add3A_761, %get3A_832 : vector<16xf32>
      %add3A_834 = arith.constant 7 : i32
      %add3A_835 = arith.addi %mul3A_285, %add3A_834 : i32
      %get3A_836 = arith.constant 0 : i32
      %get3A_837 = arith.index_cast %get3A_836 : i32 to index
      %get3A_838 = arith.index_cast %add3A_835 : i32 to index
      %get3A_839 = arith.constant 80 : index
      %get3A_840 = tpu.vector_load %arg6[%get3A_837, %get3A_838, %get3A_839] {strides = array<i32>} : memref<3x200x128xf32, #tpu.memory_space<vmem>>, vector<1x1x16xf32>,
      %get3A_841 = vector.shape_cast %get3A_840 : vector<1x1x16xf32> to vector<16xf32>
      %add3A_842 = arith.addf %add3A_770, %get3A_841 : vector<16xf32>
      %add3A_843 = arith.constant 7 : i32
      %add3A_844 = arith.addi %mul3A_285, %add3A_843 : i32
      %get3A_845 = arith.constant 0 : i32
      %get3A_846 = arith.index_cast %get3A_845 : i32 to index
      %get3A_847 = arith.index_cast %add3A_844 : i32 to index
      %get3A_848 = arith.constant 96 : index
      %get3A_849 = tpu.vector_load %arg6[%get3A_846, %get3A_847, %get3A_848] {strides = array<i32>} : memref<3x200x128xf32, #tpu.memory_space<vmem>>, vector<1x1x16xf32>,
      %get3A_850 = vector.shape_cast %get3A_849 : vector<1x1x16xf32> to vector<16xf32>
      %add3A_851 = arith.addf %add3A_779, %get3A_850 : vector<16xf32>
      %add3A_852 = arith.constant 7 : i32
      %add3A_853 = arith.addi %mul3A_285, %add3A_852 : i32
      %get3A_854 = arith.constant 0 : i32
      %get3A_855 = arith.index_cast %get3A_854 : i32 to index
      %get3A_856 = arith.index_cast %add3A_853 : i32 to index
      %get3A_857 = arith.constant 112 : index
      %get3A_858 = tpu.vector_load %arg6[%get3A_855, %get3A_856, %get3A_857] {strides = array<i32>} : memref<3x200x128xf32, #tpu.memory_space<vmem>>, vector<1x1x16xf32>,
      %get3A_859 = vector.shape_cast %get3A_858 : vector<1x1x16xf32> to vector<16xf32>
      %add3A_860 = arith.addf %add3A_788, %get3A_859 : vector<16xf32>
      scf.yield %add3A_797, %add3A_806, %add3A_815, %add3A_824, %add3A_833, %add3A_842, %add3A_851, %add3A_860 : vector<16xf32>, vector<16xf32>, vector<16xf32>, vector<16xf32>, vector<16xf32>, vector<16xf32>, vector<16xf32>, vector<16xf32>
    }
    %scan3A_131 = arith.constant 25 : i32
    %swap3A = arith.constant 126 : i32
    %swap3A_132 = arith.index_cast %swap3A : i32 to index
    %swap3A_133 = arith.constant 0 : index
    %swap3A_134 = tpu.vector_load %arg7[%swap3A_132, %swap3A_133] {strides = array<i32>} : memref<128x128xf32, #tpu.memory_space<vmem>>, vector<1x16xf32>,
    %swap3A_135 = vector.shape_cast %swap3A_134 : vector<1x16xf32> to vector<16xf32>
    %swap3A_136 = vector.shape_cast %scan3A_130#0 : vector<16xf32> to vector<1x16xf32>
    tpu.vector_store %arg7[%swap3A_132, %swap3A_133], %swap3A_136 {strides = array<i32>} : memref<128x128xf32, #tpu.memory_space<vmem>>, vector<1x16xf32>,
    %swap3A_137 = arith.constant 126 : i32
    %swap3A_138 = arith.index_cast %swap3A_137 : i32 to index
    %swap3A_139 = arith.constant 16 : index
    %swap3A_140 = tpu.vector_load %arg7[%swap3A_138, %swap3A_139] {strides = array<i32>} : memref<128x128xf32, #tpu.memory_space<vmem>>, vector<1x16xf32>,
    %swap3A_141 = vector.shape_cast %swap3A_140 : vector<1x16xf32> to vector<16xf32>
    %swap3A_142 = vector.shape_cast %scan3A_130#1 : vector<16xf32> to vector<1x16xf32>
    tpu.vector_store %arg7[%swap3A_138, %swap3A_139], %swap3A_142 {strides = array<i32>} : memref<128x128xf32, #tpu.memory_space<vmem>>, vector<1x16xf32>,
    %swap3A_143 = arith.constant 126 : i32
    %swap3A_144 = arith.index_cast %swap3A_143 : i32 to index
    %swap3A_145 = arith.constant 32 : index
    %swap3A_146 = tpu.vector_load %arg7[%swap3A_144, %swap3A_145] {strides = array<i32>} : memref<128x128xf32, #tpu.memory_space<vmem>>, vector<1x16xf32>,
    %swap3A_147 = vector.shape_cast %swap3A_146 : vector<1x16xf32> to vector<16xf32>
    %swap3A_148 = vector.shape_cast %scan3A_130#2 : vector<16xf32> to vector<1x16xf32>
    tpu.vector_store %arg7[%swap3A_144, %swap3A_145], %swap3A_148 {strides = array<i32>} : memref<128x128xf32, #tpu.memory_space<vmem>>, vector<1x16xf32>,
    %swap3A_149 = arith.constant 126 : i32
    %swap3A_150 = arith.index_cast %swap3A_149 : i32 to index
    %swap3A_151 = arith.constant 48 : index
    %swap3A_152 = tpu.vector_load %arg7[%swap3A_150, %swap3A_151] {strides = array<i32>} : memref<128x128xf32, #tpu.memory_space<vmem>>, vector<1x16xf32>,
    %swap3A_153 = vector.shape_cast %swap3A_152 : vector<1x16xf32> to vector<16xf32>
    %swap3A_154 = vector.shape_cast %scan3A_130#3 : vector<16xf32> to vector<1x16xf32>
    tpu.vector_store %arg7[%swap3A_150, %swap3A_151], %swap3A_154 {strides = array<i32>} : memref<128x128xf32, #tpu.memory_space<vmem>>, vector<1x16xf32>,
    %swap3A_155 = arith.constant 126 : i32
    %swap3A_156 = arith.index_cast %swap3A_155 : i32 to index
    %swap3A_157 = arith.constant 64 : index
    %swap3A_158 = tpu.vector_load %arg7[%swap3A_156, %swap3A_157] {strides = array<i32>} : memref<128x128xf32, #tpu.memory_space<vmem>>, vector<1x16xf32>,
    %swap3A_159 = vector.shape_cast %swap3A_158 : vector<1x16xf32> to vector<16xf32>
    %swap3A_160 = vector.shape_cast %scan3A_130#4 : vector<16xf32> to vector<1x16xf32>
    tpu.vector_store %arg7[%swap3A_156, %swap3A_157], %swap3A_160 {strides = array<i32>} : memref<128x128xf32, #tpu.memory_space<vmem>>, vector<1x16xf32>,
    %swap3A_161 = arith.constant 126 : i32
    %swap3A_162 = arith.index_cast %swap3A_161 : i32 to index
    %swap3A_163 = arith.constant 80 : index
    %swap3A_164 = tpu.vector_load %arg7[%swap3A_162, %swap3A_163] {strides = array<i32>} : memref<128x128xf32, #tpu.memory_space<vmem>>, vector<1x16xf32>,
    %swap3A_165 = vector.shape_cast %swap3A_164 : vector<1x16xf32> to vector<16xf32>
    %swap3A_166 = vector.shape_cast %scan3A_130#5 : vector<16xf32> to vector<1x16xf32>
    tpu.vector_store %arg7[%swap3A_162, %swap3A_163], %swap3A_166 {strides = array<i32>} : memref<128x128xf32, #tpu.memory_space<vmem>>, vector<1x16xf32>,
    %swap3A_167 = arith.constant 126 : i32
    %swap3A_168 = arith.index_cast %swap3A_167 : i32 to index
    %swap3A_169 = arith.constant 96 : index
    %swap3A_170 = tpu.vector_load %arg7[%swap3A_168, %swap3A_169] {strides = array<i32>} : memref<128x128xf32, #tpu.memory_space<vmem>>, vector<1x16xf32>,
    %swap3A_171 = vector.shape_cast %swap3A_170 : vector<1x16xf32> to vector<16xf32>
    %swap3A_172 = vector.shape_cast %scan3A_130#6 : vector<16xf32> to vector<1x16xf32>
    tpu.vector_store %arg7[%swap3A_168, %swap3A_169], %swap3A_172 {strides = array<i32>} : memref<128x128xf32, #tpu.memory_space<vmem>>, vector<1x16xf32>,
    %swap3A_173 = arith.constant 126 : i32
    %swap3A_174 = arith.index_cast %swap3A_173 : i32 to index
    %swap3A_175 = arith.constant 112 : index
    %swap3A_176 = tpu.vector_load %arg7[%swap3A_174, %swap3A_175] {strides = array<i32>} : memref<128x128xf32, #tpu.memory_space<vmem>>, vector<1x16xf32>,
    %swap3A_177 = vector.shape_cast %swap3A_176 : vector<1x16xf32> to vector<16xf32>
    %swap3A_178 = vector.shape_cast %scan3A_130#7 : vector<16xf32> to vector<1x16xf32>
    tpu.vector_store %arg7[%swap3A_174, %swap3A_175], %swap3A_178 {strides = array<i32>} : memref<128x128xf32, #tpu.memory_space<vmem>>, vector<1x16xf32>,
    %dma_wait3A_179 = arith.constant 127 : i32
    %dma_wait3A_180 = arith.constant 0 : i32
    %dma_wait3A_181 = arith.constant 1 : i32
    %dma_wait3A_182 = arith.constant 0 : i32
    %dma_wait3A_183 = arith.constant 0 : i32
    %dma_wait3A_184 = tpu.memref_slice %arg6[%dma_wait3A_181, %dma_wait3A_182, %dma_wait3A_183] : memref<3x200x128xf32, #tpu.memory_space<vmem>> -> memref<1x100x128xf32, #tpu.memory_space<vmem>>
    %dma_wait3A_185 = tpu.memref_squeeze %dma_wait3A_184 : memref<1x100x128xf32, #tpu.memory_space<vmem>> -> memref<100x128xf32, #tpu.memory_space<vmem>>
    %dma_wait3A_186 = arith.constant 0 : i32
    %dma_wait3A_187 = tpu.memref_slice %arg5[%dma_wait3A_179, %dma_wait3A_180, %dma_wait3A_186] : memref<128x2x100xi32, #tpu.memory_space<vmem>> -> memref<1x1x100xi32, #tpu.memory_space<vmem>>
    %dma_wait3A_188 = tpu.memref_squeeze %dma_wait3A_187 : memref<1x1x100xi32, #tpu.memory_space<vmem>> -> memref<100xi32, #tpu.memory_space<vmem>>
    %dma_wait3A_189 = arith.constant 0 : i32
    %dma_wait3A_190 = arith.constant 0 : i32
    %dma_wait3A_191 = tpu.memref_slice %arg3[%dma_wait3A_189, %dma_wait3A_190] : memref<100000x128xf32, #tpu.memory_space<hbm>> -> memref<100000x128xf32, #tpu.memory_space<hbm>>
    tpu.wait_indirect_dma semaphore(%arg9 : memref<!tpu.dma_semaphore, #tpu.memory_space<semaphore_mem>>) src(%dma_wait3A_191 : memref<100000x128xf32, #tpu.memory_space<hbm>>) dst(%dma_wait3A_185 : memref<100x128xf32, #tpu.memory_space<vmem>>)
    %dma_wait3A_192 = arith.constant 127 : i32
    %dma_wait3A_193 = arith.constant 1 : i32
    %dma_wait3A_194 = arith.constant 1 : i32
    %dma_wait3A_195 = arith.constant 100 : i32
    %dma_wait3A_196 = arith.constant 0 : i32
    %dma_wait3A_197 = tpu.memref_slice %arg6[%dma_wait3A_194, %dma_wait3A_195, %dma_wait3A_196] : memref<3x200x128xf32, #tpu.memory_space<vmem>> -> memref<1x100x128xf32, #tpu.memory_space<vmem>>
    %dma_wait3A_198 = tpu.memref_squeeze %dma_wait3A_197 : memref<1x100x128xf32, #tpu.memory_space<vmem>> -> memref<100x128xf32, #tpu.memory_space<vmem>>
    %dma_wait3A_199 = arith.constant 0 : i32
    %dma_wait3A_200 = tpu.memref_slice %arg5[%dma_wait3A_192, %dma_wait3A_193, %dma_wait3A_199] : memref<128x2x100xi32, #tpu.memory_space<vmem>> -> memref<1x1x100xi32, #tpu.memory_space<vmem>>
    %dma_wait3A_201 = tpu.memref_squeeze %dma_wait3A_200 : memref<1x1x100xi32, #tpu.memory_space<vmem>> -> memref<100xi32, #tpu.memory_space<vmem>>
    %dma_wait3A_202 = arith.constant 0 : i32
    %dma_wait3A_203 = arith.constant 0 : i32
    %dma_wait3A_204 = tpu.memref_slice %arg3[%dma_wait3A_202, %dma_wait3A_203] : memref<100000x128xf32, #tpu.memory_space<hbm>> -> memref<100000x128xf32, #tpu.memory_space<hbm>>
    tpu.wait_indirect_dma semaphore(%arg9 : memref<!tpu.dma_semaphore, #tpu.memory_space<semaphore_mem>>) src(%dma_wait3A_204 : memref<100000x128xf32, #tpu.memory_space<hbm>>) dst(%dma_wait3A_198 : memref<100x128xf32, #tpu.memory_space<vmem>>)
    %broadcast_in_dim3A_205 = arith.constant 0.000000e+00 : f32
    %broadcast_in_dim3A_206 = vector.broadcast %broadcast_in_dim3A_205 : f32 to vector<16xf32>
    %broadcast_in_dim3A_207 = arith.constant 0.000000e+00 : f32
    %broadcast_in_dim3A_208 = vector.broadcast %broadcast_in_dim3A_207 : f32 to vector<16xf32>
    %broadcast_in_dim3A_209 = arith.constant 0.000000e+00 : f32
    %broadcast_in_dim3A_210 = vector.broadcast %broadcast_in_dim3A_209 : f32 to vector<16xf32>
    %broadcast_in_dim3A_211 = arith.constant 0.000000e+00 : f32
    %broadcast_in_dim3A_212 = vector.broadcast %broadcast_in_dim3A_211 : f32 to vector<16xf32>
    %broadcast_in_dim3A_213 = arith.constant 0.000000e+00 : f32
    %broadcast_in_dim3A_214 = vector.broadcast %broadcast_in_dim3A_213 : f32 to vector<16xf32>
    %broadcast_in_dim3A_215 = arith.constant 0.000000e+00 : f32
    %broadcast_in_dim3A_216 = vector.broadcast %broadcast_in_dim3A_215 : f32 to vector<16xf32>
    %broadcast_in_dim3A_217 = arith.constant 0.000000e+00 : f32
    %broadcast_in_dim3A_218 = vector.broadcast %broadcast_in_dim3A_217 : f32 to vector<16xf32>
    %broadcast_in_dim3A_219 = arith.constant 0.000000e+00 : f32
    %broadcast_in_dim3A_220 = vector.broadcast %broadcast_in_dim3A_219 : f32 to vector<16xf32>
    %scan3A_221 = arith.constant 0 : i32
    %scan3A_222 = arith.constant 25 : i32
    %scan3A_223 = arith.addi %scan3A_221, %scan3A_222 : i32
    %scan3A_224 = arith.constant 1 : i32
    %scan3A_225:8 = scf.for %scan3A_275 = %scan3A_221 to %scan3A_223 step %scan3A_224 iter_args(%scan3A_276 = %broadcast_in_dim3A_206, %scan3A_277 = %broadcast_in_dim3A_208, %scan3A_278 = %broadcast_in_dim3A_210, %scan3A_279 = %broadcast_in_dim3A_212, %scan3A_280 = %broadcast_in_dim3A_214, %scan3A_281 = %broadcast_in_dim3A_216, %scan3A_282 = %broadcast_in_dim3A_218, %scan3A_283 = %broadcast_in_dim3A_220) -> (vector<16xf32>, vector<16xf32>, vector<16xf32>, vector<16xf32>, vector<16xf32>, vector<16xf32>, vector<16xf32>, vector<16xf32>)  : i32 {
      %mul3A_284 = arith.constant 8 : i32
      %mul3A_285 = arith.muli %scan3A_275, %mul3A_284 : i32
      %add3A_286 = arith.constant 0 : i32
      %add3A_287 = arith.addi %mul3A_285, %add3A_286 : i32
      %get3A = arith.constant 1 : i32
      %get3A_288 = arith.index_cast %get3A : i32 to index
      %get3A_289 = arith.index_cast %add3A_287 : i32 to index
      %get3A_290 = arith.constant 0 : index
      %get3A_291 = tpu.vector_load %arg6[%get3A_288, %get3A_289, %get3A_290] {strides = array<i32>} : memref<3x200x128xf32, #tpu.memory_space<vmem>>, vector<1x1x16xf32>,
      %get3A_292 = vector.shape_cast %get3A_291 : vector<1x1x16xf32> to vector<16xf32>
      %add3A_293 = arith.addf %scan3A_276, %get3A_292 : vector<16xf32>
      %add3A_294 = arith.constant 0 : i32
      %add3A_295 = arith.addi %mul3A_285, %add3A_294 : i32
      %get3A_296 = arith.constant 1 : i32
      %get3A_297 = arith.index_cast %get3A_296 : i32 to index
      %get3A_298 = arith.index_cast %add3A_295 : i32 to index
      %get3A_299 = arith.constant 16 : index
      %get3A_300 = tpu.vector_load %arg6[%get3A_297, %get3A_298, %get3A_299] {strides = array<i32>} : memref<3x200x128xf32, #tpu.memory_space<vmem>>, vector<1x1x16xf32>,
      %get3A_301 = vector.shape_cast %get3A_300 : vector<1x1x16xf32> to vector<16xf32>
      %add3A_302 = arith.addf %scan3A_277, %get3A_301 : vector<16xf32>
      %add3A_303 = arith.constant 0 : i32
      %add3A_304 = arith.addi %mul3A_285, %add3A_303 : i32
      %get3A_305 = arith.constant 1 : i32
      %get3A_306 = arith.index_cast %get3A_305 : i32 to index
      %get3A_307 = arith.index_cast %add3A_304 : i32 to index
      %get3A_308 = arith.constant 32 : index
      %get3A_309 = tpu.vector_load %arg6[%get3A_306, %get3A_307, %get3A_308] {strides = array<i32>} : memref<3x200x128xf32, #tpu.memory_space<vmem>>, vector<1x1x16xf32>,
      %get3A_310 = vector.shape_cast %get3A_309 : vector<1x1x16xf32> to vector<16xf32>
      %add3A_311 = arith.addf %scan3A_278, %get3A_310 : vector<16xf32>
      %add3A_312 = arith.constant 0 : i32
      %add3A_313 = arith.addi %mul3A_285, %add3A_312 : i32
      %get3A_314 = arith.constant 1 : i32
      %get3A_315 = arith.index_cast %get3A_314 : i32 to index
      %get3A_316 = arith.index_cast %add3A_313 : i32 to index
      %get3A_317 = arith.constant 48 : index
      %get3A_318 = tpu.vector_load %arg6[%get3A_315, %get3A_316, %get3A_317] {strides = array<i32>} : memref<3x200x128xf32, #tpu.memory_space<vmem>>, vector<1x1x16xf32>,
      %get3A_319 = vector.shape_cast %get3A_318 : vector<1x1x16xf32> to vector<16xf32>
      %add3A_320 = arith.addf %scan3A_279, %get3A_319 : vector<16xf32>
      %add3A_321 = arith.constant 0 : i32
      %add3A_322 = arith.addi %mul3A_285, %add3A_321 : i32
      %get3A_323 = arith.constant 1 : i32
      %get3A_324 = arith.index_cast %get3A_323 : i32 to index
      %get3A_325 = arith.index_cast %add3A_322 : i32 to index
      %get3A_326 = arith.constant 64 : index
      %get3A_327 = tpu.vector_load %arg6[%get3A_324, %get3A_325, %get3A_326] {strides = array<i32>} : memref<3x200x128xf32, #tpu.memory_space<vmem>>, vector<1x1x16xf32>,
      %get3A_328 = vector.shape_cast %get3A_327 : vector<1x1x16xf32> to vector<16xf32>
      %add3A_329 = arith.addf %scan3A_280, %get3A_328 : vector<16xf32>
      %add3A_330 = arith.constant 0 : i32
      %add3A_331 = arith.addi %mul3A_285, %add3A_330 : i32
      %get3A_332 = arith.constant 1 : i32
      %get3A_333 = arith.index_cast %get3A_332 : i32 to index
      %get3A_334 = arith.index_cast %add3A_331 : i32 to index
      %get3A_335 = arith.constant 80 : index
      %get3A_336 = tpu.vector_load %arg6[%get3A_333, %get3A_334, %get3A_335] {strides = array<i32>} : memref<3x200x128xf32, #tpu.memory_space<vmem>>, vector<1x1x16xf32>,
      %get3A_337 = vector.shape_cast %get3A_336 : vector<1x1x16xf32> to vector<16xf32>
      %add3A_338 = arith.addf %scan3A_281, %get3A_337 : vector<16xf32>
      %add3A_339 = arith.constant 0 : i32
      %add3A_340 = arith.addi %mul3A_285, %add3A_339 : i32
      %get3A_341 = arith.constant 1 : i32
      %get3A_342 = arith.index_cast %get3A_341 : i32 to index
      %get3A_343 = arith.index_cast %add3A_340 : i32 to index
      %get3A_344 = arith.constant 96 : index
      %get3A_345 = tpu.vector_load %arg6[%get3A_342, %get3A_343, %get3A_344] {strides = array<i32>} : memref<3x200x128xf32, #tpu.memory_space<vmem>>, vector<1x1x16xf32>,
      %get3A_346 = vector.shape_cast %get3A_345 : vector<1x1x16xf32> to vector<16xf32>
      %add3A_347 = arith.addf %scan3A_282, %get3A_346 : vector<16xf32>
      %add3A_348 = arith.constant 0 : i32
      %add3A_349 = arith.addi %mul3A_285, %add3A_348 : i32
      %get3A_350 = arith.constant 1 : i32
      %get3A_351 = arith.index_cast %get3A_350 : i32 to index
      %get3A_352 = arith.index_cast %add3A_349 : i32 to index
      %get3A_353 = arith.constant 112 : index
      %get3A_354 = tpu.vector_load %arg6[%get3A_351, %get3A_352, %get3A_353] {strides = array<i32>} : memref<3x200x128xf32, #tpu.memory_space<vmem>>, vector<1x1x16xf32>,
      %get3A_355 = vector.shape_cast %get3A_354 : vector<1x1x16xf32> to vector<16xf32>
      %add3A_356 = arith.addf %scan3A_283, %get3A_355 : vector<16xf32>
      %add3A_357 = arith.constant 1 : i32
      %add3A_358 = arith.addi %mul3A_285, %add3A_357 : i32
      %get3A_359 = arith.constant 1 : i32
      %get3A_360 = arith.index_cast %get3A_359 : i32 to index
      %get3A_361 = arith.index_cast %add3A_358 : i32 to index
      %get3A_362 = arith.constant 0 : index
      %get3A_363 = tpu.vector_load %arg6[%get3A_360, %get3A_361, %get3A_362] {strides = array<i32>} : memref<3x200x128xf32, #tpu.memory_space<vmem>>, vector<1x1x16xf32>,
      %get3A_364 = vector.shape_cast %get3A_363 : vector<1x1x16xf32> to vector<16xf32>
      %add3A_365 = arith.addf %add3A_293, %get3A_364 : vector<16xf32>
      %add3A_366 = arith.constant 1 : i32
      %add3A_367 = arith.addi %mul3A_285, %add3A_366 : i32
      %get3A_368 = arith.constant 1 : i32
      %get3A_369 = arith.index_cast %get3A_368 : i32 to index
      %get3A_370 = arith.index_cast %add3A_367 : i32 to index
      %get3A_371 = arith.constant 16 : index
      %get3A_372 = tpu.vector_load %arg6[%get3A_369, %get3A_370, %get3A_371] {strides = array<i32>} : memref<3x200x128xf32, #tpu.memory_space<vmem>>, vector<1x1x16xf32>,
      %get3A_373 = vector.shape_cast %get3A_372 : vector<1x1x16xf32> to vector<16xf32>
      %add3A_374 = arith.addf %add3A_302, %get3A_373 : vector<16xf32>
      %add3A_375 = arith.constant 1 : i32
      %add3A_376 = arith.addi %mul3A_285, %add3A_375 : i32
      %get3A_377 = arith.constant 1 : i32
      %get3A_378 = arith.index_cast %get3A_377 : i32 to index
      %get3A_379 = arith.index_cast %add3A_376 : i32 to index
      %get3A_380 = arith.constant 32 : index
      %get3A_381 = tpu.vector_load %arg6[%get3A_378, %get3A_379, %get3A_380] {strides = array<i32>} : memref<3x200x128xf32, #tpu.memory_space<vmem>>, vector<1x1x16xf32>,
      %get3A_382 = vector.shape_cast %get3A_381 : vector<1x1x16xf32> to vector<16xf32>
      %add3A_383 = arith.addf %add3A_311, %get3A_382 : vector<16xf32>
      %add3A_384 = arith.constant 1 : i32
      %add3A_385 = arith.addi %mul3A_285, %add3A_384 : i32
      %get3A_386 = arith.constant 1 : i32
      %get3A_387 = arith.index_cast %get3A_386 : i32 to index
      %get3A_388 = arith.index_cast %add3A_385 : i32 to index
      %get3A_389 = arith.constant 48 : index
      %get3A_390 = tpu.vector_load %arg6[%get3A_387, %get3A_388, %get3A_389] {strides = array<i32>} : memref<3x200x128xf32, #tpu.memory_space<vmem>>, vector<1x1x16xf32>,
      %get3A_391 = vector.shape_cast %get3A_390 : vector<1x1x16xf32> to vector<16xf32>
      %add3A_392 = arith.addf %add3A_320, %get3A_391 : vector<16xf32>
      %add3A_393 = arith.constant 1 : i32
      %add3A_394 = arith.addi %mul3A_285, %add3A_393 : i32
      %get3A_395 = arith.constant 1 : i32
      %get3A_396 = arith.index_cast %get3A_395 : i32 to index
      %get3A_397 = arith.index_cast %add3A_394 : i32 to index
      %get3A_398 = arith.constant 64 : index
      %get3A_399 = tpu.vector_load %arg6[%get3A_396, %get3A_397, %get3A_398] {strides = array<i32>} : memref<3x200x128xf32, #tpu.memory_space<vmem>>, vector<1x1x16xf32>,
      %get3A_400 = vector.shape_cast %get3A_399 : vector<1x1x16xf32> to vector<16xf32>
      %add3A_401 = arith.addf %add3A_329, %get3A_400 : vector<16xf32>
      %add3A_402 = arith.constant 1 : i32
      %add3A_403 = arith.addi %mul3A_285, %add3A_402 : i32
      %get3A_404 = arith.constant 1 : i32
      %get3A_405 = arith.index_cast %get3A_404 : i32 to index
      %get3A_406 = arith.index_cast %add3A_403 : i32 to index
      %get3A_407 = arith.constant 80 : index
      %get3A_408 = tpu.vector_load %arg6[%get3A_405, %get3A_406, %get3A_407] {strides = array<i32>} : memref<3x200x128xf32, #tpu.memory_space<vmem>>, vector<1x1x16xf32>,
      %get3A_409 = vector.shape_cast %get3A_408 : vector<1x1x16xf32> to vector<16xf32>
      %add3A_410 = arith.addf %add3A_338, %get3A_409 : vector<16xf32>
      %add3A_411 = arith.constant 1 : i32
      %add3A_412 = arith.addi %mul3A_285, %add3A_411 : i32
      %get3A_413 = arith.constant 1 : i32
      %get3A_414 = arith.index_cast %get3A_413 : i32 to index
      %get3A_415 = arith.index_cast %add3A_412 : i32 to index
      %get3A_416 = arith.constant 96 : index
      %get3A_417 = tpu.vector_load %arg6[%get3A_414, %get3A_415, %get3A_416] {strides = array<i32>} : memref<3x200x128xf32, #tpu.memory_space<vmem>>, vector<1x1x16xf32>,
      %get3A_418 = vector.shape_cast %get3A_417 : vector<1x1x16xf32> to vector<16xf32>
      %add3A_419 = arith.addf %add3A_347, %get3A_418 : vector<16xf32>
      %add3A_420 = arith.constant 1 : i32
      %add3A_421 = arith.addi %mul3A_285, %add3A_420 : i32
      %get3A_422 = arith.constant 1 : i32
      %get3A_423 = arith.index_cast %get3A_422 : i32 to index
      %get3A_424 = arith.index_cast %add3A_421 : i32 to index
      %get3A_425 = arith.constant 112 : index
      %get3A_426 = tpu.vector_load %arg6[%get3A_423, %get3A_424, %get3A_425] {strides = array<i32>} : memref<3x200x128xf32, #tpu.memory_space<vmem>>, vector<1x1x16xf32>,
      %get3A_427 = vector.shape_cast %get3A_426 : vector<1x1x16xf32> to vector<16xf32>
      %add3A_428 = arith.addf %add3A_356, %get3A_427 : vector<16xf32>
      %add3A_429 = arith.constant 2 : i32
      %add3A_430 = arith.addi %mul3A_285, %add3A_429 : i32
      %get3A_431 = arith.constant 1 : i32
      %get3A_432 = arith.index_cast %get3A_431 : i32 to index
      %get3A_433 = arith.index_cast %add3A_430 : i32 to index
      %get3A_434 = arith.constant 0 : index
      %get3A_435 = tpu.vector_load %arg6[%get3A_432, %get3A_433, %get3A_434] {strides = array<i32>} : memref<3x200x128xf32, #tpu.memory_space<vmem>>, vector<1x1x16xf32>,
      %get3A_436 = vector.shape_cast %get3A_435 : vector<1x1x16xf32> to vector<16xf32>
      %add3A_437 = arith.addf %add3A_365, %get3A_436 : vector<16xf32>
      %add3A_438 = arith.constant 2 : i32
      %add3A_439 = arith.addi %mul3A_285, %add3A_438 : i32
      %get3A_440 = arith.constant 1 : i32
      %get3A_441 = arith.index_cast %get3A_440 : i32 to index
      %get3A_442 = arith.index_cast %add3A_439 : i32 to index
      %get3A_443 = arith.constant 16 : index
      %get3A_444 = tpu.vector_load %arg6[%get3A_441, %get3A_442, %get3A_443] {strides = array<i32>} : memref<3x200x128xf32, #tpu.memory_space<vmem>>, vector<1x1x16xf32>,
      %get3A_445 = vector.shape_cast %get3A_444 : vector<1x1x16xf32> to vector<16xf32>
      %add3A_446 = arith.addf %add3A_374, %get3A_445 : vector<16xf32>
      %add3A_447 = arith.constant 2 : i32
      %add3A_448 = arith.addi %mul3A_285, %add3A_447 : i32
      %get3A_449 = arith.constant 1 : i32
      %get3A_450 = arith.index_cast %get3A_449 : i32 to index
      %get3A_451 = arith.index_cast %add3A_448 : i32 to index
      %get3A_452 = arith.constant 32 : index
      %get3A_453 = tpu.vector_load %arg6[%get3A_450, %get3A_451, %get3A_452] {strides = array<i32>} : memref<3x200x128xf32, #tpu.memory_space<vmem>>, vector<1x1x16xf32>,
      %get3A_454 = vector.shape_cast %get3A_453 : vector<1x1x16xf32> to vector<16xf32>
      %add3A_455 = arith.addf %add3A_383, %get3A_454 : vector<16xf32>
      %add3A_456 = arith.constant 2 : i32
      %add3A_457 = arith.addi %mul3A_285, %add3A_456 : i32
      %get3A_458 = arith.constant 1 : i32
      %get3A_459 = arith.index_cast %get3A_458 : i32 to index
      %get3A_460 = arith.index_cast %add3A_457 : i32 to index
      %get3A_461 = arith.constant 48 : index
      %get3A_462 = tpu.vector_load %arg6[%get3A_459, %get3A_460, %get3A_461] {strides = array<i32>} : memref<3x200x128xf32, #tpu.memory_space<vmem>>, vector<1x1x16xf32>,
      %get3A_463 = vector.shape_cast %get3A_462 : vector<1x1x16xf32> to vector<16xf32>
      %add3A_464 = arith.addf %add3A_392, %get3A_463 : vector<16xf32>
      %add3A_465 = arith.constant 2 : i32
      %add3A_466 = arith.addi %mul3A_285, %add3A_465 : i32
      %get3A_467 = arith.constant 1 : i32
      %get3A_468 = arith.index_cast %get3A_467 : i32 to index
      %get3A_469 = arith.index_cast %add3A_466 : i32 to index
      %get3A_470 = arith.constant 64 : index
      %get3A_471 = tpu.vector_load %arg6[%get3A_468, %get3A_469, %get3A_470] {strides = array<i32>} : memref<3x200x128xf32, #tpu.memory_space<vmem>>, vector<1x1x16xf32>,
      %get3A_472 = vector.shape_cast %get3A_471 : vector<1x1x16xf32> to vector<16xf32>
      %add3A_473 = arith.addf %add3A_401, %get3A_472 : vector<16xf32>
      %add3A_474 = arith.constant 2 : i32
      %add3A_475 = arith.addi %mul3A_285, %add3A_474 : i32
      %get3A_476 = arith.constant 1 : i32
      %get3A_477 = arith.index_cast %get3A_476 : i32 to index
      %get3A_478 = arith.index_cast %add3A_475 : i32 to index
      %get3A_479 = arith.constant 80 : index
      %get3A_480 = tpu.vector_load %arg6[%get3A_477, %get3A_478, %get3A_479] {strides = array<i32>} : memref<3x200x128xf32, #tpu.memory_space<vmem>>, vector<1x1x16xf32>,
      %get3A_481 = vector.shape_cast %get3A_480 : vector<1x1x16xf32> to vector<16xf32>
      %add3A_482 = arith.addf %add3A_410, %get3A_481 : vector<16xf32>
      %add3A_483 = arith.constant 2 : i32
      %add3A_484 = arith.addi %mul3A_285, %add3A_483 : i32
      %get3A_485 = arith.constant 1 : i32
      %get3A_486 = arith.index_cast %get3A_485 : i32 to index
      %get3A_487 = arith.index_cast %add3A_484 : i32 to index
      %get3A_488 = arith.constant 96 : index
      %get3A_489 = tpu.vector_load %arg6[%get3A_486, %get3A_487, %get3A_488] {strides = array<i32>} : memref<3x200x128xf32, #tpu.memory_space<vmem>>, vector<1x1x16xf32>,
      %get3A_490 = vector.shape_cast %get3A_489 : vector<1x1x16xf32> to vector<16xf32>
      %add3A_491 = arith.addf %add3A_419, %get3A_490 : vector<16xf32>
      %add3A_492 = arith.constant 2 : i32
      %add3A_493 = arith.addi %mul3A_285, %add3A_492 : i32
      %get3A_494 = arith.constant 1 : i32
      %get3A_495 = arith.index_cast %get3A_494 : i32 to index
      %get3A_496 = arith.index_cast %add3A_493 : i32 to index
      %get3A_497 = arith.constant 112 : index
      %get3A_498 = tpu.vector_load %arg6[%get3A_495, %get3A_496, %get3A_497] {strides = array<i32>} : memref<3x200x128xf32, #tpu.memory_space<vmem>>, vector<1x1x16xf32>,
      %get3A_499 = vector.shape_cast %get3A_498 : vector<1x1x16xf32> to vector<16xf32>
      %add3A_500 = arith.addf %add3A_428, %get3A_499 : vector<16xf32>
      %add3A_501 = arith.constant 3 : i32
      %add3A_502 = arith.addi %mul3A_285, %add3A_501 : i32
      %get3A_503 = arith.constant 1 : i32
      %get3A_504 = arith.index_cast %get3A_503 : i32 to index
      %get3A_505 = arith.index_cast %add3A_502 : i32 to index
      %get3A_506 = arith.constant 0 : index
      %get3A_507 = tpu.vector_load %arg6[%get3A_504, %get3A_505, %get3A_506] {strides = array<i32>} : memref<3x200x128xf32, #tpu.memory_space<vmem>>, vector<1x1x16xf32>,
      %get3A_508 = vector.shape_cast %get3A_507 : vector<1x1x16xf32> to vector<16xf32>
      %add3A_509 = arith.addf %add3A_437, %get3A_508 : vector<16xf32>
      %add3A_510 = arith.constant 3 : i32
      %add3A_511 = arith.addi %mul3A_285, %add3A_510 : i32
      %get3A_512 = arith.constant 1 : i32
      %get3A_513 = arith.index_cast %get3A_512 : i32 to index
      %get3A_514 = arith.index_cast %add3A_511 : i32 to index
      %get3A_515 = arith.constant 16 : index
      %get3A_516 = tpu.vector_load %arg6[%get3A_513, %get3A_514, %get3A_515] {strides = array<i32>} : memref<3x200x128xf32, #tpu.memory_space<vmem>>, vector<1x1x16xf32>,
      %get3A_517 = vector.shape_cast %get3A_516 : vector<1x1x16xf32> to vector<16xf32>
      %add3A_518 = arith.addf %add3A_446, %get3A_517 : vector<16xf32>
      %add3A_519 = arith.constant 3 : i32
      %add3A_520 = arith.addi %mul3A_285, %add3A_519 : i32
      %get3A_521 = arith.constant 1 : i32
      %get3A_522 = arith.index_cast %get3A_521 : i32 to index
      %get3A_523 = arith.index_cast %add3A_520 : i32 to index
      %get3A_524 = arith.constant 32 : index
      %get3A_525 = tpu.vector_load %arg6[%get3A_522, %get3A_523, %get3A_524] {strides = array<i32>} : memref<3x200x128xf32, #tpu.memory_space<vmem>>, vector<1x1x16xf32>,
      %get3A_526 = vector.shape_cast %get3A_525 : vector<1x1x16xf32> to vector<16xf32>
      %add3A_527 = arith.addf %add3A_455, %get3A_526 : vector<16xf32>
      %add3A_528 = arith.constant 3 : i32
      %add3A_529 = arith.addi %mul3A_285, %add3A_528 : i32
      %get3A_530 = arith.constant 1 : i32
      %get3A_531 = arith.index_cast %get3A_530 : i32 to index
      %get3A_532 = arith.index_cast %add3A_529 : i32 to index
      %get3A_533 = arith.constant 48 : index
      %get3A_534 = tpu.vector_load %arg6[%get3A_531, %get3A_532, %get3A_533] {strides = array<i32>} : memref<3x200x128xf32, #tpu.memory_space<vmem>>, vector<1x1x16xf32>,
      %get3A_535 = vector.shape_cast %get3A_534 : vector<1x1x16xf32> to vector<16xf32>
      %add3A_536 = arith.addf %add3A_464, %get3A_535 : vector<16xf32>
      %add3A_537 = arith.constant 3 : i32
      %add3A_538 = arith.addi %mul3A_285, %add3A_537 : i32
      %get3A_539 = arith.constant 1 : i32
      %get3A_540 = arith.index_cast %get3A_539 : i32 to index
      %get3A_541 = arith.index_cast %add3A_538 : i32 to index
      %get3A_542 = arith.constant 64 : index
      %get3A_543 = tpu.vector_load %arg6[%get3A_540, %get3A_541, %get3A_542] {strides = array<i32>} : memref<3x200x128xf32, #tpu.memory_space<vmem>>, vector<1x1x16xf32>,
      %get3A_544 = vector.shape_cast %get3A_543 : vector<1x1x16xf32> to vector<16xf32>
      %add3A_545 = arith.addf %add3A_473, %get3A_544 : vector<16xf32>
      %add3A_546 = arith.constant 3 : i32
      %add3A_547 = arith.addi %mul3A_285, %add3A_546 : i32
      %get3A_548 = arith.constant 1 : i32
      %get3A_549 = arith.index_cast %get3A_548 : i32 to index
      %get3A_550 = arith.index_cast %add3A_547 : i32 to index
      %get3A_551 = arith.constant 80 : index
      %get3A_552 = tpu.vector_load %arg6[%get3A_549, %get3A_550, %get3A_551] {strides = array<i32>} : memref<3x200x128xf32, #tpu.memory_space<vmem>>, vector<1x1x16xf32>,
      %get3A_553 = vector.shape_cast %get3A_552 : vector<1x1x16xf32> to vector<16xf32>
      %add3A_554 = arith.addf %add3A_482, %get3A_553 : vector<16xf32>
      %add3A_555 = arith.constant 3 : i32
      %add3A_556 = arith.addi %mul3A_285, %add3A_555 : i32
      %get3A_557 = arith.constant 1 : i32
      %get3A_558 = arith.index_cast %get3A_557 : i32 to index
      %get3A_559 = arith.index_cast %add3A_556 : i32 to index
      %get3A_560 = arith.constant 96 : index
      %get3A_561 = tpu.vector_load %arg6[%get3A_558, %get3A_559, %get3A_560] {strides = array<i32>} : memref<3x200x128xf32, #tpu.memory_space<vmem>>, vector<1x1x16xf32>,
      %get3A_562 = vector.shape_cast %get3A_561 : vector<1x1x16xf32> to vector<16xf32>
      %add3A_563 = arith.addf %add3A_491, %get3A_562 : vector<16xf32>
      %add3A_564 = arith.constant 3 : i32
      %add3A_565 = arith.addi %mul3A_285, %add3A_564 : i32
      %get3A_566 = arith.constant 1 : i32
      %get3A_567 = arith.index_cast %get3A_566 : i32 to index
      %get3A_568 = arith.index_cast %add3A_565 : i32 to index
      %get3A_569 = arith.constant 112 : index
      %get3A_570 = tpu.vector_load %arg6[%get3A_567, %get3A_568, %get3A_569] {strides = array<i32>} : memref<3x200x128xf32, #tpu.memory_space<vmem>>, vector<1x1x16xf32>,
      %get3A_571 = vector.shape_cast %get3A_570 : vector<1x1x16xf32> to vector<16xf32>
      %add3A_572 = arith.addf %add3A_500, %get3A_571 : vector<16xf32>
      %add3A_573 = arith.constant 4 : i32
      %add3A_574 = arith.addi %mul3A_285, %add3A_573 : i32
      %get3A_575 = arith.constant 1 : i32
      %get3A_576 = arith.index_cast %get3A_575 : i32 to index
      %get3A_577 = arith.index_cast %add3A_574 : i32 to index
      %get3A_578 = arith.constant 0 : index
      %get3A_579 = tpu.vector_load %arg6[%get3A_576, %get3A_577, %get3A_578] {strides = array<i32>} : memref<3x200x128xf32, #tpu.memory_space<vmem>>, vector<1x1x16xf32>,
      %get3A_580 = vector.shape_cast %get3A_579 : vector<1x1x16xf32> to vector<16xf32>
      %add3A_581 = arith.addf %add3A_509, %get3A_580 : vector<16xf32>
      %add3A_582 = arith.constant 4 : i32
      %add3A_583 = arith.addi %mul3A_285, %add3A_582 : i32
      %get3A_584 = arith.constant 1 : i32
      %get3A_585 = arith.index_cast %get3A_584 : i32 to index
      %get3A_586 = arith.index_cast %add3A_583 : i32 to index
      %get3A_587 = arith.constant 16 : index
      %get3A_588 = tpu.vector_load %arg6[%get3A_585, %get3A_586, %get3A_587] {strides = array<i32>} : memref<3x200x128xf32, #tpu.memory_space<vmem>>, vector<1x1x16xf32>,
      %get3A_589 = vector.shape_cast %get3A_588 : vector<1x1x16xf32> to vector<16xf32>
      %add3A_590 = arith.addf %add3A_518, %get3A_589 : vector<16xf32>
      %add3A_591 = arith.constant 4 : i32
      %add3A_592 = arith.addi %mul3A_285, %add3A_591 : i32
      %get3A_593 = arith.constant 1 : i32
      %get3A_594 = arith.index_cast %get3A_593 : i32 to index
      %get3A_595 = arith.index_cast %add3A_592 : i32 to index
      %get3A_596 = arith.constant 32 : index
      %get3A_597 = tpu.vector_load %arg6[%get3A_594, %get3A_595, %get3A_596] {strides = array<i32>} : memref<3x200x128xf32, #tpu.memory_space<vmem>>, vector<1x1x16xf32>,
      %get3A_598 = vector.shape_cast %get3A_597 : vector<1x1x16xf32> to vector<16xf32>
      %add3A_599 = arith.addf %add3A_527, %get3A_598 : vector<16xf32>
      %add3A_600 = arith.constant 4 : i32
      %add3A_601 = arith.addi %mul3A_285, %add3A_600 : i32
      %get3A_602 = arith.constant 1 : i32
      %get3A_603 = arith.index_cast %get3A_602 : i32 to index
      %get3A_604 = arith.index_cast %add3A_601 : i32 to index
      %get3A_605 = arith.constant 48 : index
      %get3A_606 = tpu.vector_load %arg6[%get3A_603, %get3A_604, %get3A_605] {strides = array<i32>} : memref<3x200x128xf32, #tpu.memory_space<vmem>>, vector<1x1x16xf32>,
      %get3A_607 = vector.shape_cast %get3A_606 : vector<1x1x16xf32> to vector<16xf32>
      %add3A_608 = arith.addf %add3A_536, %get3A_607 : vector<16xf32>
      %add3A_609 = arith.constant 4 : i32
      %add3A_610 = arith.addi %mul3A_285, %add3A_609 : i32
      %get3A_611 = arith.constant 1 : i32
      %get3A_612 = arith.index_cast %get3A_611 : i32 to index
      %get3A_613 = arith.index_cast %add3A_610 : i32 to index
      %get3A_614 = arith.constant 64 : index
      %get3A_615 = tpu.vector_load %arg6[%get3A_612, %get3A_613, %get3A_614] {strides = array<i32>} : memref<3x200x128xf32, #tpu.memory_space<vmem>>, vector<1x1x16xf32>,
      %get3A_616 = vector.shape_cast %get3A_615 : vector<1x1x16xf32> to vector<16xf32>
      %add3A_617 = arith.addf %add3A_545, %get3A_616 : vector<16xf32>
      %add3A_618 = arith.constant 4 : i32
      %add3A_619 = arith.addi %mul3A_285, %add3A_618 : i32
      %get3A_620 = arith.constant 1 : i32
      %get3A_621 = arith.index_cast %get3A_620 : i32 to index
      %get3A_622 = arith.index_cast %add3A_619 : i32 to index
      %get3A_623 = arith.constant 80 : index
      %get3A_624 = tpu.vector_load %arg6[%get3A_621, %get3A_622, %get3A_623] {strides = array<i32>} : memref<3x200x128xf32, #tpu.memory_space<vmem>>, vector<1x1x16xf32>,
      %get3A_625 = vector.shape_cast %get3A_624 : vector<1x1x16xf32> to vector<16xf32>
      %add3A_626 = arith.addf %add3A_554, %get3A_625 : vector<16xf32>
      %add3A_627 = arith.constant 4 : i32
      %add3A_628 = arith.addi %mul3A_285, %add3A_627 : i32
      %get3A_629 = arith.constant 1 : i32
      %get3A_630 = arith.index_cast %get3A_629 : i32 to index
      %get3A_631 = arith.index_cast %add3A_628 : i32 to index
      %get3A_632 = arith.constant 96 : index
      %get3A_633 = tpu.vector_load %arg6[%get3A_630, %get3A_631, %get3A_632] {strides = array<i32>} : memref<3x200x128xf32, #tpu.memory_space<vmem>>, vector<1x1x16xf32>,
      %get3A_634 = vector.shape_cast %get3A_633 : vector<1x1x16xf32> to vector<16xf32>
      %add3A_635 = arith.addf %add3A_563, %get3A_634 : vector<16xf32>
      %add3A_636 = arith.constant 4 : i32
      %add3A_637 = arith.addi %mul3A_285, %add3A_636 : i32
      %get3A_638 = arith.constant 1 : i32
      %get3A_639 = arith.index_cast %get3A_638 : i32 to index
      %get3A_640 = arith.index_cast %add3A_637 : i32 to index
      %get3A_641 = arith.constant 112 : index
      %get3A_642 = tpu.vector_load %arg6[%get3A_639, %get3A_640, %get3A_641] {strides = array<i32>} : memref<3x200x128xf32, #tpu.memory_space<vmem>>, vector<1x1x16xf32>,
      %get3A_643 = vector.shape_cast %get3A_642 : vector<1x1x16xf32> to vector<16xf32>
      %add3A_644 = arith.addf %add3A_572, %get3A_643 : vector<16xf32>
      %add3A_645 = arith.constant 5 : i32
      %add3A_646 = arith.addi %mul3A_285, %add3A_645 : i32
      %get3A_647 = arith.constant 1 : i32
      %get3A_648 = arith.index_cast %get3A_647 : i32 to index
      %get3A_649 = arith.index_cast %add3A_646 : i32 to index
      %get3A_650 = arith.constant 0 : index
      %get3A_651 = tpu.vector_load %arg6[%get3A_648, %get3A_649, %get3A_650] {strides = array<i32>} : memref<3x200x128xf32, #tpu.memory_space<vmem>>, vector<1x1x16xf32>,
      %get3A_652 = vector.shape_cast %get3A_651 : vector<1x1x16xf32> to vector<16xf32>
      %add3A_653 = arith.addf %add3A_581, %get3A_652 : vector<16xf32>
      %add3A_654 = arith.constant 5 : i32
      %add3A_655 = arith.addi %mul3A_285, %add3A_654 : i32
      %get3A_656 = arith.constant 1 : i32
      %get3A_657 = arith.index_cast %get3A_656 : i32 to index
      %get3A_658 = arith.index_cast %add3A_655 : i32 to index
      %get3A_659 = arith.constant 16 : index
      %get3A_660 = tpu.vector_load %arg6[%get3A_657, %get3A_658, %get3A_659] {strides = array<i32>} : memref<3x200x128xf32, #tpu.memory_space<vmem>>, vector<1x1x16xf32>,
      %get3A_661 = vector.shape_cast %get3A_660 : vector<1x1x16xf32> to vector<16xf32>
      %add3A_662 = arith.addf %add3A_590, %get3A_661 : vector<16xf32>
      %add3A_663 = arith.constant 5 : i32
      %add3A_664 = arith.addi %mul3A_285, %add3A_663 : i32
      %get3A_665 = arith.constant 1 : i32
      %get3A_666 = arith.index_cast %get3A_665 : i32 to index
      %get3A_667 = arith.index_cast %add3A_664 : i32 to index
      %get3A_668 = arith.constant 32 : index
      %get3A_669 = tpu.vector_load %arg6[%get3A_666, %get3A_667, %get3A_668] {strides = array<i32>} : memref<3x200x128xf32, #tpu.memory_space<vmem>>, vector<1x1x16xf32>,
      %get3A_670 = vector.shape_cast %get3A_669 : vector<1x1x16xf32> to vector<16xf32>
      %add3A_671 = arith.addf %add3A_599, %get3A_670 : vector<16xf32>
      %add3A_672 = arith.constant 5 : i32
      %add3A_673 = arith.addi %mul3A_285, %add3A_672 : i32
      %get3A_674 = arith.constant 1 : i32
      %get3A_675 = arith.index_cast %get3A_674 : i32 to index
      %get3A_676 = arith.index_cast %add3A_673 : i32 to index
      %get3A_677 = arith.constant 48 : index
      %get3A_678 = tpu.vector_load %arg6[%get3A_675, %get3A_676, %get3A_677] {strides = array<i32>} : memref<3x200x128xf32, #tpu.memory_space<vmem>>, vector<1x1x16xf32>,
      %get3A_679 = vector.shape_cast %get3A_678 : vector<1x1x16xf32> to vector<16xf32>
      %add3A_680 = arith.addf %add3A_608, %get3A_679 : vector<16xf32>
      %add3A_681 = arith.constant 5 : i32
      %add3A_682 = arith.addi %mul3A_285, %add3A_681 : i32
      %get3A_683 = arith.constant 1 : i32
      %get3A_684 = arith.index_cast %get3A_683 : i32 to index
      %get3A_685 = arith.index_cast %add3A_682 : i32 to index
      %get3A_686 = arith.constant 64 : index
      %get3A_687 = tpu.vector_load %arg6[%get3A_684, %get3A_685, %get3A_686] {strides = array<i32>} : memref<3x200x128xf32, #tpu.memory_space<vmem>>, vector<1x1x16xf32>,
      %get3A_688 = vector.shape_cast %get3A_687 : vector<1x1x16xf32> to vector<16xf32>
      %add3A_689 = arith.addf %add3A_617, %get3A_688 : vector<16xf32>
      %add3A_690 = arith.constant 5 : i32
      %add3A_691 = arith.addi %mul3A_285, %add3A_690 : i32
      %get3A_692 = arith.constant 1 : i32
      %get3A_693 = arith.index_cast %get3A_692 : i32 to index
      %get3A_694 = arith.index_cast %add3A_691 : i32 to index
      %get3A_695 = arith.constant 80 : index
      %get3A_696 = tpu.vector_load %arg6[%get3A_693, %get3A_694, %get3A_695] {strides = array<i32>} : memref<3x200x128xf32, #tpu.memory_space<vmem>>, vector<1x1x16xf32>,
      %get3A_697 = vector.shape_cast %get3A_696 : vector<1x1x16xf32> to vector<16xf32>
      %add3A_698 = arith.addf %add3A_626, %get3A_697 : vector<16xf32>
      %add3A_699 = arith.constant 5 : i32
      %add3A_700 = arith.addi %mul3A_285, %add3A_699 : i32
      %get3A_701 = arith.constant 1 : i32
      %get3A_702 = arith.index_cast %get3A_701 : i32 to index
      %get3A_703 = arith.index_cast %add3A_700 : i32 to index
      %get3A_704 = arith.constant 96 : index
      %get3A_705 = tpu.vector_load %arg6[%get3A_702, %get3A_703, %get3A_704] {strides = array<i32>} : memref<3x200x128xf32, #tpu.memory_space<vmem>>, vector<1x1x16xf32>,
      %get3A_706 = vector.shape_cast %get3A_705 : vector<1x1x16xf32> to vector<16xf32>
      %add3A_707 = arith.addf %add3A_635, %get3A_706 : vector<16xf32>
      %add3A_708 = arith.constant 5 : i32
      %add3A_709 = arith.addi %mul3A_285, %add3A_708 : i32
      %get3A_710 = arith.constant 1 : i32
      %get3A_711 = arith.index_cast %get3A_710 : i32 to index
      %get3A_712 = arith.index_cast %add3A_709 : i32 to index
      %get3A_713 = arith.constant 112 : index
      %get3A_714 = tpu.vector_load %arg6[%get3A_711, %get3A_712, %get3A_713] {strides = array<i32>} : memref<3x200x128xf32, #tpu.memory_space<vmem>>, vector<1x1x16xf32>,
      %get3A_715 = vector.shape_cast %get3A_714 : vector<1x1x16xf32> to vector<16xf32>
      %add3A_716 = arith.addf %add3A_644, %get3A_715 : vector<16xf32>
      %add3A_717 = arith.constant 6 : i32
      %add3A_718 = arith.addi %mul3A_285, %add3A_717 : i32
      %get3A_719 = arith.constant 1 : i32
      %get3A_720 = arith.index_cast %get3A_719 : i32 to index
      %get3A_721 = arith.index_cast %add3A_718 : i32 to index
      %get3A_722 = arith.constant 0 : index
      %get3A_723 = tpu.vector_load %arg6[%get3A_720, %get3A_721, %get3A_722] {strides = array<i32>} : memref<3x200x128xf32, #tpu.memory_space<vmem>>, vector<1x1x16xf32>,
      %get3A_724 = vector.shape_cast %get3A_723 : vector<1x1x16xf32> to vector<16xf32>
      %add3A_725 = arith.addf %add3A_653, %get3A_724 : vector<16xf32>
      %add3A_726 = arith.constant 6 : i32
      %add3A_727 = arith.addi %mul3A_285, %add3A_726 : i32
      %get3A_728 = arith.constant 1 : i32
      %get3A_729 = arith.index_cast %get3A_728 : i32 to index
      %get3A_730 = arith.index_cast %add3A_727 : i32 to index
      %get3A_731 = arith.constant 16 : index
      %get3A_732 = tpu.vector_load %arg6[%get3A_729, %get3A_730, %get3A_731] {strides = array<i32>} : memref<3x200x128xf32, #tpu.memory_space<vmem>>, vector<1x1x16xf32>,
      %get3A_733 = vector.shape_cast %get3A_732 : vector<1x1x16xf32> to vector<16xf32>
      %add3A_734 = arith.addf %add3A_662, %get3A_733 : vector<16xf32>
      %add3A_735 = arith.constant 6 : i32
      %add3A_736 = arith.addi %mul3A_285, %add3A_735 : i32
      %get3A_737 = arith.constant 1 : i32
      %get3A_738 = arith.index_cast %get3A_737 : i32 to index
      %get3A_739 = arith.index_cast %add3A_736 : i32 to index
      %get3A_740 = arith.constant 32 : index
      %get3A_741 = tpu.vector_load %arg6[%get3A_738, %get3A_739, %get3A_740] {strides = array<i32>} : memref<3x200x128xf32, #tpu.memory_space<vmem>>, vector<1x1x16xf32>,
      %get3A_742 = vector.shape_cast %get3A_741 : vector<1x1x16xf32> to vector<16xf32>
      %add3A_743 = arith.addf %add3A_671, %get3A_742 : vector<16xf32>
      %add3A_744 = arith.constant 6 : i32
      %add3A_745 = arith.addi %mul3A_285, %add3A_744 : i32
      %get3A_746 = arith.constant 1 : i32
      %get3A_747 = arith.index_cast %get3A_746 : i32 to index
      %get3A_748 = arith.index_cast %add3A_745 : i32 to index
      %get3A_749 = arith.constant 48 : index
      %get3A_750 = tpu.vector_load %arg6[%get3A_747, %get3A_748, %get3A_749] {strides = array<i32>} : memref<3x200x128xf32, #tpu.memory_space<vmem>>, vector<1x1x16xf32>,
      %get3A_751 = vector.shape_cast %get3A_750 : vector<1x1x16xf32> to vector<16xf32>
      %add3A_752 = arith.addf %add3A_680, %get3A_751 : vector<16xf32>
      %add3A_753 = arith.constant 6 : i32
      %add3A_754 = arith.addi %mul3A_285, %add3A_753 : i32
      %get3A_755 = arith.constant 1 : i32
      %get3A_756 = arith.index_cast %get3A_755 : i32 to index
      %get3A_757 = arith.index_cast %add3A_754 : i32 to index
      %get3A_758 = arith.constant 64 : index
      %get3A_759 = tpu.vector_load %arg6[%get3A_756, %get3A_757, %get3A_758] {strides = array<i32>} : memref<3x200x128xf32, #tpu.memory_space<vmem>>, vector<1x1x16xf32>,
      %get3A_760 = vector.shape_cast %get3A_759 : vector<1x1x16xf32> to vector<16xf32>
      %add3A_761 = arith.addf %add3A_689, %get3A_760 : vector<16xf32>
      %add3A_762 = arith.constant 6 : i32
      %add3A_763 = arith.addi %mul3A_285, %add3A_762 : i32
      %get3A_764 = arith.constant 1 : i32
      %get3A_765 = arith.index_cast %get3A_764 : i32 to index
      %get3A_766 = arith.index_cast %add3A_763 : i32 to index
      %get3A_767 = arith.constant 80 : index
      %get3A_768 = tpu.vector_load %arg6[%get3A_765, %get3A_766, %get3A_767] {strides = array<i32>} : memref<3x200x128xf32, #tpu.memory_space<vmem>>, vector<1x1x16xf32>,
      %get3A_769 = vector.shape_cast %get3A_768 : vector<1x1x16xf32> to vector<16xf32>
      %add3A_770 = arith.addf %add3A_698, %get3A_769 : vector<16xf32>
      %add3A_771 = arith.constant 6 : i32
      %add3A_772 = arith.addi %mul3A_285, %add3A_771 : i32
      %get3A_773 = arith.constant 1 : i32
      %get3A_774 = arith.index_cast %get3A_773 : i32 to index
      %get3A_775 = arith.index_cast %add3A_772 : i32 to index
      %get3A_776 = arith.constant 96 : index
      %get3A_777 = tpu.vector_load %arg6[%get3A_774, %get3A_775, %get3A_776] {strides = array<i32>} : memref<3x200x128xf32, #tpu.memory_space<vmem>>, vector<1x1x16xf32>,
      %get3A_778 = vector.shape_cast %get3A_777 : vector<1x1x16xf32> to vector<16xf32>
      %add3A_779 = arith.addf %add3A_707, %get3A_778 : vector<16xf32>
      %add3A_780 = arith.constant 6 : i32
      %add3A_781 = arith.addi %mul3A_285, %add3A_780 : i32
      %get3A_782 = arith.constant 1 : i32
      %get3A_783 = arith.index_cast %get3A_782 : i32 to index
      %get3A_784 = arith.index_cast %add3A_781 : i32 to index
      %get3A_785 = arith.constant 112 : index
      %get3A_786 = tpu.vector_load %arg6[%get3A_783, %get3A_784, %get3A_785] {strides = array<i32>} : memref<3x200x128xf32, #tpu.memory_space<vmem>>, vector<1x1x16xf32>,
      %get3A_787 = vector.shape_cast %get3A_786 : vector<1x1x16xf32> to vector<16xf32>
      %add3A_788 = arith.addf %add3A_716, %get3A_787 : vector<16xf32>
      %add3A_789 = arith.constant 7 : i32
      %add3A_790 = arith.addi %mul3A_285, %add3A_789 : i32
      %get3A_791 = arith.constant 1 : i32
      %get3A_792 = arith.index_cast %get3A_791 : i32 to index
      %get3A_793 = arith.index_cast %add3A_790 : i32 to index
      %get3A_794 = arith.constant 0 : index
      %get3A_795 = tpu.vector_load %arg6[%get3A_792, %get3A_793, %get3A_794] {strides = array<i32>} : memref<3x200x128xf32, #tpu.memory_space<vmem>>, vector<1x1x16xf32>,
      %get3A_796 = vector.shape_cast %get3A_795 : vector<1x1x16xf32> to vector<16xf32>
      %add3A_797 = arith.addf %add3A_725, %get3A_796 : vector<16xf32>
      %add3A_798 = arith.constant 7 : i32
      %add3A_799 = arith.addi %mul3A_285, %add3A_798 : i32
      %get3A_800 = arith.constant 1 : i32
      %get3A_801 = arith.index_cast %get3A_800 : i32 to index
      %get3A_802 = arith.index_cast %add3A_799 : i32 to index
      %get3A_803 = arith.constant 16 : index
      %get3A_804 = tpu.vector_load %arg6[%get3A_801, %get3A_802, %get3A_803] {strides = array<i32>} : memref<3x200x128xf32, #tpu.memory_space<vmem>>, vector<1x1x16xf32>,
      %get3A_805 = vector.shape_cast %get3A_804 : vector<1x1x16xf32> to vector<16xf32>
      %add3A_806 = arith.addf %add3A_734, %get3A_805 : vector<16xf32>
      %add3A_807 = arith.constant 7 : i32
      %add3A_808 = arith.addi %mul3A_285, %add3A_807 : i32
      %get3A_809 = arith.constant 1 : i32
      %get3A_810 = arith.index_cast %get3A_809 : i32 to index
      %get3A_811 = arith.index_cast %add3A_808 : i32 to index
      %get3A_812 = arith.constant 32 : index
      %get3A_813 = tpu.vector_load %arg6[%get3A_810, %get3A_811, %get3A_812] {strides = array<i32>} : memref<3x200x128xf32, #tpu.memory_space<vmem>>, vector<1x1x16xf32>,
      %get3A_814 = vector.shape_cast %get3A_813 : vector<1x1x16xf32> to vector<16xf32>
      %add3A_815 = arith.addf %add3A_743, %get3A_814 : vector<16xf32>
      %add3A_816 = arith.constant 7 : i32
      %add3A_817 = arith.addi %mul3A_285, %add3A_816 : i32
      %get3A_818 = arith.constant 1 : i32
      %get3A_819 = arith.index_cast %get3A_818 : i32 to index
      %get3A_820 = arith.index_cast %add3A_817 : i32 to index
      %get3A_821 = arith.constant 48 : index
      %get3A_822 = tpu.vector_load %arg6[%get3A_819, %get3A_820, %get3A_821] {strides = array<i32>} : memref<3x200x128xf32, #tpu.memory_space<vmem>>, vector<1x1x16xf32>,
      %get3A_823 = vector.shape_cast %get3A_822 : vector<1x1x16xf32> to vector<16xf32>
      %add3A_824 = arith.addf %add3A_752, %get3A_823 : vector<16xf32>
      %add3A_825 = arith.constant 7 : i32
      %add3A_826 = arith.addi %mul3A_285, %add3A_825 : i32
      %get3A_827 = arith.constant 1 : i32
      %get3A_828 = arith.index_cast %get3A_827 : i32 to index
      %get3A_829 = arith.index_cast %add3A_826 : i32 to index
      %get3A_830 = arith.constant 64 : index
      %get3A_831 = tpu.vector_load %arg6[%get3A_828, %get3A_829, %get3A_830] {strides = array<i32>} : memref<3x200x128xf32, #tpu.memory_space<vmem>>, vector<1x1x16xf32>,
      %get3A_832 = vector.shape_cast %get3A_831 : vector<1x1x16xf32> to vector<16xf32>
      %add3A_833 = arith.addf %add3A_761, %get3A_832 : vector<16xf32>
      %add3A_834 = arith.constant 7 : i32
      %add3A_835 = arith.addi %mul3A_285, %add3A_834 : i32
      %get3A_836 = arith.constant 1 : i32
      %get3A_837 = arith.index_cast %get3A_836 : i32 to index
      %get3A_838 = arith.index_cast %add3A_835 : i32 to index
      %get3A_839 = arith.constant 80 : index
      %get3A_840 = tpu.vector_load %arg6[%get3A_837, %get3A_838, %get3A_839] {strides = array<i32>} : memref<3x200x128xf32, #tpu.memory_space<vmem>>, vector<1x1x16xf32>,
      %get3A_841 = vector.shape_cast %get3A_840 : vector<1x1x16xf32> to vector<16xf32>
      %add3A_842 = arith.addf %add3A_770, %get3A_841 : vector<16xf32>
      %add3A_843 = arith.constant 7 : i32
      %add3A_844 = arith.addi %mul3A_285, %add3A_843 : i32
      %get3A_845 = arith.constant 1 : i32
      %get3A_846 = arith.index_cast %get3A_845 : i32 to index
      %get3A_847 = arith.index_cast %add3A_844 : i32 to index
      %get3A_848 = arith.constant 96 : index
      %get3A_849 = tpu.vector_load %arg6[%get3A_846, %get3A_847, %get3A_848] {strides = array<i32>} : memref<3x200x128xf32, #tpu.memory_space<vmem>>, vector<1x1x16xf32>,
      %get3A_850 = vector.shape_cast %get3A_849 : vector<1x1x16xf32> to vector<16xf32>
      %add3A_851 = arith.addf %add3A_779, %get3A_850 : vector<16xf32>
      %add3A_852 = arith.constant 7 : i32
      %add3A_853 = arith.addi %mul3A_285, %add3A_852 : i32
      %get3A_854 = arith.constant 1 : i32
      %get3A_855 = arith.index_cast %get3A_854 : i32 to index
      %get3A_856 = arith.index_cast %add3A_853 : i32 to index
      %get3A_857 = arith.constant 112 : index
      %get3A_858 = tpu.vector_load %arg6[%get3A_855, %get3A_856, %get3A_857] {strides = array<i32>} : memref<3x200x128xf32, #tpu.memory_space<vmem>>, vector<1x1x16xf32>,
      %get3A_859 = vector.shape_cast %get3A_858 : vector<1x1x16xf32> to vector<16xf32>
      %add3A_860 = arith.addf %add3A_788, %get3A_859 : vector<16xf32>
      scf.yield %add3A_797, %add3A_806, %add3A_815, %add3A_824, %add3A_833, %add3A_842, %add3A_851, %add3A_860 : vector<16xf32>, vector<16xf32>, vector<16xf32>, vector<16xf32>, vector<16xf32>, vector<16xf32>, vector<16xf32>, vector<16xf32>
    }
    %scan3A_226 = arith.constant 25 : i32
    %swap3A_227 = arith.constant 127 : i32
    %swap3A_228 = arith.index_cast %swap3A_227 : i32 to index
    %swap3A_229 = arith.constant 0 : index
    %swap3A_230 = tpu.vector_load %arg7[%swap3A_228, %swap3A_229] {strides = array<i32>} : memref<128x128xf32, #tpu.memory_space<vmem>>, vector<1x16xf32>,
    %swap3A_231 = vector.shape_cast %swap3A_230 : vector<1x16xf32> to vector<16xf32>
    %swap3A_232 = vector.shape_cast %scan3A_225#0 : vector<16xf32> to vector<1x16xf32>
    tpu.vector_store %arg7[%swap3A_228, %swap3A_229], %swap3A_232 {strides = array<i32>} : memref<128x128xf32, #tpu.memory_space<vmem>>, vector<1x16xf32>,
    %swap3A_233 = arith.constant 127 : i32
    %swap3A_234 = arith.index_cast %swap3A_233 : i32 to index
    %swap3A_235 = arith.constant 16 : index
    %swap3A_236 = tpu.vector_load %arg7[%swap3A_234, %swap3A_235] {strides = array<i32>} : memref<128x128xf32, #tpu.memory_space<vmem>>, vector<1x16xf32>,
    %swap3A_237 = vector.shape_cast %swap3A_236 : vector<1x16xf32> to vector<16xf32>
    %swap3A_238 = vector.shape_cast %scan3A_225#1 : vector<16xf32> to vector<1x16xf32>
    tpu.vector_store %arg7[%swap3A_234, %swap3A_235], %swap3A_238 {strides = array<i32>} : memref<128x128xf32, #tpu.memory_space<vmem>>, vector<1x16xf32>,
    %swap3A_239 = arith.constant 127 : i32
    %swap3A_240 = arith.index_cast %swap3A_239 : i32 to index
    %swap3A_241 = arith.constant 32 : index
    %swap3A_242 = tpu.vector_load %arg7[%swap3A_240, %swap3A_241] {strides = array<i32>} : memref<128x128xf32, #tpu.memory_space<vmem>>, vector<1x16xf32>,
    %swap3A_243 = vector.shape_cast %swap3A_242 : vector<1x16xf32> to vector<16xf32>
    %swap3A_244 = vector.shape_cast %scan3A_225#2 : vector<16xf32> to vector<1x16xf32>
    tpu.vector_store %arg7[%swap3A_240, %swap3A_241], %swap3A_244 {strides = array<i32>} : memref<128x128xf32, #tpu.memory_space<vmem>>, vector<1x16xf32>,
    %swap3A_245 = arith.constant 127 : i32
    %swap3A_246 = arith.index_cast %swap3A_245 : i32 to index
    %swap3A_247 = arith.constant 48 : index
    %swap3A_248 = tpu.vector_load %arg7[%swap3A_246, %swap3A_247] {strides = array<i32>} : memref<128x128xf32, #tpu.memory_space<vmem>>, vector<1x16xf32>,
    %swap3A_249 = vector.shape_cast %swap3A_248 : vector<1x16xf32> to vector<16xf32>
    %swap3A_250 = vector.shape_cast %scan3A_225#3 : vector<16xf32> to vector<1x16xf32>
    tpu.vector_store %arg7[%swap3A_246, %swap3A_247], %swap3A_250 {strides = array<i32>} : memref<128x128xf32, #tpu.memory_space<vmem>>, vector<1x16xf32>,
    %swap3A_251 = arith.constant 127 : i32
    %swap3A_252 = arith.index_cast %swap3A_251 : i32 to index
    %swap3A_253 = arith.constant 64 : index
    %swap3A_254 = tpu.vector_load %arg7[%swap3A_252, %swap3A_253] {strides = array<i32>} : memref<128x128xf32, #tpu.memory_space<vmem>>, vector<1x16xf32>,
    %swap3A_255 = vector.shape_cast %swap3A_254 : vector<1x16xf32> to vector<16xf32>
    %swap3A_256 = vector.shape_cast %scan3A_225#4 : vector<16xf32> to vector<1x16xf32>
    tpu.vector_store %arg7[%swap3A_252, %swap3A_253], %swap3A_256 {strides = array<i32>} : memref<128x128xf32, #tpu.memory_space<vmem>>, vector<1x16xf32>,
    %swap3A_257 = arith.constant 127 : i32
    %swap3A_258 = arith.index_cast %swap3A_257 : i32 to index
    %swap3A_259 = arith.constant 80 : index
    %swap3A_260 = tpu.vector_load %arg7[%swap3A_258, %swap3A_259] {strides = array<i32>} : memref<128x128xf32, #tpu.memory_space<vmem>>, vector<1x16xf32>,
    %swap3A_261 = vector.shape_cast %swap3A_260 : vector<1x16xf32> to vector<16xf32>
    %swap3A_262 = vector.shape_cast %scan3A_225#5 : vector<16xf32> to vector<1x16xf32>
    tpu.vector_store %arg7[%swap3A_258, %swap3A_259], %swap3A_262 {strides = array<i32>} : memref<128x128xf32, #tpu.memory_space<vmem>>, vector<1x16xf32>,
    %swap3A_263 = arith.constant 127 : i32
    %swap3A_264 = arith.index_cast %swap3A_263 : i32 to index
    %swap3A_265 = arith.constant 96 : index
    %swap3A_266 = tpu.vector_load %arg7[%swap3A_264, %swap3A_265] {strides = array<i32>} : memref<128x128xf32, #tpu.memory_space<vmem>>, vector<1x16xf32>,
    %swap3A_267 = vector.shape_cast %swap3A_266 : vector<1x16xf32> to vector<16xf32>
    %swap3A_268 = vector.shape_cast %scan3A_225#6 : vector<16xf32> to vector<1x16xf32>
    tpu.vector_store %arg7[%swap3A_264, %swap3A_265], %swap3A_268 {strides = array<i32>} : memref<128x128xf32, #tpu.memory_space<vmem>>, vector<1x16xf32>,
    %swap3A_269 = arith.constant 127 : i32
    %swap3A_270 = arith.index_cast %swap3A_269 : i32 to index
    %swap3A_271 = arith.constant 112 : index
    %swap3A_272 = tpu.vector_load %arg7[%swap3A_270, %swap3A_271] {strides = array<i32>} : memref<128x128xf32, #tpu.memory_space<vmem>>, vector<1x16xf32>,
    %swap3A_273 = vector.shape_cast %swap3A_272 : vector<1x16xf32> to vector<16xf32>
    %swap3A_274 = vector.shape_cast %scan3A_225#7 : vector<16xf32> to vector<1x16xf32>
    tpu.vector_store %arg7[%swap3A_270, %swap3A_271], %swap3A_274 {strides = array<i32>} : memref<128x128xf32, #tpu.memory_space<vmem>>, vector<1x16xf32>,
    "tpu.region"() ({
      %run_scoped3A = tpu.sem_alloc : memref<!tpu.dma_semaphore, #tpu.memory_space<semaphore_mem>>
      %dma_start3A_275 = arith.constant 0 : i32
      %dma_start3A_276 = tpu.memref_slice %arg4[%mul3A_2, %dma_start3A_275] : memref<4096x128xf32, #tpu.memory_space<hbm>> -> memref<128x128xf32, #tpu.memory_space<hbm>>
      %dma_start3A_277 = arith.constant 0 : i32
      %dma_start3A_278 = tpu.memref_slice %arg4[%mul3A_2, %dma_start3A_277] : memref<4096x128xf32, #tpu.memory_space<hbm>> -> memref<128x128xf32, #tpu.memory_space<hbm>>
      tpu.enqueue_dma source(%arg7 : memref<128x128xf32, #tpu.memory_space<vmem>>) target(%dma_start3A_278 : memref<128x128xf32, #tpu.memory_space<hbm>>) target_semaphore(%run_scoped3A : memref<!tpu.dma_semaphore, #tpu.memory_space<semaphore_mem>>)
      %dma_wait3A_279 = arith.constant 0 : i32
      %dma_wait3A_280 = tpu.memref_slice %arg4[%mul3A_2, %dma_wait3A_279] : memref<4096x128xf32, #tpu.memory_space<hbm>> -> memref<128x128xf32, #tpu.memory_space<hbm>>
      %dma_wait3A_281 = arith.constant 0 : i32
      %dma_wait3A_282 = tpu.memref_slice %arg4[%mul3A_2, %dma_wait3A_281] : memref<4096x128xf32, #tpu.memory_space<hbm>> -> memref<128x128xf32, #tpu.memory_space<hbm>>
      tpu.wait_dma2 semaphore(%run_scoped3A : memref<!tpu.dma_semaphore, #tpu.memory_space<semaphore_mem>>) src(%arg7 : memref<128x128xf32, #tpu.memory_space<vmem>>) dst(%dma_wait3A_282 : memref<128x128xf32, #tpu.memory_space<hbm>>)
      tpu.yield
    }) : () -> ()
    return
  }
}

module attributes {stable_mosaic.version = 14 : i64} {
  func.func @_mlp_body(%arg0: i32, %arg1: memref<2048x128xf32, #tpu.memory_space<vmem>>, %arg2: memref<128x256xf32, #tpu.memory_space<vmem>>, %arg3: memref<1x256xf32, #tpu.memory_space<vmem>>, %arg4: memref<256x1024xf32, #tpu.memory_space<vmem>>, %arg5: memref<1x1024xf32, #tpu.memory_space<vmem>>, %arg6: memref<2048x1024xf32, #tpu.memory_space<vmem>>) attributes {dimension_semantics = [#tpu.dimension_semantics<arbitrary>], iteration_bounds = array<i64: 2>, scalar_prefetch = 0 : i64, scratch_operands = 0 : i64, tpu.core_type = #tpu.core_type<tc>, window_params = [{transform_indices = @transform_0, window_bounds = array<i64: 2048, 128>}, {pipeline_mode = #tpu.pipeline_mode<synchronous>, transform_indices = @transform_1, window_bounds = array<i64: 128, 256>}, {pipeline_mode = #tpu.pipeline_mode<synchronous>, transform_indices = @transform_2, window_bounds = array<i64: 1, 256>}, {pipeline_mode = #tpu.pipeline_mode<synchronous>, transform_indices = @transform_3, window_bounds = array<i64: 256, 1024>}, {pipeline_mode = #tpu.pipeline_mode<synchronous>, transform_indices = @transform_4, window_bounds = array<i64: 1, 1024>}, {transform_indices = @transform_5, window_bounds = array<i64: 2048, 1024>}]} {
    %get3A = arith.constant 0 : index
    %get3A_0 = arith.constant 0 : index
    %get3A_1 = vector.load %arg1[%get3A, %get3A_0] : memref<2048x128xf32, #tpu.memory_space<vmem>>, vector<2048x128xf32>
    %get3A_2 = arith.constant 0 : index
    %get3A_3 = arith.constant 0 : index
    %get3A_4 = vector.load %arg2[%get3A_2, %get3A_3] : memref<128x256xf32, #tpu.memory_space<vmem>>, vector<128x256xf32>
    %dot_general3A = arith.constant dense<0.000000e+00> : vector<2048x256xf32>
    %dot_general3A_5 = tpu.matmul %get3A_1, %get3A_4, %dot_general3A {dimension_numbers = #tpu.dot_dimension_numbers<[1], [0], [0], [1], [0, 0, 1, 1], [], []>, transpose_lhs_hint = false} : vector<2048x128xf32>, vector<128x256xf32>, vector<2048x256xf32> -> vector<2048x256xf32>
    %get3A_6 = arith.constant 0 : index
    %get3A_7 = arith.constant 0 : index
    %get3A_8 = vector.load %arg3[%get3A_6, %get3A_7] : memref<1x256xf32, #tpu.memory_space<vmem>>, vector<1x256xf32>
    %add3A = vector.broadcast %get3A_8 : vector<1x256xf32> to vector<2048x256xf32>
    %add3A_9 = arith.addf %dot_general3A_5, %add3A : vector<2048x256xf32>
    %logistic3A = arith.negf %add3A_9 : vector<2048x256xf32>
    %logistic3A_10 = math.exp %logistic3A : vector<2048x256xf32>
    %logistic3A_11 = arith.constant 1.000000e+00 : f32
    %logistic3A_12 = vector.broadcast %logistic3A_11 : f32 to vector<2048x256xf32>
    %logistic3A_13 = arith.addf %logistic3A_12, %logistic3A_10 : vector<2048x256xf32>
    %logistic3A_14 = arith.divf %logistic3A_12, %logistic3A_13 : vector<2048x256xf32>
    %get3A_15 = arith.constant 0 : index
    %get3A_16 = arith.constant 0 : index
    %get3A_17 = vector.load %arg4[%get3A_15, %get3A_16] : memref<256x1024xf32, #tpu.memory_space<vmem>>, vector<256x1024xf32>
    %dot_general3A_18 = arith.constant dense<0.000000e+00> : vector<2048x1024xf32>
    %dot_general3A_19 = tpu.matmul %logistic3A_14, %get3A_17, %dot_general3A_18 {dimension_numbers = #tpu.dot_dimension_numbers<[1], [0], [0], [1], [0, 0, 1, 1], [], []>, transpose_lhs_hint = false} : vector<2048x256xf32>, vector<256x1024xf32>, vector<2048x1024xf32> -> vector<2048x1024xf32>
    %get3A_20 = arith.constant 0 : index
    %get3A_21 = arith.constant 0 : index
    %get3A_22 = vector.load %arg5[%get3A_20, %get3A_21] : memref<1x1024xf32, #tpu.memory_space<vmem>>, vector<1x1024xf32>
    %add3A_23 = vector.broadcast %get3A_22 : vector<1x1024xf32> to vector<2048x1024xf32>
    %add3A_24 = arith.addf %dot_general3A_19, %add3A_23 : vector<2048x1024xf32>
    %reduce_max3A = arith.constant dense<0xFF800000> : vector<2048xf32>
    %reduce_max3A_25 = vector.multi_reduction <maximumf>, %add3A_24, %reduce_max3A [1] : vector<2048x1024xf32> to vector<2048xf32>
    %broadcast_in_dim3A = vector.shape_cast %reduce_max3A_25 : vector<2048xf32> to vector<2048x1xf32>
    %sub3A = vector.broadcast %broadcast_in_dim3A : vector<2048x1xf32> to vector<2048x1024xf32>
    %sub3A_26 = arith.subf %add3A_24, %sub3A : vector<2048x1024xf32>
    %exp3A = math.exp %sub3A_26 : vector<2048x1024xf32>
    %reduce_sum3A = arith.constant dense<0.000000e+00> : vector<2048xf32>
    %reduce_sum3A_27 = vector.multi_reduction <add>, %exp3A, %reduce_sum3A [1] : vector<2048x1024xf32> to vector<2048xf32>
    %broadcast_in_dim3A_28 = vector.shape_cast %reduce_sum3A_27 : vector<2048xf32> to vector<2048x1xf32>
    %log3A = math.log %broadcast_in_dim3A_28 : vector<2048x1xf32>
    %add3A_29 = arith.addf %log3A, %broadcast_in_dim3A : vector<2048x1xf32>
    %sub3A_30 = vector.broadcast %add3A_29 : vector<2048x1xf32> to vector<2048x1024xf32>
    %sub3A_31 = arith.subf %add3A_24, %sub3A_30 : vector<2048x1024xf32>
    %swap3A = arith.constant 0 : index
    %swap3A_32 = arith.constant 0 : index
    %swap3A_33 = vector.load %arg6[%swap3A, %swap3A_32] : memref<2048x1024xf32, #tpu.memory_space<vmem>>, vector<2048x1024xf32>
    tpu.vector_store %arg6[%swap3A, %swap3A_32], %sub3A_31 {strides = array<i32>} : memref<2048x1024xf32, #tpu.memory_space<vmem>>, vector<2048x1024xf32>,
    return
  }
  func.func @transform_0(%arg0: i32) -> (i32, i32) {
    %c0_i32 = arith.constant 0 : i32
    %c0_i32_0 = arith.constant 0 : i32
    return %arg0, %c0_i32 : i32, i32
  }
  func.func @transform_1(%arg0: i32) -> (i32, i32) {
    %c0_i32 = arith.constant 0 : i32
    %c0_i32_0 = arith.constant 0 : i32
    %c0_i32_1 = arith.constant 0 : i32
    return %c0_i32, %c0_i32_0 : i32, i32
  }
  func.func @transform_2(%arg0: i32) -> (i32, i32) {
    %c0_i32 = arith.constant 0 : i32
    %c0_i32_0 = arith.constant 0 : i32
    %c0_i32_1 = arith.constant 0 : i32
    return %c0_i32, %c0_i32_0 : i32, i32
  }
  func.func @transform_3(%arg0: i32) -> (i32, i32) {
    %c0_i32 = arith.constant 0 : i32
    %c0_i32_0 = arith.constant 0 : i32
    %c0_i32_1 = arith.constant 0 : i32
    return %c0_i32, %c0_i32_0 : i32, i32
  }
  func.func @transform_4(%arg0: i32) -> (i32, i32) {
    %c0_i32 = arith.constant 0 : i32
    %c0_i32_0 = arith.constant 0 : i32
    %c0_i32_1 = arith.constant 0 : i32
    return %c0_i32, %c0_i32_0 : i32, i32
  }
  func.func @transform_5(%arg0: i32) -> (i32, i32) {
    %c0_i32 = arith.constant 0 : i32
    %c0_i32_0 = arith.constant 0 : i32
    return %arg0, %c0_i32 : i32, i32
  }
}

</mosaic_0001>

<sc_bundles>
// kernel: kernel.4.cloned.1.call-start
scs
__scs_entry_jumppad:
0x0: {  	(pc) =	sbr.rel $0x88, $3  }
0x1: {  	(tag) =	ssettag $0x0;
	lr =	simm.s32 $0x1  }
0x2: {  	[smem:$0x3F9B] =	sst lr;
	_ =	strace $0xD0000000  }
0x3: {  	_ = 	snop  }
0x4: {  	_ = 	snop  }
0x5: {  	_ = 	snop  }
0x6: {  	_ = 	snop  }
0x7: {  	_ = 	snop  }
__scs_overlays_trampoline_lowered:
0x8: {  	[smem:$0x3FAA] =	sst s0  }
0x9: {  	[smem:$0x3FAB] =	sst s1  }
0xa: {  	[smem:$0x3FAC] =	sst s2  }
0xb: {  	[smem:$0x3FAD] =	sst s3  }
0xc: {  	[smem:$0x3FAE] =	sst s4  }
0xd: {  	[smem:$0x3FAF] =	sst s5  }
0xe: {  	[smem:$0x3FB0] =	sst s6  }
0xf: {  	[smem:$0x3FB1] =	sst s7  }
0x10: {  	[smem:$0x3FB2] =	sst s8  }
0x11: {  	[smem:$0x3FB3] =	sst s9;
	s0 =	simm.s32 @!p0 $0x0  }
0x12: {  	s1 =	sld [smem:$0x3F99];
	s0 =	simm.s32 @p0 $0x1  }
0x13: {  	[smem:$0x3FB4] =	sst s0;
	s0 =	simm.s32 @!p1 $0x0  }
0x14: {  	s2 =	sld [smem:$0x3F98];
	s0 =	simm.s32 @p1 $0x1  }
0x15: {  	[smem:$0x3FB5] =	sst s0;
	s0 =	simm.s32 @!p2 $0x0  }
0x16: {  	s3 =	sld [smem:$0x3FDB];
	s0 =	simm.s32 @p2 $0x1  }
0x17: {  	s4 =	simm.s32 $0x1BF5;
	[smem:$0x3FB7] =	sst s0  }
0x18: {  	s0 =	sld [smem:$0x3F9A];
	_ =	swait.ge [sflag:s4], $0x0  }
0x19: {  	s7 =	sld [smem:$0x3F9B]  }
0x1a: {  	s8 =	sadd.s32 $0xFFFFE003, lr  }
0x1b: {  	s9 =	sadd.s32 $0xFFFFFEF7, lr;
	s5 =	simm.s32 $0xFFFFFFFF;
	p2 =	slt.u32 s8, $0xFFFFF086  }
0x1c: {  	p1 =	slt.u32 s9, $0xF7A;
	s5 =	simm.s32 @!p2 $0x0  }
0x1d: {  	s5 =	simm.s32 @p1 $0x1;
	p0 =	seq.s32 s7, s2  }
0x1e: {  	s7 =	smul.u32 @!p0 $0xF7A, s2;
	p2 =	seq.s32 @!p0 s5, $0x0  }
0x1f: {  	s9 =	smul.u32 $0xF7A, s1;
	s8 =	simm.s32 @!p0 $0x1BF5;
	p2 =	por !p2, p0  }
0x20: {  	[sflag:s8] =	ssyncset.s32 @!p0 $0xFFFFF086;
	s6 =	sadd.s32 @!p0 s3, s7;
	s7 =	simm.s32 @!p0 $0x108  }
0x21: {  	s3 =	sadd.s32 s3, s9;
	s6 =	sadd.s32 @!p0 $0x88, s6;
	s7 =	simm.s32 @p2 $0x1082  }
0x22: {  	[simem:s7], [sflag:s8] =	dma.local @!p0 [hbm:s6], $0xF7A  }
0x23: {  	s9 =	sor.u32 $0xD0000000, s2;
	s6 =	simm.s32 $0x108;
	_ =	swait.ge @!p0 [sflag:s8], $0x0  }
0x24: {  	s3 =	sadd.s32 $0x88, s3;
	s6 =	simm.s32 @!p1 $0x1082;
	[sflag:s4] =	ssyncset.s32 $0xFFFFF086  }
0x25: {  	[simem:s6], [sflag:s4] =	dma.local [hbm:s3], $0xF7A  }
0x26: {  	[smem:$0x3F9B] =	sst s1;
	(tag) =	ssettag s2;
	_ =	strace s9  }
0x27: {  	s1 =	sld [smem:$0x3FAB]  }
0x28: {  	s2 =	sld [smem:$0x3FAC]  }
0x29: {  	s4 =	sld [smem:$0x3FAE]  }
0x2a: {  	p0 =	seq.s32 s5, $0x0;
	s5 =	sld [smem:$0x3FAF]  }
0x2b: {  	s6 =	sld [smem:$0x3FB0]  }
0x2c: {  	s7 =	sld [smem:$0x3FB1]  }
0x2d: {  	s3 =	simm.s32 $0x108;
	s8 =	sld [smem:$0x3FB2]  }
0x2e: {  	s3 =	simm.s32 @!p0 $0x1082;
	s9 =	sld [smem:$0x3FB3]  }
0x2f: {  	lr =	sadd.s32 s0, s3;
	s0 =	sld [smem:$0x3FAA]  }
0x30: {  	s3 =	sld [smem:$0x3FAD]  }
0x31: {  	[smem:$0x3FB6] =	sst s10  }
0x32: {  	s10 =	sld [smem:$0x3FB4];
	_ =	sdelay $0x3  }
0x33: {  	p0 =	seq.s32 s10, $0x1;
	s10 =	sld [smem:$0x3FB6];
	_ =	sdelay $0x3  }
0x34: {  	[smem:$0x3FB6] =	sst s10  }
0x35: {  	s10 =	sld [smem:$0x3FB5];
	_ =	sdelay $0x3  }
0x36: {  	p1 =	seq.s32 s10, $0x1;
	s10 =	sld [smem:$0x3FB6];
	_ =	sdelay $0x3  }
0x37: {  	[smem:$0x3FB6] =	sst s10  }
0x38: {  	s10 =	sld [smem:$0x3FB7]  }
0x39: {  	_ = 	snop;
	(pc) =	sbr.ind lr, $3  }
0x3a: {  	_ = 	snop  }
0x3b: {  	_ = 	snop  }
0x3c: {  	p2 =	seq.s32 s10, $0x1;
	s10 =	sld [smem:$0x3FB6]  }
0x3d: {  	_ =	shalt  }
0x3e: {  	_ =	shalt  }
0x3f: {  	_ =	shalt  }
0x40: {  	_ =	shalt  }
0x41: {  	_ =	shalt  }
0x42: {  	_ =	shalt  }
0x43: {  	_ =	shalt  }
0x44: {  	_ =	shalt  }
0x45: {  	_ =	shalt  }
0x46: {  	_ =	shalt  }
0x47: {  	_ =	shalt  }
0x48: {  	_ =	shalt  }
0x49: {  	_ =	shalt  }
0x4a: {  	_ =	shalt  }
0x4b: {  	_ =	shalt  }
0x4c: {  	_ =	shalt  }
0x4d: {  	_ =	shalt  }
0x4e: {  	_ =	shalt  }
0x4f: {  	_ =	shalt  }
0x50: {  	_ =	shalt  }
0x51: {  	_ =	shalt  }
0x52: {  	_ =	shalt  }
0x53: {  	_ =	shalt  }
0x54: {  	_ =	shalt  }
0x55: {  	_ =	shalt  }
0x56: {  	_ =	shalt  }
0x57: {  	_ =	shalt  }
0x58: {  	_ =	shalt  }
0x59: {  	_ =	shalt  }
0x5a: {  	_ =	shalt  }
0x5b: {  	_ =	shalt  }
0x5c: {  	_ =	shalt  }
0x5d: {  	_ =	shalt  }
0x5e: {  	_ =	shalt  }
0x5f: {  	_ =	shalt  }
0x60: {  	_ =	shalt  }
0x61: {  	_ =	shalt  }
0x62: {  	_ =	shalt  }
0x63: {  	_ =	shalt  }
0x64: {  	_ =	shalt  }
0x65: {  	_ =	shalt  }
0x66: {  	_ =	shalt  }
0x67: {  	_ =	shalt  }
0x68: {  	_ =	shalt  }
0x69: {  	_ =	shalt  }
0x6a: {  	_ =	shalt  }
0x6b: {  	_ =	shalt  }
0x6c: {  	_ =	shalt  }
0x6d: {  	_ =	shalt  }
0x6e: {  	_ =	shalt  }
0x6f: {  	_ =	shalt  }
0x70: {  	_ =	shalt  }
0x71: {  	_ =	shalt  }
0x72: {  	_ =	shalt  }
0x73: {  	_ =	shalt  }
0x74: {  	_ =	shalt  }
0x75: {  	_ =	shalt  }
0x76: {  	_ =	shalt  }
0x77: {  	_ =	shalt  }
0x78: {  	_ =	shalt  }
0x79: {  	_ =	shalt  }
0x7a: {  	_ =	shalt  }
0x7b: {  	_ =	shalt  }
0x7c: {  	_ =	shalt  }
0x7d: {  	_ =	shalt  }
0x7e: {  	_ =	shalt  }
0x7f: {  	_ =	shalt  }
0x80: {  	_ =	shalt  }
0x81: {  	_ =	shalt  }
0x82: {  	_ =	shalt  }
0x83: {  	_ =	shalt  }
0x84: {  	_ =	shalt  }
0x85: {  	_ =	shalt  }
0x86: {  	_ =	shalt  }
0x87: {  	_ =	shalt  }
.Lfunc_end0:
.L_simem_size_0:
called_computation_lowered:
.L_overlay_start_0:
0x88: {  	s2 =	sld [smem:$0x3FD9]  }
0x89: {  	s3 =	sld [smem:$0x3FFE];
	_ =	sdelay $0x1  }
0x8a: {  	s1 =	srdreg.scid  }
0x8b: {  	s0 =	sand.u32 $0x1, s1  }
0x8c: {  	s17 =	sshll.u32 s0, $0xA;
	s2 =	sadd.s32 s3, s2  }
0x8d: {  	s2 =	sadd.s32 s2, s17  }
0x8e: {  	[smem:$0x3FC2] =	sst s2  }
0x8f: {  	_ = 	snop  }
0x90: {  	s2 =	sld [smem:$0x3FC8]  }
0x91: {  	s18 =	sld [smem:$0x3FD0];
	(tm) =	ssettm $0x1  }
0x92: {  	s4 =	sld [smem:$0x3FFB];
	_ =	sdelay $0x3  }
0x93: {  	_ =	strace s4  }
0x94: {  	s4 =	sld [smem:$0x3FFC];
	_ =	sdelay $0x3  }
0x95: {  	_ =	strace s4  }
0x96: {  	s4 =	sld [smem:$0x3FFD];
	_ =	sdelay $0x3  }
0x97: {  	_ =	strace s4  }
0x98: {  	_ =	strace $0x8FFFFFFF  }
0x99: {  	s19 =	sld [smem:$0x3FDB];
	_ =	sdelay $0x1  }
0x9a: {  	s5 =	simm.s32 $_scs_section_size  }
0x9b: {  	s6 =	simm.s32 $_size__tile_overlayer_lowered;
	s7 =	simm.s32 $_tile_overlayer_lowered  }
0x9c: {  	s22 =	simm.s32 $0x1BFF;
	s21 =	sshll.u32 s7, $0x1;
	s4 =	sadd.s32 s5, s19  }
0x9d: {  	s8 =	simm.s32 $0x0;
	s20 =	sshll.u32 s6, $0x1;
	s6 =	sadd.s32 s21, s4  }
0x9e: {  	[timem:s8], [sflag:s22] =	dma.local [hbm:s6], s20  }
0x9f: {  	_ =	swait.ge [sflag:s22], s20  }
0xa0: {  	s5 =	ssub.s32 $0x0, s20;
	[sflag:s22] =	ssyncset.done $0x0  }
0xa1: {  	[sflag:s22] =	ssyncadd.s32 s5;
	_ =	sdelay $0x1  }
0xa2: {  	s23 =	simm.s32 $0x1B8B  }
0xa3: {  	_ =	swait.ge [sflag:s23], $0x1  }
0xa4: {  	[sflag:s23] =	ssyncset.done $0x0  }
0xa5: {  	s25 =	simm.s32 $0x1B8E;
	s24 =	sld [smem:$0x3FFE];
	[sflag:s23] =	ssyncadd.s32 $0xFFFFFFFF  }
0xa6: {  	s26 =	simm.s32 $execute0_lowered;
	[smem:$0x3FD2] =	sst s25  }
0xa7: {  	s6 =	sshll.u32 s26, $0x1;
	_ =	strace $0x80000046;
	[dreg:$0x1] =	wrdreg $0xFFFFFFFF  }
0xa8: {  	s28 =	simm.s32 $_size_execute0_lowered;
	s4 =	sadd.s32 s4, s6;
	[dreg:$0x0] =	wrdreg $0x0  }
0xa9: {  	s6 =	sshll.u32 s28, $0x1;
	[dreg:$0x2] =	wrdreg s4  }
0xaa: {  	[dreg:$0x3] =	wrdreg s6  }
0xab: {  	[dreg:$0x4] =	wrdreg $0xC0  }
0xac: {  	_ =	task [dreg:s8], $0x5FFFF  }
0xad: {  	[dreg:$0x1] =	wrdreg $0xFFFFFFFF  }
0xae: {  	[dreg:$0x0] =	wrdreg $0x60  }
0xaf: {  	[dreg:$0x2] =	wrdreg s18  }
0xb0: {  	[dreg:$0x3] =	wrdreg s2  }
0xb1: {  	[dreg:$0x4] =	wrdreg s24  }
0xb2: {  	[dreg:$0x5] =	wrdreg $0x9  }
0xb3: {  	_ =	task.clear_ibuf [dreg:s8], $0x6FFFF;
	_ =	strace $0x90000046  }
0xb4: {  	s29 =	simm.s32 $0x9;
	_ =	strace $0x80000048  }
0xb5: {  	_ =	swait.ge [sflag:s29], $0x1  }
0xb6: {  	[sflag:s29] =	ssyncadd.s32 $0xFFFFFFFF  }
0xb7: {  	_ =	strace $0x90000048  }
0xb8: {  	_ =	sfence  }
0xb9: {  	s30 =	sld [smem:$0x0];
	_ =	sdelay $0x2  }
0xba: {  	s31 =	sshll.u32 s1, $0xD;
	s1 =	sshrl.u32 s1, $0x2  }
0xbb: {  	s3 =	sand.u32 $0x4000, s31;
	s1 =	sadd.s32 s1, s30  }
0xbc: {  	s0 =	sor.u32 s3, s0;
	s1 =	sshll.u32 s1, $0x11  }
0xbd: {  	s0 =	sor.u32 s1, s0  }
0xbe: {  	s0 =	sadd.s32 $0x8F2B, s0  }
0xbf: {  	[sflag:s0] =	ssyncadd.remote.s32 $0x1  }
0xc0: {  	_ =	sfence.sel $0xFFFF  }
0xc1: {  	[dreg:$0x0] =	wrdreg $0xFFFFFFFF;
	(pc) =	sbr.abs _section_cstart, $3  }
0xc2: {  	[dreg:$0x1] =	wrdreg $0xFFFFFFFF  }
0xc3: {  	_ =	task.clear_ibuf [dreg:s8], $0x2FFFF;
	_ =	strace $0x9FFFFFFF  }
0xc4: {  	(tm) =	ssettm $0x7FFFFFFF  }
0xc5: {  	_ =	shalt  }
tec
execute0_lowered:
.L_overlay_start_1:
0x0: {  	(tag) =	ssettag $0x1  }
0x1: {  	s4 =	rddreg [dreg:$0x0]  }
0x2: {  	s2 =	rddreg [dreg:$0x1]  }
0x3: {  	s5 =	rddreg [dreg:$0x2];
	s3 =	srdreg.scid  }
0x4: {  	s0 =	rddreg [dreg:$0x3];
	s1 =	stileid.u32;
	s10 =	simm.s32 $0x80  }
0x5: {  	s11 =	simm.s32 $0xB200;
	s12 =	simm.s32 $0x100;
	s13 =	simm.s32 $0xE400  }
0x6: {  	s14 =	simm.s32 $0x180;
	s15 =	simm.s32 $0x11600;
	s16 =	simm.s32 $0x200  }
0x7: {  	s17 =	simm.s32 $0x14800;
	s18 =	simm.s32 $0x280;
	s19 =	simm.s32 $0x17A00  }
0x8: {  	s20 =	simm.s32 $0x1;
	s21 =	simm.s32 $0x2;
	s22 =	simm.s32 $0x3  }
0x9: {  	s23 =	simm.s32 $0x1AC00;
	s24 =	simm.s32 $0x0;
	s6 =	sand.u32 $0x1, s3  }
0xa: {  	s3 =	simm.s32 $0x0;
	s7 =	sshll.u32 s1, $0x8;
	s8 =	sshll.u32 s6, $0x7  }
0xb: {  	[smem:$0x7FF] =	sst s3;
	s6 =	ssub.s32 $0x2, s6;
	s7 =	sor.u32 s8, s7  }
0xc: {  	_ =	strace $0x80000047;
	s9 =	sshrl.u32 s6, $0x1;
	s8 =	sshll.u32 s7, $0x4  }
0xd: {  	s6 =	ssub.s32 s6, s9;
	s7 =	sshll.u32 s7, $0x5;
	s9 =	simm.s32 $0x8000  }
0xe: {  	s5 =	sadd.s32 s8, s5;
	s4 =	sadd.s32 s4, s7;
	s6 =	smax.u32 s6, $0x1  }
0xf: {  	s7 =	simm.s32 $0x4;
	s8 =	simm.s32 $0x64;
	s5 =	sadd.s32 $0xE00, s5  }
.LBB2_1:
0x10: {  	[tilespmem:s3], [sflag:$0x4] =	stream.linear.gather [hbm4b:s4+s3], $0x8000, $0x38;
	[tilespmem:$0x1EC00] =	vst v63  }
0x11: {  	_ =	swait.ge [sflag:s7], $0x8000  }
0x12: {  	[sflag:s7] =	ssyncset.done $0x0  }
0x13: {  	[sflag:s7] =	ssyncadd.s32 $0xFFFF8000  }
0x14: {  	[tilespmem:s9], [sflag:$0x1] =	stream.indirect.gather [hbm4b:s2+s8], $0x80, s3, s8, $0xb8;
	[tilespmem:$0x1EC00] =	vst v63  }
0x15: {  	_ = 	snop  }
0x16: {  	[tilespmem:s11], [sflag:$0x1] =	stream.indirect.gather [hbm4b:s2+s8], $0x80, s10, s8, $0xb8;
	[tilespmem:$0x1EC00] =	vst v63  }
0x17: {  	_ = 	snop  }
0x18: {  	[tilespmem:s13], [sflag:$0x2] =	stream.indirect.gather [hbm4b:s2+s8], $0x80, s12, s8, $0xb8;
	[tilespmem:$0x1EC00] =	vst v63  }
0x19: {  	_ = 	snop  }
0x1a: {  	[tilespmem:s15], [sflag:$0x2] =	stream.indirect.gather [hbm4b:s2+s8], $0x80, s14, s8, $0xb8;
	[tilespmem:$0x1EC00] =	vst v63  }
0x1b: {  	_ = 	snop  }
0x1c: {  	[tilespmem:s17], [sflag:$0x3] =	stream.indirect.gather [hbm4b:s2+s8], $0x80, s16, s8, $0xb8;
	[tilespmem:$0x1EC00] =	vst v63  }
0x1d: {  	s25 =	simm.s32 $0x0  }
0x1e: {  	[tilespmem:s19], [sflag:$0x3] =	stream.indirect.gather [hbm4b:s2+s8], $0x80, s18, s8, $0xb8;
	[tilespmem:$0x1EC00] =	vst v63  }
.LBB2_2:
0x1f: {  	_ =	swait.ge [sflag:s20], $0x3200  }
0x20: {  	[sflag:s20] =	ssyncset.done $0x0  }
0x21: {  	[sflag:s20] =	ssyncadd.s32 $0xFFFFCE00  }
0x22: {  	_ =	swait.ge [sflag:s20], $0x3200  }
0x23: {  	[sflag:s20] =	ssyncset.done $0x0  }
0x24: {  	s26 =	simm.s32 $0x0;
	[sflag:s20] =	ssyncadd.s32 $0xFFFFCE00  }
0x25: {  	v6 =	vld [tilespmem:s26+$0x8380]  }
0x26: {  	v7 =	vld [tilespmem:s26+$0x8390]  }
0x27: {  	v8 =	vld [tilespmem:s26+$0x83A0]  }
0x28: {  	v9 =	vld [tilespmem:s26+$0x83B0]  }
0x29: {  	v0 =	vld [tilespmem:s26+$0x83C0]  }
0x2a: {  	v1 =	vld [tilespmem:s26+$0x83D0]  }
0x2b: {  	v14 =	vld [tilespmem:s26+$0x8300]  }
0x2c: {  	v16 =	vld [tilespmem:s26+$0x8310]  }
0x2d: {  	v13 =	vld [tilespmem:s26+$0x8320]  }
0x2e: {  	v15 =	vld [tilespmem:s26+$0x8330]  }
0x2f: {  	v3 =	vld [tilespmem:s26+$0x8340]  }
0x30: {  	v2 =	vld [tilespmem:s26+$0x8350]  }
0x31: {  	v17 =	vld [tilespmem:s26+$0x8280]  }
0x32: {  	v18 =	vld [tilespmem:s26+$0x8290]  }
0x33: {  	v19 =	vld [tilespmem:s26+$0x82A0]  }
0x34: {  	v24 =	vld [tilespmem:s26+$0x82B0]  }
0x35: {  	v4 =	vld [tilespmem:s26+$0x82C0]  }
0x36: {  	v5 =	vld [tilespmem:s26+$0x82D0]  }
0x37: {  	v21 =	vld [tilespmem:s26+$0x8200]  }
0x38: {  	v22 =	vld [tilespmem:s26+$0x8210]  }
0x39: {  	v23 =	vld [tilespmem:s26+$0x8220]  }
0x3a: {  	v30 =	vld [tilespmem:s26+$0x8230]  }
0x3b: {  	v10 =	vld [tilespmem:s26+$0x8240]  }
0x3c: {  	v27 =	vld [tilespmem:s26+$0x8180]  }
0x3d: {  	v28 =	vld [tilespmem:s26+$0x8190]  }
0x3e: {  	v25 =	vld [tilespmem:s26+$0x8100]  }
0x3f: {  	v26 =	vld [tilespmem:s26+$0x8110]  }
0x40: {  	v11 =	vld [tilespmem:s26+$0x8080]  }
0x41: {  	v20 =	vld [tilespmem:s26+$0x8090]  }
0x42: {  	v29 =	vld [tilespmem:s26+$0x8000]  }
0x43: {  	v31 =	vld [tilespmem:s26+$0x8010]  }
0x44: {  	v32 =	vld [tilespmem:s26+$0x8020]  }
0x45: {  	v33 =	vld [tilespmem:s26+$0x8030]  }
0x46: {  	v34 =	vld [tilespmem:s26+$0x80A0]  }
0x47: {  	v35 =	vld [tilespmem:s26+$0x80B0]  }
0x48: {  	v12 =	vimm.f32 $0.0e+00;
	v36 =	vld [tilespmem:s26+$0x8120]  }
0x49: {  	v37 =	vld [tilespmem:s26+$0x8130];
	v29 =	vadd.f32 v29, v12;
	v31 =	vadd.f32 v31, v12  }
0x4a: {  	v38 =	vld [tilespmem:s26+$0x81A0];
	v32 =	vadd.f32 v32, v12;
	v33 =	vadd.f32 v33, v12  }
0x4b: {  	v39 =	vld [tilespmem:s26+$0x81B0];
	v29 =	vadd.f32 v11, v29;
	v31 =	vadd.f32 v20, v31  }
0x4c: {  	v11 =	vld [tilespmem:s26+$0x8250];
	v32 =	vadd.f32 v34, v32;
	v33 =	vadd.f32 v35, v33  }
0x4d: {  	v20 =	vld [tilespmem:s26+$0x81C0];
	v29 =	vadd.f32 v25, v29;
	v31 =	vadd.f32 v26, v31  }
0x4e: {  	v25 =	vld [tilespmem:s26+$0x81D0];
	v32 =	vadd.f32 v36, v32;
	v33 =	vadd.f32 v37, v33  }
0x4f: {  	v26 =	vld [tilespmem:s26+$0x8140];
	v29 =	vadd.f32 v27, v29;
	v31 =	vadd.f32 v28, v31  }
0x50: {  	v27 =	vld [tilespmem:s26+$0x8150];
	v32 =	vadd.f32 v38, v32;
	v33 =	vadd.f32 v39, v33  }
0x51: {  	v28 =	vld [tilespmem:s26+$0x80C0];
	v21 =	vadd.f32 v21, v29;
	v22 =	vadd.f32 v22, v31  }
0x52: {  	v29 =	vld [tilespmem:s26+$0x80D0];
	v23 =	vadd.f32 v23, v32;
	v63 =	vadd.f32 v30, v33  }
0x53: {  	v30 =	vld [tilespmem:s26+$0x8040];
	v21 =	vadd.f32 v17, v21;
	v22 =	vadd.f32 v18, v22  }
0x54: {  	v31 =	vld [tilespmem:s26+$0x8050];
	v23 =	vadd.f32 v19, v23;
	v24 =	vadd.f32 v24, v63  }
0x55: {  	s28 =	simm.s32 $0x1000;
	v32 =	vld [tilespmem:s26+$0x8060];
	v19 =	vimm.f32 $0.0e+00;
	v18 =	vimm.f32 $0.0e+00;
	v17 =	vimm.f32 $0.0e+00  }
.LBB2_3:
0x56: {  	p0 =	sne.s32 s28, $0x18000;
	v33 =	vld [tilespmem:s26+$0x8070];
	v14 =	vadd.f32 v14, v21;
	v16 =	vadd.f32 v16, v22  }
0x57: {  	v34 =	vld [tilespmem:s26+$0x80E0];
	v13 =	vadd.f32 v13, v23;
	v15 =	vadd.f32 v15, v24  }
0x58: {  	v35 =	vld [tilespmem:s26+$0x80F0];
	v21 =	vadd.f32 v6, v14;
	v22 =	vadd.f32 v7, v16  }
0x59: {  	v6 =	vld [tilespmem:s26+$0x8160];
	v23 =	vadd.f32 v8, v13;
	v24 =	vadd.f32 v9, v15  }
0x5a: {  	v7 =	vadd.f32 v30, v12;
	v8 =	vadd.f32 v31, v19;
	v9 =	vld [tilespmem:s26+$0x8170]  }
0x5b: {  	v12 =	vadd.f32 v32, v18;
	v13 =	vadd.f32 v33, v17;
	v14 =	vld [tilespmem:s26+$0x81E0]  }
0x5c: {  	v7 =	vadd.f32 v28, v7;
	v8 =	vadd.f32 v29, v8;
	v15 =	vld [tilespmem:s26+$0x81F0]  }
0x5d: {  	v12 =	vadd.f32 v34, v12;
	v13 =	vadd.f32 v35, v13;
	v16 =	vld [tilespmem:s26+$0x8260]  }
0x5e: {  	v7 =	vadd.f32 v26, v7;
	v8 =	vadd.f32 v27, v8;
	v17 =	vld [tilespmem:s26+$0x8270]  }
0x5f: {  	v6 =	vadd.f32 v6, v12;
	v9 =	vadd.f32 v9, v13;
	v12 =	vld [tilespmem:s26+$0x82E0]  }
0x60: {  	v7 =	vadd.f32 v20, v7;
	v8 =	vadd.f32 v25, v8;
	v13 =	vld [tilespmem:s26+$0x82F0]  }
0x61: {  	v6 =	vadd.f32 v14, v6;
	v9 =	vadd.f32 v15, v9;
	v14 =	vld [tilespmem:s26+$0x8360]  }
0x62: {  	v7 =	vadd.f32 v10, v7;
	v8 =	vadd.f32 v11, v8;
	v10 =	vld [tilespmem:s26+$0x8370]  }
0x63: {  	v11 =	vadd.f32 v16, v6;
	v9 =	vadd.f32 v17, v9;
	v15 =	vld [tilespmem:s26+$0x83E0]  }
0x64: {  	v4 =	vadd.f32 v4, v7;
	v5 =	vadd.f32 v5, v8;
	v16 =	vld [tilespmem:s26+$0x83F0];
	s26 =	sshra.s32 s28, $0x2  }
0x65: {  	v11 =	vadd.f32 v12, v11;
	v6 =	vld [tilespmem:s26+$0x8380];
	v9 =	vadd.f32 v13, v9  }
0x66: {  	v3 =	vadd.f32 v3, v4;
	v2 =	vadd.f32 v2, v5;
	v7 =	vld [tilespmem:s26+$0x8390]  }
0x67: {  	v4 =	vadd.f32 v14, v11;
	v8 =	vld [tilespmem:s26+$0x83A0];
	v5 =	vadd.f32 v10, v9  }
0x68: {  	v12 =	vadd.f32 v0, v3;
	v19 =	vadd.f32 v1, v2;
	v9 =	vld [tilespmem:s26+$0x83B0]  }
0x69: {  	v18 =	vadd.f32 v15, v4;
	v0 =	vld [tilespmem:s26+$0x83C0];
	v17 =	vadd.f32 v16, v5  }
0x6a: {  	v1 =	vld [tilespmem:s26+$0x83D0]  }
0x6b: {  	v14 =	vld [tilespmem:s26+$0x8300]  }
0x6c: {  	v16 =	vld [tilespmem:s26+$0x8310]  }
0x6d: {  	v13 =	vld [tilespmem:s26+$0x8320]  }
0x6e: {  	v15 =	vld [tilespmem:s26+$0x8330]  }
0x6f: {  	v3 =	vld [tilespmem:s26+$0x8340]  }
0x70: {  	v2 =	vld [tilespmem:s26+$0x8350]  }
0x71: {  	v32 =	vld [tilespmem:s26+$0x8280]  }
0x72: {  	v33 =	vld [tilespmem:s26+$0x8290]  }
0x73: {  	v34 =	vld [tilespmem:s26+$0x82A0]  }
0x74: {  	v35 =	vld [tilespmem:s26+$0x82B0]  }
0x75: {  	v4 =	vld [tilespmem:s26+$0x82C0]  }
0x76: {  	v5 =	vld [tilespmem:s26+$0x82D0]  }
0x77: {  	v30 =	vld [tilespmem:s26+$0x8200]  }
0x78: {  	v31 =	vld [tilespmem:s26+$0x8210]  }
0x79: {  	v36 =	vld [tilespmem:s26+$0x8220]  }
0x7a: {  	v37 =	vld [tilespmem:s26+$0x8230]  }
0x7b: {  	v10 =	vld [tilespmem:s26+$0x8240]  }
0x7c: {  	v11 =	vld [tilespmem:s26+$0x8250]  }
0x7d: {  	v28 =	vld [tilespmem:s26+$0x8180]  }
0x7e: {  	v29 =	vld [tilespmem:s26+$0x8190]  }
0x7f: {  	v25 =	vld [tilespmem:s26+$0x8100]  }
0x80: {  	v26 =	vld [tilespmem:s26+$0x8110]  }
0x81: {  	v20 =	vld [tilespmem:s26+$0x8080]  }
0x82: {  	v27 =	vld [tilespmem:s26+$0x8090]  }
0x83: {  	v38 =	vld [tilespmem:s26+$0x8000]  }
0x84: {  	v39 =	vld [tilespmem:s26+$0x8010]  }
0x85: {  	v40 =	vld [tilespmem:s26+$0x8020]  }
0x86: {  	v41 =	vld [tilespmem:s26+$0x8030]  }
0x87: {  	v42 =	vld [tilespmem:s26+$0x80A0]  }
0x88: {  	v43 =	vld [tilespmem:s26+$0x80B0]  }
0x89: {  	v44 =	vld [tilespmem:s26+$0x8120]  }
0x8a: {  	v21 =	vadd.f32 v38, v21;
	v22 =	vadd.f32 v39, v22;
	v38 =	vld [tilespmem:s26+$0x8130]  }
0x8b: {  	v23 =	vadd.f32 v40, v23;
	v24 =	vadd.f32 v41, v24;
	v39 =	vld [tilespmem:s26+$0x81A0]  }
0x8c: {  	v21 =	vadd.f32 v20, v21;
	v22 =	vadd.f32 v27, v22;
	v40 =	vld [tilespmem:s26+$0x81B0]  }
0x8d: {  	v23 =	vadd.f32 v42, v23;
	v24 =	vadd.f32 v43, v24;
	v20 =	vld [tilespmem:s26+$0x81C0]  }
0x8e: {  	v21 =	vadd.f32 v25, v21;
	v22 =	vadd.f32 v26, v22;
	v25 =	vld [tilespmem:s26+$0x81D0]  }
0x8f: {  	v23 =	vadd.f32 v44, v23;
	v24 =	vadd.f32 v38, v24;
	v26 =	vld [tilespmem:s26+$0x8140]  }
0x90: {  	v21 =	vadd.f32 v28, v21;
	v22 =	vadd.f32 v29, v22;
	v27 =	vld [tilespmem:s26+$0x8150]  }
.Ltmp0:
0x91: {  	v23 =	vadd.f32 v39, v23;
	v28 =	vld [tilespmem:s26+$0x80C0];
	v24 =	vadd.f32 v40, v24;
	(pc) =	sbr.rel @p0 .LBB2_3-.Ltmp0, $4  }
0x92: {  	v21 =	vadd.f32 v30, v21;
	v22 =	vadd.f32 v31, v22;
	v29 =	vld [tilespmem:s26+$0x80D0]  }
0x93: {  	v23 =	vadd.f32 v36, v23;
	v30 =	vld [tilespmem:s26+$0x8040];
	v24 =	vadd.f32 v37, v24  }
0x94: {  	v21 =	vadd.f32 v32, v21;
	v22 =	vadd.f32 v33, v22;
	v31 =	vld [tilespmem:s26+$0x8050]  }
0x95: {  	s28 =	sadd.s32 $0x1000, s28;
	v23 =	vadd.f32 v34, v23;
	v32 =	vld [tilespmem:s26+$0x8060];
	v24 =	vadd.f32 v35, v24  }
0x96: {  	v33 =	vld [tilespmem:s26+$0x8070];
	v14 =	vadd.f32 v14, v21;
	v16 =	vadd.f32 v16, v22  }
0x97: {  	v21 =	vld [tilespmem:s26+$0x80E0];
	v13 =	vadd.f32 v13, v23;
	v15 =	vadd.f32 v15, v24  }
0x98: {  	v22 =	vld [tilespmem:s26+$0x80F0];
	v6 =	vadd.f32 v6, v14;
	v7 =	vadd.f32 v7, v16  }
0x99: {  	v14 =	vld [tilespmem:s26+$0x8160];
	v12 =	vadd.f32 v30, v12;
	v8 =	vadd.f32 v8, v13  }
0x9a: {  	v9 =	vadd.f32 v9, v15;
	v13 =	vadd.f32 v31, v19;
	v15 =	vld [tilespmem:s26+$0x8170]  }
0x9b: {  	v19 =	vld [tilespmem:s26+$0x81F0];
	v16 =	vadd.f32 v32, v18;
	v12 =	vadd.f32 v28, v12  }
0x9c: {  	v18 =	vld [tilespmem:s26+$0x81E0];
	v17 =	vadd.f32 v33, v17;
	v13 =	vadd.f32 v29, v13  }
0x9d: {  	v16 =	vadd.f32 v21, v16;
	v21 =	vld [tilespmem:s26+$0x8260];
	v12 =	vadd.f32 v26, v12  }
0x9e: {  	v17 =	vadd.f32 v22, v17;
	v13 =	vadd.f32 v27, v13;
	v22 =	vld [tilespmem:s26+$0x8270]  }
0x9f: {  	v14 =	vadd.f32 v14, v16;
	v16 =	vld [tilespmem:s26+$0x82E0];
	v12 =	vadd.f32 v20, v12  }
0xa0: {  	v15 =	vadd.f32 v15, v17;
	v13 =	vadd.f32 v25, v13;
	v17 =	vld [tilespmem:s26+$0x82F0]  }
0xa1: {  	v14 =	vadd.f32 v18, v14;
	v18 =	vld [tilespmem:s26+$0x8360];
	v10 =	vadd.f32 v10, v12  }
0xa2: {  	s28 =	smul.u32 $0x600, s25;
	v12 =	vadd.f32 v19, v15;
	v11 =	vadd.f32 v11, v13;
	v13 =	vld [tilespmem:s26+$0x8370]  }
0xa3: {  	v15 =	vld [tilespmem:s26+$0x83E0];
	v14 =	vadd.f32 v21, v14;
	v4 =	vadd.f32 v4, v10  }
0xa4: {  	v10 =	vadd.f32 v22, v12;
	v5 =	vadd.f32 v5, v11;
	v11 =	vld [tilespmem:s26+$0x83F0];
	s26 =	sshra.s32 s28, $0x2  }
0xa5: {  	v12 =	vadd.f32 v16, v14;
	v3 =	vadd.f32 v3, v4;
	[tilespmem:s26+$0x1AC00] =	vst v6  }
0xa6: {  	[tilespmem:s26+$0x1AC10] =	vst v7;
	v4 =	vadd.f32 v17, v10;
	v2 =	vadd.f32 v2, v5  }
0xa7: {  	[tilespmem:s26+$0x1AC20] =	vst v8;
	v5 =	vadd.f32 v18, v12;
	v0 =	vadd.f32 v0, v3  }
0xa8: {  	[tilespmem:s26+$0x1AC30] =	vst v9;
	v3 =	vadd.f32 v13, v4;
	v1 =	vadd.f32 v1, v2  }
0xa9: {  	s28 =	smul.u32 $0xC00, s25;
	v2 =	vadd.f32 v15, v5;
	[tilespmem:s26+$0x1AC40] =	vst v0  }
0xaa: {  	v0 =	vadd.f32 v11, v3;
	[tilespmem:s26+$0x1AC50] =	vst v1  }
0xab: {  	s28 =	sshra.s32 s28, $0x2;
	[tilespmem:s26+$0x1AC60] =	vst v2  }
0xac: {  	s29 =	sadd.s32 $0x300, s28;
	[tilespmem:s26+$0x1AC70] =	vst v0  }
0xad: {  	[tilespmem:s9], [sflag:$0x1] =	stream.indirect.gather [hbm4b:s2+s8], $0x80, s29, s8, $0xb8;
	[tilespmem:$0x1EC00] =	vst v63  }
0xae: {  	s29 =	sadd.s32 $0x380, s28  }
0xaf: {  	[tilespmem:s11], [sflag:$0x1] =	stream.indirect.gather [hbm4b:s2+s8], $0x80, s29, s8, $0xb8;
	[tilespmem:$0x1EC00] =	vst v63  }
0xb0: {  	_ =	swait.ge [sflag:s21], $0x3200  }
0xb1: {  	[sflag:s21] =	ssyncset.done $0x0  }
0xb2: {  	[sflag:s21] =	ssyncadd.s32 $0xFFFFCE00  }
0xb3: {  	_ =	swait.ge [sflag:s21], $0x3200  }
0xb4: {  	[sflag:s21] =	ssyncset.done $0x0  }
0xb5: {  	s29 =	simm.s32 $0x0;
	[sflag:s21] =	ssyncadd.s32 $0xFFFFCE00  }
0xb6: {  	v6 =	vld [tilespmem:s29+$0xE780]  }
0xb7: {  	v7 =	vld [tilespmem:s29+$0xE790]  }
0xb8: {  	v8 =	vld [tilespmem:s29+$0xE7A0]  }
0xb9: {  	v9 =	vld [tilespmem:s29+$0xE7B0]  }
0xba: {  	v0 =	vld [tilespmem:s29+$0xE7C0]  }
0xbb: {  	v1 =	vld [tilespmem:s29+$0xE7D0]  }
0xbc: {  	v14 =	vld [tilespmem:s29+$0xE700]  }
0xbd: {  	v16 =	vld [tilespmem:s29+$0xE710]  }
0xbe: {  	v13 =	vld [tilespmem:s29+$0xE720]  }
0xbf: {  	v15 =	vld [tilespmem:s29+$0xE730]  }
0xc0: {  	v3 =	vld [tilespmem:s29+$0xE740]  }
0xc1: {  	v2 =	vld [tilespmem:s29+$0xE750]  }
0xc2: {  	v17 =	vld [tilespmem:s29+$0xE680]  }
0xc3: {  	v18 =	vld [tilespmem:s29+$0xE690]  }
0xc4: {  	v19 =	vld [tilespmem:s29+$0xE6A0]  }
0xc5: {  	v24 =	vld [tilespmem:s29+$0xE6B0]  }
0xc6: {  	v4 =	vld [tilespmem:s29+$0xE6C0]  }
0xc7: {  	v5 =	vld [tilespmem:s29+$0xE6D0]  }
0xc8: {  	v21 =	vld [tilespmem:s29+$0xE600]  }
0xc9: {  	v22 =	vld [tilespmem:s29+$0xE610]  }
0xca: {  	v23 =	vld [tilespmem:s29+$0xE620]  }
0xcb: {  	v30 =	vld [tilespmem:s29+$0xE630]  }
0xcc: {  	v10 =	vld [tilespmem:s29+$0xE640]  }
0xcd: {  	v27 =	vld [tilespmem:s29+$0xE580]  }
0xce: {  	v28 =	vld [tilespmem:s29+$0xE590]  }
0xcf: {  	v25 =	vld [tilespmem:s29+$0xE500]  }
0xd0: {  	v26 =	vld [tilespmem:s29+$0xE510]  }
0xd1: {  	v11 =	vld [tilespmem:s29+$0xE480]  }
0xd2: {  	v20 =	vld [tilespmem:s29+$0xE490]  }
0xd3: {  	v29 =	vld [tilespmem:s29+$0xE400]  }
0xd4: {  	v31 =	vld [tilespmem:s29+$0xE410]  }
0xd5: {  	v61 =	vld [tilespmem:s29+$0xE420]  }
0xd6: {  	v62 =	vld [tilespmem:s29+$0xE430]  }
0xd7: {  	v34 =	vld [tilespmem:s29+$0xE4A0]  }
0xd8: {  	v35 =	vld [tilespmem:s29+$0xE4B0]  }
0xd9: {  	v12 =	vimm.f32 $0.0e+00;
	v36 =	vld [tilespmem:s29+$0xE520]  }
0xda: {  	v37 =	vld [tilespmem:s29+$0xE530];
	v29 =	vadd.f32 v29, v12;
	v31 =	vadd.f32 v31, v12  }
0xdb: {  	v38 =	vld [tilespmem:s29+$0xE5A0];
	v32 =	vadd.f32 v61, v12;
	v33 =	vadd.f32 v62, v12  }
0xdc: {  	v39 =	vld [tilespmem:s29+$0xE5B0];
	v29 =	vadd.f32 v11, v29;
	v31 =	vadd.f32 v20, v31  }
0xdd: {  	v11 =	vld [tilespmem:s29+$0xE650];
	v32 =	vadd.f32 v34, v32;
	v33 =	vadd.f32 v35, v33  }
0xde: {  	v20 =	vld [tilespmem:s29+$0xE5C0];
	v29 =	vadd.f32 v25, v29;
	v31 =	vadd.f32 v26, v31  }
0xdf: {  	v25 =	vld [tilespmem:s29+$0xE5D0];
	v32 =	vadd.f32 v36, v32;
	v33 =	vadd.f32 v37, v33  }
0xe0: {  	v26 =	vld [tilespmem:s29+$0xE540];
	v29 =	vadd.f32 v27, v29;
	v31 =	vadd.f32 v28, v31  }
0xe1: {  	v27 =	vld [tilespmem:s29+$0xE550];
	v32 =	vadd.f32 v38, v32;
	v33 =	vadd.f32 v39, v33  }
0xe2: {  	v28 =	vld [tilespmem:s29+$0xE4C0];
	v21 =	vadd.f32 v21, v29;
	v22 =	vadd.f32 v22, v31  }
0xe3: {  	v29 =	vld [tilespmem:s29+$0xE4D0];
	v23 =	vadd.f32 v23, v32;
	v63 =	vadd.f32 v30, v33  }
0xe4: {  	v30 =	vld [tilespmem:s29+$0xE440];
	v21 =	vadd.f32 v17, v21;
	v22 =	vadd.f32 v18, v22  }
0xe5: {  	v31 =	vld [tilespmem:s29+$0xE450];
	v23 =	vadd.f32 v19, v23;
	v24 =	vadd.f32 v24, v63  }
0xe6: {  	s30 =	simm.s32 $0x1000;
	v32 =	vld [tilespmem:s29+$0xE460];
	v19 =	vimm.f32 $0.0e+00;
	v18 =	vimm.f32 $0.0e+00;
	v17 =	vimm.f32 $0.0e+00  }
.LBB2_5:
0xe7: {  	p0 =	sne.s32 s30, $0x18000;
	v33 =	vld [tilespmem:s29+$0xE470];
	v14 =	vadd.f32 v14, v21;
	v16 =	vadd.f32 v16, v22  }
0xe8: {  	v34 =	vld [tilespmem:s29+$0xE4E0];
	v13 =	vadd.f32 v13, v23;
	v15 =	vadd.f32 v15, v24  }
0xe9: {  	v35 =	vld [tilespmem:s29+$0xE4F0];
	v21 =	vadd.f32 v6, v14;
	v22 =	vadd.f32 v7, v16  }
0xea: {  	v6 =	vld [tilespmem:s29+$0xE560];
	v23 =	vadd.f32 v8, v13;
	v24 =	vadd.f32 v9, v15  }
0xeb: {  	v7 =	vadd.f32 v30, v12;
	v8 =	vadd.f32 v31, v19;
	v9 =	vld [tilespmem:s29+$0xE570]  }
0xec: {  	v12 =	vadd.f32 v32, v18;
	v13 =	vadd.f32 v33, v17;
	v14 =	vld [tilespmem:s29+$0xE5E0]  }
0xed: {  	v7 =	vadd.f32 v28, v7;
	v8 =	vadd.f32 v29, v8;
	v15 =	vld [tilespmem:s29+$0xE5F0]  }
0xee: {  	v12 =	vadd.f32 v34, v12;
	v13 =	vadd.f32 v35, v13;
	v16 =	vld [tilespmem:s29+$0xE660]  }
0xef: {  	v7 =	vadd.f32 v26, v7;
	v8 =	vadd.f32 v27, v8;
	v17 =	vld [tilespmem:s29+$0xE670]  }
0xf0: {  	v6 =	vadd.f32 v6, v12;
	v9 =	vadd.f32 v9, v13;
	v12 =	vld [tilespmem:s29+$0xE6E0]  }
0xf1: {  	v7 =	vadd.f32 v20, v7;
	v8 =	vadd.f32 v25, v8;
	v13 =	vld [tilespmem:s29+$0xE6F0]  }
0xf2: {  	v6 =	vadd.f32 v14, v6;
	v9 =	vadd.f32 v15, v9;
	v14 =	vld [tilespmem:s29+$0xE760]  }
0xf3: {  	v7 =	vadd.f32 v10, v7;
	v8 =	vadd.f32 v11, v8;
	v10 =	vld [tilespmem:s29+$0xE770]  }
0xf4: {  	v11 =	vadd.f32 v16, v6;
	v9 =	vadd.f32 v17, v9;
	v15 =	vld [tilespmem:s29+$0xE7E0]  }
0xf5: {  	v4 =	vadd.f32 v4, v7;
	v5 =	vadd.f32 v5, v8;
	v16 =	vld [tilespmem:s29+$0xE7F0];
	s29 =	sshra.s32 s30, $0x2  }
0xf6: {  	v11 =	vadd.f32 v12, v11;
	v6 =	vld [tilespmem:s29+$0xE780];
	v9 =	vadd.f32 v13, v9  }
0xf7: {  	v3 =	vadd.f32 v3, v4;
	v2 =	vadd.f32 v2, v5;
	v7 =	vld [tilespmem:s29+$0xE790]  }
0xf8: {  	v4 =	vadd.f32 v14, v11;
	v8 =	vld [tilespmem:s29+$0xE7A0];
	v5 =	vadd.f32 v10, v9  }
0xf9: {  	v12 =	vadd.f32 v0, v3;
	v19 =	vadd.f32 v1, v2;
	v9 =	vld [tilespmem:s29+$0xE7B0]  }
0xfa: {  	v18 =	vadd.f32 v15, v4;
	v0 =	vld [tilespmem:s29+$0xE7C0];
	v17 =	vadd.f32 v16, v5  }
0xfb: {  	v1 =	vld [tilespmem:s29+$0xE7D0]  }
0xfc: {  	v14 =	vld [tilespmem:s29+$0xE700]  }
0xfd: {  	v16 =	vld [tilespmem:s29+$0xE710]  }
0xfe: {  	v13 =	vld [tilespmem:s29+$0xE720]  }
0xff: {  	v15 =	vld [tilespmem:s29+$0xE730]  }
0x100: {  	v3 =	vld [tilespmem:s29+$0xE740]  }
0x101: {  	v2 =	vld [tilespmem:s29+$0xE750]  }
0x102: {  	v32 =	vld [tilespmem:s29+$0xE680]  }
0x103: {  	v33 =	vld [tilespmem:s29+$0xE690]  }
0x104: {  	v34 =	vld [tilespmem:s29+$0xE6A0]  }
0x105: {  	v35 =	vld [tilespmem:s29+$0xE6B0]  }
0x106: {  	v4 =	vld [tilespmem:s29+$0xE6C0]  }
0x107: {  	v5 =	vld [tilespmem:s29+$0xE6D0]  }
0x108: {  	v30 =	vld [tilespmem:s29+$0xE600]  }
0x109: {  	v31 =	vld [tilespmem:s29+$0xE610]  }
0x10a: {  	v36 =	vld [tilespmem:s29+$0xE620]  }
0x10b: {  	v37 =	vld [tilespmem:s29+$0xE630]  }
0x10c: {  	v10 =	vld [tilespmem:s29+$0xE640]  }
0x10d: {  	v11 =	vld [tilespmem:s29+$0xE650]  }
0x10e: {  	v28 =	vld [tilespmem:s29+$0xE580]  }
0x10f: {  	v29 =	vld [tilespmem:s29+$0xE590]  }
0x110: {  	v25 =	vld [tilespmem:s29+$0xE500]  }
0x111: {  	v26 =	vld [tilespmem:s29+$0xE510]  }
0x112: {  	v20 =	vld [tilespmem:s29+$0xE480]  }
0x113: {  	v27 =	vld [tilespmem:s29+$0xE490]  }
0x114: {  	v38 =	vld [tilespmem:s29+$0xE400]  }
0x115: {  	v39 =	vld [tilespmem:s29+$0xE410]  }
0x116: {  	v40 =	vld [tilespmem:s29+$0xE420]  }
0x117: {  	v41 =	vld [tilespmem:s29+$0xE430]  }
0x118: {  	v42 =	vld [tilespmem:s29+$0xE4A0]  }
0x119: {  	v43 =	vld [tilespmem:s29+$0xE4B0]  }
0x11a: {  	v44 =	vld [tilespmem:s29+$0xE520]  }
0x11b: {  	v21 =	vadd.f32 v38, v21;
	v22 =	vadd.f32 v39, v22;
	v38 =	vld [tilespmem:s29+$0xE530]  }
0x11c: {  	v23 =	vadd.f32 v40, v23;
	v24 =	vadd.f32 v41, v24;
	v39 =	vld [tilespmem:s29+$0xE5A0]  }
0x11d: {  	v21 =	vadd.f32 v20, v21;
	v22 =	vadd.f32 v27, v22;
	v40 =	vld [tilespmem:s29+$0xE5B0]  }
0x11e: {  	v23 =	vadd.f32 v42, v23;
	v24 =	vadd.f32 v43, v24;
	v20 =	vld [tilespmem:s29+$0xE5C0]  }
0x11f: {  	v21 =	vadd.f32 v25, v21;
	v22 =	vadd.f32 v26, v22;
	v25 =	vld [tilespmem:s29+$0xE5D0]  }
0x120: {  	v23 =	vadd.f32 v44, v23;
	v24 =	vadd.f32 v38, v24;
	v26 =	vld [tilespmem:s29+$0xE540]  }
0x121: {  	v21 =	vadd.f32 v28, v21;
	v22 =	vadd.f32 v29, v22;
	v27 =	vld [tilespmem:s29+$0xE550]  }
.Ltmp1:
0x122: {  	v23 =	vadd.f32 v39, v23;
	v28 =	vld [tilespmem:s29+$0xE4C0];
	v24 =	vadd.f32 v40, v24;
	(pc) =	sbr.rel @p0 .LBB2_5-.Ltmp1, $4  }
0x123: {  	v21 =	vadd.f32 v30, v21;
	v22 =	vadd.f32 v31, v22;
	v29 =	vld [tilespmem:s29+$0xE4D0]  }
0x124: {  	v23 =	vadd.f32 v36, v23;
	v30 =	vld [tilespmem:s29+$0xE440];
	v24 =	vadd.f32 v37, v24  }
0x125: {  	v21 =	vadd.f32 v32, v21;
	v22 =	vadd.f32 v33, v22;
	v31 =	vld [tilespmem:s29+$0xE450]  }
0x126: {  	s30 =	sadd.s32 $0x1000, s30;
	v23 =	vadd.f32 v34, v23;
	v32 =	vld [tilespmem:s29+$0xE460];
	v24 =	vadd.f32 v35, v24  }
0x127: {  	v14 =	vadd.f32 v14, v21;
	v16 =	vadd.f32 v16, v22  }
0x128: {  	v33 =	vld [tilespmem:s29+$0xE470];
	v13 =	vadd.f32 v13, v23;
	v15 =	vadd.f32 v15, v24  }
0x129: {  	v21 =	vld [tilespmem:s29+$0xE4E0];
	v6 =	vadd.f32 v6, v14;
	v7 =	vadd.f32 v7, v16  }
0x12a: {  	v22 =	vld [tilespmem:s29+$0xE4F0];
	v12 =	vadd.f32 v30, v12;
	v8 =	vadd.f32 v8, v13  }
0x12b: {  	v14 =	vld [tilespmem:s29+$0xE560];
	v9 =	vadd.f32 v9, v15;
	v13 =	vadd.f32 v31, v19  }
0x12c: {  	v15 =	vld [tilespmem:s29+$0xE570];
	v16 =	vadd.f32 v32, v18;
	v12 =	vadd.f32 v28, v12  }
0x12d: {  	v18 =	vld [tilespmem:s29+$0xE5E0];
	v17 =	vadd.f32 v33, v17;
	v13 =	vadd.f32 v29, v13  }
0x12e: {  	v19 =	vld [tilespmem:s29+$0xE5F0];
	v16 =	vadd.f32 v21, v16;
	v12 =	vadd.f32 v26, v12  }
0x12f: {  	v21 =	vld [tilespmem:s29+$0xE660];
	v17 =	vadd.f32 v22, v17;
	v13 =	vadd.f32 v27, v13  }
0x130: {  	v22 =	vld [tilespmem:s29+$0xE670];
	v14 =	vadd.f32 v14, v16;
	v12 =	vadd.f32 v20, v12  }
0x131: {  	v16 =	vld [tilespmem:s29+$0xE6E0];
	v15 =	vadd.f32 v15, v17;
	v13 =	vadd.f32 v25, v13  }
0x132: {  	v17 =	vld [tilespmem:s29+$0xE6F0];
	v14 =	vadd.f32 v18, v14;
	v10 =	vadd.f32 v10, v12  }
0x133: {  	v18 =	vld [tilespmem:s29+$0xE760];
	v12 =	vadd.f32 v19, v15;
	v11 =	vadd.f32 v11, v13  }
0x134: {  	v13 =	vld [tilespmem:s29+$0xE770];
	v14 =	vadd.f32 v21, v14;
	v4 =	vadd.f32 v4, v10  }
0x135: {  	v15 =	vld [tilespmem:s29+$0xE7E0];
	v10 =	vadd.f32 v22, v12;
	v5 =	vadd.f32 v5, v11  }
0x136: {  	v11 =	vld [tilespmem:s29+$0xE7F0];
	[tilespmem:s26+$0x1AC80] =	vst v6;
	v12 =	vadd.f32 v16, v14;
	v3 =	vadd.f32 v3, v4  }
0x137: {  	[tilespmem:s26+$0x1AC90] =	vst v7;
	v4 =	vadd.f32 v17, v10;
	v2 =	vadd.f32 v2, v5  }
0x138: {  	[tilespmem:s26+$0x1ACA0] =	vst v8;
	v5 =	vadd.f32 v18, v12;
	v0 =	vadd.f32 v0, v3  }
0x139: {  	[tilespmem:s26+$0x1ACB0] =	vst v9;
	v3 =	vadd.f32 v13, v4;
	v1 =	vadd.f32 v1, v2  }
0x13a: {  	v2 =	vadd.f32 v15, v5;
	[tilespmem:s26+$0x1ACC0] =	vst v0  }
0x13b: {  	v0 =	vadd.f32 v11, v3;
	[tilespmem:s26+$0x1ACD0] =	vst v1  }
0x13c: {  	[tilespmem:s26+$0x1ACE0] =	vst v2  }
0x13d: {  	s29 =	sadd.s32 $0x400, s28;
	[tilespmem:s26+$0x1ACF0] =	vst v0  }
0x13e: {  	[tilespmem:s13], [sflag:$0x2] =	stream.indirect.gather [hbm4b:s2+s8], $0x80, s29, s8, $0xb8;
	[tilespmem:$0x1EC00] =	vst v63  }
0x13f: {  	s29 =	sadd.s32 $0x480, s28  }
0x140: {  	[tilespmem:s15], [sflag:$0x2] =	stream.indirect.gather [hbm4b:s2+s8], $0x80, s29, s8, $0xb8;
	[tilespmem:$0x1EC00] =	vst v63  }
0x141: {  	_ =	swait.ge [sflag:s22], $0x3200  }
0x142: {  	[sflag:s22] =	ssyncset.done $0x0  }
0x143: {  	[sflag:s22] =	ssyncadd.s32 $0xFFFFCE00  }
0x144: {  	_ =	swait.ge [sflag:s22], $0x3200  }
0x145: {  	[sflag:s22] =	ssyncset.done $0x0  }
0x146: {  	s29 =	simm.s32 $0x0;
	[sflag:s22] =	ssyncadd.s32 $0xFFFFCE00  }
0x147: {  	v6 =	vld [tilespmem:s29+$0x14B80]  }
0x148: {  	v7 =	vld [tilespmem:s29+$0x14B90]  }
0x149: {  	v8 =	vld [tilespmem:s29+$0x14BA0]  }
0x14a: {  	v9 =	vld [tilespmem:s29+$0x14BB0]  }
0x14b: {  	v0 =	vld [tilespmem:s29+$0x14BC0]  }
0x14c: {  	v1 =	vld [tilespmem:s29+$0x14BD0]  }
0x14d: {  	v14 =	vld [tilespmem:s29+$0x14B00]  }
0x14e: {  	v16 =	vld [tilespmem:s29+$0x14B10]  }
0x14f: {  	v13 =	vld [tilespmem:s29+$0x14B20]  }
0x150: {  	v15 =	vld [tilespmem:s29+$0x14B30]  }
0x151: {  	v3 =	vld [tilespmem:s29+$0x14B40]  }
0x152: {  	v2 =	vld [tilespmem:s29+$0x14B50]  }
0x153: {  	v17 =	vld [tilespmem:s29+$0x14A80]  }
0x154: {  	v18 =	vld [tilespmem:s29+$0x14A90]  }
0x155: {  	v19 =	vld [tilespmem:s29+$0x14AA0]  }
0x156: {  	v24 =	vld [tilespmem:s29+$0x14AB0]  }
0x157: {  	v4 =	vld [tilespmem:s29+$0x14AC0]  }
0x158: {  	v5 =	vld [tilespmem:s29+$0x14AD0]  }
0x159: {  	v21 =	vld [tilespmem:s29+$0x14A00]  }
0x15a: {  	v22 =	vld [tilespmem:s29+$0x14A10]  }
0x15b: {  	v23 =	vld [tilespmem:s29+$0x14A20]  }
0x15c: {  	v30 =	vld [tilespmem:s29+$0x14A30]  }
0x15d: {  	v10 =	vld [tilespmem:s29+$0x14A40]  }
0x15e: {  	v27 =	vld [tilespmem:s29+$0x14980]  }
0x15f: {  	v28 =	vld [tilespmem:s29+$0x14990]  }
0x160: {  	v25 =	vld [tilespmem:s29+$0x14900]  }
0x161: {  	v26 =	vld [tilespmem:s29+$0x14910]  }
0x162: {  	v11 =	vld [tilespmem:s29+$0x14880]  }
0x163: {  	v20 =	vld [tilespmem:s29+$0x14890]  }
0x164: {  	v29 =	vld [tilespmem:s29+$0x14800]  }
0x165: {  	v31 =	vld [tilespmem:s29+$0x14810]  }
0x166: {  	v61 =	vld [tilespmem:s29+$0x14820]  }
0x167: {  	v62 =	vld [tilespmem:s29+$0x14830]  }
0x168: {  	v34 =	vld [tilespmem:s29+$0x148A0]  }
0x169: {  	v35 =	vld [tilespmem:s29+$0x148B0]  }
0x16a: {  	v12 =	vimm.f32 $0.0e+00;
	v36 =	vld [tilespmem:s29+$0x14920]  }
0x16b: {  	v37 =	vld [tilespmem:s29+$0x14930];
	v29 =	vadd.f32 v29, v12;
	v31 =	vadd.f32 v31, v12  }
0x16c: {  	v38 =	vld [tilespmem:s29+$0x149A0];
	v32 =	vadd.f32 v61, v12;
	v33 =	vadd.f32 v62, v12  }
0x16d: {  	v39 =	vld [tilespmem:s29+$0x149B0];
	v29 =	vadd.f32 v11, v29;
	v31 =	vadd.f32 v20, v31  }
0x16e: {  	v11 =	vld [tilespmem:s29+$0x14A50];
	v32 =	vadd.f32 v34, v32;
	v33 =	vadd.f32 v35, v33  }
0x16f: {  	v20 =	vld [tilespmem:s29+$0x149C0];
	v29 =	vadd.f32 v25, v29;
	v31 =	vadd.f32 v26, v31  }
0x170: {  	v25 =	vld [tilespmem:s29+$0x149D0];
	v32 =	vadd.f32 v36, v32;
	v33 =	vadd.f32 v37, v33  }
0x171: {  	v26 =	vld [tilespmem:s29+$0x14940];
	v29 =	vadd.f32 v27, v29;
	v31 =	vadd.f32 v28, v31  }
0x172: {  	v27 =	vld [tilespmem:s29+$0x14950];
	v32 =	vadd.f32 v38, v32;
	v33 =	vadd.f32 v39, v33  }
0x173: {  	v28 =	vld [tilespmem:s29+$0x148C0];
	v21 =	vadd.f32 v21, v29;
	v22 =	vadd.f32 v22, v31  }
0x174: {  	v29 =	vld [tilespmem:s29+$0x148D0];
	v23 =	vadd.f32 v23, v32;
	v63 =	vadd.f32 v30, v33  }
0x175: {  	v30 =	vld [tilespmem:s29+$0x14840];
	v21 =	vadd.f32 v17, v21;
	v22 =	vadd.f32 v18, v22  }
0x176: {  	v31 =	vld [tilespmem:s29+$0x14850];
	v23 =	vadd.f32 v19, v23;
	v24 =	vadd.f32 v24, v63  }
0x177: {  	s30 =	simm.s32 $0x1000;
	v32 =	vld [tilespmem:s29+$0x14860];
	v19 =	vimm.f32 $0.0e+00;
	v18 =	vimm.f32 $0.0e+00;
	v17 =	vimm.f32 $0.0e+00  }
.LBB2_7:
0x178: {  	p0 =	sne.s32 s30, $0x18000;
	v33 =	vld [tilespmem:s29+$0x14870];
	v14 =	vadd.f32 v14, v21;
	v16 =	vadd.f32 v16, v22  }
0x179: {  	v34 =	vld [tilespmem:s29+$0x148E0];
	v13 =	vadd.f32 v13, v23;
	v15 =	vadd.f32 v15, v24  }
0x17a: {  	v35 =	vld [tilespmem:s29+$0x148F0];
	v21 =	vadd.f32 v6, v14;
	v22 =	vadd.f32 v7, v16  }
0x17b: {  	v6 =	vld [tilespmem:s29+$0x14960];
	v23 =	vadd.f32 v8, v13;
	v24 =	vadd.f32 v9, v15  }
0x17c: {  	v7 =	vadd.f32 v30, v12;
	v8 =	vadd.f32 v31, v19;
	v9 =	vld [tilespmem:s29+$0x14970]  }
0x17d: {  	v12 =	vadd.f32 v32, v18;
	v13 =	vadd.f32 v33, v17;
	v14 =	vld [tilespmem:s29+$0x149E0]  }
0x17e: {  	v7 =	vadd.f32 v28, v7;
	v8 =	vadd.f32 v29, v8;
	v15 =	vld [tilespmem:s29+$0x149F0]  }
0x17f: {  	v12 =	vadd.f32 v34, v12;
	v13 =	vadd.f32 v35, v13;
	v16 =	vld [tilespmem:s29+$0x14A60]  }
0x180: {  	v7 =	vadd.f32 v26, v7;
	v8 =	vadd.f32 v27, v8;
	v17 =	vld [tilespmem:s29+$0x14A70]  }
0x181: {  	v6 =	vadd.f32 v6, v12;
	v9 =	vadd.f32 v9, v13;
	v12 =	vld [tilespmem:s29+$0x14AE0]  }
0x182: {  	v7 =	vadd.f32 v20, v7;
	v8 =	vadd.f32 v25, v8;
	v13 =	vld [tilespmem:s29+$0x14AF0]  }
0x183: {  	v6 =	vadd.f32 v14, v6;
	v9 =	vadd.f32 v15, v9;
	v14 =	vld [tilespmem:s29+$0x14B60]  }
0x184: {  	v7 =	vadd.f32 v10, v7;
	v8 =	vadd.f32 v11, v8;
	v10 =	vld [tilespmem:s29+$0x14B70]  }
0x185: {  	v11 =	vadd.f32 v16, v6;
	v9 =	vadd.f32 v17, v9;
	v15 =	vld [tilespmem:s29+$0x14BE0]  }
0x186: {  	v4 =	vadd.f32 v4, v7;
	v5 =	vadd.f32 v5, v8;
	v16 =	vld [tilespmem:s29+$0x14BF0];
	s29 =	sshra.s32 s30, $0x2  }
0x187: {  	v11 =	vadd.f32 v12, v11;
	v6 =	vld [tilespmem:s29+$0x14B80];
	v9 =	vadd.f32 v13, v9  }
0x188: {  	v3 =	vadd.f32 v3, v4;
	v2 =	vadd.f32 v2, v5;
	v7 =	vld [tilespmem:s29+$0x14B90]  }
0x189: {  	v4 =	vadd.f32 v14, v11;
	v8 =	vld [tilespmem:s29+$0x14BA0];
	v5 =	vadd.f32 v10, v9  }
0x18a: {  	v12 =	vadd.f32 v0, v3;
	v19 =	vadd.f32 v1, v2;
	v9 =	vld [tilespmem:s29+$0x14BB0]  }
0x18b: {  	v18 =	vadd.f32 v15, v4;
	v0 =	vld [tilespmem:s29+$0x14BC0];
	v17 =	vadd.f32 v16, v5  }
0x18c: {  	v1 =	vld [tilespmem:s29+$0x14BD0]  }
0x18d: {  	v14 =	vld [tilespmem:s29+$0x14B00]  }
0x18e: {  	v16 =	vld [tilespmem:s29+$0x14B10]  }
0x18f: {  	v13 =	vld [tilespmem:s29+$0x14B20]  }
0x190: {  	v15 =	vld [tilespmem:s29+$0x14B30]  }
0x191: {  	v3 =	vld [tilespmem:s29+$0x14B40]  }
0x192: {  	v2 =	vld [tilespmem:s29+$0x14B50]  }
0x193: {  	v32 =	vld [tilespmem:s29+$0x14A80]  }
0x194: {  	v33 =	vld [tilespmem:s29+$0x14A90]  }
0x195: {  	v34 =	vld [tilespmem:s29+$0x14AA0]  }
0x196: {  	v35 =	vld [tilespmem:s29+$0x14AB0]  }
0x197: {  	v4 =	vld [tilespmem:s29+$0x14AC0]  }
0x198: {  	v5 =	vld [tilespmem:s29+$0x14AD0]  }
0x199: {  	v30 =	vld [tilespmem:s29+$0x14A00]  }
0x19a: {  	v31 =	vld [tilespmem:s29+$0x14A10]  }
0x19b: {  	v36 =	vld [tilespmem:s29+$0x14A20]  }
0x19c: {  	v37 =	vld [tilespmem:s29+$0x14A30]  }
0x19d: {  	v10 =	vld [tilespmem:s29+$0x14A40]  }
0x19e: {  	v11 =	vld [tilespmem:s29+$0x14A50]  }
0x19f: {  	v28 =	vld [tilespmem:s29+$0x14980]  }
0x1a0: {  	v29 =	vld [tilespmem:s29+$0x14990]  }
0x1a1: {  	v25 =	vld [tilespmem:s29+$0x14900]  }
0x1a2: {  	v26 =	vld [tilespmem:s29+$0x14910]  }
0x1a3: {  	v20 =	vld [tilespmem:s29+$0x14880]  }
0x1a4: {  	v27 =	vld [tilespmem:s29+$0x14890]  }
0x1a5: {  	v38 =	vld [tilespmem:s29+$0x14800]  }
0x1a6: {  	v39 =	vld [tilespmem:s29+$0x14810]  }
0x1a7: {  	v40 =	vld [tilespmem:s29+$0x14820]  }
0x1a8: {  	v41 =	vld [tilespmem:s29+$0x14830]  }
0x1a9: {  	v42 =	vld [tilespmem:s29+$0x148A0]  }
0x1aa: {  	v43 =	vld [tilespmem:s29+$0x148B0]  }
0x1ab: {  	v44 =	vld [tilespmem:s29+$0x14920]  }
0x1ac: {  	v21 =	vadd.f32 v38, v21;
	v22 =	vadd.f32 v39, v22;
	v38 =	vld [tilespmem:s29+$0x14930]  }
0x1ad: {  	v23 =	vadd.f32 v40, v23;
	v24 =	vadd.f32 v41, v24;
	v39 =	vld [tilespmem:s29+$0x149A0]  }
0x1ae: {  	v21 =	vadd.f32 v20, v21;
	v22 =	vadd.f32 v27, v22;
	v40 =	vld [tilespmem:s29+$0x149B0]  }
0x1af: {  	v23 =	vadd.f32 v42, v23;
	v24 =	vadd.f32 v43, v24;
	v20 =	vld [tilespmem:s29+$0x149C0]  }
0x1b0: {  	v21 =	vadd.f32 v25, v21;
	v22 =	vadd.f32 v26, v22;
	v25 =	vld [tilespmem:s29+$0x149D0]  }
0x1b1: {  	v23 =	vadd.f32 v44, v23;
	v24 =	vadd.f32 v38, v24;
	v26 =	vld [tilespmem:s29+$0x14940]  }
0x1b2: {  	v21 =	vadd.f32 v28, v21;
	v22 =	vadd.f32 v29, v22;
	v27 =	vld [tilespmem:s29+$0x14950]  }
.Ltmp2:
0x1b3: {  	v23 =	vadd.f32 v39, v23;
	v28 =	vld [tilespmem:s29+$0x148C0];
	v24 =	vadd.f32 v40, v24;
	(pc) =	sbr.rel @p0 .LBB2_7-.Ltmp2, $4  }
0x1b4: {  	v21 =	vadd.f32 v30, v21;
	v22 =	vadd.f32 v31, v22;
	v29 =	vld [tilespmem:s29+$0x148D0]  }
0x1b5: {  	v23 =	vadd.f32 v36, v23;
	v30 =	vld [tilespmem:s29+$0x14840];
	v24 =	vadd.f32 v37, v24  }
0x1b6: {  	v21 =	vadd.f32 v32, v21;
	v22 =	vadd.f32 v33, v22;
	v31 =	vld [tilespmem:s29+$0x14850]  }
0x1b7: {  	s30 =	sadd.s32 $0x1000, s30;
	v23 =	vadd.f32 v34, v23;
	v32 =	vld [tilespmem:s29+$0x14860];
	v24 =	vadd.f32 v35, v24  }
0x1b8: {  	v14 =	vadd.f32 v14, v21;
	v16 =	vadd.f32 v16, v22  }
0x1b9: {  	v33 =	vld [tilespmem:s29+$0x14870];
	v13 =	vadd.f32 v13, v23;
	v15 =	vadd.f32 v15, v24  }
0x1ba: {  	v40 =	vld [tilespmem:s29+$0x148E0];
	v6 =	vadd.f32 v6, v14;
	v7 =	vadd.f32 v7, v16  }
0x1bb: {  	v41 =	vld [tilespmem:s29+$0x148F0];
	v12 =	vadd.f32 v30, v12;
	v8 =	vadd.f32 v8, v13  }
0x1bc: {  	v42 =	vld [tilespmem:s29+$0x14960];
	v9 =	vadd.f32 v9, v15;
	v43 =	vadd.f32 v31, v19  }
0x1bd: {  	v44 =	vld [tilespmem:s29+$0x14970];
	v45 =	vadd.f32 v32, v18;
	v12 =	vadd.f32 v28, v12  }
0x1be: {  	v46 =	vld [tilespmem:s29+$0x149E0];
	v17 =	vadd.f32 v33, v17;
	v13 =	vadd.f32 v29, v43  }
0x1bf: {  	v47 =	vld [tilespmem:s29+$0x149F0];
	v16 =	vadd.f32 v40, v45;
	v12 =	vadd.f32 v26, v12  }
0x1c0: {  	v48 =	vld [tilespmem:s29+$0x14A60];
	v17 =	vadd.f32 v41, v17;
	v13 =	vadd.f32 v27, v13  }
0x1c1: {  	v49 =	vld [tilespmem:s29+$0x14A70];
	v14 =	vadd.f32 v42, v16;
	v12 =	vadd.f32 v20, v12  }
0x1c2: {  	v50 =	vld [tilespmem:s29+$0x14AE0];
	v15 =	vadd.f32 v44, v17;
	v13 =	vadd.f32 v25, v13  }
0x1c3: {  	v51 =	vld [tilespmem:s29+$0x14AF0];
	v14 =	vadd.f32 v46, v14;
	v10 =	vadd.f32 v10, v12  }
0x1c4: {  	v52 =	vld [tilespmem:s29+$0x14B60];
	v53 =	vadd.f32 v47, v15;
	v11 =	vadd.f32 v11, v13  }
0x1c5: {  	v54 =	vld [tilespmem:s29+$0x14B70];
	v14 =	vadd.f32 v48, v14;
	v4 =	vadd.f32 v4, v10  }
0x1c6: {  	v55 =	vld [tilespmem:s29+$0x14BE0];
	v56 =	vadd.f32 v49, v53;
	v5 =	vadd.f32 v5, v11  }
0x1c7: {  	v57 =	vld [tilespmem:s29+$0x14BF0];
	[tilespmem:s26+$0x1AD00] =	vst v6;
	v58 =	vadd.f32 v50, v14;
	v3 =	vadd.f32 v3, v4  }
0x1c8: {  	[tilespmem:s26+$0x1AD10] =	vst v7;
	v59 =	vadd.f32 v51, v56;
	v2 =	vadd.f32 v2, v5  }
0x1c9: {  	p0 =	seq.s32 s25, $0x29;
	[tilespmem:s26+$0x1AD20] =	vst v8;
	v60 =	vadd.f32 v52, v58;
	v0 =	vadd.f32 v0, v3  }
.Ltmp3:
0x1ca: {  	[tilespmem:s26+$0x1AD30] =	vst v9;
	v61 =	vadd.f32 v54, v59;
	v1 =	vadd.f32 v1, v2;
	(pc) =	sbr.rel @p0 .LBB2_10-.Ltmp3, $4  }
0x1cb: {  	v62 =	vadd.f32 v55, v60;
	[tilespmem:s26+$0x1AD40] =	vst v0  }
0x1cc: {  	v63 =	vadd.f32 v57, v61;
	[tilespmem:s26+$0x1AD50] =	vst v1  }
0x1cd: {  	[tilespmem:s26+$0x1AD60] =	vst v62  }
0x1ce: {  	[tilespmem:s26+$0x1AD70] =	vst v63  }
.Ltmp4:
0x1cf: {  	(pc) =	sbr.rel .LBB2_2-.Ltmp4, $4  }
0x1d0: {  	s26 =	sadd.s32 $0x500, s28  }
0x1d1: {  	[tilespmem:s17], [sflag:$0x3] =	stream.indirect.gather [hbm4b:s2+s8], $0x80, s26, s8, $0xb8;
	[tilespmem:$0x1EC00] =	vst v63  }
0x1d2: {  	s31 =	sadd.s32 $0x580, s28;
	s25 =	sadd.s32 $0x1, s25  }
0x1d3: {  	[tilespmem:s19], [sflag:$0x3] =	stream.indirect.gather [hbm4b:s2+s8], $0x80, s31, s8, $0xb8;
	[tilespmem:$0x1EC00] =	vst v63  }
.LBB2_10:
0x1d4: {  	_ =	swait.ge [sflag:s20], $0x3200  }
0x1d5: {  	[sflag:s20] =	ssyncset.done $0x0  }
0x1d6: {  	[sflag:s20] =	ssyncadd.s32 $0xFFFFCE00  }
0x1d7: {  	_ =	swait.ge [sflag:s20], $0x3200  }
0x1d8: {  	[sflag:s20] =	ssyncset.done $0x0  }
0x1d9: {  	s25 =	simm.s32 $0x0;
	[sflag:s20] =	ssyncadd.s32 $0xFFFFCE00  }
0x1da: {  	v6 =	vld [tilespmem:s25+$0x8380]  }
0x1db: {  	v7 =	vld [tilespmem:s25+$0x8390]  }
0x1dc: {  	v8 =	vld [tilespmem:s25+$0x83A0]  }
0x1dd: {  	v9 =	vld [tilespmem:s25+$0x83B0]  }
0x1de: {  	v0 =	vld [tilespmem:s25+$0x83C0]  }
0x1df: {  	v1 =	vld [tilespmem:s25+$0x83D0]  }
0x1e0: {  	v14 =	vld [tilespmem:s25+$0x8300]  }
0x1e1: {  	v16 =	vld [tilespmem:s25+$0x8310]  }
0x1e2: {  	v13 =	vld [tilespmem:s25+$0x8320]  }
0x1e3: {  	v15 =	vld [tilespmem:s25+$0x8330]  }
0x1e4: {  	v3 =	vld [tilespmem:s25+$0x8340]  }
0x1e5: {  	v2 =	vld [tilespmem:s25+$0x8350]  }
0x1e6: {  	v17 =	vld [tilespmem:s25+$0x8280]  }
0x1e7: {  	v18 =	vld [tilespmem:s25+$0x8290]  }
0x1e8: {  	v19 =	vld [tilespmem:s25+$0x82A0]  }
0x1e9: {  	v24 =	vld [tilespmem:s25+$0x82B0]  }
0x1ea: {  	v4 =	vld [tilespmem:s25+$0x82C0]  }
0x1eb: {  	v5 =	vld [tilespmem:s25+$0x82D0]  }
0x1ec: {  	v21 =	vld [tilespmem:s25+$0x8200]  }
0x1ed: {  	v22 =	vld [tilespmem:s25+$0x8210]  }
0x1ee: {  	v23 =	vld [tilespmem:s25+$0x8220]  }
0x1ef: {  	v30 =	vld [tilespmem:s25+$0x8230]  }
0x1f0: {  	v10 =	vld [tilespmem:s25+$0x8240]  }
0x1f1: {  	v27 =	vld [tilespmem:s25+$0x8180]  }
0x1f2: {  	v28 =	vld [tilespmem:s25+$0x8190]  }
0x1f3: {  	v25 =	vld [tilespmem:s25+$0x8100]  }
0x1f4: {  	v26 =	vld [tilespmem:s25+$0x8110]  }
0x1f5: {  	v11 =	vld [tilespmem:s25+$0x8080]  }
0x1f6: {  	v20 =	vld [tilespmem:s25+$0x8090]  }
0x1f7: {  	v29 =	vld [tilespmem:s25+$0x8000]  }
0x1f8: {  	v31 =	vld [tilespmem:s25+$0x8010]  }
0x1f9: {  	v32 =	vld [tilespmem:s25+$0x8020]  }
0x1fa: {  	v33 =	vld [tilespmem:s25+$0x8030]  }
0x1fb: {  	v34 =	vld [tilespmem:s25+$0x80A0]  }
0x1fc: {  	v35 =	vld [tilespmem:s25+$0x80B0]  }
0x1fd: {  	v12 =	vimm.f32 $0.0e+00;
	v36 =	vld [tilespmem:s25+$0x8120]  }
0x1fe: {  	v37 =	vld [tilespmem:s25+$0x8130];
	v29 =	vadd.f32 v29, v12;
	v31 =	vadd.f32 v31, v12  }
0x1ff: {  	v38 =	vld [tilespmem:s25+$0x81A0];
	v32 =	vadd.f32 v32, v12;
	v33 =	vadd.f32 v33, v12  }
0x200: {  	v39 =	vld [tilespmem:s25+$0x81B0];
	v29 =	vadd.f32 v11, v29;
	v31 =	vadd.f32 v20, v31  }
0x201: {  	v11 =	vld [tilespmem:s25+$0x8250];
	v32 =	vadd.f32 v34, v32;
	v33 =	vadd.f32 v35, v33  }
0x202: {  	v20 =	vld [tilespmem:s25+$0x81C0];
	v29 =	vadd.f32 v25, v29;
	v31 =	vadd.f32 v26, v31  }
0x203: {  	v25 =	vld [tilespmem:s25+$0x81D0];
	v32 =	vadd.f32 v36, v32;
	v33 =	vadd.f32 v37, v33  }
0x204: {  	v26 =	vld [tilespmem:s25+$0x8140];
	v29 =	vadd.f32 v27, v29;
	v31 =	vadd.f32 v28, v31  }
0x205: {  	v27 =	vld [tilespmem:s25+$0x8150];
	v32 =	vadd.f32 v38, v32;
	v33 =	vadd.f32 v39, v33  }
0x206: {  	v28 =	vld [tilespmem:s25+$0x80C0];
	v21 =	vadd.f32 v21, v29;
	v22 =	vadd.f32 v22, v31  }
0x207: {  	v29 =	vld [tilespmem:s25+$0x80D0];
	v23 =	vadd.f32 v23, v32;
	v63 =	vadd.f32 v30, v33  }
0x208: {  	v30 =	vld [tilespmem:s25+$0x8040];
	v21 =	vadd.f32 v17, v21;
	v22 =	vadd.f32 v18, v22  }
0x209: {  	v31 =	vld [tilespmem:s25+$0x8050];
	v23 =	vadd.f32 v19, v23;
	v24 =	vadd.f32 v24, v63  }
0x20a: {  	s26 =	simm.s32 $0x1000;
	v32 =	vld [tilespmem:s25+$0x8060];
	v19 =	vimm.f32 $0.0e+00;
	v18 =	vimm.f32 $0.0e+00;
	v17 =	vimm.f32 $0.0e+00  }
.LBB2_11:
0x20b: {  	p0 =	sne.s32 s26, $0x18000;
	v33 =	vld [tilespmem:s25+$0x8070];
	v14 =	vadd.f32 v14, v21;
	v16 =	vadd.f32 v16, v22  }
0x20c: {  	v34 =	vld [tilespmem:s25+$0x80E0];
	v13 =	vadd.f32 v13, v23;
	v15 =	vadd.f32 v15, v24  }
0x20d: {  	v35 =	vld [tilespmem:s25+$0x80F0];
	v21 =	vadd.f32 v6, v14;
	v22 =	vadd.f32 v7, v16  }
0x20e: {  	v6 =	vld [tilespmem:s25+$0x8160];
	v23 =	vadd.f32 v8, v13;
	v24 =	vadd.f32 v9, v15  }
0x20f: {  	v7 =	vadd.f32 v30, v12;
	v8 =	vadd.f32 v31, v19;
	v9 =	vld [tilespmem:s25+$0x8170]  }
0x210: {  	v12 =	vadd.f32 v32, v18;
	v13 =	vadd.f32 v33, v17;
	v14 =	vld [tilespmem:s25+$0x81E0]  }
0x211: {  	v7 =	vadd.f32 v28, v7;
	v8 =	vadd.f32 v29, v8;
	v15 =	vld [tilespmem:s25+$0x81F0]  }
0x212: {  	v12 =	vadd.f32 v34, v12;
	v13 =	vadd.f32 v35, v13;
	v16 =	vld [tilespmem:s25+$0x8260]  }
0x213: {  	v7 =	vadd.f32 v26, v7;
	v8 =	vadd.f32 v27, v8;
	v17 =	vld [tilespmem:s25+$0x8270]  }
0x214: {  	v6 =	vadd.f32 v6, v12;
	v9 =	vadd.f32 v9, v13;
	v12 =	vld [tilespmem:s25+$0x82E0]  }
0x215: {  	v7 =	vadd.f32 v20, v7;
	v8 =	vadd.f32 v25, v8;
	v13 =	vld [tilespmem:s25+$0x82F0]  }
0x216: {  	v6 =	vadd.f32 v14, v6;
	v9 =	vadd.f32 v15, v9;
	v14 =	vld [tilespmem:s25+$0x8360]  }
0x217: {  	v7 =	vadd.f32 v10, v7;
	v8 =	vadd.f32 v11, v8;
	v10 =	vld [tilespmem:s25+$0x8370]  }
0x218: {  	v11 =	vadd.f32 v16, v6;
	v9 =	vadd.f32 v17, v9;
	v15 =	vld [tilespmem:s25+$0x83E0]  }
0x219: {  	v4 =	vadd.f32 v4, v7;
	v5 =	vadd.f32 v5, v8;
	v16 =	vld [tilespmem:s25+$0x83F0];
	s25 =	sshra.s32 s26, $0x2  }
0x21a: {  	v11 =	vadd.f32 v12, v11;
	v6 =	vld [tilespmem:s25+$0x8380];
	v9 =	vadd.f32 v13, v9  }
0x21b: {  	v3 =	vadd.f32 v3, v4;
	v2 =	vadd.f32 v2, v5;
	v7 =	vld [tilespmem:s25+$0x8390]  }
0x21c: {  	v4 =	vadd.f32 v14, v11;
	v8 =	vld [tilespmem:s25+$0x83A0];
	v5 =	vadd.f32 v10, v9  }
0x21d: {  	v12 =	vadd.f32 v0, v3;
	v19 =	vadd.f32 v1, v2;
	v9 =	vld [tilespmem:s25+$0x83B0]  }
0x21e: {  	v18 =	vadd.f32 v15, v4;
	v0 =	vld [tilespmem:s25+$0x83C0];
	v17 =	vadd.f32 v16, v5  }
0x21f: {  	v1 =	vld [tilespmem:s25+$0x83D0]  }
0x220: {  	v14 =	vld [tilespmem:s25+$0x8300]  }
0x221: {  	v16 =	vld [tilespmem:s25+$0x8310]  }
0x222: {  	v13 =	vld [tilespmem:s25+$0x8320]  }
0x223: {  	v15 =	vld [tilespmem:s25+$0x8330]  }
0x224: {  	v3 =	vld [tilespmem:s25+$0x8340]  }
0x225: {  	v2 =	vld [tilespmem:s25+$0x8350]  }
0x226: {  	v32 =	vld [tilespmem:s25+$0x8280]  }
0x227: {  	v33 =	vld [tilespmem:s25+$0x8290]  }
0x228: {  	v34 =	vld [tilespmem:s25+$0x82A0]  }
0x229: {  	v35 =	vld [tilespmem:s25+$0x82B0]  }
0x22a: {  	v4 =	vld [tilespmem:s25+$0x82C0]  }
0x22b: {  	v5 =	vld [tilespmem:s25+$0x82D0]  }
0x22c: {  	v30 =	vld [tilespmem:s25+$0x8200]  }
0x22d: {  	v31 =	vld [tilespmem:s25+$0x8210]  }
0x22e: {  	v36 =	vld [tilespmem:s25+$0x8220]  }
0x22f: {  	v37 =	vld [tilespmem:s25+$0x8230]  }
0x230: {  	v10 =	vld [tilespmem:s25+$0x8240]  }
0x231: {  	v11 =	vld [tilespmem:s25+$0x8250]  }
0x232: {  	v28 =	vld [tilespmem:s25+$0x8180]  }
0x233: {  	v29 =	vld [tilespmem:s25+$0x8190]  }
0x234: {  	v25 =	vld [tilespmem:s25+$0x8100]  }
0x235: {  	v26 =	vld [tilespmem:s25+$0x8110]  }
0x236: {  	v20 =	vld [tilespmem:s25+$0x8080]  }
0x237: {  	v27 =	vld [tilespmem:s25+$0x8090]  }
0x238: {  	v38 =	vld [tilespmem:s25+$0x8000]  }
0x239: {  	v39 =	vld [tilespmem:s25+$0x8010]  }
0x23a: {  	v40 =	vld [tilespmem:s25+$0x8020]  }
0x23b: {  	v41 =	vld [tilespmem:s25+$0x8030]  }
0x23c: {  	v42 =	vld [tilespmem:s25+$0x80A0]  }
0x23d: {  	v43 =	vld [tilespmem:s25+$0x80B0]  }
0x23e: {  	v44 =	vld [tilespmem:s25+$0x8120]  }
0x23f: {  	v21 =	vadd.f32 v38, v21;
	v22 =	vadd.f32 v39, v22;
	v38 =	vld [tilespmem:s25+$0x8130]  }
0x240: {  	v23 =	vadd.f32 v40, v23;
	v24 =	vadd.f32 v41, v24;
	v39 =	vld [tilespmem:s25+$0x81A0]  }
0x241: {  	v21 =	vadd.f32 v20, v21;
	v22 =	vadd.f32 v27, v22;
	v40 =	vld [tilespmem:s25+$0x81B0]  }
0x242: {  	v23 =	vadd.f32 v42, v23;
	v24 =	vadd.f32 v43, v24;
	v20 =	vld [tilespmem:s25+$0x81C0]  }
0x243: {  	v21 =	vadd.f32 v25, v21;
	v22 =	vadd.f32 v26, v22;
	v25 =	vld [tilespmem:s25+$0x81D0]  }
0x244: {  	v23 =	vadd.f32 v44, v23;
	v24 =	vadd.f32 v38, v24;
	v26 =	vld [tilespmem:s25+$0x8140]  }
0x245: {  	v21 =	vadd.f32 v28, v21;
	v22 =	vadd.f32 v29, v22;
	v27 =	vld [tilespmem:s25+$0x8150]  }
.Ltmp5:
0x246: {  	v23 =	vadd.f32 v39, v23;
	v28 =	vld [tilespmem:s25+$0x80C0];
	v24 =	vadd.f32 v40, v24;
	(pc) =	sbr.rel @p0 .LBB2_11-.Ltmp5, $4  }
0x247: {  	v21 =	vadd.f32 v30, v21;
	v22 =	vadd.f32 v31, v22;
	v29 =	vld [tilespmem:s25+$0x80D0]  }
0x248: {  	v23 =	vadd.f32 v36, v23;
	v30 =	vld [tilespmem:s25+$0x8040];
	v24 =	vadd.f32 v37, v24  }
0x249: {  	v21 =	vadd.f32 v32, v21;
	v22 =	vadd.f32 v33, v22;
	v31 =	vld [tilespmem:s25+$0x8050]  }
0x24a: {  	s26 =	sadd.s32 $0x1000, s26;
	v23 =	vadd.f32 v34, v23;
	v32 =	vld [tilespmem:s25+$0x8060];
	v24 =	vadd.f32 v35, v24  }
0x24b: {  	v14 =	vadd.f32 v14, v21;
	v16 =	vadd.f32 v16, v22  }
0x24c: {  	v33 =	vld [tilespmem:s25+$0x8070];
	v13 =	vadd.f32 v13, v23;
	v15 =	vadd.f32 v15, v24  }
0x24d: {  	v21 =	vld [tilespmem:s25+$0x80E0];
	v6 =	vadd.f32 v6, v14;
	v7 =	vadd.f32 v7, v16  }
0x24e: {  	v22 =	vld [tilespmem:s25+$0x80F0];
	v12 =	vadd.f32 v30, v12;
	v8 =	vadd.f32 v8, v13  }
0x24f: {  	v14 =	vld [tilespmem:s25+$0x8160];
	v9 =	vadd.f32 v9, v15;
	v13 =	vadd.f32 v31, v19  }
0x250: {  	v15 =	vld [tilespmem:s25+$0x8170];
	v16 =	vadd.f32 v32, v18;
	v12 =	vadd.f32 v28, v12  }
0x251: {  	v18 =	vld [tilespmem:s25+$0x81E0];
	v17 =	vadd.f32 v33, v17;
	v13 =	vadd.f32 v29, v13  }
0x252: {  	v19 =	vld [tilespmem:s25+$0x81F0];
	v16 =	vadd.f32 v21, v16;
	v12 =	vadd.f32 v26, v12  }
0x253: {  	v21 =	vld [tilespmem:s25+$0x8260];
	v17 =	vadd.f32 v22, v17;
	v13 =	vadd.f32 v27, v13  }
0x254: {  	v22 =	vld [tilespmem:s25+$0x8270];
	v14 =	vadd.f32 v14, v16;
	v12 =	vadd.f32 v20, v12  }
0x255: {  	v16 =	vld [tilespmem:s25+$0x82E0];
	v15 =	vadd.f32 v15, v17;
	v13 =	vadd.f32 v25, v13  }
0x256: {  	v17 =	vld [tilespmem:s25+$0x82F0];
	v14 =	vadd.f32 v18, v14;
	v10 =	vadd.f32 v10, v12  }
0x257: {  	v18 =	vld [tilespmem:s25+$0x8360];
	v12 =	vadd.f32 v19, v15;
	v11 =	vadd.f32 v11, v13  }
0x258: {  	v13 =	vld [tilespmem:s25+$0x8370];
	v14 =	vadd.f32 v21, v14;
	v4 =	vadd.f32 v4, v10  }
0x259: {  	v15 =	vld [tilespmem:s25+$0x83E0];
	v10 =	vadd.f32 v22, v12;
	v5 =	vadd.f32 v5, v11  }
0x25a: {  	v11 =	vld [tilespmem:s25+$0x83F0];
	[tilespmem:$0x1EB00] =	vst v6;
	v12 =	vadd.f32 v16, v14;
	v3 =	vadd.f32 v3, v4  }
0x25b: {  	[tilespmem:$0x1EB10] =	vst v7;
	v4 =	vadd.f32 v17, v10;
	v2 =	vadd.f32 v2, v5  }
0x25c: {  	[tilespmem:$0x1EB20] =	vst v8;
	v5 =	vadd.f32 v18, v12;
	v0 =	vadd.f32 v0, v3  }
0x25d: {  	[tilespmem:$0x1EB30] =	vst v9;
	v3 =	vadd.f32 v13, v4;
	v1 =	vadd.f32 v1, v2  }
0x25e: {  	v2 =	vadd.f32 v15, v5;
	[tilespmem:$0x1EB40] =	vst v0  }
0x25f: {  	v0 =	vadd.f32 v11, v3;
	[tilespmem:$0x1EB50] =	vst v1  }
0x260: {  	[tilespmem:$0x1EB60] =	vst v2  }
0x261: {  	[tilespmem:$0x1EB70] =	vst v0  }
0x262: {  	_ =	swait.ge [sflag:s21], $0x3200  }
0x263: {  	[sflag:s21] =	ssyncset.done $0x0  }
0x264: {  	[sflag:s21] =	ssyncadd.s32 $0xFFFFCE00  }
0x265: {  	_ =	swait.ge [sflag:s21], $0x3200  }
0x266: {  	[sflag:s21] =	ssyncset.done $0x0  }
0x267: {  	s25 =	simm.s32 $0x0;
	[sflag:s21] =	ssyncadd.s32 $0xFFFFCE00  }
0x268: {  	v6 =	vld [tilespmem:s25+$0xE780]  }
0x269: {  	v7 =	vld [tilespmem:s25+$0xE790]  }
0x26a: {  	v8 =	vld [tilespmem:s25+$0xE7A0]  }
0x26b: {  	v9 =	vld [tilespmem:s25+$0xE7B0]  }
0x26c: {  	v0 =	vld [tilespmem:s25+$0xE7C0]  }
0x26d: {  	v1 =	vld [tilespmem:s25+$0xE7D0]  }
0x26e: {  	v14 =	vld [tilespmem:s25+$0xE700]  }
0x26f: {  	v16 =	vld [tilespmem:s25+$0xE710]  }
0x270: {  	v13 =	vld [tilespmem:s25+$0xE720]  }
0x271: {  	v15 =	vld [tilespmem:s25+$0xE730]  }
0x272: {  	v3 =	vld [tilespmem:s25+$0xE740]  }
0x273: {  	v2 =	vld [tilespmem:s25+$0xE750]  }
0x274: {  	v17 =	vld [tilespmem:s25+$0xE680]  }
0x275: {  	v18 =	vld [tilespmem:s25+$0xE690]  }
0x276: {  	v19 =	vld [tilespmem:s25+$0xE6A0]  }
0x277: {  	v24 =	vld [tilespmem:s25+$0xE6B0]  }
0x278: {  	v4 =	vld [tilespmem:s25+$0xE6C0]  }
0x279: {  	v5 =	vld [tilespmem:s25+$0xE6D0]  }
0x27a: {  	v21 =	vld [tilespmem:s25+$0xE600]  }
0x27b: {  	v22 =	vld [tilespmem:s25+$0xE610]  }
0x27c: {  	v23 =	vld [tilespmem:s25+$0xE620]  }
0x27d: {  	v30 =	vld [tilespmem:s25+$0xE630]  }
0x27e: {  	v10 =	vld [tilespmem:s25+$0xE640]  }
0x27f: {  	v27 =	vld [tilespmem:s25+$0xE580]  }
0x280: {  	v28 =	vld [tilespmem:s25+$0xE590]  }
0x281: {  	v25 =	vld [tilespmem:s25+$0xE500]  }
0x282: {  	v26 =	vld [tilespmem:s25+$0xE510]  }
0x283: {  	v11 =	vld [tilespmem:s25+$0xE480]  }
0x284: {  	v20 =	vld [tilespmem:s25+$0xE490]  }
0x285: {  	v29 =	vld [tilespmem:s25+$0xE400]  }
0x286: {  	v31 =	vld [tilespmem:s25+$0xE410]  }
0x287: {  	v61 =	vld [tilespmem:s25+$0xE420]  }
0x288: {  	v62 =	vld [tilespmem:s25+$0xE430]  }
0x289: {  	v34 =	vld [tilespmem:s25+$0xE4A0]  }
0x28a: {  	v35 =	vld [tilespmem:s25+$0xE4B0]  }
0x28b: {  	v12 =	vimm.f32 $0.0e+00;
	v36 =	vld [tilespmem:s25+$0xE520]  }
0x28c: {  	v37 =	vld [tilespmem:s25+$0xE530];
	v29 =	vadd.f32 v29, v12;
	v31 =	vadd.f32 v31, v12  }
0x28d: {  	v38 =	vld [tilespmem:s25+$0xE5A0];
	v32 =	vadd.f32 v61, v12;
	v33 =	vadd.f32 v62, v12  }
0x28e: {  	v39 =	vld [tilespmem:s25+$0xE5B0];
	v29 =	vadd.f32 v11, v29;
	v31 =	vadd.f32 v20, v31  }
0x28f: {  	v11 =	vld [tilespmem:s25+$0xE650];
	v32 =	vadd.f32 v34, v32;
	v33 =	vadd.f32 v35, v33  }
0x290: {  	v20 =	vld [tilespmem:s25+$0xE5C0];
	v29 =	vadd.f32 v25, v29;
	v31 =	vadd.f32 v26, v31  }
0x291: {  	v25 =	vld [tilespmem:s25+$0xE5D0];
	v32 =	vadd.f32 v36, v32;
	v33 =	vadd.f32 v37, v33  }
0x292: {  	v26 =	vld [tilespmem:s25+$0xE540];
	v29 =	vadd.f32 v27, v29;
	v31 =	vadd.f32 v28, v31  }
0x293: {  	v27 =	vld [tilespmem:s25+$0xE550];
	v32 =	vadd.f32 v38, v32;
	v33 =	vadd.f32 v39, v33  }
0x294: {  	v28 =	vld [tilespmem:s25+$0xE4C0];
	v21 =	vadd.f32 v21, v29;
	v22 =	vadd.f32 v22, v31  }
0x295: {  	v29 =	vld [tilespmem:s25+$0xE4D0];
	v23 =	vadd.f32 v23, v32;
	v63 =	vadd.f32 v30, v33  }
0x296: {  	v30 =	vld [tilespmem:s25+$0xE440];
	v21 =	vadd.f32 v17, v21;
	v22 =	vadd.f32 v18, v22  }
0x297: {  	v31 =	vld [tilespmem:s25+$0xE450];
	v23 =	vadd.f32 v19, v23;
	v24 =	vadd.f32 v24, v63  }
0x298: {  	s26 =	simm.s32 $0x1000;
	v32 =	vld [tilespmem:s25+$0xE460];
	v19 =	vimm.f32 $0.0e+00;
	v18 =	vimm.f32 $0.0e+00;
	v17 =	vimm.f32 $0.0e+00  }
.LBB2_13:
0x299: {  	p0 =	sne.s32 s26, $0x18000;
	v33 =	vld [tilespmem:s25+$0xE470];
	v14 =	vadd.f32 v14, v21;
	v16 =	vadd.f32 v16, v22  }
0x29a: {  	v34 =	vld [tilespmem:s25+$0xE4E0];
	v13 =	vadd.f32 v13, v23;
	v15 =	vadd.f32 v15, v24  }
0x29b: {  	v35 =	vld [tilespmem:s25+$0xE4F0];
	v21 =	vadd.f32 v6, v14;
	v22 =	vadd.f32 v7, v16  }
0x29c: {  	v6 =	vld [tilespmem:s25+$0xE560];
	v23 =	vadd.f32 v8, v13;
	v24 =	vadd.f32 v9, v15  }
0x29d: {  	v7 =	vadd.f32 v30, v12;
	v8 =	vadd.f32 v31, v19;
	v9 =	vld [tilespmem:s25+$0xE570]  }
0x29e: {  	v12 =	vadd.f32 v32, v18;
	v13 =	vadd.f32 v33, v17;
	v14 =	vld [tilespmem:s25+$0xE5E0]  }
0x29f: {  	v7 =	vadd.f32 v28, v7;
	v8 =	vadd.f32 v29, v8;
	v15 =	vld [tilespmem:s25+$0xE5F0]  }
0x2a0: {  	v12 =	vadd.f32 v34, v12;
	v13 =	vadd.f32 v35, v13;
	v16 =	vld [tilespmem:s25+$0xE660]  }
0x2a1: {  	v7 =	vadd.f32 v26, v7;
	v8 =	vadd.f32 v27, v8;
	v17 =	vld [tilespmem:s25+$0xE670]  }
0x2a2: {  	v6 =	vadd.f32 v6, v12;
	v9 =	vadd.f32 v9, v13;
	v12 =	vld [tilespmem:s25+$0xE6E0]  }
0x2a3: {  	v7 =	vadd.f32 v20, v7;
	v8 =	vadd.f32 v25, v8;
	v13 =	vld [tilespmem:s25+$0xE6F0]  }
0x2a4: {  	v6 =	vadd.f32 v14, v6;
	v9 =	vadd.f32 v15, v9;
	v14 =	vld [tilespmem:s25+$0xE760]  }
0x2a5: {  	v7 =	vadd.f32 v10, v7;
	v8 =	vadd.f32 v11, v8;
	v10 =	vld [tilespmem:s25+$0xE770]  }
0x2a6: {  	v11 =	vadd.f32 v16, v6;
	v9 =	vadd.f32 v17, v9;
	v15 =	vld [tilespmem:s25+$0xE7E0]  }
0x2a7: {  	v4 =	vadd.f32 v4, v7;
	v5 =	vadd.f32 v5, v8;
	v16 =	vld [tilespmem:s25+$0xE7F0];
	s25 =	sshra.s32 s26, $0x2  }
0x2a8: {  	v11 =	vadd.f32 v12, v11;
	v6 =	vld [tilespmem:s25+$0xE780];
	v9 =	vadd.f32 v13, v9  }
0x2a9: {  	v3 =	vadd.f32 v3, v4;
	v2 =	vadd.f32 v2, v5;
	v7 =	vld [tilespmem:s25+$0xE790]  }
0x2aa: {  	v4 =	vadd.f32 v14, v11;
	v8 =	vld [tilespmem:s25+$0xE7A0];
	v5 =	vadd.f32 v10, v9  }
0x2ab: {  	v12 =	vadd.f32 v0, v3;
	v19 =	vadd.f32 v1, v2;
	v9 =	vld [tilespmem:s25+$0xE7B0]  }
0x2ac: {  	v18 =	vadd.f32 v15, v4;
	v0 =	vld [tilespmem:s25+$0xE7C0];
	v17 =	vadd.f32 v16, v5  }
0x2ad: {  	v1 =	vld [tilespmem:s25+$0xE7D0]  }
0x2ae: {  	v14 =	vld [tilespmem:s25+$0xE700]  }
0x2af: {  	v16 =	vld [tilespmem:s25+$0xE710]  }
0x2b0: {  	v13 =	vld [tilespmem:s25+$0xE720]  }
0x2b1: {  	v15 =	vld [tilespmem:s25+$0xE730]  }
0x2b2: {  	v3 =	vld [tilespmem:s25+$0xE740]  }
0x2b3: {  	v2 =	vld [tilespmem:s25+$0xE750]  }
0x2b4: {  	v32 =	vld [tilespmem:s25+$0xE680]  }
0x2b5: {  	v33 =	vld [tilespmem:s25+$0xE690]  }
0x2b6: {  	v34 =	vld [tilespmem:s25+$0xE6A0]  }
0x2b7: {  	v35 =	vld [tilespmem:s25+$0xE6B0]  }
0x2b8: {  	v4 =	vld [tilespmem:s25+$0xE6C0]  }
0x2b9: {  	v5 =	vld [tilespmem:s25+$0xE6D0]  }
0x2ba: {  	v30 =	vld [tilespmem:s25+$0xE600]  }
0x2bb: {  	v31 =	vld [tilespmem:s25+$0xE610]  }
0x2bc: {  	v36 =	vld [tilespmem:s25+$0xE620]  }
0x2bd: {  	v37 =	vld [tilespmem:s25+$0xE630]  }
0x2be: {  	v10 =	vld [tilespmem:s25+$0xE640]  }
0x2bf: {  	v11 =	vld [tilespmem:s25+$0xE650]  }
0x2c0: {  	v28 =	vld [tilespmem:s25+$0xE580]  }
0x2c1: {  	v29 =	vld [tilespmem:s25+$0xE590]  }
0x2c2: {  	v25 =	vld [tilespmem:s25+$0xE500]  }
0x2c3: {  	v26 =	vld [tilespmem:s25+$0xE510]  }
0x2c4: {  	v20 =	vld [tilespmem:s25+$0xE480]  }
0x2c5: {  	v27 =	vld [tilespmem:s25+$0xE490]  }
0x2c6: {  	v38 =	vld [tilespmem:s25+$0xE400]  }
0x2c7: {  	v39 =	vld [tilespmem:s25+$0xE410]  }
0x2c8: {  	v40 =	vld [tilespmem:s25+$0xE420]  }
0x2c9: {  	v41 =	vld [tilespmem:s25+$0xE430]  }
0x2ca: {  	v42 =	vld [tilespmem:s25+$0xE4A0]  }
0x2cb: {  	v43 =	vld [tilespmem:s25+$0xE4B0]  }
0x2cc: {  	v44 =	vld [tilespmem:s25+$0xE520]  }
0x2cd: {  	v21 =	vadd.f32 v38, v21;
	v22 =	vadd.f32 v39, v22;
	v38 =	vld [tilespmem:s25+$0xE530]  }
0x2ce: {  	v23 =	vadd.f32 v40, v23;
	v24 =	vadd.f32 v41, v24;
	v39 =	vld [tilespmem:s25+$0xE5A0]  }
0x2cf: {  	v21 =	vadd.f32 v20, v21;
	v22 =	vadd.f32 v27, v22;
	v40 =	vld [tilespmem:s25+$0xE5B0]  }
0x2d0: {  	v23 =	vadd.f32 v42, v23;
	v24 =	vadd.f32 v43, v24;
	v20 =	vld [tilespmem:s25+$0xE5C0]  }
0x2d1: {  	v21 =	vadd.f32 v25, v21;
	v22 =	vadd.f32 v26, v22;
	v25 =	vld [tilespmem:s25+$0xE5D0]  }
0x2d2: {  	v23 =	vadd.f32 v44, v23;
	v24 =	vadd.f32 v38, v24;
	v26 =	vld [tilespmem:s25+$0xE540]  }
0x2d3: {  	v21 =	vadd.f32 v28, v21;
	v22 =	vadd.f32 v29, v22;
	v27 =	vld [tilespmem:s25+$0xE550]  }
.Ltmp6:
0x2d4: {  	v23 =	vadd.f32 v39, v23;
	v28 =	vld [tilespmem:s25+$0xE4C0];
	v24 =	vadd.f32 v40, v24;
	(pc) =	sbr.rel @p0 .LBB2_13-.Ltmp6, $4  }
0x2d5: {  	v21 =	vadd.f32 v30, v21;
	v22 =	vadd.f32 v31, v22;
	v29 =	vld [tilespmem:s25+$0xE4D0]  }
0x2d6: {  	v23 =	vadd.f32 v36, v23;
	v30 =	vld [tilespmem:s25+$0xE440];
	v24 =	vadd.f32 v37, v24  }
0x2d7: {  	v21 =	vadd.f32 v32, v21;
	v22 =	vadd.f32 v33, v22;
	v31 =	vld [tilespmem:s25+$0xE450]  }
0x2d8: {  	s26 =	sadd.s32 $0x1000, s26;
	v23 =	vadd.f32 v34, v23;
	v32 =	vld [tilespmem:s25+$0xE460];
	v24 =	vadd.f32 v35, v24  }
0x2d9: {  	v14 =	vadd.f32 v14, v21;
	v16 =	vadd.f32 v16, v22  }
0x2da: {  	v33 =	vld [tilespmem:s25+$0xE470];
	v13 =	vadd.f32 v13, v23;
	v15 =	vadd.f32 v15, v24  }
0x2db: {  	v40 =	vld [tilespmem:s25+$0xE4E0];
	v6 =	vadd.f32 v6, v14;
	v7 =	vadd.f32 v7, v16  }
0x2dc: {  	v41 =	vld [tilespmem:s25+$0xE4F0];
	v12 =	vadd.f32 v30, v12;
	v8 =	vadd.f32 v8, v13  }
0x2dd: {  	v42 =	vld [tilespmem:s25+$0xE560];
	v9 =	vadd.f32 v9, v15;
	v43 =	vadd.f32 v31, v19  }
0x2de: {  	v44 =	vld [tilespmem:s25+$0xE570];
	v45 =	vadd.f32 v32, v18;
	v12 =	vadd.f32 v28, v12  }
0x2df: {  	v46 =	vld [tilespmem:s25+$0xE5E0];
	v17 =	vadd.f32 v33, v17;
	v13 =	vadd.f32 v29, v43  }
0x2e0: {  	v47 =	vld [tilespmem:s25+$0xE5F0];
	v16 =	vadd.f32 v40, v45;
	v12 =	vadd.f32 v26, v12  }
0x2e1: {  	v48 =	vld [tilespmem:s25+$0xE660];
	v17 =	vadd.f32 v41, v17;
	v13 =	vadd.f32 v27, v13  }
0x2e2: {  	v49 =	vld [tilespmem:s25+$0xE670];
	v14 =	vadd.f32 v42, v16;
	v12 =	vadd.f32 v20, v12  }
0x2e3: {  	v50 =	vld [tilespmem:s25+$0xE6E0];
	v15 =	vadd.f32 v44, v17;
	v13 =	vadd.f32 v25, v13  }
0x2e4: {  	v51 =	vld [tilespmem:s25+$0xE6F0];
	v14 =	vadd.f32 v46, v14;
	v10 =	vadd.f32 v10, v12  }
0x2e5: {  	v52 =	vld [tilespmem:s25+$0xE760];
	v53 =	vadd.f32 v47, v15;
	v11 =	vadd.f32 v11, v13  }
0x2e6: {  	v54 =	vld [tilespmem:s25+$0xE770];
	v14 =	vadd.f32 v48, v14;
	v4 =	vadd.f32 v4, v10  }
0x2e7: {  	v55 =	vld [tilespmem:s25+$0xE7E0];
	v56 =	vadd.f32 v49, v53;
	v5 =	vadd.f32 v5, v11  }
0x2e8: {  	v57 =	vld [tilespmem:s25+$0xE7F0];
	[tilespmem:$0x1EB80] =	vst v6;
	v58 =	vadd.f32 v50, v14;
	v3 =	vadd.f32 v3, v4  }
0x2e9: {  	[tilespmem:$0x1EB90] =	vst v7;
	v59 =	vadd.f32 v51, v56;
	v2 =	vadd.f32 v2, v5  }
0x2ea: {  	[tilespmem:$0x1EBA0] =	vst v8;
	v60 =	vadd.f32 v52, v58;
	v0 =	vadd.f32 v0, v3  }
0x2eb: {  	[tilespmem:$0x1EBB0] =	vst v9;
	v61 =	vadd.f32 v54, v59;
	v1 =	vadd.f32 v1, v2  }
0x2ec: {  	v62 =	vadd.f32 v55, v60;
	[tilespmem:$0x1EBC0] =	vst v0  }
0x2ed: {  	s24 =	sadd.s32 $0x1, s24;
	v63 =	vadd.f32 v57, v61;
	[tilespmem:$0x1EBD0] =	vst v1  }
0x2ee: {  	p0 =	sne.s32 s24, s6;
	[tilespmem:$0x1EBE0] =	vst v62  }
.Ltmp7:
0x2ef: {  	[tilespmem:$0x1EBF0] =	vst v63;
	(pc) =	sbr.rel @p0 .LBB2_1-.Ltmp7, $4  }
0x2f0: {  	[hbm4b:s5+s3] =	stream.linear.scatter [tilespmem:s23], [sflag:$0x4], $0x4000, $0x38;
	[tilespmem:$0x1EC00] =	vst v63  }
0x2f1: {  	_ =	swait.ge [sflag:s7], $0x4000  }
0x2f2: {  	[sflag:s7] =	ssyncset.done $0x0  }
0x2f3: {  	[sflag:s7] =	ssyncadd.s32 $0xFFFFC000  }
0x2f4: {  	_ =	sfence.sel $0x180000  }
0x2f5: {  	[bflag:$0x0] =	sbarrier.arrive $0xFFFF  }
0x2f6: {  	p0 =	sne.s32 s1, $0x0;
	_ =	strace $0x90000047  }
0x2f7: {  	s0 =	sadd.s32 @!p0 $0x100000, s0;
	[bflag:$0x2] =	sbarrier.arrive $0xFFFF  }
0x2f8: {  	[sflag:s0] =	ssyncadd.tile.s32 @!p0 $0x1;
	_ =	shalt  }
.Lfunc_end2:
_tile_overlayer_lowered:
.L_overlay_start_2:
0x2f9: {  	(tag) =	ssettag $0x2  }
0x2fa: {  	s0 =	rddreg [dreg:$0x0];
	s2 =	stileid.u32  }
0x2fb: {  	s1 =	rddreg [dreg:$0x1];
	p0 =	sne.s32 s2, $0x0  }
0x2fc: {  	s3 =	rddreg [dreg:$0x2];
	[bflag:$0x3] =	sbarrier.arrive $0xFFFF;
	s2 =	simm.s32 @!p0 $0x1C04  }
0x2fd: {  	[timem:s3], [sflag:s2] =	dma.local @!p0 [hbm:s0], s1  }
0x2fe: {  	s0 =	simm.s32 @!p0 $0x4  }
0x2ff: {  	_ =	swait.ge @!p0 [sflag:s0], s1  }
0x300: {  	s1 =	ssub.s32 @!p0 $0x0, s1;
	[sflag:s0] =	ssyncset.done @!p0 $0x0  }
0x301: {  	[sflag:s0] =	ssyncadd.s32 @!p0 s1  }
0x302: {  	[bflag:$0x3] =	sbarrier.arrive $0xFFFF  }
0x303: {  	_ =	shalt  }

</sc_bundles>
